<compile_context>
chip_gen: v7x
topology: tpu7x:2x2x1
jax: 0.10.2.dev20260603
libtpu: 0.0.44.dev20260713+nightly
codegen_flags: <defaults>
</compile_context>

<pallas_src>
import functools

import jax
import jax.numpy as jnp
from jax import lax
from jax.experimental import pallas as pl
from jax.experimental.pallas import tpu as pltpu
from jax.experimental.pallas import tpu_sc as plsc

N = 10000
NPAD = 10240
E = 160000
EROWS = E // 128
G = 64
NW = 32
ROWS_PER_W = 40
RPT = NPAD // 16


def _worker_rows(wid):
    nrows = jnp.where(wid < 2, 40, 39)
    base = jnp.where(wid < 2, wid * 40, 80 + (wid - 2) * 39)
    return base, nrows

_mesh = plsc.VectorSubcoreMesh(core_axis_name="c", subcore_axis_name="s")



def _load_worker_rows(ei3_hbm, eiv, base):
    @pl.when(base < 80)
    def _():
        pltpu.sync_copy(ei3_hbm.at[pl.ds(base, 40)], eiv)

    @pl.when(base >= 80)
    def _():
        pltpu.sync_copy(ei3_hbm.at[pl.ds(base, 39)], eiv.at[pl.ds(0, 39)])


def _deg_body(ei3_hbm, zeros_hbm, ones_hbm, out_hbm, eiv, ones_v, acc, sem):
    cid = lax.axis_index("c")
    sid = lax.axis_index("s")
    wid = sid * 2 + cid
    base, nrows = _worker_rows(wid)
    pltpu.sync_copy(zeros_hbm.at[pl.ds(sid * RPT, RPT)],
                    acc.at[pl.ds(sid * RPT, RPT)])
    pltpu.sync_copy(ones_hbm, ones_v)
    _load_worker_rows(ei3_hbm, eiv, base)
    plsc.subcore_barrier()

    def body(j, carry):
        pltpu.sync_copy(ones_v, acc.at[eiv.at[j, 1]], add=True)
        return carry

    lax.fori_loop(0, nrows, body, 0)
    plsc.subcore_barrier()
    pltpu.sync_copy(acc.at[pl.ds(sid * RPT, RPT)],
                    out_hbm.at[cid, pl.ds(sid * RPT, RPT)])


def _sc_degree(ei3, zeros, ones):
    return pl.kernel(
        _deg_body,
        out_type=jax.ShapeDtypeStruct((2, NPAD, 16), jnp.float32),
        mesh=_mesh,
        scratch_types=[
            pltpu.VMEM((ROWS_PER_W, 2, 128), jnp.int32),
            pltpu.VMEM((128, 16), jnp.float32),
            pltpu.VMEM_SHARED((NPAD, 16), jnp.float32),
            pltpu.SemaphoreType.DMA,
        ],
        compiler_params=pltpu.CompilerParams(use_tc_tiling_on_sc=False),
    )(ei3, zeros, ones)


def _prop_body(ng, hs_hbm, ei3_hbm, out_hbm, eiv, rbufs, acc, sg):
    cid = lax.axis_index("c")
    sid = lax.axis_index("s")
    wid = sid * 2 + cid
    base, nrows = _worker_rows(wid)
    _load_worker_rows(ei3_hbm, eiv, base)
    for b in range(ng):
        pltpu.async_copy(hs_hbm.at[eiv.at[b, 0]], rbufs[b], sg[b])
    pltpu.sync_copy(hs_hbm.at[pl.ds(sid * RPT, RPT)],
                    acc.at[pl.ds(sid * RPT, RPT)])
    plsc.subcore_barrier()

    def one_op(j, b):
        pltpu.make_async_copy(hs_hbm.at[eiv.at[j, 0]], rbufs[b],
                              sg[b]).wait()
        pltpu.sync_copy(rbufs[b], acc.at[eiv.at[j, 1]], add=True)

        @pl.when(j + ng < nrows)
        def _():
            pltpu.async_copy(hs_hbm.at[eiv.at[j + ng, 0]], rbufs[b], sg[b])

    def body(i, carry):
        for b in range(ng):
            one_op(ng * i + b, b)
        return carry

    nfull = ROWS_PER_W // ng
    lax.fori_loop(0, nfull - 1, body, 0)
    for b in range(ROWS_PER_W - ng * (nfull - 1) - 1):
        one_op(ng * (nfull - 1) + b, b % ng)

    @pl.when(nrows >= ROWS_PER_W)
    def _():
        one_op(ROWS_PER_W - 1, (ROWS_PER_W - 1 - ng * (nfull - 1)) % ng)

    plsc.subcore_barrier()
    pltpu.sync_copy(acc.at[pl.ds(sid * RPT, RPT)],
                    out_hbm.at[cid, pl.ds(sid * RPT, RPT)])


def _sc_prop(hs, ei3, D, ng):
    dt = hs.dtype
    return pl.kernel(
        functools.partial(_prop_body, ng),
        out_type=jax.ShapeDtypeStruct((2, NPAD, D), dt),
        mesh=_mesh,
        scratch_types=[
            pltpu.VMEM((ROWS_PER_W, 2, 128), jnp.int32),
            [pltpu.VMEM((128, D), dt) for _ in range(ng)],
            pltpu.VMEM_SHARED((NPAD, D), dt),
            [pltpu.SemaphoreType.DMA for _ in range(ng)],
        ],
        compiler_params=pltpu.CompilerParams(use_tc_tiling_on_sc=False),
    )(hs, ei3)



def _mm_body(x_ref, w_ref, out_ref):
    out_ref[...] = jnp.dot(x_ref[...], w_ref[...],
                           preferred_element_type=jnp.float32)


def _tc_matmul(xp, W1):
    return pl.pallas_call(
        _mm_body,
        out_shape=jax.ShapeDtypeStruct((NPAD, 128), jnp.float32),
    )(xp, W1)


def _scale_body(h_ref, deg_ref, hs_ref, dinv_ref):
    deg = deg_ref[0, :, 0:1] + deg_ref[1, :, 0:1] + 1.0
    dinv = lax.rsqrt(deg)
    hs_ref[...] = h_ref[...] * dinv
    dinv_ref[...] = dinv


def _tc_scale(h1, degp):
    return pl.pallas_call(
        _scale_body,
        out_shape=[
            jax.ShapeDtypeStruct((NPAD, 128), jnp.float32),
            jax.ShapeDtypeStruct((NPAD, 1), jnp.float32),
        ],
    )(h1, degp)


def _tc_mid_body(a_ref, hs_ref, dinv_ref, b_ref, w_ref, out_ref):
    dinv = dinv_ref[...]
    a = a_ref[0].astype(jnp.float32) + a_ref[1].astype(jnp.float32)
    p = jnp.tanh(dinv * (a - hs_ref[...].astype(jnp.float32)) + b_ref[...])
    out = jnp.dot(p, w_ref[...], preferred_element_type=jnp.float32) * dinv
    out_ref[...] = out.astype(out_ref.dtype)


def _tc_mid(acc, hs, dinv, b, W, Dout, out_dtype):
    return pl.pallas_call(
        _tc_mid_body,
        out_shape=jax.ShapeDtypeStruct((NPAD, Dout), out_dtype),
    )(acc, hs, dinv, b, W)


def _tc_final_body(a_ref, hs_ref, dinv_ref, b_ref, batch_ref, mask_ref,
                   wc_ref, bc_ref, out_ref, h_ref):
    dinv = dinv_ref[...]
    p = jnp.tanh(dinv * (a_ref[0] + a_ref[1] - hs_ref[...]) + b_ref[...])
    paug = jnp.concatenate([p, jnp.ones((NPAD, 1), jnp.float32)], axis=1)
    iota = lax.broadcasted_iota(jnp.int32, (NPAD, G), 1)
    onehot = (batch_ref[...] == iota).astype(jnp.float32)
    s = lax.dot_general(onehot, paug, (((0,), (0,)), ((), ())),
                        preferred_element_type=jnp.float32)
    hp = s[:, 0:16] / jnp.maximum(s[:, 16:17], 1.0)
    hd = mask_ref[...] * (2.0 * hp)
    h_ref[...] = hd
    out_ref[...] = jnp.dot(hd, wc_ref[...],
                           preferred_element_type=jnp.float32) + bc_ref[...]


def _tc_final(acc, hs, dinv, b, batch2d, mask, Wc, bc):
    return pl.pallas_call(
        _tc_final_body,
        out_shape=[
            jax.ShapeDtypeStruct((G, 2), jnp.float32),
            jax.ShapeDtypeStruct((G, 16), jnp.float32),
        ],
    )(acc, hs, dinv, b, batch2d, mask, Wc, bc)



def kernel(x, edge_index, batch, W1, b1, W2, b2, W3, b3, Wc, bc):
    xp = jnp.zeros((NPAD, 256), jnp.float32).at[:N].set(x)
    ei3 = jnp.transpose(
        edge_index.astype(jnp.int32).reshape(2, EROWS, 128), (1, 0, 2))
    batch2d = jnp.concatenate(
        [batch.astype(jnp.int32),
         jnp.full((NPAD - N,), G, jnp.int32)]).reshape(NPAD, 1)
    zeros16 = jnp.zeros((NPAD, 16), jnp.float32)
    ones16 = jnp.ones((128, 16), jnp.float32)
    mask = jax.random.bernoulli(jax.random.key(42), 0.5,
                                (G, 16)).astype(jnp.float32)
    b1r = b1.reshape(1, 128)
    b2r = b2.reshape(1, 64)
    b3r = b3.reshape(1, 16)
    bcr = bc.reshape(1, 2)

    degp = _sc_degree(ei3, zeros16, ones16)
    h1 = _tc_matmul(xp, W1)
    hs1, dinv = _tc_scale(h1, degp)
    acc1 = _sc_prop(hs1, ei3, 128, 2)
    hs2 = _tc_mid(acc1, hs1, dinv, b1r, W2, 64, jnp.float32)
    acc2 = _sc_prop(hs2, ei3, 64, 8)
    hs3 = _tc_mid(acc2, hs2, dinv, b2r, W3, 16, jnp.float32)
    acc3 = _sc_prop(hs3, ei3, 16, 8)
    out2d, h = _tc_final(acc3, hs3, dinv, b3r, batch2d, mask, Wc, bcr)
    return (out2d.reshape(-1), h)

# --- scband reference (transcript-rebuilt; emitter-appended) ---
"""Pipeline reference for scband-gcnclassifier-73443940762321 (READ-ONLY COPY).

The authoritative reference and input builder live on the scoring server;
editing this copy changes nothing except your own understanding.
"""

import jax, jax.numpy as jnp
import numpy as np

N = 10000
E = 160000
IN = 256
G = 64
NUM_CLASSES = 2


def setup_inputs(seed: int = 0) -> dict:
    key = jax.random.key(seed)
    ks = jax.random.split(key, 12)
    x = jax.random.normal(ks[0], (N, IN), dtype=jnp.float32)
    edge_index = jax.random.randint(ks[1], (2, E), 0, N)
    batch = jnp.sort(jax.random.randint(ks[2], (N,), 0, G))
    def glorot(k, shape):
        lim = float(np.sqrt(6.0 / (shape[0] + shape[1])))
        return jax.random.uniform(k, shape, jnp.float32, -lim, lim)
    W1 = glorot(ks[3], (IN, 128)); b1 = jnp.zeros((128,), jnp.float32)
    W2 = glorot(ks[4], (128, 64)); b2 = jnp.zeros((64,), jnp.float32)
    W3 = glorot(ks[5], (64, 16)); b3 = jnp.zeros((16,), jnp.float32)
    Wc = glorot(ks[6], (16, NUM_CLASSES)); bc = jnp.zeros((NUM_CLASSES,), jnp.float32)
    return {"x": x, "edge_index": edge_index, "batch": batch,
            "W1": W1, "b1": b1, "W2": W2, "b2": b2,
            "W3": W3, "b3": b3, "Wc": Wc, "bc": bc}


def gcn_conv(x, edge_index, W, b):
    # PyG GCNConv: x' = D^{-1/2} (A + I) D^{-1/2} (x W) + b
    h = x @ W
    src = edge_index[0]
    dst = edge_index[1]
    loop = jnp.arange(N, dtype=src.dtype)
    src = jnp.concatenate([src, loop])
    dst = jnp.concatenate([dst, loop])
    deg = jax.ops.segment_sum(jnp.ones(src.shape[0], jnp.float32), dst, num_segments=N)
    dinv = jnp.where(deg > 0, jax.lax.rsqrt(jnp.maximum(deg, 1e-12)), 0.0)
    norm = dinv[src] * dinv[dst]
    msg = h[src] * norm[:, None]
    out = jax.ops.segment_sum(msg, dst, num_segments=N)
    return out + b


def global_mean_pool(h, batch):
    sums = jax.ops.segment_sum(h, batch, num_segments=G)
    counts = jax.ops.segment_sum(jnp.ones(h.shape[0], jnp.float32), batch, num_segments=G)
    return sums / jnp.maximum(counts, 1.0)[:, None]


def reference(x, edge_index, batch, W1, b1, W2, b2, W3, b3, Wc, bc):
    h = jnp.tanh(gcn_conv(x, edge_index, W1, b1))
    h = jnp.tanh(gcn_conv(h, edge_index, W2, b2))
    h = jnp.tanh(gcn_conv(h, edge_index, W3, b3))
    h = global_mean_pool(h, batch)
    # dropout p=0.5, training=True, fixed key for determinism
    mask = jax.random.bernoulli(jax.random.key(42), 0.5, h.shape)
    h = jnp.where(mask, h / 0.5, 0.0)
    out = h @ Wc + bc
    out = out.reshape(-1)
    return (out, h)

if __name__ == "__main__":
    import jax
    _d = setup_inputs()
    print(jax.jit(kernel)(*tuple(_d.values())))

</pallas_src>

<mosaic_0001>
#map = affine_map<(d0, d1) -> (0, 0, 0)>
#map1 = affine_map<(d0, d1) -> (0, 0)>
module attributes {stable_mosaic.version = 14 : i64} {
  func.func @_deg_body(%arg0: i32, %arg1: i32, %arg2: memref<1250x2x128xi32, #tpu.memory_space<hbm>>, %arg3: memref<10240x16xf32, #tpu.memory_space<hbm>>, %arg4: memref<128x16xf32, #tpu.memory_space<hbm>>, %arg5: memref<2x10240x16xf32, #tpu.memory_space<hbm>>, %arg6: memref<40x2x128xi32, #tpu.memory_space<vmem>>, %arg7: memref<128x16xf32, #tpu.memory_space<vmem>>, %arg8: memref<10240x16xf32, #tpu.memory_space<vmem_shared>>, %arg9: memref<!tpu.dma_semaphore, #tpu.memory_space<semaphore_mem>>) attributes {dimension_semantics = [#tpu.dimension_semantics<core_parallel>, #tpu.dimension_semantics<subcore_parallel>], iteration_bounds = array<i64: 2, 16>, scalar_prefetch = 0 : i64, scratch_operands = 4 : i64, tpu.core_type = #tpu.core_type<sc_vector_subcore>, window_params = [{transform_indices = #map}, {transform_indices = #map1}, {transform_indices = #map1}, {transform_indices = #map}]} {
    %mul3A = arith.constant 2 : i32
    %mul3A_0 = arith.muli %arg1, %mul3A : i32
    %add3A = arith.addi %mul3A_0, %arg0 : i32
    %lt3A = arith.constant 2 : i32
    %lt3A_1 = arith.cmpi slt, %add3A, %lt3A : i32
    %jit3A = arith.constant 40 : i32
    %jit3A_2 = arith.constant 39 : i32
    %select_n3A = arith.select %lt3A_1, %jit3A, %jit3A_2 : i32
    %lt3A_3 = arith.constant 2 : i32
    %lt3A_4 = arith.cmpi slt, %add3A, %lt3A_3 : i32
    %mul3A_5 = arith.constant 40 : i32
    %mul3A_6 = arith.muli %add3A, %mul3A_5 : i32
    %sub3A = arith.constant 2 : i32
    %sub3A_7 = arith.subi %add3A, %sub3A : i32
    %mul3A_8 = arith.constant 39 : i32
    %mul3A_9 = arith.muli %sub3A_7, %mul3A_8 : i32
    %add3A_10 = arith.constant 80 : i32
    %add3A_11 = arith.addi %add3A_10, %mul3A_9 : i32
    %select_n3A_12 = arith.select %lt3A_4, %mul3A_6, %add3A_11 : i32
    %mul3A_13 = arith.constant 640 : i32
    %mul3A_14 = arith.muli %arg1, %mul3A_13 : i32
    %mul3A_15 = arith.constant 640 : i32
    %mul3A_16 = arith.muli %arg1, %mul3A_15 : i32
    "tpu.region"() ({
      %run_scoped3A = tpu.sem_alloc : memref<!tpu.dma_semaphore, #tpu.memory_space<semaphore_mem>>
      %dma_start3A = arith.constant 0 : i32
      %dma_start3A_38 = tpu.memref_slice %arg8[%mul3A_16, %dma_start3A] : memref<10240x16xf32, #tpu.memory_space<vmem_shared>> -> memref<640x16xf32, #tpu.memory_space<vmem_shared>>
      %dma_start3A_39 = arith.constant 0 : i32
      %dma_start3A_40 = tpu.memref_slice %arg3[%mul3A_14, %dma_start3A_39] : memref<10240x16xf32, #tpu.memory_space<hbm>> -> memref<640x16xf32, #tpu.memory_space<hbm>>
      tpu.enqueue_dma source(%dma_start3A_40 : memref<640x16xf32, #tpu.memory_space<hbm>>) target(%dma_start3A_38 : memref<640x16xf32, #tpu.memory_space<vmem_shared>>) target_semaphore(%run_scoped3A : memref<!tpu.dma_semaphore, #tpu.memory_space<semaphore_mem>>)
      %dma_wait3A = arith.constant 0 : i32
      %dma_wait3A_41 = tpu.memref_slice %arg8[%mul3A_16, %dma_wait3A] : memref<10240x16xf32, #tpu.memory_space<vmem_shared>> -> memref<640x16xf32, #tpu.memory_space<vmem_shared>>
      %dma_wait3A_42 = arith.constant 0 : i32
      %dma_wait3A_43 = tpu.memref_slice %arg3[%mul3A_14, %dma_wait3A_42] : memref<10240x16xf32, #tpu.memory_space<hbm>> -> memref<640x16xf32, #tpu.memory_space<hbm>>
      tpu.wait_dma2 semaphore(%run_scoped3A : memref<!tpu.dma_semaphore, #tpu.memory_space<semaphore_mem>>) src(%dma_wait3A_43 : memref<640x16xf32, #tpu.memory_space<hbm>>) dst(%dma_wait3A_41 : memref<640x16xf32, #tpu.memory_space<vmem_shared>>)
      tpu.yield
    }) : () -> ()
    "tpu.region"() ({
      %run_scoped3A = tpu.sem_alloc : memref<!tpu.dma_semaphore, #tpu.memory_space<semaphore_mem>>
      tpu.enqueue_dma source(%arg4 : memref<128x16xf32, #tpu.memory_space<hbm>>) target(%arg7 : memref<128x16xf32, #tpu.memory_space<vmem>>) target_semaphore(%run_scoped3A : memref<!tpu.dma_semaphore, #tpu.memory_space<semaphore_mem>>)
      tpu.wait_dma2 semaphore(%run_scoped3A : memref<!tpu.dma_semaphore, #tpu.memory_space<semaphore_mem>>) src(%arg4 : memref<128x16xf32, #tpu.memory_space<hbm>>) dst(%arg7 : memref<128x16xf32, #tpu.memory_space<vmem>>)
      tpu.yield
    }) : () -> ()
    %lt3A_17 = arith.constant 80 : i32
    %lt3A_18 = arith.cmpi slt, %select_n3A_12, %lt3A_17 : i32
    %convert_element_type3A = arith.extui %lt3A_18 : i1 to i32
    %cond3A = arith.constant 0 : i32
    %cond3A_19 = arith.cmpi ne, %convert_element_type3A, %cond3A : i32
    scf.if %cond3A_19 {
      "tpu.region"() ({
        %run_scoped3A = tpu.sem_alloc : memref<!tpu.dma_semaphore, #tpu.memory_space<semaphore_mem>>
        %dma_start3A = arith.constant 0 : i32
        %dma_start3A_38 = arith.constant 0 : i32
        %dma_start3A_39 = tpu.memref_slice %arg2[%select_n3A_12, %dma_start3A, %dma_start3A_38] : memref<1250x2x128xi32, #tpu.memory_space<hbm>> -> memref<40x2x128xi32, #tpu.memory_space<hbm>>
        %dma_start3A_40 = arith.constant 0 : i32
        %dma_start3A_41 = arith.constant 0 : i32
        %dma_start3A_42 = tpu.memref_slice %arg2[%select_n3A_12, %dma_start3A_40, %dma_start3A_41] : memref<1250x2x128xi32, #tpu.memory_space<hbm>> -> memref<40x2x128xi32, #tpu.memory_space<hbm>>
        tpu.enqueue_dma source(%dma_start3A_42 : memref<40x2x128xi32, #tpu.memory_space<hbm>>) target(%arg6 : memref<40x2x128xi32, #tpu.memory_space<vmem>>) target_semaphore(%run_scoped3A : memref<!tpu.dma_semaphore, #tpu.memory_space<semaphore_mem>>)
        %dma_wait3A = arith.constant 0 : i32
        %dma_wait3A_43 = arith.constant 0 : i32
        %dma_wait3A_44 = tpu.memref_slice %arg2[%select_n3A_12, %dma_wait3A, %dma_wait3A_43] : memref<1250x2x128xi32, #tpu.memory_space<hbm>> -> memref<40x2x128xi32, #tpu.memory_space<hbm>>
        %dma_wait3A_45 = arith.constant 0 : i32
        %dma_wait3A_46 = arith.constant 0 : i32
        %dma_wait3A_47 = tpu.memref_slice %arg2[%select_n3A_12, %dma_wait3A_45, %dma_wait3A_46] : memref<1250x2x128xi32, #tpu.memory_space<hbm>> -> memref<40x2x128xi32, #tpu.memory_space<hbm>>
        tpu.wait_dma2 semaphore(%run_scoped3A : memref<!tpu.dma_semaphore, #tpu.memory_space<semaphore_mem>>) src(%dma_wait3A_47 : memref<40x2x128xi32, #tpu.memory_space<hbm>>) dst(%arg6 : memref<40x2x128xi32, #tpu.memory_space<vmem>>)
        tpu.yield
      }) : () -> ()
    } else {
    }
    %ge3A = arith.constant 80 : i32
    %ge3A_20 = arith.cmpi sge, %select_n3A_12, %ge3A : i32
    %convert_element_type3A_21 = arith.extui %ge3A_20 : i1 to i32
    %cond3A_22 = arith.constant 0 : i32
    %cond3A_23 = arith.cmpi ne, %convert_element_type3A_21, %cond3A_22 : i32
    scf.if %cond3A_23 {
      "tpu.region"() ({
        %run_scoped3A = tpu.sem_alloc : memref<!tpu.dma_semaphore, #tpu.memory_space<semaphore_mem>>
        %dma_start3A = arith.constant 0 : i32
        %dma_start3A_38 = arith.constant 0 : i32
        %dma_start3A_39 = arith.constant 0 : i32
        %dma_start3A_40 = tpu.memref_slice %arg6[%dma_start3A, %dma_start3A_38, %dma_start3A_39] : memref<40x2x128xi32, #tpu.memory_space<vmem>> -> memref<39x2x128xi32, #tpu.memory_space<vmem>>
        %dma_start3A_41 = arith.constant 0 : i32
        %dma_start3A_42 = arith.constant 0 : i32
        %dma_start3A_43 = tpu.memref_slice %arg2[%select_n3A_12, %dma_start3A_41, %dma_start3A_42] : memref<1250x2x128xi32, #tpu.memory_space<hbm>> -> memref<39x2x128xi32, #tpu.memory_space<hbm>>
        %dma_start3A_44 = arith.constant 0 : i32
        %dma_start3A_45 = arith.constant 0 : i32
        %dma_start3A_46 = arith.constant 0 : i32
        %dma_start3A_47 = tpu.memref_slice %arg6[%dma_start3A_44, %dma_start3A_45, %dma_start3A_46] : memref<40x2x128xi32, #tpu.memory_space<vmem>> -> memref<39x2x128xi32, #tpu.memory_space<vmem>>
        %dma_start3A_48 = arith.constant 0 : i32
        %dma_start3A_49 = arith.constant 0 : i32
        %dma_start3A_50 = tpu.memref_slice %arg2[%select_n3A_12, %dma_start3A_48, %dma_start3A_49] : memref<1250x2x128xi32, #tpu.memory_space<hbm>> -> memref<39x2x128xi32, #tpu.memory_space<hbm>>
        tpu.enqueue_dma source(%dma_start3A_50 : memref<39x2x128xi32, #tpu.memory_space<hbm>>) target(%dma_start3A_47 : memref<39x2x128xi32, #tpu.memory_space<vmem>>) target_semaphore(%run_scoped3A : memref<!tpu.dma_semaphore, #tpu.memory_space<semaphore_mem>>)
        %dma_wait3A = arith.constant 0 : i32
        %dma_wait3A_51 = arith.constant 0 : i32
        %dma_wait3A_52 = arith.constant 0 : i32
        %dma_wait3A_53 = tpu.memref_slice %arg6[%dma_wait3A, %dma_wait3A_51, %dma_wait3A_52] : memref<40x2x128xi32, #tpu.memory_space<vmem>> -> memref<39x2x128xi32, #tpu.memory_space<vmem>>
        %dma_wait3A_54 = arith.constant 0 : i32
        %dma_wait3A_55 = arith.constant 0 : i32
        %dma_wait3A_56 = tpu.memref_slice %arg2[%select_n3A_12, %dma_wait3A_54, %dma_wait3A_55] : memref<1250x2x128xi32, #tpu.memory_space<hbm>> -> memref<39x2x128xi32, #tpu.memory_space<hbm>>
        %dma_wait3A_57 = arith.constant 0 : i32
        %dma_wait3A_58 = arith.constant 0 : i32
        %dma_wait3A_59 = arith.constant 0 : i32
        %dma_wait3A_60 = tpu.memref_slice %arg6[%dma_wait3A_57, %dma_wait3A_58, %dma_wait3A_59] : memref<40x2x128xi32, #tpu.memory_space<vmem>> -> memref<39x2x128xi32, #tpu.memory_space<vmem>>
        %dma_wait3A_61 = arith.constant 0 : i32
        %dma_wait3A_62 = arith.constant 0 : i32
        %dma_wait3A_63 = tpu.memref_slice %arg2[%select_n3A_12, %dma_wait3A_61, %dma_wait3A_62] : memref<1250x2x128xi32, #tpu.memory_space<hbm>> -> memref<39x2x128xi32, #tpu.memory_space<hbm>>
        tpu.wait_dma2 semaphore(%run_scoped3A : memref<!tpu.dma_semaphore, #tpu.memory_space<semaphore_mem>>) src(%dma_wait3A_63 : memref<39x2x128xi32, #tpu.memory_space<hbm>>) dst(%dma_wait3A_60 : memref<39x2x128xi32, #tpu.memory_space<vmem>>)
        tpu.yield
      }) : () -> ()
    } else {
    }
    %barrier3A = arith.constant 0 : index
    tpu.barrier barrier_id(%barrier3A)
    %while3A = arith.constant 0 : i32
    %while3A_24 = arith.constant 0 : i32
    %while3A_25 = arith.subi %select_n3A, %while3A_24 : i32
    %while3A_26 = arith.addi %while3A_24, %while3A_25 : i32
    %while3A_27 = arith.constant 1 : i32
    %while3A_28 = arith.divsi %while3A_25, %while3A_27 : i32
    %while3A_29 = arith.muli %while3A_28, %while3A_27 : i32
    %while3A_30 = arith.addi %while3A_24, %while3A_29 : i32
    %while3A_31 = arith.constant 1 : i32
    scf.for %while3A_38 = %while3A_24 to %while3A_30 step %while3A_31  : i32 {
      %run_scoped3A = arith.constant 1 : i32
      "tpu.region"() ({
        %run_scoped3A_39 = tpu.sem_alloc : memref<!tpu.dma_semaphore, #tpu.memory_space<semaphore_mem>>
        %dma_start3A = arith.constant 0 : i32
        %dma_start3A_40 = tpu.memref_slice %arg6[%while3A_38, %run_scoped3A, %dma_start3A] : memref<40x2x128xi32, #tpu.memory_space<vmem>> -> memref<1x1x128xi32, #tpu.memory_space<vmem>>
        %dma_start3A_41 = tpu.memref_squeeze %dma_start3A_40 : memref<1x1x128xi32, #tpu.memory_space<vmem>> -> memref<128xi32, #tpu.memory_space<vmem>>
        %dma_start3A_42 = arith.constant 0 : i32
        %dma_start3A_43 = arith.constant 0 : i32
        %dma_start3A_44 = tpu.memref_slice %arg8[%dma_start3A_42, %dma_start3A_43] : memref<10240x16xf32, #tpu.memory_space<vmem_shared>> -> memref<10240x16xf32, #tpu.memory_space<vmem_shared>>
        tpu.enqueue_indirect_dma source(%arg7 : memref<128x16xf32, #tpu.memory_space<vmem>>) target(%dma_start3A_44 : memref<10240x16xf32, #tpu.memory_space<vmem_shared>>) offsets(%dma_start3A_41 : memref<128xi32, #tpu.memory_space<vmem>>) semaphore(%run_scoped3A_39 : memref<!tpu.dma_semaphore, #tpu.memory_space<semaphore_mem>>) {add = true}
        %dma_wait3A = arith.constant 0 : i32
        %dma_wait3A_45 = tpu.memref_slice %arg6[%while3A_38, %run_scoped3A, %dma_wait3A] : memref<40x2x128xi32, #tpu.memory_space<vmem>> -> memref<1x1x128xi32, #tpu.memory_space<vmem>>
        %dma_wait3A_46 = tpu.memref_squeeze %dma_wait3A_45 : memref<1x1x128xi32, #tpu.memory_space<vmem>> -> memref<128xi32, #tpu.memory_space<vmem>>
        %dma_wait3A_47 = arith.constant 0 : i32
        %dma_wait3A_48 = arith.constant 0 : i32
        %dma_wait3A_49 = tpu.memref_slice %arg8[%dma_wait3A_47, %dma_wait3A_48] : memref<10240x16xf32, #tpu.memory_space<vmem_shared>> -> memref<10240x16xf32, #tpu.memory_space<vmem_shared>>
        tpu.wait_indirect_dma semaphore(%run_scoped3A_39 : memref<!tpu.dma_semaphore, #tpu.memory_space<semaphore_mem>>) src(%arg7 : memref<128x16xf32, #tpu.memory_space<vmem>>) dst(%dma_wait3A_49 : memref<10240x16xf32, #tpu.memory_space<vmem_shared>>)
        tpu.yield
      }) : () -> ()
    }
    %while3A_32 = arith.constant 1 : i32
    scf.for %while3A_38 = %while3A_30 to %while3A_26 step %while3A_32  : i32 {
      %run_scoped3A = arith.constant 1 : i32
      "tpu.region"() ({
        %run_scoped3A_39 = tpu.sem_alloc : memref<!tpu.dma_semaphore, #tpu.memory_space<semaphore_mem>>
        %dma_start3A = arith.constant 0 : i32
        %dma_start3A_40 = tpu.memref_slice %arg6[%while3A_38, %run_scoped3A, %dma_start3A] : memref<40x2x128xi32, #tpu.memory_space<vmem>> -> memref<1x1x128xi32, #tpu.memory_space<vmem>>
        %dma_start3A_41 = tpu.memref_squeeze %dma_start3A_40 : memref<1x1x128xi32, #tpu.memory_space<vmem>> -> memref<128xi32, #tpu.memory_space<vmem>>
        %dma_start3A_42 = arith.constant 0 : i32
        %dma_start3A_43 = arith.constant 0 : i32
        %dma_start3A_44 = tpu.memref_slice %arg8[%dma_start3A_42, %dma_start3A_43] : memref<10240x16xf32, #tpu.memory_space<vmem_shared>> -> memref<10240x16xf32, #tpu.memory_space<vmem_shared>>
        tpu.enqueue_indirect_dma source(%arg7 : memref<128x16xf32, #tpu.memory_space<vmem>>) target(%dma_start3A_44 : memref<10240x16xf32, #tpu.memory_space<vmem_shared>>) offsets(%dma_start3A_41 : memref<128xi32, #tpu.memory_space<vmem>>) semaphore(%run_scoped3A_39 : memref<!tpu.dma_semaphore, #tpu.memory_space<semaphore_mem>>) {add = true}
        %dma_wait3A = arith.constant 0 : i32
        %dma_wait3A_45 = tpu.memref_slice %arg6[%while3A_38, %run_scoped3A, %dma_wait3A] : memref<40x2x128xi32, #tpu.memory_space<vmem>> -> memref<1x1x128xi32, #tpu.memory_space<vmem>>
        %dma_wait3A_46 = tpu.memref_squeeze %dma_wait3A_45 : memref<1x1x128xi32, #tpu.memory_space<vmem>> -> memref<128xi32, #tpu.memory_space<vmem>>
        %dma_wait3A_47 = arith.constant 0 : i32
        %dma_wait3A_48 = arith.constant 0 : i32
        %dma_wait3A_49 = tpu.memref_slice %arg8[%dma_wait3A_47, %dma_wait3A_48] : memref<10240x16xf32, #tpu.memory_space<vmem_shared>> -> memref<10240x16xf32, #tpu.memory_space<vmem_shared>>
        tpu.wait_indirect_dma semaphore(%run_scoped3A_39 : memref<!tpu.dma_semaphore, #tpu.memory_space<semaphore_mem>>) src(%arg7 : memref<128x16xf32, #tpu.memory_space<vmem>>) dst(%dma_wait3A_49 : memref<10240x16xf32, #tpu.memory_space<vmem_shared>>)
        tpu.yield
      }) : () -> ()
    }
    %barrier3A_33 = arith.constant 0 : index
    tpu.barrier barrier_id(%barrier3A_33)
    %mul3A_34 = arith.constant 640 : i32
    %mul3A_35 = arith.muli %arg1, %mul3A_34 : i32
    %mul3A_36 = arith.constant 640 : i32
    %mul3A_37 = arith.muli %arg1, %mul3A_36 : i32
    "tpu.region"() ({
      %run_scoped3A = tpu.sem_alloc : memref<!tpu.dma_semaphore, #tpu.memory_space<semaphore_mem>>
      %dma_start3A = arith.constant 0 : i32
      %dma_start3A_38 = tpu.memref_slice %arg5[%arg0, %mul3A_37, %dma_start3A] : memref<2x10240x16xf32, #tpu.memory_space<hbm>> -> memref<1x640x16xf32, #tpu.memory_space<hbm>>
      %dma_start3A_39 = tpu.memref_squeeze %dma_start3A_38 : memref<1x640x16xf32, #tpu.memory_space<hbm>> -> memref<640x16xf32, #tpu.memory_space<hbm>>
      %dma_start3A_40 = arith.constant 0 : i32
      %dma_start3A_41 = tpu.memref_slice %arg8[%mul3A_35, %dma_start3A_40] : memref<10240x16xf32, #tpu.memory_space<vmem_shared>> -> memref<640x16xf32, #tpu.memory_space<vmem_shared>>
      tpu.enqueue_dma source(%dma_start3A_41 : memref<640x16xf32, #tpu.memory_space<vmem_shared>>) target(%dma_start3A_39 : memref<640x16xf32, #tpu.memory_space<hbm>>) target_semaphore(%run_scoped3A : memref<!tpu.dma_semaphore, #tpu.memory_space<semaphore_mem>>)
      %dma_wait3A = arith.constant 0 : i32
      %dma_wait3A_42 = tpu.memref_slice %arg5[%arg0, %mul3A_37, %dma_wait3A] : memref<2x10240x16xf32, #tpu.memory_space<hbm>> -> memref<1x640x16xf32, #tpu.memory_space<hbm>>
      %dma_wait3A_43 = tpu.memref_squeeze %dma_wait3A_42 : memref<1x640x16xf32, #tpu.memory_space<hbm>> -> memref<640x16xf32, #tpu.memory_space<hbm>>
      %dma_wait3A_44 = arith.constant 0 : i32
      %dma_wait3A_45 = tpu.memref_slice %arg8[%mul3A_35, %dma_wait3A_44] : memref<10240x16xf32, #tpu.memory_space<vmem_shared>> -> memref<640x16xf32, #tpu.memory_space<vmem_shared>>
      tpu.wait_dma2 semaphore(%run_scoped3A : memref<!tpu.dma_semaphore, #tpu.memory_space<semaphore_mem>>) src(%dma_wait3A_45 : memref<640x16xf32, #tpu.memory_space<vmem_shared>>) dst(%dma_wait3A_43 : memref<640x16xf32, #tpu.memory_space<hbm>>)
      tpu.yield
    }) : () -> ()
    return
  }
}

#map = affine_map<(d0, d1) -> (0, 0)>
#map1 = affine_map<(d0, d1) -> (0, 0, 0)>
module attributes {stable_mosaic.version = 14 : i64} {
  func.func @_prop_body(%arg0: i32, %arg1: i32, %arg2: memref<10240x16xf32, #tpu.memory_space<hbm>>, %arg3: memref<1250x2x128xi32, #tpu.memory_space<hbm>>, %arg4: memref<2x10240x16xf32, #tpu.memory_space<hbm>>, %arg5: memref<40x2x128xi32, #tpu.memory_space<vmem>>, %arg6: memref<128x16xf32, #tpu.memory_space<vmem>>, %arg7: memref<128x16xf32, #tpu.memory_space<vmem>>, %arg8: memref<128x16xf32, #tpu.memory_space<vmem>>, %arg9: memref<128x16xf32, #tpu.memory_space<vmem>>, %arg10: memref<128x16xf32, #tpu.memory_space<vmem>>, %arg11: memref<128x16xf32, #tpu.memory_space<vmem>>, %arg12: memref<128x16xf32, #tpu.memory_space<vmem>>, %arg13: memref<128x16xf32, #tpu.memory_space<vmem>>, %arg14: memref<10240x16xf32, #tpu.memory_space<vmem_shared>>, %arg15: memref<!tpu.dma_semaphore, #tpu.memory_space<semaphore_mem>>, %arg16: memref<!tpu.dma_semaphore, #tpu.memory_space<semaphore_mem>>, %arg17: memref<!tpu.dma_semaphore, #tpu.memory_space<semaphore_mem>>, %arg18: memref<!tpu.dma_semaphore, #tpu.memory_space<semaphore_mem>>, %arg19: memref<!tpu.dma_semaphore, #tpu.memory_space<semaphore_mem>>, %arg20: memref<!tpu.dma_semaphore, #tpu.memory_space<semaphore_mem>>, %arg21: memref<!tpu.dma_semaphore, #tpu.memory_space<semaphore_mem>>, %arg22: memref<!tpu.dma_semaphore, #tpu.memory_space<semaphore_mem>>) attributes {dimension_semantics = [#tpu.dimension_semantics<core_parallel>, #tpu.dimension_semantics<subcore_parallel>], iteration_bounds = array<i64: 2, 16>, scalar_prefetch = 0 : i64, scratch_operands = 18 : i64, tpu.core_type = #tpu.core_type<sc_vector_subcore>, window_params = [{transform_indices = #map}, {transform_indices = #map1}, {transform_indices = #map1}]} {
    %mul3A = arith.constant 2 : i32
    %mul3A_0 = arith.muli %arg1, %mul3A : i32
    %add3A = arith.addi %mul3A_0, %arg0 : i32
    %lt3A = arith.constant 2 : i32
    %lt3A_1 = arith.cmpi slt, %add3A, %lt3A : i32
    %jit3A = arith.constant 40 : i32
    %jit3A_2 = arith.constant 39 : i32
    %select_n3A = arith.select %lt3A_1, %jit3A, %jit3A_2 : i32
    %lt3A_3 = arith.constant 2 : i32
    %lt3A_4 = arith.cmpi slt, %add3A, %lt3A_3 : i32
    %mul3A_5 = arith.constant 40 : i32
    %mul3A_6 = arith.muli %add3A, %mul3A_5 : i32
    %sub3A = arith.constant 2 : i32
    %sub3A_7 = arith.subi %add3A, %sub3A : i32
    %mul3A_8 = arith.constant 39 : i32
    %mul3A_9 = arith.muli %sub3A_7, %mul3A_8 : i32
    %add3A_10 = arith.constant 80 : i32
    %add3A_11 = arith.addi %add3A_10, %mul3A_9 : i32
    %select_n3A_12 = arith.select %lt3A_4, %mul3A_6, %add3A_11 : i32
    %lt3A_13 = arith.constant 80 : i32
    %lt3A_14 = arith.cmpi slt, %select_n3A_12, %lt3A_13 : i32
    %convert_element_type3A = arith.extui %lt3A_14 : i1 to i32
    %cond3A = arith.constant 0 : i32
    %cond3A_15 = arith.cmpi ne, %convert_element_type3A, %cond3A : i32
    scf.if %cond3A_15 {
      "tpu.region"() ({
        %run_scoped3A_204 = tpu.sem_alloc : memref<!tpu.dma_semaphore, #tpu.memory_space<semaphore_mem>>
        %dma_start3A_205 = arith.constant 0 : i32
        %dma_start3A_206 = arith.constant 0 : i32
        %dma_start3A_207 = tpu.memref_slice %arg3[%select_n3A_12, %dma_start3A_205, %dma_start3A_206] : memref<1250x2x128xi32, #tpu.memory_space<hbm>> -> memref<40x2x128xi32, #tpu.memory_space<hbm>>
        %dma_start3A_208 = arith.constant 0 : i32
        %dma_start3A_209 = arith.constant 0 : i32
        %dma_start3A_210 = tpu.memref_slice %arg3[%select_n3A_12, %dma_start3A_208, %dma_start3A_209] : memref<1250x2x128xi32, #tpu.memory_space<hbm>> -> memref<40x2x128xi32, #tpu.memory_space<hbm>>
        tpu.enqueue_dma source(%dma_start3A_210 : memref<40x2x128xi32, #tpu.memory_space<hbm>>) target(%arg5 : memref<40x2x128xi32, #tpu.memory_space<vmem>>) target_semaphore(%run_scoped3A_204 : memref<!tpu.dma_semaphore, #tpu.memory_space<semaphore_mem>>)
        %dma_wait3A_211 = arith.constant 0 : i32
        %dma_wait3A_212 = arith.constant 0 : i32
        %dma_wait3A_213 = tpu.memref_slice %arg3[%select_n3A_12, %dma_wait3A_211, %dma_wait3A_212] : memref<1250x2x128xi32, #tpu.memory_space<hbm>> -> memref<40x2x128xi32, #tpu.memory_space<hbm>>
        %dma_wait3A_214 = arith.constant 0 : i32
        %dma_wait3A_215 = arith.constant 0 : i32
        %dma_wait3A_216 = tpu.memref_slice %arg3[%select_n3A_12, %dma_wait3A_214, %dma_wait3A_215] : memref<1250x2x128xi32, #tpu.memory_space<hbm>> -> memref<40x2x128xi32, #tpu.memory_space<hbm>>
        tpu.wait_dma2 semaphore(%run_scoped3A_204 : memref<!tpu.dma_semaphore, #tpu.memory_space<semaphore_mem>>) src(%dma_wait3A_216 : memref<40x2x128xi32, #tpu.memory_space<hbm>>) dst(%arg5 : memref<40x2x128xi32, #tpu.memory_space<vmem>>)
        tpu.yield
      }) : () -> ()
    } else {
    }
    %ge3A = arith.constant 80 : i32
    %ge3A_16 = arith.cmpi sge, %select_n3A_12, %ge3A : i32
    %convert_element_type3A_17 = arith.extui %ge3A_16 : i1 to i32
    %cond3A_18 = arith.constant 0 : i32
    %cond3A_19 = arith.cmpi ne, %convert_element_type3A_17, %cond3A_18 : i32
    scf.if %cond3A_19 {
      "tpu.region"() ({
        %run_scoped3A_204 = tpu.sem_alloc : memref<!tpu.dma_semaphore, #tpu.memory_space<semaphore_mem>>
        %dma_start3A_205 = arith.constant 0 : i32
        %dma_start3A_206 = arith.constant 0 : i32
        %dma_start3A_207 = arith.constant 0 : i32
        %dma_start3A_208 = tpu.memref_slice %arg5[%dma_start3A_205, %dma_start3A_206, %dma_start3A_207] : memref<40x2x128xi32, #tpu.memory_space<vmem>> -> memref<39x2x128xi32, #tpu.memory_space<vmem>>
        %dma_start3A_209 = arith.constant 0 : i32
        %dma_start3A_210 = arith.constant 0 : i32
        %dma_start3A_211 = tpu.memref_slice %arg3[%select_n3A_12, %dma_start3A_209, %dma_start3A_210] : memref<1250x2x128xi32, #tpu.memory_space<hbm>> -> memref<39x2x128xi32, #tpu.memory_space<hbm>>
        %dma_start3A_212 = arith.constant 0 : i32
        %dma_start3A_213 = arith.constant 0 : i32
        %dma_start3A_214 = arith.constant 0 : i32
        %dma_start3A_215 = tpu.memref_slice %arg5[%dma_start3A_212, %dma_start3A_213, %dma_start3A_214] : memref<40x2x128xi32, #tpu.memory_space<vmem>> -> memref<39x2x128xi32, #tpu.memory_space<vmem>>
        %dma_start3A_216 = arith.constant 0 : i32
        %dma_start3A_217 = arith.constant 0 : i32
        %dma_start3A_218 = tpu.memref_slice %arg3[%select_n3A_12, %dma_start3A_216, %dma_start3A_217] : memref<1250x2x128xi32, #tpu.memory_space<hbm>> -> memref<39x2x128xi32, #tpu.memory_space<hbm>>
        tpu.enqueue_dma source(%dma_start3A_218 : memref<39x2x128xi32, #tpu.memory_space<hbm>>) target(%dma_start3A_215 : memref<39x2x128xi32, #tpu.memory_space<vmem>>) target_semaphore(%run_scoped3A_204 : memref<!tpu.dma_semaphore, #tpu.memory_space<semaphore_mem>>)
        %dma_wait3A_219 = arith.constant 0 : i32
        %dma_wait3A_220 = arith.constant 0 : i32
        %dma_wait3A_221 = arith.constant 0 : i32
        %dma_wait3A_222 = tpu.memref_slice %arg5[%dma_wait3A_219, %dma_wait3A_220, %dma_wait3A_221] : memref<40x2x128xi32, #tpu.memory_space<vmem>> -> memref<39x2x128xi32, #tpu.memory_space<vmem>>
        %dma_wait3A_223 = arith.constant 0 : i32
        %dma_wait3A_224 = arith.constant 0 : i32
        %dma_wait3A_225 = tpu.memref_slice %arg3[%select_n3A_12, %dma_wait3A_223, %dma_wait3A_224] : memref<1250x2x128xi32, #tpu.memory_space<hbm>> -> memref<39x2x128xi32, #tpu.memory_space<hbm>>
        %dma_wait3A_226 = arith.constant 0 : i32
        %dma_wait3A_227 = arith.constant 0 : i32
        %dma_wait3A_228 = arith.constant 0 : i32
        %dma_wait3A_229 = tpu.memref_slice %arg5[%dma_wait3A_226, %dma_wait3A_227, %dma_wait3A_228] : memref<40x2x128xi32, #tpu.memory_space<vmem>> -> memref<39x2x128xi32, #tpu.memory_space<vmem>>
        %dma_wait3A_230 = arith.constant 0 : i32
        %dma_wait3A_231 = arith.constant 0 : i32
        %dma_wait3A_232 = tpu.memref_slice %arg3[%select_n3A_12, %dma_wait3A_230, %dma_wait3A_231] : memref<1250x2x128xi32, #tpu.memory_space<hbm>> -> memref<39x2x128xi32, #tpu.memory_space<hbm>>
        tpu.wait_dma2 semaphore(%run_scoped3A_204 : memref<!tpu.dma_semaphore, #tpu.memory_space<semaphore_mem>>) src(%dma_wait3A_232 : memref<39x2x128xi32, #tpu.memory_space<hbm>>) dst(%dma_wait3A_229 : memref<39x2x128xi32, #tpu.memory_space<vmem>>)
        tpu.yield
      }) : () -> ()
    } else {
    }
    %dma_start3A = arith.constant 0 : i32
    %dma_start3A_20 = arith.constant 0 : i32
    %dma_start3A_21 = arith.constant 0 : i32
    %dma_start3A_22 = tpu.memref_slice %arg5[%dma_start3A, %dma_start3A_20, %dma_start3A_21] : memref<40x2x128xi32, #tpu.memory_space<vmem>> -> memref<1x1x128xi32, #tpu.memory_space<vmem>>
    %dma_start3A_23 = tpu.memref_squeeze %dma_start3A_22 : memref<1x1x128xi32, #tpu.memory_space<vmem>> -> memref<128xi32, #tpu.memory_space<vmem>>
    %dma_start3A_24 = arith.constant 0 : i32
    %dma_start3A_25 = arith.constant 0 : i32
    %dma_start3A_26 = tpu.memref_slice %arg2[%dma_start3A_24, %dma_start3A_25] : memref<10240x16xf32, #tpu.memory_space<hbm>> -> memref<10240x16xf32, #tpu.memory_space<hbm>>
    tpu.enqueue_indirect_dma source(%dma_start3A_26 : memref<10240x16xf32, #tpu.memory_space<hbm>>) target(%arg6 : memref<128x16xf32, #tpu.memory_space<vmem>>) offsets(%dma_start3A_23 : memref<128xi32, #tpu.memory_space<vmem>>) semaphore(%arg15 : memref<!tpu.dma_semaphore, #tpu.memory_space<semaphore_mem>>)
    %dma_start3A_27 = arith.constant 1 : i32
    %dma_start3A_28 = arith.constant 0 : i32
    %dma_start3A_29 = arith.constant 0 : i32
    %dma_start3A_30 = tpu.memref_slice %arg5[%dma_start3A_27, %dma_start3A_28, %dma_start3A_29] : memref<40x2x128xi32, #tpu.memory_space<vmem>> -> memref<1x1x128xi32, #tpu.memory_space<vmem>>
    %dma_start3A_31 = tpu.memref_squeeze %dma_start3A_30 : memref<1x1x128xi32, #tpu.memory_space<vmem>> -> memref<128xi32, #tpu.memory_space<vmem>>
    %dma_start3A_32 = arith.constant 0 : i32
    %dma_start3A_33 = arith.constant 0 : i32
    %dma_start3A_34 = tpu.memref_slice %arg2[%dma_start3A_32, %dma_start3A_33] : memref<10240x16xf32, #tpu.memory_space<hbm>> -> memref<10240x16xf32, #tpu.memory_space<hbm>>
    tpu.enqueue_indirect_dma source(%dma_start3A_34 : memref<10240x16xf32, #tpu.memory_space<hbm>>) target(%arg7 : memref<128x16xf32, #tpu.memory_space<vmem>>) offsets(%dma_start3A_31 : memref<128xi32, #tpu.memory_space<vmem>>) semaphore(%arg16 : memref<!tpu.dma_semaphore, #tpu.memory_space<semaphore_mem>>)
    %dma_start3A_35 = arith.constant 2 : i32
    %dma_start3A_36 = arith.constant 0 : i32
    %dma_start3A_37 = arith.constant 0 : i32
    %dma_start3A_38 = tpu.memref_slice %arg5[%dma_start3A_35, %dma_start3A_36, %dma_start3A_37] : memref<40x2x128xi32, #tpu.memory_space<vmem>> -> memref<1x1x128xi32, #tpu.memory_space<vmem>>
    %dma_start3A_39 = tpu.memref_squeeze %dma_start3A_38 : memref<1x1x128xi32, #tpu.memory_space<vmem>> -> memref<128xi32, #tpu.memory_space<vmem>>
    %dma_start3A_40 = arith.constant 0 : i32
    %dma_start3A_41 = arith.constant 0 : i32
    %dma_start3A_42 = tpu.memref_slice %arg2[%dma_start3A_40, %dma_start3A_41] : memref<10240x16xf32, #tpu.memory_space<hbm>> -> memref<10240x16xf32, #tpu.memory_space<hbm>>
    tpu.enqueue_indirect_dma source(%dma_start3A_42 : memref<10240x16xf32, #tpu.memory_space<hbm>>) target(%arg8 : memref<128x16xf32, #tpu.memory_space<vmem>>) offsets(%dma_start3A_39 : memref<128xi32, #tpu.memory_space<vmem>>) semaphore(%arg17 : memref<!tpu.dma_semaphore, #tpu.memory_space<semaphore_mem>>)
    %dma_start3A_43 = arith.constant 3 : i32
    %dma_start3A_44 = arith.constant 0 : i32
    %dma_start3A_45 = arith.constant 0 : i32
    %dma_start3A_46 = tpu.memref_slice %arg5[%dma_start3A_43, %dma_start3A_44, %dma_start3A_45] : memref<40x2x128xi32, #tpu.memory_space<vmem>> -> memref<1x1x128xi32, #tpu.memory_space<vmem>>
    %dma_start3A_47 = tpu.memref_squeeze %dma_start3A_46 : memref<1x1x128xi32, #tpu.memory_space<vmem>> -> memref<128xi32, #tpu.memory_space<vmem>>
    %dma_start3A_48 = arith.constant 0 : i32
    %dma_start3A_49 = arith.constant 0 : i32
    %dma_start3A_50 = tpu.memref_slice %arg2[%dma_start3A_48, %dma_start3A_49] : memref<10240x16xf32, #tpu.memory_space<hbm>> -> memref<10240x16xf32, #tpu.memory_space<hbm>>
    tpu.enqueue_indirect_dma source(%dma_start3A_50 : memref<10240x16xf32, #tpu.memory_space<hbm>>) target(%arg9 : memref<128x16xf32, #tpu.memory_space<vmem>>) offsets(%dma_start3A_47 : memref<128xi32, #tpu.memory_space<vmem>>) semaphore(%arg18 : memref<!tpu.dma_semaphore, #tpu.memory_space<semaphore_mem>>)
    %dma_start3A_51 = arith.constant 4 : i32
    %dma_start3A_52 = arith.constant 0 : i32
    %dma_start3A_53 = arith.constant 0 : i32
    %dma_start3A_54 = tpu.memref_slice %arg5[%dma_start3A_51, %dma_start3A_52, %dma_start3A_53] : memref<40x2x128xi32, #tpu.memory_space<vmem>> -> memref<1x1x128xi32, #tpu.memory_space<vmem>>
    %dma_start3A_55 = tpu.memref_squeeze %dma_start3A_54 : memref<1x1x128xi32, #tpu.memory_space<vmem>> -> memref<128xi32, #tpu.memory_space<vmem>>
    %dma_start3A_56 = arith.constant 0 : i32
    %dma_start3A_57 = arith.constant 0 : i32
    %dma_start3A_58 = tpu.memref_slice %arg2[%dma_start3A_56, %dma_start3A_57] : memref<10240x16xf32, #tpu.memory_space<hbm>> -> memref<10240x16xf32, #tpu.memory_space<hbm>>
    tpu.enqueue_indirect_dma source(%dma_start3A_58 : memref<10240x16xf32, #tpu.memory_space<hbm>>) target(%arg10 : memref<128x16xf32, #tpu.memory_space<vmem>>) offsets(%dma_start3A_55 : memref<128xi32, #tpu.memory_space<vmem>>) semaphore(%arg19 : memref<!tpu.dma_semaphore, #tpu.memory_space<semaphore_mem>>)
    %dma_start3A_59 = arith.constant 5 : i32
    %dma_start3A_60 = arith.constant 0 : i32
    %dma_start3A_61 = arith.constant 0 : i32
    %dma_start3A_62 = tpu.memref_slice %arg5[%dma_start3A_59, %dma_start3A_60, %dma_start3A_61] : memref<40x2x128xi32, #tpu.memory_space<vmem>> -> memref<1x1x128xi32, #tpu.memory_space<vmem>>
    %dma_start3A_63 = tpu.memref_squeeze %dma_start3A_62 : memref<1x1x128xi32, #tpu.memory_space<vmem>> -> memref<128xi32, #tpu.memory_space<vmem>>
    %dma_start3A_64 = arith.constant 0 : i32
    %dma_start3A_65 = arith.constant 0 : i32
    %dma_start3A_66 = tpu.memref_slice %arg2[%dma_start3A_64, %dma_start3A_65] : memref<10240x16xf32, #tpu.memory_space<hbm>> -> memref<10240x16xf32, #tpu.memory_space<hbm>>
    tpu.enqueue_indirect_dma source(%dma_start3A_66 : memref<10240x16xf32, #tpu.memory_space<hbm>>) target(%arg11 : memref<128x16xf32, #tpu.memory_space<vmem>>) offsets(%dma_start3A_63 : memref<128xi32, #tpu.memory_space<vmem>>) semaphore(%arg20 : memref<!tpu.dma_semaphore, #tpu.memory_space<semaphore_mem>>)
    %dma_start3A_67 = arith.constant 6 : i32
    %dma_start3A_68 = arith.constant 0 : i32
    %dma_start3A_69 = arith.constant 0 : i32
    %dma_start3A_70 = tpu.memref_slice %arg5[%dma_start3A_67, %dma_start3A_68, %dma_start3A_69] : memref<40x2x128xi32, #tpu.memory_space<vmem>> -> memref<1x1x128xi32, #tpu.memory_space<vmem>>
    %dma_start3A_71 = tpu.memref_squeeze %dma_start3A_70 : memref<1x1x128xi32, #tpu.memory_space<vmem>> -> memref<128xi32, #tpu.memory_space<vmem>>
    %dma_start3A_72 = arith.constant 0 : i32
    %dma_start3A_73 = arith.constant 0 : i32
    %dma_start3A_74 = tpu.memref_slice %arg2[%dma_start3A_72, %dma_start3A_73] : memref<10240x16xf32, #tpu.memory_space<hbm>> -> memref<10240x16xf32, #tpu.memory_space<hbm>>
    tpu.enqueue_indirect_dma source(%dma_start3A_74 : memref<10240x16xf32, #tpu.memory_space<hbm>>) target(%arg12 : memref<128x16xf32, #tpu.memory_space<vmem>>) offsets(%dma_start3A_71 : memref<128xi32, #tpu.memory_space<vmem>>) semaphore(%arg21 : memref<!tpu.dma_semaphore, #tpu.memory_space<semaphore_mem>>)
    %dma_start3A_75 = arith.constant 7 : i32
    %dma_start3A_76 = arith.constant 0 : i32
    %dma_start3A_77 = arith.constant 0 : i32
    %dma_start3A_78 = tpu.memref_slice %arg5[%dma_start3A_75, %dma_start3A_76, %dma_start3A_77] : memref<40x2x128xi32, #tpu.memory_space<vmem>> -> memref<1x1x128xi32, #tpu.memory_space<vmem>>
    %dma_start3A_79 = tpu.memref_squeeze %dma_start3A_78 : memref<1x1x128xi32, #tpu.memory_space<vmem>> -> memref<128xi32, #tpu.memory_space<vmem>>
    %dma_start3A_80 = arith.constant 0 : i32
    %dma_start3A_81 = arith.constant 0 : i32
    %dma_start3A_82 = tpu.memref_slice %arg2[%dma_start3A_80, %dma_start3A_81] : memref<10240x16xf32, #tpu.memory_space<hbm>> -> memref<10240x16xf32, #tpu.memory_space<hbm>>
    tpu.enqueue_indirect_dma source(%dma_start3A_82 : memref<10240x16xf32, #tpu.memory_space<hbm>>) target(%arg13 : memref<128x16xf32, #tpu.memory_space<vmem>>) offsets(%dma_start3A_79 : memref<128xi32, #tpu.memory_space<vmem>>) semaphore(%arg22 : memref<!tpu.dma_semaphore, #tpu.memory_space<semaphore_mem>>)
    %mul3A_83 = arith.constant 640 : i32
    %mul3A_84 = arith.muli %arg1, %mul3A_83 : i32
    %mul3A_85 = arith.constant 640 : i32
    %mul3A_86 = arith.muli %arg1, %mul3A_85 : i32
    "tpu.region"() ({
      %run_scoped3A_204 = tpu.sem_alloc : memref<!tpu.dma_semaphore, #tpu.memory_space<semaphore_mem>>
      %dma_start3A_205 = arith.constant 0 : i32
      %dma_start3A_206 = tpu.memref_slice %arg14[%mul3A_86, %dma_start3A_205] : memref<10240x16xf32, #tpu.memory_space<vmem_shared>> -> memref<640x16xf32, #tpu.memory_space<vmem_shared>>
      %dma_start3A_207 = arith.constant 0 : i32
      %dma_start3A_208 = tpu.memref_slice %arg2[%mul3A_84, %dma_start3A_207] : memref<10240x16xf32, #tpu.memory_space<hbm>> -> memref<640x16xf32, #tpu.memory_space<hbm>>
      tpu.enqueue_dma source(%dma_start3A_208 : memref<640x16xf32, #tpu.memory_space<hbm>>) target(%dma_start3A_206 : memref<640x16xf32, #tpu.memory_space<vmem_shared>>) target_semaphore(%run_scoped3A_204 : memref<!tpu.dma_semaphore, #tpu.memory_space<semaphore_mem>>)
      %dma_wait3A_209 = arith.constant 0 : i32
      %dma_wait3A_210 = tpu.memref_slice %arg14[%mul3A_86, %dma_wait3A_209] : memref<10240x16xf32, #tpu.memory_space<vmem_shared>> -> memref<640x16xf32, #tpu.memory_space<vmem_shared>>
      %dma_wait3A_211 = arith.constant 0 : i32
      %dma_wait3A_212 = tpu.memref_slice %arg2[%mul3A_84, %dma_wait3A_211] : memref<10240x16xf32, #tpu.memory_space<hbm>> -> memref<640x16xf32, #tpu.memory_space<hbm>>
      tpu.wait_dma2 semaphore(%run_scoped3A_204 : memref<!tpu.dma_semaphore, #tpu.memory_space<semaphore_mem>>) src(%dma_wait3A_212 : memref<640x16xf32, #tpu.memory_space<hbm>>) dst(%dma_wait3A_210 : memref<640x16xf32, #tpu.memory_space<vmem_shared>>)
      tpu.yield
    }) : () -> ()
    %barrier3A = arith.constant 0 : index
    tpu.barrier barrier_id(%barrier3A)
    %scan3A = arith.constant 0 : i32
    %scan3A_87 = arith.constant 0 : i32
    %scan3A_88 = arith.constant 4 : i32
    %scan3A_89 = arith.addi %scan3A_87, %scan3A_88 : i32
    %scan3A_90 = arith.constant 1 : i32
    scf.for %scan3A_204 = %scan3A_87 to %scan3A_89 step %scan3A_90  : i32 {
      %mul3A_205 = arith.constant 8 : i32
      %mul3A_206 = arith.muli %mul3A_205, %scan3A_204 : i32
      %add3A_207 = arith.constant 0 : i32
      %add3A_208 = arith.addi %mul3A_206, %add3A_207 : i32
      %dma_wait3A_209 = arith.constant 0 : i32
      %dma_wait3A_210 = arith.constant 0 : i32
      %dma_wait3A_211 = tpu.memref_slice %arg5[%add3A_208, %dma_wait3A_209, %dma_wait3A_210] : memref<40x2x128xi32, #tpu.memory_space<vmem>> -> memref<1x1x128xi32, #tpu.memory_space<vmem>>
      %dma_wait3A_212 = tpu.memref_squeeze %dma_wait3A_211 : memref<1x1x128xi32, #tpu.memory_space<vmem>> -> memref<128xi32, #tpu.memory_space<vmem>>
      %dma_wait3A_213 = arith.constant 0 : i32
      %dma_wait3A_214 = arith.constant 0 : i32
      %dma_wait3A_215 = tpu.memref_slice %arg2[%dma_wait3A_213, %dma_wait3A_214] : memref<10240x16xf32, #tpu.memory_space<hbm>> -> memref<10240x16xf32, #tpu.memory_space<hbm>>
      tpu.wait_indirect_dma semaphore(%arg15 : memref<!tpu.dma_semaphore, #tpu.memory_space<semaphore_mem>>) src(%dma_wait3A_215 : memref<10240x16xf32, #tpu.memory_space<hbm>>) dst(%arg6 : memref<128x16xf32, #tpu.memory_space<vmem>>)
      %run_scoped3A_216 = arith.constant 1 : i32
      "tpu.region"() ({
        %run_scoped3A_349 = tpu.sem_alloc : memref<!tpu.dma_semaphore, #tpu.memory_space<semaphore_mem>>
        %dma_start3A_350 = arith.constant 0 : i32
        %dma_start3A_351 = tpu.memref_slice %arg5[%add3A_208, %run_scoped3A_216, %dma_start3A_350] : memref<40x2x128xi32, #tpu.memory_space<vmem>> -> memref<1x1x128xi32, #tpu.memory_space<vmem>>
        %dma_start3A_352 = tpu.memref_squeeze %dma_start3A_351 : memref<1x1x128xi32, #tpu.memory_space<vmem>> -> memref<128xi32, #tpu.memory_space<vmem>>
        %dma_start3A_353 = arith.constant 0 : i32
        %dma_start3A_354 = arith.constant 0 : i32
        %dma_start3A_355 = tpu.memref_slice %arg14[%dma_start3A_353, %dma_start3A_354] : memref<10240x16xf32, #tpu.memory_space<vmem_shared>> -> memref<10240x16xf32, #tpu.memory_space<vmem_shared>>
        tpu.enqueue_indirect_dma source(%arg6 : memref<128x16xf32, #tpu.memory_space<vmem>>) target(%dma_start3A_355 : memref<10240x16xf32, #tpu.memory_space<vmem_shared>>) offsets(%dma_start3A_352 : memref<128xi32, #tpu.memory_space<vmem>>) semaphore(%run_scoped3A_349 : memref<!tpu.dma_semaphore, #tpu.memory_space<semaphore_mem>>) {add = true}
        %dma_wait3A_356 = arith.constant 0 : i32
        %dma_wait3A_357 = tpu.memref_slice %arg5[%add3A_208, %run_scoped3A_216, %dma_wait3A_356] : memref<40x2x128xi32, #tpu.memory_space<vmem>> -> memref<1x1x128xi32, #tpu.memory_space<vmem>>
        %dma_wait3A_358 = tpu.memref_squeeze %dma_wait3A_357 : memref<1x1x128xi32, #tpu.memory_space<vmem>> -> memref<128xi32, #tpu.memory_space<vmem>>
        %dma_wait3A_359 = arith.constant 0 : i32
        %dma_wait3A_360 = arith.constant 0 : i32
        %dma_wait3A_361 = tpu.memref_slice %arg14[%dma_wait3A_359, %dma_wait3A_360] : memref<10240x16xf32, #tpu.memory_space<vmem_shared>> -> memref<10240x16xf32, #tpu.memory_space<vmem_shared>>
        tpu.wait_indirect_dma semaphore(%run_scoped3A_349 : memref<!tpu.dma_semaphore, #tpu.memory_space<semaphore_mem>>) src(%arg6 : memref<128x16xf32, #tpu.memory_space<vmem>>) dst(%dma_wait3A_361 : memref<10240x16xf32, #tpu.memory_space<vmem_shared>>)
        tpu.yield
      }) : () -> ()
      %add3A_217 = arith.constant 8 : i32
      %add3A_218 = arith.addi %add3A_208, %add3A_217 : i32
      %lt3A_219 = arith.cmpi slt, %add3A_218, %select_n3A : i32
      %convert_element_type3A_220 = arith.extui %lt3A_219 : i1 to i32
      %cond3A_221 = arith.constant 0 : i32
      %cond3A_222 = arith.cmpi ne, %convert_element_type3A_220, %cond3A_221 : i32
      scf.if %cond3A_222 {
        %add3A_349 = arith.constant 8 : i32
        %add3A_350 = arith.addi %add3A_208, %add3A_349 : i32
        %dma_start3A_351 = arith.constant 0 : i32
        %dma_start3A_352 = arith.constant 0 : i32
        %dma_start3A_353 = tpu.memref_slice %arg5[%add3A_350, %dma_start3A_351, %dma_start3A_352] : memref<40x2x128xi32, #tpu.memory_space<vmem>> -> memref<1x1x128xi32, #tpu.memory_space<vmem>>
        %dma_start3A_354 = tpu.memref_squeeze %dma_start3A_353 : memref<1x1x128xi32, #tpu.memory_space<vmem>> -> memref<128xi32, #tpu.memory_space<vmem>>
        %dma_start3A_355 = arith.constant 0 : i32
        %dma_start3A_356 = arith.constant 0 : i32
        %dma_start3A_357 = tpu.memref_slice %arg2[%dma_start3A_355, %dma_start3A_356] : memref<10240x16xf32, #tpu.memory_space<hbm>> -> memref<10240x16xf32, #tpu.memory_space<hbm>>
        tpu.enqueue_indirect_dma source(%dma_start3A_357 : memref<10240x16xf32, #tpu.memory_space<hbm>>) target(%arg6 : memref<128x16xf32, #tpu.memory_space<vmem>>) offsets(%dma_start3A_354 : memref<128xi32, #tpu.memory_space<vmem>>) semaphore(%arg15 : memref<!tpu.dma_semaphore, #tpu.memory_space<semaphore_mem>>)
      } else {
      }
      %mul3A_223 = arith.constant 8 : i32
      %mul3A_224 = arith.muli %mul3A_223, %scan3A_204 : i32
      %add3A_225 = arith.constant 1 : i32
      %add3A_226 = arith.addi %mul3A_224, %add3A_225 : i32
      %dma_wait3A_227 = arith.constant 0 : i32
      %dma_wait3A_228 = arith.constant 0 : i32
      %dma_wait3A_229 = tpu.memref_slice %arg5[%add3A_226, %dma_wait3A_227, %dma_wait3A_228] : memref<40x2x128xi32, #tpu.memory_space<vmem>> -> memref<1x1x128xi32, #tpu.memory_space<vmem>>
      %dma_wait3A_230 = tpu.memref_squeeze %dma_wait3A_229 : memref<1x1x128xi32, #tpu.memory_space<vmem>> -> memref<128xi32, #tpu.memory_space<vmem>>
      %dma_wait3A_231 = arith.constant 0 : i32
      %dma_wait3A_232 = arith.constant 0 : i32
      %dma_wait3A_233 = tpu.memref_slice %arg2[%dma_wait3A_231, %dma_wait3A_232] : memref<10240x16xf32, #tpu.memory_space<hbm>> -> memref<10240x16xf32, #tpu.memory_space<hbm>>
      tpu.wait_indirect_dma semaphore(%arg16 : memref<!tpu.dma_semaphore, #tpu.memory_space<semaphore_mem>>) src(%dma_wait3A_233 : memref<10240x16xf32, #tpu.memory_space<hbm>>) dst(%arg7 : memref<128x16xf32, #tpu.memory_space<vmem>>)
      %run_scoped3A_234 = arith.constant 1 : i32
      "tpu.region"() ({
        %run_scoped3A_349 = tpu.sem_alloc : memref<!tpu.dma_semaphore, #tpu.memory_space<semaphore_mem>>
        %dma_start3A_350 = arith.constant 0 : i32
        %dma_start3A_351 = tpu.memref_slice %arg5[%add3A_226, %run_scoped3A_234, %dma_start3A_350] : memref<40x2x128xi32, #tpu.memory_space<vmem>> -> memref<1x1x128xi32, #tpu.memory_space<vmem>>
        %dma_start3A_352 = tpu.memref_squeeze %dma_start3A_351 : memref<1x1x128xi32, #tpu.memory_space<vmem>> -> memref<128xi32, #tpu.memory_space<vmem>>
        %dma_start3A_353 = arith.constant 0 : i32
        %dma_start3A_354 = arith.constant 0 : i32
        %dma_start3A_355 = tpu.memref_slice %arg14[%dma_start3A_353, %dma_start3A_354] : memref<10240x16xf32, #tpu.memory_space<vmem_shared>> -> memref<10240x16xf32, #tpu.memory_space<vmem_shared>>
        tpu.enqueue_indirect_dma source(%arg7 : memref<128x16xf32, #tpu.memory_space<vmem>>) target(%dma_start3A_355 : memref<10240x16xf32, #tpu.memory_space<vmem_shared>>) offsets(%dma_start3A_352 : memref<128xi32, #tpu.memory_space<vmem>>) semaphore(%run_scoped3A_349 : memref<!tpu.dma_semaphore, #tpu.memory_space<semaphore_mem>>) {add = true}
        %dma_wait3A_356 = arith.constant 0 : i32
        %dma_wait3A_357 = tpu.memref_slice %arg5[%add3A_226, %run_scoped3A_234, %dma_wait3A_356] : memref<40x2x128xi32, #tpu.memory_space<vmem>> -> memref<1x1x128xi32, #tpu.memory_space<vmem>>
        %dma_wait3A_358 = tpu.memref_squeeze %dma_wait3A_357 : memref<1x1x128xi32, #tpu.memory_space<vmem>> -> memref<128xi32, #tpu.memory_space<vmem>>
        %dma_wait3A_359 = arith.constant 0 : i32
        %dma_wait3A_360 = arith.constant 0 : i32
        %dma_wait3A_361 = tpu.memref_slice %arg14[%dma_wait3A_359, %dma_wait3A_360] : memref<10240x16xf32, #tpu.memory_space<vmem_shared>> -> memref<10240x16xf32, #tpu.memory_space<vmem_shared>>
        tpu.wait_indirect_dma semaphore(%run_scoped3A_349 : memref<!tpu.dma_semaphore, #tpu.memory_space<semaphore_mem>>) src(%arg7 : memref<128x16xf32, #tpu.memory_space<vmem>>) dst(%dma_wait3A_361 : memref<10240x16xf32, #tpu.memory_space<vmem_shared>>)
        tpu.yield
      }) : () -> ()
      %add3A_235 = arith.constant 8 : i32
      %add3A_236 = arith.addi %add3A_226, %add3A_235 : i32
      %lt3A_237 = arith.cmpi slt, %add3A_236, %select_n3A : i32
      %convert_element_type3A_238 = arith.extui %lt3A_237 : i1 to i32
      %cond3A_239 = arith.constant 0 : i32
      %cond3A_240 = arith.cmpi ne, %convert_element_type3A_238, %cond3A_239 : i32
      scf.if %cond3A_240 {
        %add3A_349 = arith.constant 8 : i32
        %add3A_350 = arith.addi %add3A_226, %add3A_349 : i32
        %dma_start3A_351 = arith.constant 0 : i32
        %dma_start3A_352 = arith.constant 0 : i32
        %dma_start3A_353 = tpu.memref_slice %arg5[%add3A_350, %dma_start3A_351, %dma_start3A_352] : memref<40x2x128xi32, #tpu.memory_space<vmem>> -> memref<1x1x128xi32, #tpu.memory_space<vmem>>
        %dma_start3A_354 = tpu.memref_squeeze %dma_start3A_353 : memref<1x1x128xi32, #tpu.memory_space<vmem>> -> memref<128xi32, #tpu.memory_space<vmem>>
        %dma_start3A_355 = arith.constant 0 : i32
        %dma_start3A_356 = arith.constant 0 : i32
        %dma_start3A_357 = tpu.memref_slice %arg2[%dma_start3A_355, %dma_start3A_356] : memref<10240x16xf32, #tpu.memory_space<hbm>> -> memref<10240x16xf32, #tpu.memory_space<hbm>>
        tpu.enqueue_indirect_dma source(%dma_start3A_357 : memref<10240x16xf32, #tpu.memory_space<hbm>>) target(%arg7 : memref<128x16xf32, #tpu.memory_space<vmem>>) offsets(%dma_start3A_354 : memref<128xi32, #tpu.memory_space<vmem>>) semaphore(%arg16 : memref<!tpu.dma_semaphore, #tpu.memory_space<semaphore_mem>>)
      } else {
      }
      %mul3A_241 = arith.constant 8 : i32
      %mul3A_242 = arith.muli %mul3A_241, %scan3A_204 : i32
      %add3A_243 = arith.constant 2 : i32
      %add3A_244 = arith.addi %mul3A_242, %add3A_243 : i32
      %dma_wait3A_245 = arith.constant 0 : i32
      %dma_wait3A_246 = arith.constant 0 : i32
      %dma_wait3A_247 = tpu.memref_slice %arg5[%add3A_244, %dma_wait3A_245, %dma_wait3A_246] : memref<40x2x128xi32, #tpu.memory_space<vmem>> -> memref<1x1x128xi32, #tpu.memory_space<vmem>>
      %dma_wait3A_248 = tpu.memref_squeeze %dma_wait3A_247 : memref<1x1x128xi32, #tpu.memory_space<vmem>> -> memref<128xi32, #tpu.memory_space<vmem>>
      %dma_wait3A_249 = arith.constant 0 : i32
      %dma_wait3A_250 = arith.constant 0 : i32
      %dma_wait3A_251 = tpu.memref_slice %arg2[%dma_wait3A_249, %dma_wait3A_250] : memref<10240x16xf32, #tpu.memory_space<hbm>> -> memref<10240x16xf32, #tpu.memory_space<hbm>>
      tpu.wait_indirect_dma semaphore(%arg17 : memref<!tpu.dma_semaphore, #tpu.memory_space<semaphore_mem>>) src(%dma_wait3A_251 : memref<10240x16xf32, #tpu.memory_space<hbm>>) dst(%arg8 : memref<128x16xf32, #tpu.memory_space<vmem>>)
      %run_scoped3A_252 = arith.constant 1 : i32
      "tpu.region"() ({
        %run_scoped3A_349 = tpu.sem_alloc : memref<!tpu.dma_semaphore, #tpu.memory_space<semaphore_mem>>
        %dma_start3A_350 = arith.constant 0 : i32
        %dma_start3A_351 = tpu.memref_slice %arg5[%add3A_244, %run_scoped3A_252, %dma_start3A_350] : memref<40x2x128xi32, #tpu.memory_space<vmem>> -> memref<1x1x128xi32, #tpu.memory_space<vmem>>
        %dma_start3A_352 = tpu.memref_squeeze %dma_start3A_351 : memref<1x1x128xi32, #tpu.memory_space<vmem>> -> memref<128xi32, #tpu.memory_space<vmem>>
        %dma_start3A_353 = arith.constant 0 : i32
        %dma_start3A_354 = arith.constant 0 : i32
        %dma_start3A_355 = tpu.memref_slice %arg14[%dma_start3A_353, %dma_start3A_354] : memref<10240x16xf32, #tpu.memory_space<vmem_shared>> -> memref<10240x16xf32, #tpu.memory_space<vmem_shared>>
        tpu.enqueue_indirect_dma source(%arg8 : memref<128x16xf32, #tpu.memory_space<vmem>>) target(%dma_start3A_355 : memref<10240x16xf32, #tpu.memory_space<vmem_shared>>) offsets(%dma_start3A_352 : memref<128xi32, #tpu.memory_space<vmem>>) semaphore(%run_scoped3A_349 : memref<!tpu.dma_semaphore, #tpu.memory_space<semaphore_mem>>) {add = true}
        %dma_wait3A_356 = arith.constant 0 : i32
        %dma_wait3A_357 = tpu.memref_slice %arg5[%add3A_244, %run_scoped3A_252, %dma_wait3A_356] : memref<40x2x128xi32, #tpu.memory_space<vmem>> -> memref<1x1x128xi32, #tpu.memory_space<vmem>>
        %dma_wait3A_358 = tpu.memref_squeeze %dma_wait3A_357 : memref<1x1x128xi32, #tpu.memory_space<vmem>> -> memref<128xi32, #tpu.memory_space<vmem>>
        %dma_wait3A_359 = arith.constant 0 : i32
        %dma_wait3A_360 = arith.constant 0 : i32
        %dma_wait3A_361 = tpu.memref_slice %arg14[%dma_wait3A_359, %dma_wait3A_360] : memref<10240x16xf32, #tpu.memory_space<vmem_shared>> -> memref<10240x16xf32, #tpu.memory_space<vmem_shared>>
        tpu.wait_indirect_dma semaphore(%run_scoped3A_349 : memref<!tpu.dma_semaphore, #tpu.memory_space<semaphore_mem>>) src(%arg8 : memref<128x16xf32, #tpu.memory_space<vmem>>) dst(%dma_wait3A_361 : memref<10240x16xf32, #tpu.memory_space<vmem_shared>>)
        tpu.yield
      }) : () -> ()
      %add3A_253 = arith.constant 8 : i32
      %add3A_254 = arith.addi %add3A_244, %add3A_253 : i32
      %lt3A_255 = arith.cmpi slt, %add3A_254, %select_n3A : i32
      %convert_element_type3A_256 = arith.extui %lt3A_255 : i1 to i32
      %cond3A_257 = arith.constant 0 : i32
      %cond3A_258 = arith.cmpi ne, %convert_element_type3A_256, %cond3A_257 : i32
      scf.if %cond3A_258 {
        %add3A_349 = arith.constant 8 : i32
        %add3A_350 = arith.addi %add3A_244, %add3A_349 : i32
        %dma_start3A_351 = arith.constant 0 : i32
        %dma_start3A_352 = arith.constant 0 : i32
        %dma_start3A_353 = tpu.memref_slice %arg5[%add3A_350, %dma_start3A_351, %dma_start3A_352] : memref<40x2x128xi32, #tpu.memory_space<vmem>> -> memref<1x1x128xi32, #tpu.memory_space<vmem>>
        %dma_start3A_354 = tpu.memref_squeeze %dma_start3A_353 : memref<1x1x128xi32, #tpu.memory_space<vmem>> -> memref<128xi32, #tpu.memory_space<vmem>>
        %dma_start3A_355 = arith.constant 0 : i32
        %dma_start3A_356 = arith.constant 0 : i32
        %dma_start3A_357 = tpu.memref_slice %arg2[%dma_start3A_355, %dma_start3A_356] : memref<10240x16xf32, #tpu.memory_space<hbm>> -> memref<10240x16xf32, #tpu.memory_space<hbm>>
        tpu.enqueue_indirect_dma source(%dma_start3A_357 : memref<10240x16xf32, #tpu.memory_space<hbm>>) target(%arg8 : memref<128x16xf32, #tpu.memory_space<vmem>>) offsets(%dma_start3A_354 : memref<128xi32, #tpu.memory_space<vmem>>) semaphore(%arg17 : memref<!tpu.dma_semaphore, #tpu.memory_space<semaphore_mem>>)
      } else {
      }
      %mul3A_259 = arith.constant 8 : i32
      %mul3A_260 = arith.muli %mul3A_259, %scan3A_204 : i32
      %add3A_261 = arith.constant 3 : i32
      %add3A_262 = arith.addi %mul3A_260, %add3A_261 : i32
      %dma_wait3A_263 = arith.constant 0 : i32
      %dma_wait3A_264 = arith.constant 0 : i32
      %dma_wait3A_265 = tpu.memref_slice %arg5[%add3A_262, %dma_wait3A_263, %dma_wait3A_264] : memref<40x2x128xi32, #tpu.memory_space<vmem>> -> memref<1x1x128xi32, #tpu.memory_space<vmem>>
      %dma_wait3A_266 = tpu.memref_squeeze %dma_wait3A_265 : memref<1x1x128xi32, #tpu.memory_space<vmem>> -> memref<128xi32, #tpu.memory_space<vmem>>
      %dma_wait3A_267 = arith.constant 0 : i32
      %dma_wait3A_268 = arith.constant 0 : i32
      %dma_wait3A_269 = tpu.memref_slice %arg2[%dma_wait3A_267, %dma_wait3A_268] : memref<10240x16xf32, #tpu.memory_space<hbm>> -> memref<10240x16xf32, #tpu.memory_space<hbm>>
      tpu.wait_indirect_dma semaphore(%arg18 : memref<!tpu.dma_semaphore, #tpu.memory_space<semaphore_mem>>) src(%dma_wait3A_269 : memref<10240x16xf32, #tpu.memory_space<hbm>>) dst(%arg9 : memref<128x16xf32, #tpu.memory_space<vmem>>)
      %run_scoped3A_270 = arith.constant 1 : i32
      "tpu.region"() ({
        %run_scoped3A_349 = tpu.sem_alloc : memref<!tpu.dma_semaphore, #tpu.memory_space<semaphore_mem>>
        %dma_start3A_350 = arith.constant 0 : i32
        %dma_start3A_351 = tpu.memref_slice %arg5[%add3A_262, %run_scoped3A_270, %dma_start3A_350] : memref<40x2x128xi32, #tpu.memory_space<vmem>> -> memref<1x1x128xi32, #tpu.memory_space<vmem>>
        %dma_start3A_352 = tpu.memref_squeeze %dma_start3A_351 : memref<1x1x128xi32, #tpu.memory_space<vmem>> -> memref<128xi32, #tpu.memory_space<vmem>>
        %dma_start3A_353 = arith.constant 0 : i32
        %dma_start3A_354 = arith.constant 0 : i32
        %dma_start3A_355 = tpu.memref_slice %arg14[%dma_start3A_353, %dma_start3A_354] : memref<10240x16xf32, #tpu.memory_space<vmem_shared>> -> memref<10240x16xf32, #tpu.memory_space<vmem_shared>>
        tpu.enqueue_indirect_dma source(%arg9 : memref<128x16xf32, #tpu.memory_space<vmem>>) target(%dma_start3A_355 : memref<10240x16xf32, #tpu.memory_space<vmem_shared>>) offsets(%dma_start3A_352 : memref<128xi32, #tpu.memory_space<vmem>>) semaphore(%run_scoped3A_349 : memref<!tpu.dma_semaphore, #tpu.memory_space<semaphore_mem>>) {add = true}
        %dma_wait3A_356 = arith.constant 0 : i32
        %dma_wait3A_357 = tpu.memref_slice %arg5[%add3A_262, %run_scoped3A_270, %dma_wait3A_356] : memref<40x2x128xi32, #tpu.memory_space<vmem>> -> memref<1x1x128xi32, #tpu.memory_space<vmem>>
        %dma_wait3A_358 = tpu.memref_squeeze %dma_wait3A_357 : memref<1x1x128xi32, #tpu.memory_space<vmem>> -> memref<128xi32, #tpu.memory_space<vmem>>
        %dma_wait3A_359 = arith.constant 0 : i32
        %dma_wait3A_360 = arith.constant 0 : i32
        %dma_wait3A_361 = tpu.memref_slice %arg14[%dma_wait3A_359, %dma_wait3A_360] : memref<10240x16xf32, #tpu.memory_space<vmem_shared>> -> memref<10240x16xf32, #tpu.memory_space<vmem_shared>>
        tpu.wait_indirect_dma semaphore(%run_scoped3A_349 : memref<!tpu.dma_semaphore, #tpu.memory_space<semaphore_mem>>) src(%arg9 : memref<128x16xf32, #tpu.memory_space<vmem>>) dst(%dma_wait3A_361 : memref<10240x16xf32, #tpu.memory_space<vmem_shared>>)
        tpu.yield
      }) : () -> ()
      %add3A_271 = arith.constant 8 : i32
      %add3A_272 = arith.addi %add3A_262, %add3A_271 : i32
      %lt3A_273 = arith.cmpi slt, %add3A_272, %select_n3A : i32
      %convert_element_type3A_274 = arith.extui %lt3A_273 : i1 to i32
      %cond3A_275 = arith.constant 0 : i32
      %cond3A_276 = arith.cmpi ne, %convert_element_type3A_274, %cond3A_275 : i32
      scf.if %cond3A_276 {
        %add3A_349 = arith.constant 8 : i32
        %add3A_350 = arith.addi %add3A_262, %add3A_349 : i32
        %dma_start3A_351 = arith.constant 0 : i32
        %dma_start3A_352 = arith.constant 0 : i32
        %dma_start3A_353 = tpu.memref_slice %arg5[%add3A_350, %dma_start3A_351, %dma_start3A_352] : memref<40x2x128xi32, #tpu.memory_space<vmem>> -> memref<1x1x128xi32, #tpu.memory_space<vmem>>
        %dma_start3A_354 = tpu.memref_squeeze %dma_start3A_353 : memref<1x1x128xi32, #tpu.memory_space<vmem>> -> memref<128xi32, #tpu.memory_space<vmem>>
        %dma_start3A_355 = arith.constant 0 : i32
        %dma_start3A_356 = arith.constant 0 : i32
        %dma_start3A_357 = tpu.memref_slice %arg2[%dma_start3A_355, %dma_start3A_356] : memref<10240x16xf32, #tpu.memory_space<hbm>> -> memref<10240x16xf32, #tpu.memory_space<hbm>>
        tpu.enqueue_indirect_dma source(%dma_start3A_357 : memref<10240x16xf32, #tpu.memory_space<hbm>>) target(%arg9 : memref<128x16xf32, #tpu.memory_space<vmem>>) offsets(%dma_start3A_354 : memref<128xi32, #tpu.memory_space<vmem>>) semaphore(%arg18 : memref<!tpu.dma_semaphore, #tpu.memory_space<semaphore_mem>>)
      } else {
      }
      %mul3A_277 = arith.constant 8 : i32
      %mul3A_278 = arith.muli %mul3A_277, %scan3A_204 : i32
      %add3A_279 = arith.constant 4 : i32
      %add3A_280 = arith.addi %mul3A_278, %add3A_279 : i32
      %dma_wait3A_281 = arith.constant 0 : i32
      %dma_wait3A_282 = arith.constant 0 : i32
      %dma_wait3A_283 = tpu.memref_slice %arg5[%add3A_280, %dma_wait3A_281, %dma_wait3A_282] : memref<40x2x128xi32, #tpu.memory_space<vmem>> -> memref<1x1x128xi32, #tpu.memory_space<vmem>>
      %dma_wait3A_284 = tpu.memref_squeeze %dma_wait3A_283 : memref<1x1x128xi32, #tpu.memory_space<vmem>> -> memref<128xi32, #tpu.memory_space<vmem>>
      %dma_wait3A_285 = arith.constant 0 : i32
      %dma_wait3A_286 = arith.constant 0 : i32
      %dma_wait3A_287 = tpu.memref_slice %arg2[%dma_wait3A_285, %dma_wait3A_286] : memref<10240x16xf32, #tpu.memory_space<hbm>> -> memref<10240x16xf32, #tpu.memory_space<hbm>>
      tpu.wait_indirect_dma semaphore(%arg19 : memref<!tpu.dma_semaphore, #tpu.memory_space<semaphore_mem>>) src(%dma_wait3A_287 : memref<10240x16xf32, #tpu.memory_space<hbm>>) dst(%arg10 : memref<128x16xf32, #tpu.memory_space<vmem>>)
      %run_scoped3A_288 = arith.constant 1 : i32
      "tpu.region"() ({
        %run_scoped3A_349 = tpu.sem_alloc : memref<!tpu.dma_semaphore, #tpu.memory_space<semaphore_mem>>
        %dma_start3A_350 = arith.constant 0 : i32
        %dma_start3A_351 = tpu.memref_slice %arg5[%add3A_280, %run_scoped3A_288, %dma_start3A_350] : memref<40x2x128xi32, #tpu.memory_space<vmem>> -> memref<1x1x128xi32, #tpu.memory_space<vmem>>
        %dma_start3A_352 = tpu.memref_squeeze %dma_start3A_351 : memref<1x1x128xi32, #tpu.memory_space<vmem>> -> memref<128xi32, #tpu.memory_space<vmem>>
        %dma_start3A_353 = arith.constant 0 : i32
        %dma_start3A_354 = arith.constant 0 : i32
        %dma_start3A_355 = tpu.memref_slice %arg14[%dma_start3A_353, %dma_start3A_354] : memref<10240x16xf32, #tpu.memory_space<vmem_shared>> -> memref<10240x16xf32, #tpu.memory_space<vmem_shared>>
        tpu.enqueue_indirect_dma source(%arg10 : memref<128x16xf32, #tpu.memory_space<vmem>>) target(%dma_start3A_355 : memref<10240x16xf32, #tpu.memory_space<vmem_shared>>) offsets(%dma_start3A_352 : memref<128xi32, #tpu.memory_space<vmem>>) semaphore(%run_scoped3A_349 : memref<!tpu.dma_semaphore, #tpu.memory_space<semaphore_mem>>) {add = true}
        %dma_wait3A_356 = arith.constant 0 : i32
        %dma_wait3A_357 = tpu.memref_slice %arg5[%add3A_280, %run_scoped3A_288, %dma_wait3A_356] : memref<40x2x128xi32, #tpu.memory_space<vmem>> -> memref<1x1x128xi32, #tpu.memory_space<vmem>>
        %dma_wait3A_358 = tpu.memref_squeeze %dma_wait3A_357 : memref<1x1x128xi32, #tpu.memory_space<vmem>> -> memref<128xi32, #tpu.memory_space<vmem>>
        %dma_wait3A_359 = arith.constant 0 : i32
        %dma_wait3A_360 = arith.constant 0 : i32
        %dma_wait3A_361 = tpu.memref_slice %arg14[%dma_wait3A_359, %dma_wait3A_360] : memref<10240x16xf32, #tpu.memory_space<vmem_shared>> -> memref<10240x16xf32, #tpu.memory_space<vmem_shared>>
        tpu.wait_indirect_dma semaphore(%run_scoped3A_349 : memref<!tpu.dma_semaphore, #tpu.memory_space<semaphore_mem>>) src(%arg10 : memref<128x16xf32, #tpu.memory_space<vmem>>) dst(%dma_wait3A_361 : memref<10240x16xf32, #tpu.memory_space<vmem_shared>>)
        tpu.yield
      }) : () -> ()
      %add3A_289 = arith.constant 8 : i32
      %add3A_290 = arith.addi %add3A_280, %add3A_289 : i32
      %lt3A_291 = arith.cmpi slt, %add3A_290, %select_n3A : i32
      %convert_element_type3A_292 = arith.extui %lt3A_291 : i1 to i32
      %cond3A_293 = arith.constant 0 : i32
      %cond3A_294 = arith.cmpi ne, %convert_element_type3A_292, %cond3A_293 : i32
      scf.if %cond3A_294 {
        %add3A_349 = arith.constant 8 : i32
        %add3A_350 = arith.addi %add3A_280, %add3A_349 : i32
        %dma_start3A_351 = arith.constant 0 : i32
        %dma_start3A_352 = arith.constant 0 : i32
        %dma_start3A_353 = tpu.memref_slice %arg5[%add3A_350, %dma_start3A_351, %dma_start3A_352] : memref<40x2x128xi32, #tpu.memory_space<vmem>> -> memref<1x1x128xi32, #tpu.memory_space<vmem>>
        %dma_start3A_354 = tpu.memref_squeeze %dma_start3A_353 : memref<1x1x128xi32, #tpu.memory_space<vmem>> -> memref<128xi32, #tpu.memory_space<vmem>>
        %dma_start3A_355 = arith.constant 0 : i32
        %dma_start3A_356 = arith.constant 0 : i32
        %dma_start3A_357 = tpu.memref_slice %arg2[%dma_start3A_355, %dma_start3A_356] : memref<10240x16xf32, #tpu.memory_space<hbm>> -> memref<10240x16xf32, #tpu.memory_space<hbm>>
        tpu.enqueue_indirect_dma source(%dma_start3A_357 : memref<10240x16xf32, #tpu.memory_space<hbm>>) target(%arg10 : memref<128x16xf32, #tpu.memory_space<vmem>>) offsets(%dma_start3A_354 : memref<128xi32, #tpu.memory_space<vmem>>) semaphore(%arg19 : memref<!tpu.dma_semaphore, #tpu.memory_space<semaphore_mem>>)
      } else {
      }
      %mul3A_295 = arith.constant 8 : i32
      %mul3A_296 = arith.muli %mul3A_295, %scan3A_204 : i32
      %add3A_297 = arith.constant 5 : i32
      %add3A_298 = arith.addi %mul3A_296, %add3A_297 : i32
      %dma_wait3A_299 = arith.constant 0 : i32
      %dma_wait3A_300 = arith.constant 0 : i32
      %dma_wait3A_301 = tpu.memref_slice %arg5[%add3A_298, %dma_wait3A_299, %dma_wait3A_300] : memref<40x2x128xi32, #tpu.memory_space<vmem>> -> memref<1x1x128xi32, #tpu.memory_space<vmem>>
      %dma_wait3A_302 = tpu.memref_squeeze %dma_wait3A_301 : memref<1x1x128xi32, #tpu.memory_space<vmem>> -> memref<128xi32, #tpu.memory_space<vmem>>
      %dma_wait3A_303 = arith.constant 0 : i32
      %dma_wait3A_304 = arith.constant 0 : i32
      %dma_wait3A_305 = tpu.memref_slice %arg2[%dma_wait3A_303, %dma_wait3A_304] : memref<10240x16xf32, #tpu.memory_space<hbm>> -> memref<10240x16xf32, #tpu.memory_space<hbm>>
      tpu.wait_indirect_dma semaphore(%arg20 : memref<!tpu.dma_semaphore, #tpu.memory_space<semaphore_mem>>) src(%dma_wait3A_305 : memref<10240x16xf32, #tpu.memory_space<hbm>>) dst(%arg11 : memref<128x16xf32, #tpu.memory_space<vmem>>)
      %run_scoped3A_306 = arith.constant 1 : i32
      "tpu.region"() ({
        %run_scoped3A_349 = tpu.sem_alloc : memref<!tpu.dma_semaphore, #tpu.memory_space<semaphore_mem>>
        %dma_start3A_350 = arith.constant 0 : i32
        %dma_start3A_351 = tpu.memref_slice %arg5[%add3A_298, %run_scoped3A_306, %dma_start3A_350] : memref<40x2x128xi32, #tpu.memory_space<vmem>> -> memref<1x1x128xi32, #tpu.memory_space<vmem>>
        %dma_start3A_352 = tpu.memref_squeeze %dma_start3A_351 : memref<1x1x128xi32, #tpu.memory_space<vmem>> -> memref<128xi32, #tpu.memory_space<vmem>>
        %dma_start3A_353 = arith.constant 0 : i32
        %dma_start3A_354 = arith.constant 0 : i32
        %dma_start3A_355 = tpu.memref_slice %arg14[%dma_start3A_353, %dma_start3A_354] : memref<10240x16xf32, #tpu.memory_space<vmem_shared>> -> memref<10240x16xf32, #tpu.memory_space<vmem_shared>>
        tpu.enqueue_indirect_dma source(%arg11 : memref<128x16xf32, #tpu.memory_space<vmem>>) target(%dma_start3A_355 : memref<10240x16xf32, #tpu.memory_space<vmem_shared>>) offsets(%dma_start3A_352 : memref<128xi32, #tpu.memory_space<vmem>>) semaphore(%run_scoped3A_349 : memref<!tpu.dma_semaphore, #tpu.memory_space<semaphore_mem>>) {add = true}
        %dma_wait3A_356 = arith.constant 0 : i32
        %dma_wait3A_357 = tpu.memref_slice %arg5[%add3A_298, %run_scoped3A_306, %dma_wait3A_356] : memref<40x2x128xi32, #tpu.memory_space<vmem>> -> memref<1x1x128xi32, #tpu.memory_space<vmem>>
        %dma_wait3A_358 = tpu.memref_squeeze %dma_wait3A_357 : memref<1x1x128xi32, #tpu.memory_space<vmem>> -> memref<128xi32, #tpu.memory_space<vmem>>
        %dma_wait3A_359 = arith.constant 0 : i32
        %dma_wait3A_360 = arith.constant 0 : i32
        %dma_wait3A_361 = tpu.memref_slice %arg14[%dma_wait3A_359, %dma_wait3A_360] : memref<10240x16xf32, #tpu.memory_space<vmem_shared>> -> memref<10240x16xf32, #tpu.memory_space<vmem_shared>>
        tpu.wait_indirect_dma semaphore(%run_scoped3A_349 : memref<!tpu.dma_semaphore, #tpu.memory_space<semaphore_mem>>) src(%arg11 : memref<128x16xf32, #tpu.memory_space<vmem>>) dst(%dma_wait3A_361 : memref<10240x16xf32, #tpu.memory_space<vmem_shared>>)
        tpu.yield
      }) : () -> ()
      %add3A_307 = arith.constant 8 : i32
      %add3A_308 = arith.addi %add3A_298, %add3A_307 : i32
      %lt3A_309 = arith.cmpi slt, %add3A_308, %select_n3A : i32
      %convert_element_type3A_310 = arith.extui %lt3A_309 : i1 to i32
      %cond3A_311 = arith.constant 0 : i32
      %cond3A_312 = arith.cmpi ne, %convert_element_type3A_310, %cond3A_311 : i32
      scf.if %cond3A_312 {
        %add3A_349 = arith.constant 8 : i32
        %add3A_350 = arith.addi %add3A_298, %add3A_349 : i32
        %dma_start3A_351 = arith.constant 0 : i32
        %dma_start3A_352 = arith.constant 0 : i32
        %dma_start3A_353 = tpu.memref_slice %arg5[%add3A_350, %dma_start3A_351, %dma_start3A_352] : memref<40x2x128xi32, #tpu.memory_space<vmem>> -> memref<1x1x128xi32, #tpu.memory_space<vmem>>
        %dma_start3A_354 = tpu.memref_squeeze %dma_start3A_353 : memref<1x1x128xi32, #tpu.memory_space<vmem>> -> memref<128xi32, #tpu.memory_space<vmem>>
        %dma_start3A_355 = arith.constant 0 : i32
        %dma_start3A_356 = arith.constant 0 : i32
        %dma_start3A_357 = tpu.memref_slice %arg2[%dma_start3A_355, %dma_start3A_356] : memref<10240x16xf32, #tpu.memory_space<hbm>> -> memref<10240x16xf32, #tpu.memory_space<hbm>>
        tpu.enqueue_indirect_dma source(%dma_start3A_357 : memref<10240x16xf32, #tpu.memory_space<hbm>>) target(%arg11 : memref<128x16xf32, #tpu.memory_space<vmem>>) offsets(%dma_start3A_354 : memref<128xi32, #tpu.memory_space<vmem>>) semaphore(%arg20 : memref<!tpu.dma_semaphore, #tpu.memory_space<semaphore_mem>>)
      } else {
      }
      %mul3A_313 = arith.constant 8 : i32
      %mul3A_314 = arith.muli %mul3A_313, %scan3A_204 : i32
      %add3A_315 = arith.constant 6 : i32
      %add3A_316 = arith.addi %mul3A_314, %add3A_315 : i32
      %dma_wait3A_317 = arith.constant 0 : i32
      %dma_wait3A_318 = arith.constant 0 : i32
      %dma_wait3A_319 = tpu.memref_slice %arg5[%add3A_316, %dma_wait3A_317, %dma_wait3A_318] : memref<40x2x128xi32, #tpu.memory_space<vmem>> -> memref<1x1x128xi32, #tpu.memory_space<vmem>>
      %dma_wait3A_320 = tpu.memref_squeeze %dma_wait3A_319 : memref<1x1x128xi32, #tpu.memory_space<vmem>> -> memref<128xi32, #tpu.memory_space<vmem>>
      %dma_wait3A_321 = arith.constant 0 : i32
      %dma_wait3A_322 = arith.constant 0 : i32
      %dma_wait3A_323 = tpu.memref_slice %arg2[%dma_wait3A_321, %dma_wait3A_322] : memref<10240x16xf32, #tpu.memory_space<hbm>> -> memref<10240x16xf32, #tpu.memory_space<hbm>>
      tpu.wait_indirect_dma semaphore(%arg21 : memref<!tpu.dma_semaphore, #tpu.memory_space<semaphore_mem>>) src(%dma_wait3A_323 : memref<10240x16xf32, #tpu.memory_space<hbm>>) dst(%arg12 : memref<128x16xf32, #tpu.memory_space<vmem>>)
      %run_scoped3A_324 = arith.constant 1 : i32
      "tpu.region"() ({
        %run_scoped3A_349 = tpu.sem_alloc : memref<!tpu.dma_semaphore, #tpu.memory_space<semaphore_mem>>
        %dma_start3A_350 = arith.constant 0 : i32
        %dma_start3A_351 = tpu.memref_slice %arg5[%add3A_316, %run_scoped3A_324, %dma_start3A_350] : memref<40x2x128xi32, #tpu.memory_space<vmem>> -> memref<1x1x128xi32, #tpu.memory_space<vmem>>
        %dma_start3A_352 = tpu.memref_squeeze %dma_start3A_351 : memref<1x1x128xi32, #tpu.memory_space<vmem>> -> memref<128xi32, #tpu.memory_space<vmem>>
        %dma_start3A_353 = arith.constant 0 : i32
        %dma_start3A_354 = arith.constant 0 : i32
        %dma_start3A_355 = tpu.memref_slice %arg14[%dma_start3A_353, %dma_start3A_354] : memref<10240x16xf32, #tpu.memory_space<vmem_shared>> -> memref<10240x16xf32, #tpu.memory_space<vmem_shared>>
        tpu.enqueue_indirect_dma source(%arg12 : memref<128x16xf32, #tpu.memory_space<vmem>>) target(%dma_start3A_355 : memref<10240x16xf32, #tpu.memory_space<vmem_shared>>) offsets(%dma_start3A_352 : memref<128xi32, #tpu.memory_space<vmem>>) semaphore(%run_scoped3A_349 : memref<!tpu.dma_semaphore, #tpu.memory_space<semaphore_mem>>) {add = true}
        %dma_wait3A_356 = arith.constant 0 : i32
        %dma_wait3A_357 = tpu.memref_slice %arg5[%add3A_316, %run_scoped3A_324, %dma_wait3A_356] : memref<40x2x128xi32, #tpu.memory_space<vmem>> -> memref<1x1x128xi32, #tpu.memory_space<vmem>>
        %dma_wait3A_358 = tpu.memref_squeeze %dma_wait3A_357 : memref<1x1x128xi32, #tpu.memory_space<vmem>> -> memref<128xi32, #tpu.memory_space<vmem>>
        %dma_wait3A_359 = arith.constant 0 : i32
        %dma_wait3A_360 = arith.constant 0 : i32
        %dma_wait3A_361 = tpu.memref_slice %arg14[%dma_wait3A_359, %dma_wait3A_360] : memref<10240x16xf32, #tpu.memory_space<vmem_shared>> -> memref<10240x16xf32, #tpu.memory_space<vmem_shared>>
        tpu.wait_indirect_dma semaphore(%run_scoped3A_349 : memref<!tpu.dma_semaphore, #tpu.memory_space<semaphore_mem>>) src(%arg12 : memref<128x16xf32, #tpu.memory_space<vmem>>) dst(%dma_wait3A_361 : memref<10240x16xf32, #tpu.memory_space<vmem_shared>>)
        tpu.yield
      }) : () -> ()
      %add3A_325 = arith.constant 8 : i32
      %add3A_326 = arith.addi %add3A_316, %add3A_325 : i32
      %lt3A_327 = arith.cmpi slt, %add3A_326, %select_n3A : i32
      %convert_element_type3A_328 = arith.extui %lt3A_327 : i1 to i32
      %cond3A_329 = arith.constant 0 : i32
      %cond3A_330 = arith.cmpi ne, %convert_element_type3A_328, %cond3A_329 : i32
      scf.if %cond3A_330 {
        %add3A_349 = arith.constant 8 : i32
        %add3A_350 = arith.addi %add3A_316, %add3A_349 : i32
        %dma_start3A_351 = arith.constant 0 : i32
        %dma_start3A_352 = arith.constant 0 : i32
        %dma_start3A_353 = tpu.memref_slice %arg5[%add3A_350, %dma_start3A_351, %dma_start3A_352] : memref<40x2x128xi32, #tpu.memory_space<vmem>> -> memref<1x1x128xi32, #tpu.memory_space<vmem>>
        %dma_start3A_354 = tpu.memref_squeeze %dma_start3A_353 : memref<1x1x128xi32, #tpu.memory_space<vmem>> -> memref<128xi32, #tpu.memory_space<vmem>>
        %dma_start3A_355 = arith.constant 0 : i32
        %dma_start3A_356 = arith.constant 0 : i32
        %dma_start3A_357 = tpu.memref_slice %arg2[%dma_start3A_355, %dma_start3A_356] : memref<10240x16xf32, #tpu.memory_space<hbm>> -> memref<10240x16xf32, #tpu.memory_space<hbm>>
        tpu.enqueue_indirect_dma source(%dma_start3A_357 : memref<10240x16xf32, #tpu.memory_space<hbm>>) target(%arg12 : memref<128x16xf32, #tpu.memory_space<vmem>>) offsets(%dma_start3A_354 : memref<128xi32, #tpu.memory_space<vmem>>) semaphore(%arg21 : memref<!tpu.dma_semaphore, #tpu.memory_space<semaphore_mem>>)
      } else {
      }
      %mul3A_331 = arith.constant 8 : i32
      %mul3A_332 = arith.muli %mul3A_331, %scan3A_204 : i32
      %add3A_333 = arith.constant 7 : i32
      %add3A_334 = arith.addi %mul3A_332, %add3A_333 : i32
      %dma_wait3A_335 = arith.constant 0 : i32
      %dma_wait3A_336 = arith.constant 0 : i32
      %dma_wait3A_337 = tpu.memref_slice %arg5[%add3A_334, %dma_wait3A_335, %dma_wait3A_336] : memref<40x2x128xi32, #tpu.memory_space<vmem>> -> memref<1x1x128xi32, #tpu.memory_space<vmem>>
      %dma_wait3A_338 = tpu.memref_squeeze %dma_wait3A_337 : memref<1x1x128xi32, #tpu.memory_space<vmem>> -> memref<128xi32, #tpu.memory_space<vmem>>
      %dma_wait3A_339 = arith.constant 0 : i32
      %dma_wait3A_340 = arith.constant 0 : i32
      %dma_wait3A_341 = tpu.memref_slice %arg2[%dma_wait3A_339, %dma_wait3A_340] : memref<10240x16xf32, #tpu.memory_space<hbm>> -> memref<10240x16xf32, #tpu.memory_space<hbm>>
      tpu.wait_indirect_dma semaphore(%arg22 : memref<!tpu.dma_semaphore, #tpu.memory_space<semaphore_mem>>) src(%dma_wait3A_341 : memref<10240x16xf32, #tpu.memory_space<hbm>>) dst(%arg13 : memref<128x16xf32, #tpu.memory_space<vmem>>)
      %run_scoped3A_342 = arith.constant 1 : i32
      "tpu.region"() ({
        %run_scoped3A_349 = tpu.sem_alloc : memref<!tpu.dma_semaphore, #tpu.memory_space<semaphore_mem>>
        %dma_start3A_350 = arith.constant 0 : i32
        %dma_start3A_351 = tpu.memref_slice %arg5[%add3A_334, %run_scoped3A_342, %dma_start3A_350] : memref<40x2x128xi32, #tpu.memory_space<vmem>> -> memref<1x1x128xi32, #tpu.memory_space<vmem>>
        %dma_start3A_352 = tpu.memref_squeeze %dma_start3A_351 : memref<1x1x128xi32, #tpu.memory_space<vmem>> -> memref<128xi32, #tpu.memory_space<vmem>>
        %dma_start3A_353 = arith.constant 0 : i32
        %dma_start3A_354 = arith.constant 0 : i32
        %dma_start3A_355 = tpu.memref_slice %arg14[%dma_start3A_353, %dma_start3A_354] : memref<10240x16xf32, #tpu.memory_space<vmem_shared>> -> memref<10240x16xf32, #tpu.memory_space<vmem_shared>>
        tpu.enqueue_indirect_dma source(%arg13 : memref<128x16xf32, #tpu.memory_space<vmem>>) target(%dma_start3A_355 : memref<10240x16xf32, #tpu.memory_space<vmem_shared>>) offsets(%dma_start3A_352 : memref<128xi32, #tpu.memory_space<vmem>>) semaphore(%run_scoped3A_349 : memref<!tpu.dma_semaphore, #tpu.memory_space<semaphore_mem>>) {add = true}
        %dma_wait3A_356 = arith.constant 0 : i32
        %dma_wait3A_357 = tpu.memref_slice %arg5[%add3A_334, %run_scoped3A_342, %dma_wait3A_356] : memref<40x2x128xi32, #tpu.memory_space<vmem>> -> memref<1x1x128xi32, #tpu.memory_space<vmem>>
        %dma_wait3A_358 = tpu.memref_squeeze %dma_wait3A_357 : memref<1x1x128xi32, #tpu.memory_space<vmem>> -> memref<128xi32, #tpu.memory_space<vmem>>
        %dma_wait3A_359 = arith.constant 0 : i32
        %dma_wait3A_360 = arith.constant 0 : i32
        %dma_wait3A_361 = tpu.memref_slice %arg14[%dma_wait3A_359, %dma_wait3A_360] : memref<10240x16xf32, #tpu.memory_space<vmem_shared>> -> memref<10240x16xf32, #tpu.memory_space<vmem_shared>>
        tpu.wait_indirect_dma semaphore(%run_scoped3A_349 : memref<!tpu.dma_semaphore, #tpu.memory_space<semaphore_mem>>) src(%arg13 : memref<128x16xf32, #tpu.memory_space<vmem>>) dst(%dma_wait3A_361 : memref<10240x16xf32, #tpu.memory_space<vmem_shared>>)
        tpu.yield
      }) : () -> ()
      %add3A_343 = arith.constant 8 : i32
      %add3A_344 = arith.addi %add3A_334, %add3A_343 : i32
      %lt3A_345 = arith.cmpi slt, %add3A_344, %select_n3A : i32
      %convert_element_type3A_346 = arith.extui %lt3A_345 : i1 to i32
      %cond3A_347 = arith.constant 0 : i32
      %cond3A_348 = arith.cmpi ne, %convert_element_type3A_346, %cond3A_347 : i32
      scf.if %cond3A_348 {
        %add3A_349 = arith.constant 8 : i32
        %add3A_350 = arith.addi %add3A_334, %add3A_349 : i32
        %dma_start3A_351 = arith.constant 0 : i32
        %dma_start3A_352 = arith.constant 0 : i32
        %dma_start3A_353 = tpu.memref_slice %arg5[%add3A_350, %dma_start3A_351, %dma_start3A_352] : memref<40x2x128xi32, #tpu.memory_space<vmem>> -> memref<1x1x128xi32, #tpu.memory_space<vmem>>
        %dma_start3A_354 = tpu.memref_squeeze %dma_start3A_353 : memref<1x1x128xi32, #tpu.memory_space<vmem>> -> memref<128xi32, #tpu.memory_space<vmem>>
        %dma_start3A_355 = arith.constant 0 : i32
        %dma_start3A_356 = arith.constant 0 : i32
        %dma_start3A_357 = tpu.memref_slice %arg2[%dma_start3A_355, %dma_start3A_356] : memref<10240x16xf32, #tpu.memory_space<hbm>> -> memref<10240x16xf32, #tpu.memory_space<hbm>>
        tpu.enqueue_indirect_dma source(%dma_start3A_357 : memref<10240x16xf32, #tpu.memory_space<hbm>>) target(%arg13 : memref<128x16xf32, #tpu.memory_space<vmem>>) offsets(%dma_start3A_354 : memref<128xi32, #tpu.memory_space<vmem>>) semaphore(%arg22 : memref<!tpu.dma_semaphore, #tpu.memory_space<semaphore_mem>>)
      } else {
      }
    }
    %scan3A_91 = arith.constant 4 : i32
    %dma_wait3A = arith.constant 32 : i32
    %dma_wait3A_92 = arith.constant 0 : i32
    %dma_wait3A_93 = arith.constant 0 : i32
    %dma_wait3A_94 = tpu.memref_slice %arg5[%dma_wait3A, %dma_wait3A_92, %dma_wait3A_93] : memref<40x2x128xi32, #tpu.memory_space<vmem>> -> memref<1x1x128xi32, #tpu.memory_space<vmem>>
    %dma_wait3A_95 = tpu.memref_squeeze %dma_wait3A_94 : memref<1x1x128xi32, #tpu.memory_space<vmem>> -> memref<128xi32, #tpu.memory_space<vmem>>
    %dma_wait3A_96 = arith.constant 0 : i32
    %dma_wait3A_97 = arith.constant 0 : i32
    %dma_wait3A_98 = tpu.memref_slice %arg2[%dma_wait3A_96, %dma_wait3A_97] : memref<10240x16xf32, #tpu.memory_space<hbm>> -> memref<10240x16xf32, #tpu.memory_space<hbm>>
    tpu.wait_indirect_dma semaphore(%arg15 : memref<!tpu.dma_semaphore, #tpu.memory_space<semaphore_mem>>) src(%dma_wait3A_98 : memref<10240x16xf32, #tpu.memory_space<hbm>>) dst(%arg6 : memref<128x16xf32, #tpu.memory_space<vmem>>)
    %run_scoped3A = arith.constant 32 : i32
    %run_scoped3A_99 = arith.constant 1 : i32
    "tpu.region"() ({
      %run_scoped3A_204 = tpu.sem_alloc : memref<!tpu.dma_semaphore, #tpu.memory_space<semaphore_mem>>
      %dma_start3A_205 = arith.constant 0 : i32
      %dma_start3A_206 = tpu.memref_slice %arg5[%run_scoped3A, %run_scoped3A_99, %dma_start3A_205] : memref<40x2x128xi32, #tpu.memory_space<vmem>> -> memref<1x1x128xi32, #tpu.memory_space<vmem>>
      %dma_start3A_207 = tpu.memref_squeeze %dma_start3A_206 : memref<1x1x128xi32, #tpu.memory_space<vmem>> -> memref<128xi32, #tpu.memory_space<vmem>>
      %dma_start3A_208 = arith.constant 0 : i32
      %dma_start3A_209 = arith.constant 0 : i32
      %dma_start3A_210 = tpu.memref_slice %arg14[%dma_start3A_208, %dma_start3A_209] : memref<10240x16xf32, #tpu.memory_space<vmem_shared>> -> memref<10240x16xf32, #tpu.memory_space<vmem_shared>>
      tpu.enqueue_indirect_dma source(%arg6 : memref<128x16xf32, #tpu.memory_space<vmem>>) target(%dma_start3A_210 : memref<10240x16xf32, #tpu.memory_space<vmem_shared>>) offsets(%dma_start3A_207 : memref<128xi32, #tpu.memory_space<vmem>>) semaphore(%run_scoped3A_204 : memref<!tpu.dma_semaphore, #tpu.memory_space<semaphore_mem>>) {add = true}
      %dma_wait3A_211 = arith.constant 0 : i32
      %dma_wait3A_212 = tpu.memref_slice %arg5[%run_scoped3A, %run_scoped3A_99, %dma_wait3A_211] : memref<40x2x128xi32, #tpu.memory_space<vmem>> -> memref<1x1x128xi32, #tpu.memory_space<vmem>>
      %dma_wait3A_213 = tpu.memref_squeeze %dma_wait3A_212 : memref<1x1x128xi32, #tpu.memory_space<vmem>> -> memref<128xi32, #tpu.memory_space<vmem>>
      %dma_wait3A_214 = arith.constant 0 : i32
      %dma_wait3A_215 = arith.constant 0 : i32
      %dma_wait3A_216 = tpu.memref_slice %arg14[%dma_wait3A_214, %dma_wait3A_215] : memref<10240x16xf32, #tpu.memory_space<vmem_shared>> -> memref<10240x16xf32, #tpu.memory_space<vmem_shared>>
      tpu.wait_indirect_dma semaphore(%run_scoped3A_204 : memref<!tpu.dma_semaphore, #tpu.memory_space<semaphore_mem>>) src(%arg6 : memref<128x16xf32, #tpu.memory_space<vmem>>) dst(%dma_wait3A_216 : memref<10240x16xf32, #tpu.memory_space<vmem_shared>>)
      tpu.yield
    }) : () -> ()
    %gt3A = arith.constant 40 : i32
    %gt3A_100 = arith.cmpi sgt, %select_n3A, %gt3A : i32
    %convert_element_type3A_101 = arith.extui %gt3A_100 : i1 to i32
    %cond3A_102 = arith.constant 0 : i32
    %cond3A_103 = arith.cmpi ne, %convert_element_type3A_101, %cond3A_102 : i32
    scf.if %cond3A_103 {
      %dma_start3A_204 = arith.constant 40 : i32
      %dma_start3A_205 = arith.constant 0 : i32
      %dma_start3A_206 = arith.constant 0 : i32
      %dma_start3A_207 = tpu.memref_slice %arg5[%dma_start3A_204, %dma_start3A_205, %dma_start3A_206] : memref<40x2x128xi32, #tpu.memory_space<vmem>> -> memref<1x1x128xi32, #tpu.memory_space<vmem>>
      %dma_start3A_208 = tpu.memref_squeeze %dma_start3A_207 : memref<1x1x128xi32, #tpu.memory_space<vmem>> -> memref<128xi32, #tpu.memory_space<vmem>>
      %dma_start3A_209 = arith.constant 0 : i32
      %dma_start3A_210 = arith.constant 0 : i32
      %dma_start3A_211 = tpu.memref_slice %arg2[%dma_start3A_209, %dma_start3A_210] : memref<10240x16xf32, #tpu.memory_space<hbm>> -> memref<10240x16xf32, #tpu.memory_space<hbm>>
      tpu.enqueue_indirect_dma source(%dma_start3A_211 : memref<10240x16xf32, #tpu.memory_space<hbm>>) target(%arg6 : memref<128x16xf32, #tpu.memory_space<vmem>>) offsets(%dma_start3A_208 : memref<128xi32, #tpu.memory_space<vmem>>) semaphore(%arg15 : memref<!tpu.dma_semaphore, #tpu.memory_space<semaphore_mem>>)
    } else {
    }
    %dma_wait3A_104 = arith.constant 33 : i32
    %dma_wait3A_105 = arith.constant 0 : i32
    %dma_wait3A_106 = arith.constant 0 : i32
    %dma_wait3A_107 = tpu.memref_slice %arg5[%dma_wait3A_104, %dma_wait3A_105, %dma_wait3A_106] : memref<40x2x128xi32, #tpu.memory_space<vmem>> -> memref<1x1x128xi32, #tpu.memory_space<vmem>>
    %dma_wait3A_108 = tpu.memref_squeeze %dma_wait3A_107 : memref<1x1x128xi32, #tpu.memory_space<vmem>> -> memref<128xi32, #tpu.memory_space<vmem>>
    %dma_wait3A_109 = arith.constant 0 : i32
    %dma_wait3A_110 = arith.constant 0 : i32
    %dma_wait3A_111 = tpu.memref_slice %arg2[%dma_wait3A_109, %dma_wait3A_110] : memref<10240x16xf32, #tpu.memory_space<hbm>> -> memref<10240x16xf32, #tpu.memory_space<hbm>>
    tpu.wait_indirect_dma semaphore(%arg16 : memref<!tpu.dma_semaphore, #tpu.memory_space<semaphore_mem>>) src(%dma_wait3A_111 : memref<10240x16xf32, #tpu.memory_space<hbm>>) dst(%arg7 : memref<128x16xf32, #tpu.memory_space<vmem>>)
    %run_scoped3A_112 = arith.constant 33 : i32
    %run_scoped3A_113 = arith.constant 1 : i32
    "tpu.region"() ({
      %run_scoped3A_204 = tpu.sem_alloc : memref<!tpu.dma_semaphore, #tpu.memory_space<semaphore_mem>>
      %dma_start3A_205 = arith.constant 0 : i32
      %dma_start3A_206 = tpu.memref_slice %arg5[%run_scoped3A_112, %run_scoped3A_113, %dma_start3A_205] : memref<40x2x128xi32, #tpu.memory_space<vmem>> -> memref<1x1x128xi32, #tpu.memory_space<vmem>>
      %dma_start3A_207 = tpu.memref_squeeze %dma_start3A_206 : memref<1x1x128xi32, #tpu.memory_space<vmem>> -> memref<128xi32, #tpu.memory_space<vmem>>
      %dma_start3A_208 = arith.constant 0 : i32
      %dma_start3A_209 = arith.constant 0 : i32
      %dma_start3A_210 = tpu.memref_slice %arg14[%dma_start3A_208, %dma_start3A_209] : memref<10240x16xf32, #tpu.memory_space<vmem_shared>> -> memref<10240x16xf32, #tpu.memory_space<vmem_shared>>
      tpu.enqueue_indirect_dma source(%arg7 : memref<128x16xf32, #tpu.memory_space<vmem>>) target(%dma_start3A_210 : memref<10240x16xf32, #tpu.memory_space<vmem_shared>>) offsets(%dma_start3A_207 : memref<128xi32, #tpu.memory_space<vmem>>) semaphore(%run_scoped3A_204 : memref<!tpu.dma_semaphore, #tpu.memory_space<semaphore_mem>>) {add = true}
      %dma_wait3A_211 = arith.constant 0 : i32
      %dma_wait3A_212 = tpu.memref_slice %arg5[%run_scoped3A_112, %run_scoped3A_113, %dma_wait3A_211] : memref<40x2x128xi32, #tpu.memory_space<vmem>> -> memref<1x1x128xi32, #tpu.memory_space<vmem>>
      %dma_wait3A_213 = tpu.memref_squeeze %dma_wait3A_212 : memref<1x1x128xi32, #tpu.memory_space<vmem>> -> memref<128xi32, #tpu.memory_space<vmem>>
      %dma_wait3A_214 = arith.constant 0 : i32
      %dma_wait3A_215 = arith.constant 0 : i32
      %dma_wait3A_216 = tpu.memref_slice %arg14[%dma_wait3A_214, %dma_wait3A_215] : memref<10240x16xf32, #tpu.memory_space<vmem_shared>> -> memref<10240x16xf32, #tpu.memory_space<vmem_shared>>
      tpu.wait_indirect_dma semaphore(%run_scoped3A_204 : memref<!tpu.dma_semaphore, #tpu.memory_space<semaphore_mem>>) src(%arg7 : memref<128x16xf32, #tpu.memory_space<vmem>>) dst(%dma_wait3A_216 : memref<10240x16xf32, #tpu.memory_space<vmem_shared>>)
      tpu.yield
    }) : () -> ()
    %gt3A_114 = arith.constant 41 : i32
    %gt3A_115 = arith.cmpi sgt, %select_n3A, %gt3A_114 : i32
    %convert_element_type3A_116 = arith.extui %gt3A_115 : i1 to i32
    %cond3A_117 = arith.constant 0 : i32
    %cond3A_118 = arith.cmpi ne, %convert_element_type3A_116, %cond3A_117 : i32
    scf.if %cond3A_118 {
      %dma_start3A_204 = arith.constant 41 : i32
      %dma_start3A_205 = arith.constant 0 : i32
      %dma_start3A_206 = arith.constant 0 : i32
      %dma_start3A_207 = tpu.memref_slice %arg5[%dma_start3A_204, %dma_start3A_205, %dma_start3A_206] : memref<40x2x128xi32, #tpu.memory_space<vmem>> -> memref<1x1x128xi32, #tpu.memory_space<vmem>>
      %dma_start3A_208 = tpu.memref_squeeze %dma_start3A_207 : memref<1x1x128xi32, #tpu.memory_space<vmem>> -> memref<128xi32, #tpu.memory_space<vmem>>
      %dma_start3A_209 = arith.constant 0 : i32
      %dma_start3A_210 = arith.constant 0 : i32
      %dma_start3A_211 = tpu.memref_slice %arg2[%dma_start3A_209, %dma_start3A_210] : memref<10240x16xf32, #tpu.memory_space<hbm>> -> memref<10240x16xf32, #tpu.memory_space<hbm>>
      tpu.enqueue_indirect_dma source(%dma_start3A_211 : memref<10240x16xf32, #tpu.memory_space<hbm>>) target(%arg7 : memref<128x16xf32, #tpu.memory_space<vmem>>) offsets(%dma_start3A_208 : memref<128xi32, #tpu.memory_space<vmem>>) semaphore(%arg16 : memref<!tpu.dma_semaphore, #tpu.memory_space<semaphore_mem>>)
    } else {
    }
    %dma_wait3A_119 = arith.constant 34 : i32
    %dma_wait3A_120 = arith.constant 0 : i32
    %dma_wait3A_121 = arith.constant 0 : i32
    %dma_wait3A_122 = tpu.memref_slice %arg5[%dma_wait3A_119, %dma_wait3A_120, %dma_wait3A_121] : memref<40x2x128xi32, #tpu.memory_space<vmem>> -> memref<1x1x128xi32, #tpu.memory_space<vmem>>
    %dma_wait3A_123 = tpu.memref_squeeze %dma_wait3A_122 : memref<1x1x128xi32, #tpu.memory_space<vmem>> -> memref<128xi32, #tpu.memory_space<vmem>>
    %dma_wait3A_124 = arith.constant 0 : i32
    %dma_wait3A_125 = arith.constant 0 : i32
    %dma_wait3A_126 = tpu.memref_slice %arg2[%dma_wait3A_124, %dma_wait3A_125] : memref<10240x16xf32, #tpu.memory_space<hbm>> -> memref<10240x16xf32, #tpu.memory_space<hbm>>
    tpu.wait_indirect_dma semaphore(%arg17 : memref<!tpu.dma_semaphore, #tpu.memory_space<semaphore_mem>>) src(%dma_wait3A_126 : memref<10240x16xf32, #tpu.memory_space<hbm>>) dst(%arg8 : memref<128x16xf32, #tpu.memory_space<vmem>>)
    %run_scoped3A_127 = arith.constant 34 : i32
    %run_scoped3A_128 = arith.constant 1 : i32
    "tpu.region"() ({
      %run_scoped3A_204 = tpu.sem_alloc : memref<!tpu.dma_semaphore, #tpu.memory_space<semaphore_mem>>
      %dma_start3A_205 = arith.constant 0 : i32
      %dma_start3A_206 = tpu.memref_slice %arg5[%run_scoped3A_127, %run_scoped3A_128, %dma_start3A_205] : memref<40x2x128xi32, #tpu.memory_space<vmem>> -> memref<1x1x128xi32, #tpu.memory_space<vmem>>
      %dma_start3A_207 = tpu.memref_squeeze %dma_start3A_206 : memref<1x1x128xi32, #tpu.memory_space<vmem>> -> memref<128xi32, #tpu.memory_space<vmem>>
      %dma_start3A_208 = arith.constant 0 : i32
      %dma_start3A_209 = arith.constant 0 : i32
      %dma_start3A_210 = tpu.memref_slice %arg14[%dma_start3A_208, %dma_start3A_209] : memref<10240x16xf32, #tpu.memory_space<vmem_shared>> -> memref<10240x16xf32, #tpu.memory_space<vmem_shared>>
      tpu.enqueue_indirect_dma source(%arg8 : memref<128x16xf32, #tpu.memory_space<vmem>>) target(%dma_start3A_210 : memref<10240x16xf32, #tpu.memory_space<vmem_shared>>) offsets(%dma_start3A_207 : memref<128xi32, #tpu.memory_space<vmem>>) semaphore(%run_scoped3A_204 : memref<!tpu.dma_semaphore, #tpu.memory_space<semaphore_mem>>) {add = true}
      %dma_wait3A_211 = arith.constant 0 : i32
      %dma_wait3A_212 = tpu.memref_slice %arg5[%run_scoped3A_127, %run_scoped3A_128, %dma_wait3A_211] : memref<40x2x128xi32, #tpu.memory_space<vmem>> -> memref<1x1x128xi32, #tpu.memory_space<vmem>>
      %dma_wait3A_213 = tpu.memref_squeeze %dma_wait3A_212 : memref<1x1x128xi32, #tpu.memory_space<vmem>> -> memref<128xi32, #tpu.memory_space<vmem>>
      %dma_wait3A_214 = arith.constant 0 : i32
      %dma_wait3A_215 = arith.constant 0 : i32
      %dma_wait3A_216 = tpu.memref_slice %arg14[%dma_wait3A_214, %dma_wait3A_215] : memref<10240x16xf32, #tpu.memory_space<vmem_shared>> -> memref<10240x16xf32, #tpu.memory_space<vmem_shared>>
      tpu.wait_indirect_dma semaphore(%run_scoped3A_204 : memref<!tpu.dma_semaphore, #tpu.memory_space<semaphore_mem>>) src(%arg8 : memref<128x16xf32, #tpu.memory_space<vmem>>) dst(%dma_wait3A_216 : memref<10240x16xf32, #tpu.memory_space<vmem_shared>>)
      tpu.yield
    }) : () -> ()
    %gt3A_129 = arith.constant 42 : i32
    %gt3A_130 = arith.cmpi sgt, %select_n3A, %gt3A_129 : i32
    %convert_element_type3A_131 = arith.extui %gt3A_130 : i1 to i32
    %cond3A_132 = arith.constant 0 : i32
    %cond3A_133 = arith.cmpi ne, %convert_element_type3A_131, %cond3A_132 : i32
    scf.if %cond3A_133 {
      %dma_start3A_204 = arith.constant 42 : i32
      %dma_start3A_205 = arith.constant 0 : i32
      %dma_start3A_206 = arith.constant 0 : i32
      %dma_start3A_207 = tpu.memref_slice %arg5[%dma_start3A_204, %dma_start3A_205, %dma_start3A_206] : memref<40x2x128xi32, #tpu.memory_space<vmem>> -> memref<1x1x128xi32, #tpu.memory_space<vmem>>
      %dma_start3A_208 = tpu.memref_squeeze %dma_start3A_207 : memref<1x1x128xi32, #tpu.memory_space<vmem>> -> memref<128xi32, #tpu.memory_space<vmem>>
      %dma_start3A_209 = arith.constant 0 : i32
      %dma_start3A_210 = arith.constant 0 : i32
      %dma_start3A_211 = tpu.memref_slice %arg2[%dma_start3A_209, %dma_start3A_210] : memref<10240x16xf32, #tpu.memory_space<hbm>> -> memref<10240x16xf32, #tpu.memory_space<hbm>>
      tpu.enqueue_indirect_dma source(%dma_start3A_211 : memref<10240x16xf32, #tpu.memory_space<hbm>>) target(%arg8 : memref<128x16xf32, #tpu.memory_space<vmem>>) offsets(%dma_start3A_208 : memref<128xi32, #tpu.memory_space<vmem>>) semaphore(%arg17 : memref<!tpu.dma_semaphore, #tpu.memory_space<semaphore_mem>>)
    } else {
    }
    %dma_wait3A_134 = arith.constant 35 : i32
    %dma_wait3A_135 = arith.constant 0 : i32
    %dma_wait3A_136 = arith.constant 0 : i32
    %dma_wait3A_137 = tpu.memref_slice %arg5[%dma_wait3A_134, %dma_wait3A_135, %dma_wait3A_136] : memref<40x2x128xi32, #tpu.memory_space<vmem>> -> memref<1x1x128xi32, #tpu.memory_space<vmem>>
    %dma_wait3A_138 = tpu.memref_squeeze %dma_wait3A_137 : memref<1x1x128xi32, #tpu.memory_space<vmem>> -> memref<128xi32, #tpu.memory_space<vmem>>
    %dma_wait3A_139 = arith.constant 0 : i32
    %dma_wait3A_140 = arith.constant 0 : i32
    %dma_wait3A_141 = tpu.memref_slice %arg2[%dma_wait3A_139, %dma_wait3A_140] : memref<10240x16xf32, #tpu.memory_space<hbm>> -> memref<10240x16xf32, #tpu.memory_space<hbm>>
    tpu.wait_indirect_dma semaphore(%arg18 : memref<!tpu.dma_semaphore, #tpu.memory_space<semaphore_mem>>) src(%dma_wait3A_141 : memref<10240x16xf32, #tpu.memory_space<hbm>>) dst(%arg9 : memref<128x16xf32, #tpu.memory_space<vmem>>)
    %run_scoped3A_142 = arith.constant 35 : i32
    %run_scoped3A_143 = arith.constant 1 : i32
    "tpu.region"() ({
      %run_scoped3A_204 = tpu.sem_alloc : memref<!tpu.dma_semaphore, #tpu.memory_space<semaphore_mem>>
      %dma_start3A_205 = arith.constant 0 : i32
      %dma_start3A_206 = tpu.memref_slice %arg5[%run_scoped3A_142, %run_scoped3A_143, %dma_start3A_205] : memref<40x2x128xi32, #tpu.memory_space<vmem>> -> memref<1x1x128xi32, #tpu.memory_space<vmem>>
      %dma_start3A_207 = tpu.memref_squeeze %dma_start3A_206 : memref<1x1x128xi32, #tpu.memory_space<vmem>> -> memref<128xi32, #tpu.memory_space<vmem>>
      %dma_start3A_208 = arith.constant 0 : i32
      %dma_start3A_209 = arith.constant 0 : i32
      %dma_start3A_210 = tpu.memref_slice %arg14[%dma_start3A_208, %dma_start3A_209] : memref<10240x16xf32, #tpu.memory_space<vmem_shared>> -> memref<10240x16xf32, #tpu.memory_space<vmem_shared>>
      tpu.enqueue_indirect_dma source(%arg9 : memref<128x16xf32, #tpu.memory_space<vmem>>) target(%dma_start3A_210 : memref<10240x16xf32, #tpu.memory_space<vmem_shared>>) offsets(%dma_start3A_207 : memref<128xi32, #tpu.memory_space<vmem>>) semaphore(%run_scoped3A_204 : memref<!tpu.dma_semaphore, #tpu.memory_space<semaphore_mem>>) {add = true}
      %dma_wait3A_211 = arith.constant 0 : i32
      %dma_wait3A_212 = tpu.memref_slice %arg5[%run_scoped3A_142, %run_scoped3A_143, %dma_wait3A_211] : memref<40x2x128xi32, #tpu.memory_space<vmem>> -> memref<1x1x128xi32, #tpu.memory_space<vmem>>
      %dma_wait3A_213 = tpu.memref_squeeze %dma_wait3A_212 : memref<1x1x128xi32, #tpu.memory_space<vmem>> -> memref<128xi32, #tpu.memory_space<vmem>>
      %dma_wait3A_214 = arith.constant 0 : i32
      %dma_wait3A_215 = arith.constant 0 : i32
      %dma_wait3A_216 = tpu.memref_slice %arg14[%dma_wait3A_214, %dma_wait3A_215] : memref<10240x16xf32, #tpu.memory_space<vmem_shared>> -> memref<10240x16xf32, #tpu.memory_space<vmem_shared>>
      tpu.wait_indirect_dma semaphore(%run_scoped3A_204 : memref<!tpu.dma_semaphore, #tpu.memory_space<semaphore_mem>>) src(%arg9 : memref<128x16xf32, #tpu.memory_space<vmem>>) dst(%dma_wait3A_216 : memref<10240x16xf32, #tpu.memory_space<vmem_shared>>)
      tpu.yield
    }) : () -> ()
    %gt3A_144 = arith.constant 43 : i32
    %gt3A_145 = arith.cmpi sgt, %select_n3A, %gt3A_144 : i32
    %convert_element_type3A_146 = arith.extui %gt3A_145 : i1 to i32
    %cond3A_147 = arith.constant 0 : i32
    %cond3A_148 = arith.cmpi ne, %convert_element_type3A_146, %cond3A_147 : i32
    scf.if %cond3A_148 {
      %dma_start3A_204 = arith.constant 43 : i32
      %dma_start3A_205 = arith.constant 0 : i32
      %dma_start3A_206 = arith.constant 0 : i32
      %dma_start3A_207 = tpu.memref_slice %arg5[%dma_start3A_204, %dma_start3A_205, %dma_start3A_206] : memref<40x2x128xi32, #tpu.memory_space<vmem>> -> memref<1x1x128xi32, #tpu.memory_space<vmem>>
      %dma_start3A_208 = tpu.memref_squeeze %dma_start3A_207 : memref<1x1x128xi32, #tpu.memory_space<vmem>> -> memref<128xi32, #tpu.memory_space<vmem>>
      %dma_start3A_209 = arith.constant 0 : i32
      %dma_start3A_210 = arith.constant 0 : i32
      %dma_start3A_211 = tpu.memref_slice %arg2[%dma_start3A_209, %dma_start3A_210] : memref<10240x16xf32, #tpu.memory_space<hbm>> -> memref<10240x16xf32, #tpu.memory_space<hbm>>
      tpu.enqueue_indirect_dma source(%dma_start3A_211 : memref<10240x16xf32, #tpu.memory_space<hbm>>) target(%arg9 : memref<128x16xf32, #tpu.memory_space<vmem>>) offsets(%dma_start3A_208 : memref<128xi32, #tpu.memory_space<vmem>>) semaphore(%arg18 : memref<!tpu.dma_semaphore, #tpu.memory_space<semaphore_mem>>)
    } else {
    }
    %dma_wait3A_149 = arith.constant 36 : i32
    %dma_wait3A_150 = arith.constant 0 : i32
    %dma_wait3A_151 = arith.constant 0 : i32
    %dma_wait3A_152 = tpu.memref_slice %arg5[%dma_wait3A_149, %dma_wait3A_150, %dma_wait3A_151] : memref<40x2x128xi32, #tpu.memory_space<vmem>> -> memref<1x1x128xi32, #tpu.memory_space<vmem>>
    %dma_wait3A_153 = tpu.memref_squeeze %dma_wait3A_152 : memref<1x1x128xi32, #tpu.memory_space<vmem>> -> memref<128xi32, #tpu.memory_space<vmem>>
    %dma_wait3A_154 = arith.constant 0 : i32
    %dma_wait3A_155 = arith.constant 0 : i32
    %dma_wait3A_156 = tpu.memref_slice %arg2[%dma_wait3A_154, %dma_wait3A_155] : memref<10240x16xf32, #tpu.memory_space<hbm>> -> memref<10240x16xf32, #tpu.memory_space<hbm>>
    tpu.wait_indirect_dma semaphore(%arg19 : memref<!tpu.dma_semaphore, #tpu.memory_space<semaphore_mem>>) src(%dma_wait3A_156 : memref<10240x16xf32, #tpu.memory_space<hbm>>) dst(%arg10 : memref<128x16xf32, #tpu.memory_space<vmem>>)
    %run_scoped3A_157 = arith.constant 36 : i32
    %run_scoped3A_158 = arith.constant 1 : i32
    "tpu.region"() ({
      %run_scoped3A_204 = tpu.sem_alloc : memref<!tpu.dma_semaphore, #tpu.memory_space<semaphore_mem>>
      %dma_start3A_205 = arith.constant 0 : i32
      %dma_start3A_206 = tpu.memref_slice %arg5[%run_scoped3A_157, %run_scoped3A_158, %dma_start3A_205] : memref<40x2x128xi32, #tpu.memory_space<vmem>> -> memref<1x1x128xi32, #tpu.memory_space<vmem>>
      %dma_start3A_207 = tpu.memref_squeeze %dma_start3A_206 : memref<1x1x128xi32, #tpu.memory_space<vmem>> -> memref<128xi32, #tpu.memory_space<vmem>>
      %dma_start3A_208 = arith.constant 0 : i32
      %dma_start3A_209 = arith.constant 0 : i32
      %dma_start3A_210 = tpu.memref_slice %arg14[%dma_start3A_208, %dma_start3A_209] : memref<10240x16xf32, #tpu.memory_space<vmem_shared>> -> memref<10240x16xf32, #tpu.memory_space<vmem_shared>>
      tpu.enqueue_indirect_dma source(%arg10 : memref<128x16xf32, #tpu.memory_space<vmem>>) target(%dma_start3A_210 : memref<10240x16xf32, #tpu.memory_space<vmem_shared>>) offsets(%dma_start3A_207 : memref<128xi32, #tpu.memory_space<vmem>>) semaphore(%run_scoped3A_204 : memref<!tpu.dma_semaphore, #tpu.memory_space<semaphore_mem>>) {add = true}
      %dma_wait3A_211 = arith.constant 0 : i32
      %dma_wait3A_212 = tpu.memref_slice %arg5[%run_scoped3A_157, %run_scoped3A_158, %dma_wait3A_211] : memref<40x2x128xi32, #tpu.memory_space<vmem>> -> memref<1x1x128xi32, #tpu.memory_space<vmem>>
      %dma_wait3A_213 = tpu.memref_squeeze %dma_wait3A_212 : memref<1x1x128xi32, #tpu.memory_space<vmem>> -> memref<128xi32, #tpu.memory_space<vmem>>
      %dma_wait3A_214 = arith.constant 0 : i32
      %dma_wait3A_215 = arith.constant 0 : i32
      %dma_wait3A_216 = tpu.memref_slice %arg14[%dma_wait3A_214, %dma_wait3A_215] : memref<10240x16xf32, #tpu.memory_space<vmem_shared>> -> memref<10240x16xf32, #tpu.memory_space<vmem_shared>>
      tpu.wait_indirect_dma semaphore(%run_scoped3A_204 : memref<!tpu.dma_semaphore, #tpu.memory_space<semaphore_mem>>) src(%arg10 : memref<128x16xf32, #tpu.memory_space<vmem>>) dst(%dma_wait3A_216 : memref<10240x16xf32, #tpu.memory_space<vmem_shared>>)
      tpu.yield
    }) : () -> ()
    %gt3A_159 = arith.constant 44 : i32
    %gt3A_160 = arith.cmpi sgt, %select_n3A, %gt3A_159 : i32
    %convert_element_type3A_161 = arith.extui %gt3A_160 : i1 to i32
    %cond3A_162 = arith.constant 0 : i32
    %cond3A_163 = arith.cmpi ne, %convert_element_type3A_161, %cond3A_162 : i32
    scf.if %cond3A_163 {
      %dma_start3A_204 = arith.constant 44 : i32
      %dma_start3A_205 = arith.constant 0 : i32
      %dma_start3A_206 = arith.constant 0 : i32
      %dma_start3A_207 = tpu.memref_slice %arg5[%dma_start3A_204, %dma_start3A_205, %dma_start3A_206] : memref<40x2x128xi32, #tpu.memory_space<vmem>> -> memref<1x1x128xi32, #tpu.memory_space<vmem>>
      %dma_start3A_208 = tpu.memref_squeeze %dma_start3A_207 : memref<1x1x128xi32, #tpu.memory_space<vmem>> -> memref<128xi32, #tpu.memory_space<vmem>>
      %dma_start3A_209 = arith.constant 0 : i32
      %dma_start3A_210 = arith.constant 0 : i32
      %dma_start3A_211 = tpu.memref_slice %arg2[%dma_start3A_209, %dma_start3A_210] : memref<10240x16xf32, #tpu.memory_space<hbm>> -> memref<10240x16xf32, #tpu.memory_space<hbm>>
      tpu.enqueue_indirect_dma source(%dma_start3A_211 : memref<10240x16xf32, #tpu.memory_space<hbm>>) target(%arg10 : memref<128x16xf32, #tpu.memory_space<vmem>>) offsets(%dma_start3A_208 : memref<128xi32, #tpu.memory_space<vmem>>) semaphore(%arg19 : memref<!tpu.dma_semaphore, #tpu.memory_space<semaphore_mem>>)
    } else {
    }
    %dma_wait3A_164 = arith.constant 37 : i32
    %dma_wait3A_165 = arith.constant 0 : i32
    %dma_wait3A_166 = arith.constant 0 : i32
    %dma_wait3A_167 = tpu.memref_slice %arg5[%dma_wait3A_164, %dma_wait3A_165, %dma_wait3A_166] : memref<40x2x128xi32, #tpu.memory_space<vmem>> -> memref<1x1x128xi32, #tpu.memory_space<vmem>>
    %dma_wait3A_168 = tpu.memref_squeeze %dma_wait3A_167 : memref<1x1x128xi32, #tpu.memory_space<vmem>> -> memref<128xi32, #tpu.memory_space<vmem>>
    %dma_wait3A_169 = arith.constant 0 : i32
    %dma_wait3A_170 = arith.constant 0 : i32
    %dma_wait3A_171 = tpu.memref_slice %arg2[%dma_wait3A_169, %dma_wait3A_170] : memref<10240x16xf32, #tpu.memory_space<hbm>> -> memref<10240x16xf32, #tpu.memory_space<hbm>>
    tpu.wait_indirect_dma semaphore(%arg20 : memref<!tpu.dma_semaphore, #tpu.memory_space<semaphore_mem>>) src(%dma_wait3A_171 : memref<10240x16xf32, #tpu.memory_space<hbm>>) dst(%arg11 : memref<128x16xf32, #tpu.memory_space<vmem>>)
    %run_scoped3A_172 = arith.constant 37 : i32
    %run_scoped3A_173 = arith.constant 1 : i32
    "tpu.region"() ({
      %run_scoped3A_204 = tpu.sem_alloc : memref<!tpu.dma_semaphore, #tpu.memory_space<semaphore_mem>>
      %dma_start3A_205 = arith.constant 0 : i32
      %dma_start3A_206 = tpu.memref_slice %arg5[%run_scoped3A_172, %run_scoped3A_173, %dma_start3A_205] : memref<40x2x128xi32, #tpu.memory_space<vmem>> -> memref<1x1x128xi32, #tpu.memory_space<vmem>>
      %dma_start3A_207 = tpu.memref_squeeze %dma_start3A_206 : memref<1x1x128xi32, #tpu.memory_space<vmem>> -> memref<128xi32, #tpu.memory_space<vmem>>
      %dma_start3A_208 = arith.constant 0 : i32
      %dma_start3A_209 = arith.constant 0 : i32
      %dma_start3A_210 = tpu.memref_slice %arg14[%dma_start3A_208, %dma_start3A_209] : memref<10240x16xf32, #tpu.memory_space<vmem_shared>> -> memref<10240x16xf32, #tpu.memory_space<vmem_shared>>
      tpu.enqueue_indirect_dma source(%arg11 : memref<128x16xf32, #tpu.memory_space<vmem>>) target(%dma_start3A_210 : memref<10240x16xf32, #tpu.memory_space<vmem_shared>>) offsets(%dma_start3A_207 : memref<128xi32, #tpu.memory_space<vmem>>) semaphore(%run_scoped3A_204 : memref<!tpu.dma_semaphore, #tpu.memory_space<semaphore_mem>>) {add = true}
      %dma_wait3A_211 = arith.constant 0 : i32
      %dma_wait3A_212 = tpu.memref_slice %arg5[%run_scoped3A_172, %run_scoped3A_173, %dma_wait3A_211] : memref<40x2x128xi32, #tpu.memory_space<vmem>> -> memref<1x1x128xi32, #tpu.memory_space<vmem>>
      %dma_wait3A_213 = tpu.memref_squeeze %dma_wait3A_212 : memref<1x1x128xi32, #tpu.memory_space<vmem>> -> memref<128xi32, #tpu.memory_space<vmem>>
      %dma_wait3A_214 = arith.constant 0 : i32
      %dma_wait3A_215 = arith.constant 0 : i32
      %dma_wait3A_216 = tpu.memref_slice %arg14[%dma_wait3A_214, %dma_wait3A_215] : memref<10240x16xf32, #tpu.memory_space<vmem_shared>> -> memref<10240x16xf32, #tpu.memory_space<vmem_shared>>
      tpu.wait_indirect_dma semaphore(%run_scoped3A_204 : memref<!tpu.dma_semaphore, #tpu.memory_space<semaphore_mem>>) src(%arg11 : memref<128x16xf32, #tpu.memory_space<vmem>>) dst(%dma_wait3A_216 : memref<10240x16xf32, #tpu.memory_space<vmem_shared>>)
      tpu.yield
    }) : () -> ()
    %gt3A_174 = arith.constant 45 : i32
    %gt3A_175 = arith.cmpi sgt, %select_n3A, %gt3A_174 : i32
    %convert_element_type3A_176 = arith.extui %gt3A_175 : i1 to i32
    %cond3A_177 = arith.constant 0 : i32
    %cond3A_178 = arith.cmpi ne, %convert_element_type3A_176, %cond3A_177 : i32
    scf.if %cond3A_178 {
      %dma_start3A_204 = arith.constant 45 : i32
      %dma_start3A_205 = arith.constant 0 : i32
      %dma_start3A_206 = arith.constant 0 : i32
      %dma_start3A_207 = tpu.memref_slice %arg5[%dma_start3A_204, %dma_start3A_205, %dma_start3A_206] : memref<40x2x128xi32, #tpu.memory_space<vmem>> -> memref<1x1x128xi32, #tpu.memory_space<vmem>>
      %dma_start3A_208 = tpu.memref_squeeze %dma_start3A_207 : memref<1x1x128xi32, #tpu.memory_space<vmem>> -> memref<128xi32, #tpu.memory_space<vmem>>
      %dma_start3A_209 = arith.constant 0 : i32
      %dma_start3A_210 = arith.constant 0 : i32
      %dma_start3A_211 = tpu.memref_slice %arg2[%dma_start3A_209, %dma_start3A_210] : memref<10240x16xf32, #tpu.memory_space<hbm>> -> memref<10240x16xf32, #tpu.memory_space<hbm>>
      tpu.enqueue_indirect_dma source(%dma_start3A_211 : memref<10240x16xf32, #tpu.memory_space<hbm>>) target(%arg11 : memref<128x16xf32, #tpu.memory_space<vmem>>) offsets(%dma_start3A_208 : memref<128xi32, #tpu.memory_space<vmem>>) semaphore(%arg20 : memref<!tpu.dma_semaphore, #tpu.memory_space<semaphore_mem>>)
    } else {
    }
    %dma_wait3A_179 = arith.constant 38 : i32
    %dma_wait3A_180 = arith.constant 0 : i32
    %dma_wait3A_181 = arith.constant 0 : i32
    %dma_wait3A_182 = tpu.memref_slice %arg5[%dma_wait3A_179, %dma_wait3A_180, %dma_wait3A_181] : memref<40x2x128xi32, #tpu.memory_space<vmem>> -> memref<1x1x128xi32, #tpu.memory_space<vmem>>
    %dma_wait3A_183 = tpu.memref_squeeze %dma_wait3A_182 : memref<1x1x128xi32, #tpu.memory_space<vmem>> -> memref<128xi32, #tpu.memory_space<vmem>>
    %dma_wait3A_184 = arith.constant 0 : i32
    %dma_wait3A_185 = arith.constant 0 : i32
    %dma_wait3A_186 = tpu.memref_slice %arg2[%dma_wait3A_184, %dma_wait3A_185] : memref<10240x16xf32, #tpu.memory_space<hbm>> -> memref<10240x16xf32, #tpu.memory_space<hbm>>
    tpu.wait_indirect_dma semaphore(%arg21 : memref<!tpu.dma_semaphore, #tpu.memory_space<semaphore_mem>>) src(%dma_wait3A_186 : memref<10240x16xf32, #tpu.memory_space<hbm>>) dst(%arg12 : memref<128x16xf32, #tpu.memory_space<vmem>>)
    %run_scoped3A_187 = arith.constant 38 : i32
    %run_scoped3A_188 = arith.constant 1 : i32
    "tpu.region"() ({
      %run_scoped3A_204 = tpu.sem_alloc : memref<!tpu.dma_semaphore, #tpu.memory_space<semaphore_mem>>
      %dma_start3A_205 = arith.constant 0 : i32
      %dma_start3A_206 = tpu.memref_slice %arg5[%run_scoped3A_187, %run_scoped3A_188, %dma_start3A_205] : memref<40x2x128xi32, #tpu.memory_space<vmem>> -> memref<1x1x128xi32, #tpu.memory_space<vmem>>
      %dma_start3A_207 = tpu.memref_squeeze %dma_start3A_206 : memref<1x1x128xi32, #tpu.memory_space<vmem>> -> memref<128xi32, #tpu.memory_space<vmem>>
      %dma_start3A_208 = arith.constant 0 : i32
      %dma_start3A_209 = arith.constant 0 : i32
      %dma_start3A_210 = tpu.memref_slice %arg14[%dma_start3A_208, %dma_start3A_209] : memref<10240x16xf32, #tpu.memory_space<vmem_shared>> -> memref<10240x16xf32, #tpu.memory_space<vmem_shared>>
      tpu.enqueue_indirect_dma source(%arg12 : memref<128x16xf32, #tpu.memory_space<vmem>>) target(%dma_start3A_210 : memref<10240x16xf32, #tpu.memory_space<vmem_shared>>) offsets(%dma_start3A_207 : memref<128xi32, #tpu.memory_space<vmem>>) semaphore(%run_scoped3A_204 : memref<!tpu.dma_semaphore, #tpu.memory_space<semaphore_mem>>) {add = true}
      %dma_wait3A_211 = arith.constant 0 : i32
      %dma_wait3A_212 = tpu.memref_slice %arg5[%run_scoped3A_187, %run_scoped3A_188, %dma_wait3A_211] : memref<40x2x128xi32, #tpu.memory_space<vmem>> -> memref<1x1x128xi32, #tpu.memory_space<vmem>>
      %dma_wait3A_213 = tpu.memref_squeeze %dma_wait3A_212 : memref<1x1x128xi32, #tpu.memory_space<vmem>> -> memref<128xi32, #tpu.memory_space<vmem>>
      %dma_wait3A_214 = arith.constant 0 : i32
      %dma_wait3A_215 = arith.constant 0 : i32
      %dma_wait3A_216 = tpu.memref_slice %arg14[%dma_wait3A_214, %dma_wait3A_215] : memref<10240x16xf32, #tpu.memory_space<vmem_shared>> -> memref<10240x16xf32, #tpu.memory_space<vmem_shared>>
      tpu.wait_indirect_dma semaphore(%run_scoped3A_204 : memref<!tpu.dma_semaphore, #tpu.memory_space<semaphore_mem>>) src(%arg12 : memref<128x16xf32, #tpu.memory_space<vmem>>) dst(%dma_wait3A_216 : memref<10240x16xf32, #tpu.memory_space<vmem_shared>>)
      tpu.yield
    }) : () -> ()
    %gt3A_189 = arith.constant 46 : i32
    %gt3A_190 = arith.cmpi sgt, %select_n3A, %gt3A_189 : i32
    %convert_element_type3A_191 = arith.extui %gt3A_190 : i1 to i32
    %cond3A_192 = arith.constant 0 : i32
    %cond3A_193 = arith.cmpi ne, %convert_element_type3A_191, %cond3A_192 : i32
    scf.if %cond3A_193 {
      %dma_start3A_204 = arith.constant 46 : i32
      %dma_start3A_205 = arith.constant 0 : i32
      %dma_start3A_206 = arith.constant 0 : i32
      %dma_start3A_207 = tpu.memref_slice %arg5[%dma_start3A_204, %dma_start3A_205, %dma_start3A_206] : memref<40x2x128xi32, #tpu.memory_space<vmem>> -> memref<1x1x128xi32, #tpu.memory_space<vmem>>
      %dma_start3A_208 = tpu.memref_squeeze %dma_start3A_207 : memref<1x1x128xi32, #tpu.memory_space<vmem>> -> memref<128xi32, #tpu.memory_space<vmem>>
      %dma_start3A_209 = arith.constant 0 : i32
      %dma_start3A_210 = arith.constant 0 : i32
      %dma_start3A_211 = tpu.memref_slice %arg2[%dma_start3A_209, %dma_start3A_210] : memref<10240x16xf32, #tpu.memory_space<hbm>> -> memref<10240x16xf32, #tpu.memory_space<hbm>>
      tpu.enqueue_indirect_dma source(%dma_start3A_211 : memref<10240x16xf32, #tpu.memory_space<hbm>>) target(%arg12 : memref<128x16xf32, #tpu.memory_space<vmem>>) offsets(%dma_start3A_208 : memref<128xi32, #tpu.memory_space<vmem>>) semaphore(%arg21 : memref<!tpu.dma_semaphore, #tpu.memory_space<semaphore_mem>>)
    } else {
    }
    %ge3A_194 = arith.constant 40 : i32
    %ge3A_195 = arith.cmpi sge, %select_n3A, %ge3A_194 : i32
    %convert_element_type3A_196 = arith.extui %ge3A_195 : i1 to i32
    %cond3A_197 = arith.constant 0 : i32
    %cond3A_198 = arith.cmpi ne, %convert_element_type3A_196, %cond3A_197 : i32
    scf.if %cond3A_198 {
      %dma_wait3A_204 = arith.constant 39 : i32
      %dma_wait3A_205 = arith.constant 0 : i32
      %dma_wait3A_206 = arith.constant 0 : i32
      %dma_wait3A_207 = tpu.memref_slice %arg5[%dma_wait3A_204, %dma_wait3A_205, %dma_wait3A_206] : memref<40x2x128xi32, #tpu.memory_space<vmem>> -> memref<1x1x128xi32, #tpu.memory_space<vmem>>
      %dma_wait3A_208 = tpu.memref_squeeze %dma_wait3A_207 : memref<1x1x128xi32, #tpu.memory_space<vmem>> -> memref<128xi32, #tpu.memory_space<vmem>>
      %dma_wait3A_209 = arith.constant 0 : i32
      %dma_wait3A_210 = arith.constant 0 : i32
      %dma_wait3A_211 = tpu.memref_slice %arg2[%dma_wait3A_209, %dma_wait3A_210] : memref<10240x16xf32, #tpu.memory_space<hbm>> -> memref<10240x16xf32, #tpu.memory_space<hbm>>
      tpu.wait_indirect_dma semaphore(%arg22 : memref<!tpu.dma_semaphore, #tpu.memory_space<semaphore_mem>>) src(%dma_wait3A_211 : memref<10240x16xf32, #tpu.memory_space<hbm>>) dst(%arg13 : memref<128x16xf32, #tpu.memory_space<vmem>>)
      %run_scoped3A_212 = arith.constant 39 : i32
      %run_scoped3A_213 = arith.constant 1 : i32
      "tpu.region"() ({
        %run_scoped3A_219 = tpu.sem_alloc : memref<!tpu.dma_semaphore, #tpu.memory_space<semaphore_mem>>
        %dma_start3A_220 = arith.constant 0 : i32
        %dma_start3A_221 = tpu.memref_slice %arg5[%run_scoped3A_212, %run_scoped3A_213, %dma_start3A_220] : memref<40x2x128xi32, #tpu.memory_space<vmem>> -> memref<1x1x128xi32, #tpu.memory_space<vmem>>
        %dma_start3A_222 = tpu.memref_squeeze %dma_start3A_221 : memref<1x1x128xi32, #tpu.memory_space<vmem>> -> memref<128xi32, #tpu.memory_space<vmem>>
        %dma_start3A_223 = arith.constant 0 : i32
        %dma_start3A_224 = arith.constant 0 : i32
        %dma_start3A_225 = tpu.memref_slice %arg14[%dma_start3A_223, %dma_start3A_224] : memref<10240x16xf32, #tpu.memory_space<vmem_shared>> -> memref<10240x16xf32, #tpu.memory_space<vmem_shared>>
        tpu.enqueue_indirect_dma source(%arg13 : memref<128x16xf32, #tpu.memory_space<vmem>>) target(%dma_start3A_225 : memref<10240x16xf32, #tpu.memory_space<vmem_shared>>) offsets(%dma_start3A_222 : memref<128xi32, #tpu.memory_space<vmem>>) semaphore(%run_scoped3A_219 : memref<!tpu.dma_semaphore, #tpu.memory_space<semaphore_mem>>) {add = true}
        %dma_wait3A_226 = arith.constant 0 : i32
        %dma_wait3A_227 = tpu.memref_slice %arg5[%run_scoped3A_212, %run_scoped3A_213, %dma_wait3A_226] : memref<40x2x128xi32, #tpu.memory_space<vmem>> -> memref<1x1x128xi32, #tpu.memory_space<vmem>>
        %dma_wait3A_228 = tpu.memref_squeeze %dma_wait3A_227 : memref<1x1x128xi32, #tpu.memory_space<vmem>> -> memref<128xi32, #tpu.memory_space<vmem>>
        %dma_wait3A_229 = arith.constant 0 : i32
        %dma_wait3A_230 = arith.constant 0 : i32
        %dma_wait3A_231 = tpu.memref_slice %arg14[%dma_wait3A_229, %dma_wait3A_230] : memref<10240x16xf32, #tpu.memory_space<vmem_shared>> -> memref<10240x16xf32, #tpu.memory_space<vmem_shared>>
        tpu.wait_indirect_dma semaphore(%run_scoped3A_219 : memref<!tpu.dma_semaphore, #tpu.memory_space<semaphore_mem>>) src(%arg13 : memref<128x16xf32, #tpu.memory_space<vmem>>) dst(%dma_wait3A_231 : memref<10240x16xf32, #tpu.memory_space<vmem_shared>>)
        tpu.yield
      }) : () -> ()
      %gt3A_214 = arith.constant 47 : i32
      %gt3A_215 = arith.cmpi sgt, %select_n3A, %gt3A_214 : i32
      %convert_element_type3A_216 = arith.extui %gt3A_215 : i1 to i32
      %cond3A_217 = arith.constant 0 : i32
      %cond3A_218 = arith.cmpi ne, %convert_element_type3A_216, %cond3A_217 : i32
      scf.if %cond3A_218 {
        %dma_start3A_219 = arith.constant 47 : i32
        %dma_start3A_220 = arith.constant 0 : i32
        %dma_start3A_221 = arith.constant 0 : i32
        %dma_start3A_222 = tpu.memref_slice %arg5[%dma_start3A_219, %dma_start3A_220, %dma_start3A_221] : memref<40x2x128xi32, #tpu.memory_space<vmem>> -> memref<1x1x128xi32, #tpu.memory_space<vmem>>
        %dma_start3A_223 = tpu.memref_squeeze %dma_start3A_222 : memref<1x1x128xi32, #tpu.memory_space<vmem>> -> memref<128xi32, #tpu.memory_space<vmem>>
        %dma_start3A_224 = arith.constant 0 : i32
        %dma_start3A_225 = arith.constant 0 : i32
        %dma_start3A_226 = tpu.memref_slice %arg2[%dma_start3A_224, %dma_start3A_225] : memref<10240x16xf32, #tpu.memory_space<hbm>> -> memref<10240x16xf32, #tpu.memory_space<hbm>>
        tpu.enqueue_indirect_dma source(%dma_start3A_226 : memref<10240x16xf32, #tpu.memory_space<hbm>>) target(%arg13 : memref<128x16xf32, #tpu.memory_space<vmem>>) offsets(%dma_start3A_223 : memref<128xi32, #tpu.memory_space<vmem>>) semaphore(%arg22 : memref<!tpu.dma_semaphore, #tpu.memory_space<semaphore_mem>>)
      } else {
      }
    } else {
    }
    %barrier3A_199 = arith.constant 0 : index
    tpu.barrier barrier_id(%barrier3A_199)
    %mul3A_200 = arith.constant 640 : i32
    %mul3A_201 = arith.muli %arg1, %mul3A_200 : i32
    %mul3A_202 = arith.constant 640 : i32
    %mul3A_203 = arith.muli %arg1, %mul3A_202 : i32
    "tpu.region"() ({
      %run_scoped3A_204 = tpu.sem_alloc : memref<!tpu.dma_semaphore, #tpu.memory_space<semaphore_mem>>
      %dma_start3A_205 = arith.constant 0 : i32
      %dma_start3A_206 = tpu.memref_slice %arg4[%arg0, %mul3A_203, %dma_start3A_205] : memref<2x10240x16xf32, #tpu.memory_space<hbm>> -> memref<1x640x16xf32, #tpu.memory_space<hbm>>
      %dma_start3A_207 = tpu.memref_squeeze %dma_start3A_206 : memref<1x640x16xf32, #tpu.memory_space<hbm>> -> memref<640x16xf32, #tpu.memory_space<hbm>>
      %dma_start3A_208 = arith.constant 0 : i32
      %dma_start3A_209 = tpu.memref_slice %arg14[%mul3A_201, %dma_start3A_208] : memref<10240x16xf32, #tpu.memory_space<vmem_shared>> -> memref<640x16xf32, #tpu.memory_space<vmem_shared>>
      tpu.enqueue_dma source(%dma_start3A_209 : memref<640x16xf32, #tpu.memory_space<vmem_shared>>) target(%dma_start3A_207 : memref<640x16xf32, #tpu.memory_space<hbm>>) target_semaphore(%run_scoped3A_204 : memref<!tpu.dma_semaphore, #tpu.memory_space<semaphore_mem>>)
      %dma_wait3A_210 = arith.constant 0 : i32
      %dma_wait3A_211 = tpu.memref_slice %arg4[%arg0, %mul3A_203, %dma_wait3A_210] : memref<2x10240x16xf32, #tpu.memory_space<hbm>> -> memref<1x640x16xf32, #tpu.memory_space<hbm>>
      %dma_wait3A_212 = tpu.memref_squeeze %dma_wait3A_211 : memref<1x640x16xf32, #tpu.memory_space<hbm>> -> memref<640x16xf32, #tpu.memory_space<hbm>>
      %dma_wait3A_213 = arith.constant 0 : i32
      %dma_wait3A_214 = tpu.memref_slice %arg14[%mul3A_201, %dma_wait3A_213] : memref<10240x16xf32, #tpu.memory_space<vmem_shared>> -> memref<640x16xf32, #tpu.memory_space<vmem_shared>>
      tpu.wait_dma2 semaphore(%run_scoped3A_204 : memref<!tpu.dma_semaphore, #tpu.memory_space<semaphore_mem>>) src(%dma_wait3A_214 : memref<640x16xf32, #tpu.memory_space<vmem_shared>>) dst(%dma_wait3A_212 : memref<640x16xf32, #tpu.memory_space<hbm>>)
      tpu.yield
    }) : () -> ()
    return
  }
}

#map = affine_map<(d0, d1) -> (0, 0)>
#map1 = affine_map<(d0, d1) -> (0, 0, 0)>
module attributes {stable_mosaic.version = 14 : i64} {
  func.func @_prop_body(%arg0: i32, %arg1: i32, %arg2: memref<10240x64xf32, #tpu.memory_space<hbm>>, %arg3: memref<1250x2x128xi32, #tpu.memory_space<hbm>>, %arg4: memref<2x10240x64xf32, #tpu.memory_space<hbm>>, %arg5: memref<40x2x128xi32, #tpu.memory_space<vmem>>, %arg6: memref<128x64xf32, #tpu.memory_space<vmem>>, %arg7: memref<128x64xf32, #tpu.memory_space<vmem>>, %arg8: memref<128x64xf32, #tpu.memory_space<vmem>>, %arg9: memref<128x64xf32, #tpu.memory_space<vmem>>, %arg10: memref<128x64xf32, #tpu.memory_space<vmem>>, %arg11: memref<128x64xf32, #tpu.memory_space<vmem>>, %arg12: memref<128x64xf32, #tpu.memory_space<vmem>>, %arg13: memref<128x64xf32, #tpu.memory_space<vmem>>, %arg14: memref<10240x64xf32, #tpu.memory_space<vmem_shared>>, %arg15: memref<!tpu.dma_semaphore, #tpu.memory_space<semaphore_mem>>, %arg16: memref<!tpu.dma_semaphore, #tpu.memory_space<semaphore_mem>>, %arg17: memref<!tpu.dma_semaphore, #tpu.memory_space<semaphore_mem>>, %arg18: memref<!tpu.dma_semaphore, #tpu.memory_space<semaphore_mem>>, %arg19: memref<!tpu.dma_semaphore, #tpu.memory_space<semaphore_mem>>, %arg20: memref<!tpu.dma_semaphore, #tpu.memory_space<semaphore_mem>>, %arg21: memref<!tpu.dma_semaphore, #tpu.memory_space<semaphore_mem>>, %arg22: memref<!tpu.dma_semaphore, #tpu.memory_space<semaphore_mem>>) attributes {dimension_semantics = [#tpu.dimension_semantics<core_parallel>, #tpu.dimension_semantics<subcore_parallel>], iteration_bounds = array<i64: 2, 16>, scalar_prefetch = 0 : i64, scratch_operands = 18 : i64, tpu.core_type = #tpu.core_type<sc_vector_subcore>, window_params = [{transform_indices = #map}, {transform_indices = #map1}, {transform_indices = #map1}]} {
    %mul3A = arith.constant 2 : i32
    %mul3A_0 = arith.muli %arg1, %mul3A : i32
    %add3A = arith.addi %mul3A_0, %arg0 : i32
    %lt3A = arith.constant 2 : i32
    %lt3A_1 = arith.cmpi slt, %add3A, %lt3A : i32
    %jit3A = arith.constant 40 : i32
    %jit3A_2 = arith.constant 39 : i32
    %select_n3A = arith.select %lt3A_1, %jit3A, %jit3A_2 : i32
    %lt3A_3 = arith.constant 2 : i32
    %lt3A_4 = arith.cmpi slt, %add3A, %lt3A_3 : i32
    %mul3A_5 = arith.constant 40 : i32
    %mul3A_6 = arith.muli %add3A, %mul3A_5 : i32
    %sub3A = arith.constant 2 : i32
    %sub3A_7 = arith.subi %add3A, %sub3A : i32
    %mul3A_8 = arith.constant 39 : i32
    %mul3A_9 = arith.muli %sub3A_7, %mul3A_8 : i32
    %add3A_10 = arith.constant 80 : i32
    %add3A_11 = arith.addi %add3A_10, %mul3A_9 : i32
    %select_n3A_12 = arith.select %lt3A_4, %mul3A_6, %add3A_11 : i32
    %lt3A_13 = arith.constant 80 : i32
    %lt3A_14 = arith.cmpi slt, %select_n3A_12, %lt3A_13 : i32
    %convert_element_type3A = arith.extui %lt3A_14 : i1 to i32
    %cond3A = arith.constant 0 : i32
    %cond3A_15 = arith.cmpi ne, %convert_element_type3A, %cond3A : i32
    scf.if %cond3A_15 {
      "tpu.region"() ({
        %run_scoped3A_204 = tpu.sem_alloc : memref<!tpu.dma_semaphore, #tpu.memory_space<semaphore_mem>>
        %dma_start3A_205 = arith.constant 0 : i32
        %dma_start3A_206 = arith.constant 0 : i32
        %dma_start3A_207 = tpu.memref_slice %arg3[%select_n3A_12, %dma_start3A_205, %dma_start3A_206] : memref<1250x2x128xi32, #tpu.memory_space<hbm>> -> memref<40x2x128xi32, #tpu.memory_space<hbm>>
        %dma_start3A_208 = arith.constant 0 : i32
        %dma_start3A_209 = arith.constant 0 : i32
        %dma_start3A_210 = tpu.memref_slice %arg3[%select_n3A_12, %dma_start3A_208, %dma_start3A_209] : memref<1250x2x128xi32, #tpu.memory_space<hbm>> -> memref<40x2x128xi32, #tpu.memory_space<hbm>>
        tpu.enqueue_dma source(%dma_start3A_210 : memref<40x2x128xi32, #tpu.memory_space<hbm>>) target(%arg5 : memref<40x2x128xi32, #tpu.memory_space<vmem>>) target_semaphore(%run_scoped3A_204 : memref<!tpu.dma_semaphore, #tpu.memory_space<semaphore_mem>>)
        %dma_wait3A_211 = arith.constant 0 : i32
        %dma_wait3A_212 = arith.constant 0 : i32
        %dma_wait3A_213 = tpu.memref_slice %arg3[%select_n3A_12, %dma_wait3A_211, %dma_wait3A_212] : memref<1250x2x128xi32, #tpu.memory_space<hbm>> -> memref<40x2x128xi32, #tpu.memory_space<hbm>>
        %dma_wait3A_214 = arith.constant 0 : i32
        %dma_wait3A_215 = arith.constant 0 : i32
        %dma_wait3A_216 = tpu.memref_slice %arg3[%select_n3A_12, %dma_wait3A_214, %dma_wait3A_215] : memref<1250x2x128xi32, #tpu.memory_space<hbm>> -> memref<40x2x128xi32, #tpu.memory_space<hbm>>
        tpu.wait_dma2 semaphore(%run_scoped3A_204 : memref<!tpu.dma_semaphore, #tpu.memory_space<semaphore_mem>>) src(%dma_wait3A_216 : memref<40x2x128xi32, #tpu.memory_space<hbm>>) dst(%arg5 : memref<40x2x128xi32, #tpu.memory_space<vmem>>)
        tpu.yield
      }) : () -> ()
    } else {
    }
    %ge3A = arith.constant 80 : i32
    %ge3A_16 = arith.cmpi sge, %select_n3A_12, %ge3A : i32
    %convert_element_type3A_17 = arith.extui %ge3A_16 : i1 to i32
    %cond3A_18 = arith.constant 0 : i32
    %cond3A_19 = arith.cmpi ne, %convert_element_type3A_17, %cond3A_18 : i32
    scf.if %cond3A_19 {
      "tpu.region"() ({
        %run_scoped3A_204 = tpu.sem_alloc : memref<!tpu.dma_semaphore, #tpu.memory_space<semaphore_mem>>
        %dma_start3A_205 = arith.constant 0 : i32
        %dma_start3A_206 = arith.constant 0 : i32
        %dma_start3A_207 = arith.constant 0 : i32
        %dma_start3A_208 = tpu.memref_slice %arg5[%dma_start3A_205, %dma_start3A_206, %dma_start3A_207] : memref<40x2x128xi32, #tpu.memory_space<vmem>> -> memref<39x2x128xi32, #tpu.memory_space<vmem>>
        %dma_start3A_209 = arith.constant 0 : i32
        %dma_start3A_210 = arith.constant 0 : i32
        %dma_start3A_211 = tpu.memref_slice %arg3[%select_n3A_12, %dma_start3A_209, %dma_start3A_210] : memref<1250x2x128xi32, #tpu.memory_space<hbm>> -> memref<39x2x128xi32, #tpu.memory_space<hbm>>
        %dma_start3A_212 = arith.constant 0 : i32
        %dma_start3A_213 = arith.constant 0 : i32
        %dma_start3A_214 = arith.constant 0 : i32
        %dma_start3A_215 = tpu.memref_slice %arg5[%dma_start3A_212, %dma_start3A_213, %dma_start3A_214] : memref<40x2x128xi32, #tpu.memory_space<vmem>> -> memref<39x2x128xi32, #tpu.memory_space<vmem>>
        %dma_start3A_216 = arith.constant 0 : i32
        %dma_start3A_217 = arith.constant 0 : i32
        %dma_start3A_218 = tpu.memref_slice %arg3[%select_n3A_12, %dma_start3A_216, %dma_start3A_217] : memref<1250x2x128xi32, #tpu.memory_space<hbm>> -> memref<39x2x128xi32, #tpu.memory_space<hbm>>
        tpu.enqueue_dma source(%dma_start3A_218 : memref<39x2x128xi32, #tpu.memory_space<hbm>>) target(%dma_start3A_215 : memref<39x2x128xi32, #tpu.memory_space<vmem>>) target_semaphore(%run_scoped3A_204 : memref<!tpu.dma_semaphore, #tpu.memory_space<semaphore_mem>>)
        %dma_wait3A_219 = arith.constant 0 : i32
        %dma_wait3A_220 = arith.constant 0 : i32
        %dma_wait3A_221 = arith.constant 0 : i32
        %dma_wait3A_222 = tpu.memref_slice %arg5[%dma_wait3A_219, %dma_wait3A_220, %dma_wait3A_221] : memref<40x2x128xi32, #tpu.memory_space<vmem>> -> memref<39x2x128xi32, #tpu.memory_space<vmem>>
        %dma_wait3A_223 = arith.constant 0 : i32
        %dma_wait3A_224 = arith.constant 0 : i32
        %dma_wait3A_225 = tpu.memref_slice %arg3[%select_n3A_12, %dma_wait3A_223, %dma_wait3A_224] : memref<1250x2x128xi32, #tpu.memory_space<hbm>> -> memref<39x2x128xi32, #tpu.memory_space<hbm>>
        %dma_wait3A_226 = arith.constant 0 : i32
        %dma_wait3A_227 = arith.constant 0 : i32
        %dma_wait3A_228 = arith.constant 0 : i32
        %dma_wait3A_229 = tpu.memref_slice %arg5[%dma_wait3A_226, %dma_wait3A_227, %dma_wait3A_228] : memref<40x2x128xi32, #tpu.memory_space<vmem>> -> memref<39x2x128xi32, #tpu.memory_space<vmem>>
        %dma_wait3A_230 = arith.constant 0 : i32
        %dma_wait3A_231 = arith.constant 0 : i32
        %dma_wait3A_232 = tpu.memref_slice %arg3[%select_n3A_12, %dma_wait3A_230, %dma_wait3A_231] : memref<1250x2x128xi32, #tpu.memory_space<hbm>> -> memref<39x2x128xi32, #tpu.memory_space<hbm>>
        tpu.wait_dma2 semaphore(%run_scoped3A_204 : memref<!tpu.dma_semaphore, #tpu.memory_space<semaphore_mem>>) src(%dma_wait3A_232 : memref<39x2x128xi32, #tpu.memory_space<hbm>>) dst(%dma_wait3A_229 : memref<39x2x128xi32, #tpu.memory_space<vmem>>)
        tpu.yield
      }) : () -> ()
    } else {
    }
    %dma_start3A = arith.constant 0 : i32
    %dma_start3A_20 = arith.constant 0 : i32
    %dma_start3A_21 = arith.constant 0 : i32
    %dma_start3A_22 = tpu.memref_slice %arg5[%dma_start3A, %dma_start3A_20, %dma_start3A_21] : memref<40x2x128xi32, #tpu.memory_space<vmem>> -> memref<1x1x128xi32, #tpu.memory_space<vmem>>
    %dma_start3A_23 = tpu.memref_squeeze %dma_start3A_22 : memref<1x1x128xi32, #tpu.memory_space<vmem>> -> memref<128xi32, #tpu.memory_space<vmem>>
    %dma_start3A_24 = arith.constant 0 : i32
    %dma_start3A_25 = arith.constant 0 : i32
    %dma_start3A_26 = tpu.memref_slice %arg2[%dma_start3A_24, %dma_start3A_25] : memref<10240x64xf32, #tpu.memory_space<hbm>> -> memref<10240x64xf32, #tpu.memory_space<hbm>>
    tpu.enqueue_indirect_dma source(%dma_start3A_26 : memref<10240x64xf32, #tpu.memory_space<hbm>>) target(%arg6 : memref<128x64xf32, #tpu.memory_space<vmem>>) offsets(%dma_start3A_23 : memref<128xi32, #tpu.memory_space<vmem>>) semaphore(%arg15 : memref<!tpu.dma_semaphore, #tpu.memory_space<semaphore_mem>>)
    %dma_start3A_27 = arith.constant 1 : i32
    %dma_start3A_28 = arith.constant 0 : i32
    %dma_start3A_29 = arith.constant 0 : i32
    %dma_start3A_30 = tpu.memref_slice %arg5[%dma_start3A_27, %dma_start3A_28, %dma_start3A_29] : memref<40x2x128xi32, #tpu.memory_space<vmem>> -> memref<1x1x128xi32, #tpu.memory_space<vmem>>
    %dma_start3A_31 = tpu.memref_squeeze %dma_start3A_30 : memref<1x1x128xi32, #tpu.memory_space<vmem>> -> memref<128xi32, #tpu.memory_space<vmem>>
    %dma_start3A_32 = arith.constant 0 : i32
    %dma_start3A_33 = arith.constant 0 : i32
    %dma_start3A_34 = tpu.memref_slice %arg2[%dma_start3A_32, %dma_start3A_33] : memref<10240x64xf32, #tpu.memory_space<hbm>> -> memref<10240x64xf32, #tpu.memory_space<hbm>>
    tpu.enqueue_indirect_dma source(%dma_start3A_34 : memref<10240x64xf32, #tpu.memory_space<hbm>>) target(%arg7 : memref<128x64xf32, #tpu.memory_space<vmem>>) offsets(%dma_start3A_31 : memref<128xi32, #tpu.memory_space<vmem>>) semaphore(%arg16 : memref<!tpu.dma_semaphore, #tpu.memory_space<semaphore_mem>>)
    %dma_start3A_35 = arith.constant 2 : i32
    %dma_start3A_36 = arith.constant 0 : i32
    %dma_start3A_37 = arith.constant 0 : i32
    %dma_start3A_38 = tpu.memref_slice %arg5[%dma_start3A_35, %dma_start3A_36, %dma_start3A_37] : memref<40x2x128xi32, #tpu.memory_space<vmem>> -> memref<1x1x128xi32, #tpu.memory_space<vmem>>
    %dma_start3A_39 = tpu.memref_squeeze %dma_start3A_38 : memref<1x1x128xi32, #tpu.memory_space<vmem>> -> memref<128xi32, #tpu.memory_space<vmem>>
    %dma_start3A_40 = arith.constant 0 : i32
    %dma_start3A_41 = arith.constant 0 : i32
    %dma_start3A_42 = tpu.memref_slice %arg2[%dma_start3A_40, %dma_start3A_41] : memref<10240x64xf32, #tpu.memory_space<hbm>> -> memref<10240x64xf32, #tpu.memory_space<hbm>>
    tpu.enqueue_indirect_dma source(%dma_start3A_42 : memref<10240x64xf32, #tpu.memory_space<hbm>>) target(%arg8 : memref<128x64xf32, #tpu.memory_space<vmem>>) offsets(%dma_start3A_39 : memref<128xi32, #tpu.memory_space<vmem>>) semaphore(%arg17 : memref<!tpu.dma_semaphore, #tpu.memory_space<semaphore_mem>>)
    %dma_start3A_43 = arith.constant 3 : i32
    %dma_start3A_44 = arith.constant 0 : i32
    %dma_start3A_45 = arith.constant 0 : i32
    %dma_start3A_46 = tpu.memref_slice %arg5[%dma_start3A_43, %dma_start3A_44, %dma_start3A_45] : memref<40x2x128xi32, #tpu.memory_space<vmem>> -> memref<1x1x128xi32, #tpu.memory_space<vmem>>
    %dma_start3A_47 = tpu.memref_squeeze %dma_start3A_46 : memref<1x1x128xi32, #tpu.memory_space<vmem>> -> memref<128xi32, #tpu.memory_space<vmem>>
    %dma_start3A_48 = arith.constant 0 : i32
    %dma_start3A_49 = arith.constant 0 : i32
    %dma_start3A_50 = tpu.memref_slice %arg2[%dma_start3A_48, %dma_start3A_49] : memref<10240x64xf32, #tpu.memory_space<hbm>> -> memref<10240x64xf32, #tpu.memory_space<hbm>>
    tpu.enqueue_indirect_dma source(%dma_start3A_50 : memref<10240x64xf32, #tpu.memory_space<hbm>>) target(%arg9 : memref<128x64xf32, #tpu.memory_space<vmem>>) offsets(%dma_start3A_47 : memref<128xi32, #tpu.memory_space<vmem>>) semaphore(%arg18 : memref<!tpu.dma_semaphore, #tpu.memory_space<semaphore_mem>>)
    %dma_start3A_51 = arith.constant 4 : i32
    %dma_start3A_52 = arith.constant 0 : i32
    %dma_start3A_53 = arith.constant 0 : i32
    %dma_start3A_54 = tpu.memref_slice %arg5[%dma_start3A_51, %dma_start3A_52, %dma_start3A_53] : memref<40x2x128xi32, #tpu.memory_space<vmem>> -> memref<1x1x128xi32, #tpu.memory_space<vmem>>
    %dma_start3A_55 = tpu.memref_squeeze %dma_start3A_54 : memref<1x1x128xi32, #tpu.memory_space<vmem>> -> memref<128xi32, #tpu.memory_space<vmem>>
    %dma_start3A_56 = arith.constant 0 : i32
    %dma_start3A_57 = arith.constant 0 : i32
    %dma_start3A_58 = tpu.memref_slice %arg2[%dma_start3A_56, %dma_start3A_57] : memref<10240x64xf32, #tpu.memory_space<hbm>> -> memref<10240x64xf32, #tpu.memory_space<hbm>>
    tpu.enqueue_indirect_dma source(%dma_start3A_58 : memref<10240x64xf32, #tpu.memory_space<hbm>>) target(%arg10 : memref<128x64xf32, #tpu.memory_space<vmem>>) offsets(%dma_start3A_55 : memref<128xi32, #tpu.memory_space<vmem>>) semaphore(%arg19 : memref<!tpu.dma_semaphore, #tpu.memory_space<semaphore_mem>>)
    %dma_start3A_59 = arith.constant 5 : i32
    %dma_start3A_60 = arith.constant 0 : i32
    %dma_start3A_61 = arith.constant 0 : i32
    %dma_start3A_62 = tpu.memref_slice %arg5[%dma_start3A_59, %dma_start3A_60, %dma_start3A_61] : memref<40x2x128xi32, #tpu.memory_space<vmem>> -> memref<1x1x128xi32, #tpu.memory_space<vmem>>
    %dma_start3A_63 = tpu.memref_squeeze %dma_start3A_62 : memref<1x1x128xi32, #tpu.memory_space<vmem>> -> memref<128xi32, #tpu.memory_space<vmem>>
    %dma_start3A_64 = arith.constant 0 : i32
    %dma_start3A_65 = arith.constant 0 : i32
    %dma_start3A_66 = tpu.memref_slice %arg2[%dma_start3A_64, %dma_start3A_65] : memref<10240x64xf32, #tpu.memory_space<hbm>> -> memref<10240x64xf32, #tpu.memory_space<hbm>>
    tpu.enqueue_indirect_dma source(%dma_start3A_66 : memref<10240x64xf32, #tpu.memory_space<hbm>>) target(%arg11 : memref<128x64xf32, #tpu.memory_space<vmem>>) offsets(%dma_start3A_63 : memref<128xi32, #tpu.memory_space<vmem>>) semaphore(%arg20 : memref<!tpu.dma_semaphore, #tpu.memory_space<semaphore_mem>>)
    %dma_start3A_67 = arith.constant 6 : i32
    %dma_start3A_68 = arith.constant 0 : i32
    %dma_start3A_69 = arith.constant 0 : i32
    %dma_start3A_70 = tpu.memref_slice %arg5[%dma_start3A_67, %dma_start3A_68, %dma_start3A_69] : memref<40x2x128xi32, #tpu.memory_space<vmem>> -> memref<1x1x128xi32, #tpu.memory_space<vmem>>
    %dma_start3A_71 = tpu.memref_squeeze %dma_start3A_70 : memref<1x1x128xi32, #tpu.memory_space<vmem>> -> memref<128xi32, #tpu.memory_space<vmem>>
    %dma_start3A_72 = arith.constant 0 : i32
    %dma_start3A_73 = arith.constant 0 : i32
    %dma_start3A_74 = tpu.memref_slice %arg2[%dma_start3A_72, %dma_start3A_73] : memref<10240x64xf32, #tpu.memory_space<hbm>> -> memref<10240x64xf32, #tpu.memory_space<hbm>>
    tpu.enqueue_indirect_dma source(%dma_start3A_74 : memref<10240x64xf32, #tpu.memory_space<hbm>>) target(%arg12 : memref<128x64xf32, #tpu.memory_space<vmem>>) offsets(%dma_start3A_71 : memref<128xi32, #tpu.memory_space<vmem>>) semaphore(%arg21 : memref<!tpu.dma_semaphore, #tpu.memory_space<semaphore_mem>>)
    %dma_start3A_75 = arith.constant 7 : i32
    %dma_start3A_76 = arith.constant 0 : i32
    %dma_start3A_77 = arith.constant 0 : i32
    %dma_start3A_78 = tpu.memref_slice %arg5[%dma_start3A_75, %dma_start3A_76, %dma_start3A_77] : memref<40x2x128xi32, #tpu.memory_space<vmem>> -> memref<1x1x128xi32, #tpu.memory_space<vmem>>
    %dma_start3A_79 = tpu.memref_squeeze %dma_start3A_78 : memref<1x1x128xi32, #tpu.memory_space<vmem>> -> memref<128xi32, #tpu.memory_space<vmem>>
    %dma_start3A_80 = arith.constant 0 : i32
    %dma_start3A_81 = arith.constant 0 : i32
    %dma_start3A_82 = tpu.memref_slice %arg2[%dma_start3A_80, %dma_start3A_81] : memref<10240x64xf32, #tpu.memory_space<hbm>> -> memref<10240x64xf32, #tpu.memory_space<hbm>>
    tpu.enqueue_indirect_dma source(%dma_start3A_82 : memref<10240x64xf32, #tpu.memory_space<hbm>>) target(%arg13 : memref<128x64xf32, #tpu.memory_space<vmem>>) offsets(%dma_start3A_79 : memref<128xi32, #tpu.memory_space<vmem>>) semaphore(%arg22 : memref<!tpu.dma_semaphore, #tpu.memory_space<semaphore_mem>>)
    %mul3A_83 = arith.constant 640 : i32
    %mul3A_84 = arith.muli %arg1, %mul3A_83 : i32
    %mul3A_85 = arith.constant 640 : i32
    %mul3A_86 = arith.muli %arg1, %mul3A_85 : i32
    "tpu.region"() ({
      %run_scoped3A_204 = tpu.sem_alloc : memref<!tpu.dma_semaphore, #tpu.memory_space<semaphore_mem>>
      %dma_start3A_205 = arith.constant 0 : i32
      %dma_start3A_206 = tpu.memref_slice %arg14[%mul3A_86, %dma_start3A_205] : memref<10240x64xf32, #tpu.memory_space<vmem_shared>> -> memref<640x64xf32, #tpu.memory_space<vmem_shared>>
      %dma_start3A_207 = arith.constant 0 : i32
      %dma_start3A_208 = tpu.memref_slice %arg2[%mul3A_84, %dma_start3A_207] : memref<10240x64xf32, #tpu.memory_space<hbm>> -> memref<640x64xf32, #tpu.memory_space<hbm>>
      tpu.enqueue_dma source(%dma_start3A_208 : memref<640x64xf32, #tpu.memory_space<hbm>>) target(%dma_start3A_206 : memref<640x64xf32, #tpu.memory_space<vmem_shared>>) target_semaphore(%run_scoped3A_204 : memref<!tpu.dma_semaphore, #tpu.memory_space<semaphore_mem>>)
      %dma_wait3A_209 = arith.constant 0 : i32
      %dma_wait3A_210 = tpu.memref_slice %arg14[%mul3A_86, %dma_wait3A_209] : memref<10240x64xf32, #tpu.memory_space<vmem_shared>> -> memref<640x64xf32, #tpu.memory_space<vmem_shared>>
      %dma_wait3A_211 = arith.constant 0 : i32
      %dma_wait3A_212 = tpu.memref_slice %arg2[%mul3A_84, %dma_wait3A_211] : memref<10240x64xf32, #tpu.memory_space<hbm>> -> memref<640x64xf32, #tpu.memory_space<hbm>>
      tpu.wait_dma2 semaphore(%run_scoped3A_204 : memref<!tpu.dma_semaphore, #tpu.memory_space<semaphore_mem>>) src(%dma_wait3A_212 : memref<640x64xf32, #tpu.memory_space<hbm>>) dst(%dma_wait3A_210 : memref<640x64xf32, #tpu.memory_space<vmem_shared>>)
      tpu.yield
    }) : () -> ()
    %barrier3A = arith.constant 0 : index
    tpu.barrier barrier_id(%barrier3A)
    %scan3A = arith.constant 0 : i32
    %scan3A_87 = arith.constant 0 : i32
    %scan3A_88 = arith.constant 4 : i32
    %scan3A_89 = arith.addi %scan3A_87, %scan3A_88 : i32
    %scan3A_90 = arith.constant 1 : i32
    scf.for %scan3A_204 = %scan3A_87 to %scan3A_89 step %scan3A_90  : i32 {
      %mul3A_205 = arith.constant 8 : i32
      %mul3A_206 = arith.muli %mul3A_205, %scan3A_204 : i32
      %add3A_207 = arith.constant 0 : i32
      %add3A_208 = arith.addi %mul3A_206, %add3A_207 : i32
      %dma_wait3A_209 = arith.constant 0 : i32
      %dma_wait3A_210 = arith.constant 0 : i32
      %dma_wait3A_211 = tpu.memref_slice %arg5[%add3A_208, %dma_wait3A_209, %dma_wait3A_210] : memref<40x2x128xi32, #tpu.memory_space<vmem>> -> memref<1x1x128xi32, #tpu.memory_space<vmem>>
      %dma_wait3A_212 = tpu.memref_squeeze %dma_wait3A_211 : memref<1x1x128xi32, #tpu.memory_space<vmem>> -> memref<128xi32, #tpu.memory_space<vmem>>
      %dma_wait3A_213 = arith.constant 0 : i32
      %dma_wait3A_214 = arith.constant 0 : i32
      %dma_wait3A_215 = tpu.memref_slice %arg2[%dma_wait3A_213, %dma_wait3A_214] : memref<10240x64xf32, #tpu.memory_space<hbm>> -> memref<10240x64xf32, #tpu.memory_space<hbm>>
      tpu.wait_indirect_dma semaphore(%arg15 : memref<!tpu.dma_semaphore, #tpu.memory_space<semaphore_mem>>) src(%dma_wait3A_215 : memref<10240x64xf32, #tpu.memory_space<hbm>>) dst(%arg6 : memref<128x64xf32, #tpu.memory_space<vmem>>)
      %run_scoped3A_216 = arith.constant 1 : i32
      "tpu.region"() ({
        %run_scoped3A_349 = tpu.sem_alloc : memref<!tpu.dma_semaphore, #tpu.memory_space<semaphore_mem>>
        %dma_start3A_350 = arith.constant 0 : i32
        %dma_start3A_351 = tpu.memref_slice %arg5[%add3A_208, %run_scoped3A_216, %dma_start3A_350] : memref<40x2x128xi32, #tpu.memory_space<vmem>> -> memref<1x1x128xi32, #tpu.memory_space<vmem>>
        %dma_start3A_352 = tpu.memref_squeeze %dma_start3A_351 : memref<1x1x128xi32, #tpu.memory_space<vmem>> -> memref<128xi32, #tpu.memory_space<vmem>>
        %dma_start3A_353 = arith.constant 0 : i32
        %dma_start3A_354 = arith.constant 0 : i32
        %dma_start3A_355 = tpu.memref_slice %arg14[%dma_start3A_353, %dma_start3A_354] : memref<10240x64xf32, #tpu.memory_space<vmem_shared>> -> memref<10240x64xf32, #tpu.memory_space<vmem_shared>>
        tpu.enqueue_indirect_dma source(%arg6 : memref<128x64xf32, #tpu.memory_space<vmem>>) target(%dma_start3A_355 : memref<10240x64xf32, #tpu.memory_space<vmem_shared>>) offsets(%dma_start3A_352 : memref<128xi32, #tpu.memory_space<vmem>>) semaphore(%run_scoped3A_349 : memref<!tpu.dma_semaphore, #tpu.memory_space<semaphore_mem>>) {add = true}
        %dma_wait3A_356 = arith.constant 0 : i32
        %dma_wait3A_357 = tpu.memref_slice %arg5[%add3A_208, %run_scoped3A_216, %dma_wait3A_356] : memref<40x2x128xi32, #tpu.memory_space<vmem>> -> memref<1x1x128xi32, #tpu.memory_space<vmem>>
        %dma_wait3A_358 = tpu.memref_squeeze %dma_wait3A_357 : memref<1x1x128xi32, #tpu.memory_space<vmem>> -> memref<128xi32, #tpu.memory_space<vmem>>
        %dma_wait3A_359 = arith.constant 0 : i32
        %dma_wait3A_360 = arith.constant 0 : i32
        %dma_wait3A_361 = tpu.memref_slice %arg14[%dma_wait3A_359, %dma_wait3A_360] : memref<10240x64xf32, #tpu.memory_space<vmem_shared>> -> memref<10240x64xf32, #tpu.memory_space<vmem_shared>>
        tpu.wait_indirect_dma semaphore(%run_scoped3A_349 : memref<!tpu.dma_semaphore, #tpu.memory_space<semaphore_mem>>) src(%arg6 : memref<128x64xf32, #tpu.memory_space<vmem>>) dst(%dma_wait3A_361 : memref<10240x64xf32, #tpu.memory_space<vmem_shared>>)
        tpu.yield
      }) : () -> ()
      %add3A_217 = arith.constant 8 : i32
      %add3A_218 = arith.addi %add3A_208, %add3A_217 : i32
      %lt3A_219 = arith.cmpi slt, %add3A_218, %select_n3A : i32
      %convert_element_type3A_220 = arith.extui %lt3A_219 : i1 to i32
      %cond3A_221 = arith.constant 0 : i32
      %cond3A_222 = arith.cmpi ne, %convert_element_type3A_220, %cond3A_221 : i32
      scf.if %cond3A_222 {
        %add3A_349 = arith.constant 8 : i32
        %add3A_350 = arith.addi %add3A_208, %add3A_349 : i32
        %dma_start3A_351 = arith.constant 0 : i32
        %dma_start3A_352 = arith.constant 0 : i32
        %dma_start3A_353 = tpu.memref_slice %arg5[%add3A_350, %dma_start3A_351, %dma_start3A_352] : memref<40x2x128xi32, #tpu.memory_space<vmem>> -> memref<1x1x128xi32, #tpu.memory_space<vmem>>
        %dma_start3A_354 = tpu.memref_squeeze %dma_start3A_353 : memref<1x1x128xi32, #tpu.memory_space<vmem>> -> memref<128xi32, #tpu.memory_space<vmem>>
        %dma_start3A_355 = arith.constant 0 : i32
        %dma_start3A_356 = arith.constant 0 : i32
        %dma_start3A_357 = tpu.memref_slice %arg2[%dma_start3A_355, %dma_start3A_356] : memref<10240x64xf32, #tpu.memory_space<hbm>> -> memref<10240x64xf32, #tpu.memory_space<hbm>>
        tpu.enqueue_indirect_dma source(%dma_start3A_357 : memref<10240x64xf32, #tpu.memory_space<hbm>>) target(%arg6 : memref<128x64xf32, #tpu.memory_space<vmem>>) offsets(%dma_start3A_354 : memref<128xi32, #tpu.memory_space<vmem>>) semaphore(%arg15 : memref<!tpu.dma_semaphore, #tpu.memory_space<semaphore_mem>>)
      } else {
      }
      %mul3A_223 = arith.constant 8 : i32
      %mul3A_224 = arith.muli %mul3A_223, %scan3A_204 : i32
      %add3A_225 = arith.constant 1 : i32
      %add3A_226 = arith.addi %mul3A_224, %add3A_225 : i32
      %dma_wait3A_227 = arith.constant 0 : i32
      %dma_wait3A_228 = arith.constant 0 : i32
      %dma_wait3A_229 = tpu.memref_slice %arg5[%add3A_226, %dma_wait3A_227, %dma_wait3A_228] : memref<40x2x128xi32, #tpu.memory_space<vmem>> -> memref<1x1x128xi32, #tpu.memory_space<vmem>>
      %dma_wait3A_230 = tpu.memref_squeeze %dma_wait3A_229 : memref<1x1x128xi32, #tpu.memory_space<vmem>> -> memref<128xi32, #tpu.memory_space<vmem>>
      %dma_wait3A_231 = arith.constant 0 : i32
      %dma_wait3A_232 = arith.constant 0 : i32
      %dma_wait3A_233 = tpu.memref_slice %arg2[%dma_wait3A_231, %dma_wait3A_232] : memref<10240x64xf32, #tpu.memory_space<hbm>> -> memref<10240x64xf32, #tpu.memory_space<hbm>>
      tpu.wait_indirect_dma semaphore(%arg16 : memref<!tpu.dma_semaphore, #tpu.memory_space<semaphore_mem>>) src(%dma_wait3A_233 : memref<10240x64xf32, #tpu.memory_space<hbm>>) dst(%arg7 : memref<128x64xf32, #tpu.memory_space<vmem>>)
      %run_scoped3A_234 = arith.constant 1 : i32
      "tpu.region"() ({
        %run_scoped3A_349 = tpu.sem_alloc : memref<!tpu.dma_semaphore, #tpu.memory_space<semaphore_mem>>
        %dma_start3A_350 = arith.constant 0 : i32
        %dma_start3A_351 = tpu.memref_slice %arg5[%add3A_226, %run_scoped3A_234, %dma_start3A_350] : memref<40x2x128xi32, #tpu.memory_space<vmem>> -> memref<1x1x128xi32, #tpu.memory_space<vmem>>
        %dma_start3A_352 = tpu.memref_squeeze %dma_start3A_351 : memref<1x1x128xi32, #tpu.memory_space<vmem>> -> memref<128xi32, #tpu.memory_space<vmem>>
        %dma_start3A_353 = arith.constant 0 : i32
        %dma_start3A_354 = arith.constant 0 : i32
        %dma_start3A_355 = tpu.memref_slice %arg14[%dma_start3A_353, %dma_start3A_354] : memref<10240x64xf32, #tpu.memory_space<vmem_shared>> -> memref<10240x64xf32, #tpu.memory_space<vmem_shared>>
        tpu.enqueue_indirect_dma source(%arg7 : memref<128x64xf32, #tpu.memory_space<vmem>>) target(%dma_start3A_355 : memref<10240x64xf32, #tpu.memory_space<vmem_shared>>) offsets(%dma_start3A_352 : memref<128xi32, #tpu.memory_space<vmem>>) semaphore(%run_scoped3A_349 : memref<!tpu.dma_semaphore, #tpu.memory_space<semaphore_mem>>) {add = true}
        %dma_wait3A_356 = arith.constant 0 : i32
        %dma_wait3A_357 = tpu.memref_slice %arg5[%add3A_226, %run_scoped3A_234, %dma_wait3A_356] : memref<40x2x128xi32, #tpu.memory_space<vmem>> -> memref<1x1x128xi32, #tpu.memory_space<vmem>>
        %dma_wait3A_358 = tpu.memref_squeeze %dma_wait3A_357 : memref<1x1x128xi32, #tpu.memory_space<vmem>> -> memref<128xi32, #tpu.memory_space<vmem>>
        %dma_wait3A_359 = arith.constant 0 : i32
        %dma_wait3A_360 = arith.constant 0 : i32
        %dma_wait3A_361 = tpu.memref_slice %arg14[%dma_wait3A_359, %dma_wait3A_360] : memref<10240x64xf32, #tpu.memory_space<vmem_shared>> -> memref<10240x64xf32, #tpu.memory_space<vmem_shared>>
        tpu.wait_indirect_dma semaphore(%run_scoped3A_349 : memref<!tpu.dma_semaphore, #tpu.memory_space<semaphore_mem>>) src(%arg7 : memref<128x64xf32, #tpu.memory_space<vmem>>) dst(%dma_wait3A_361 : memref<10240x64xf32, #tpu.memory_space<vmem_shared>>)
        tpu.yield
      }) : () -> ()
      %add3A_235 = arith.constant 8 : i32
      %add3A_236 = arith.addi %add3A_226, %add3A_235 : i32
      %lt3A_237 = arith.cmpi slt, %add3A_236, %select_n3A : i32
      %convert_element_type3A_238 = arith.extui %lt3A_237 : i1 to i32
      %cond3A_239 = arith.constant 0 : i32
      %cond3A_240 = arith.cmpi ne, %convert_element_type3A_238, %cond3A_239 : i32
      scf.if %cond3A_240 {
        %add3A_349 = arith.constant 8 : i32
        %add3A_350 = arith.addi %add3A_226, %add3A_349 : i32
        %dma_start3A_351 = arith.constant 0 : i32
        %dma_start3A_352 = arith.constant 0 : i32
        %dma_start3A_353 = tpu.memref_slice %arg5[%add3A_350, %dma_start3A_351, %dma_start3A_352] : memref<40x2x128xi32, #tpu.memory_space<vmem>> -> memref<1x1x128xi32, #tpu.memory_space<vmem>>
        %dma_start3A_354 = tpu.memref_squeeze %dma_start3A_353 : memref<1x1x128xi32, #tpu.memory_space<vmem>> -> memref<128xi32, #tpu.memory_space<vmem>>
        %dma_start3A_355 = arith.constant 0 : i32
        %dma_start3A_356 = arith.constant 0 : i32
        %dma_start3A_357 = tpu.memref_slice %arg2[%dma_start3A_355, %dma_start3A_356] : memref<10240x64xf32, #tpu.memory_space<hbm>> -> memref<10240x64xf32, #tpu.memory_space<hbm>>
        tpu.enqueue_indirect_dma source(%dma_start3A_357 : memref<10240x64xf32, #tpu.memory_space<hbm>>) target(%arg7 : memref<128x64xf32, #tpu.memory_space<vmem>>) offsets(%dma_start3A_354 : memref<128xi32, #tpu.memory_space<vmem>>) semaphore(%arg16 : memref<!tpu.dma_semaphore, #tpu.memory_space<semaphore_mem>>)
      } else {
      }
      %mul3A_241 = arith.constant 8 : i32
      %mul3A_242 = arith.muli %mul3A_241, %scan3A_204 : i32
      %add3A_243 = arith.constant 2 : i32
      %add3A_244 = arith.addi %mul3A_242, %add3A_243 : i32
      %dma_wait3A_245 = arith.constant 0 : i32
      %dma_wait3A_246 = arith.constant 0 : i32
      %dma_wait3A_247 = tpu.memref_slice %arg5[%add3A_244, %dma_wait3A_245, %dma_wait3A_246] : memref<40x2x128xi32, #tpu.memory_space<vmem>> -> memref<1x1x128xi32, #tpu.memory_space<vmem>>
      %dma_wait3A_248 = tpu.memref_squeeze %dma_wait3A_247 : memref<1x1x128xi32, #tpu.memory_space<vmem>> -> memref<128xi32, #tpu.memory_space<vmem>>
      %dma_wait3A_249 = arith.constant 0 : i32
      %dma_wait3A_250 = arith.constant 0 : i32
      %dma_wait3A_251 = tpu.memref_slice %arg2[%dma_wait3A_249, %dma_wait3A_250] : memref<10240x64xf32, #tpu.memory_space<hbm>> -> memref<10240x64xf32, #tpu.memory_space<hbm>>
      tpu.wait_indirect_dma semaphore(%arg17 : memref<!tpu.dma_semaphore, #tpu.memory_space<semaphore_mem>>) src(%dma_wait3A_251 : memref<10240x64xf32, #tpu.memory_space<hbm>>) dst(%arg8 : memref<128x64xf32, #tpu.memory_space<vmem>>)
      %run_scoped3A_252 = arith.constant 1 : i32
      "tpu.region"() ({
        %run_scoped3A_349 = tpu.sem_alloc : memref<!tpu.dma_semaphore, #tpu.memory_space<semaphore_mem>>
        %dma_start3A_350 = arith.constant 0 : i32
        %dma_start3A_351 = tpu.memref_slice %arg5[%add3A_244, %run_scoped3A_252, %dma_start3A_350] : memref<40x2x128xi32, #tpu.memory_space<vmem>> -> memref<1x1x128xi32, #tpu.memory_space<vmem>>
        %dma_start3A_352 = tpu.memref_squeeze %dma_start3A_351 : memref<1x1x128xi32, #tpu.memory_space<vmem>> -> memref<128xi32, #tpu.memory_space<vmem>>
        %dma_start3A_353 = arith.constant 0 : i32
        %dma_start3A_354 = arith.constant 0 : i32
        %dma_start3A_355 = tpu.memref_slice %arg14[%dma_start3A_353, %dma_start3A_354] : memref<10240x64xf32, #tpu.memory_space<vmem_shared>> -> memref<10240x64xf32, #tpu.memory_space<vmem_shared>>
        tpu.enqueue_indirect_dma source(%arg8 : memref<128x64xf32, #tpu.memory_space<vmem>>) target(%dma_start3A_355 : memref<10240x64xf32, #tpu.memory_space<vmem_shared>>) offsets(%dma_start3A_352 : memref<128xi32, #tpu.memory_space<vmem>>) semaphore(%run_scoped3A_349 : memref<!tpu.dma_semaphore, #tpu.memory_space<semaphore_mem>>) {add = true}
        %dma_wait3A_356 = arith.constant 0 : i32
        %dma_wait3A_357 = tpu.memref_slice %arg5[%add3A_244, %run_scoped3A_252, %dma_wait3A_356] : memref<40x2x128xi32, #tpu.memory_space<vmem>> -> memref<1x1x128xi32, #tpu.memory_space<vmem>>
        %dma_wait3A_358 = tpu.memref_squeeze %dma_wait3A_357 : memref<1x1x128xi32, #tpu.memory_space<vmem>> -> memref<128xi32, #tpu.memory_space<vmem>>
        %dma_wait3A_359 = arith.constant 0 : i32
        %dma_wait3A_360 = arith.constant 0 : i32
        %dma_wait3A_361 = tpu.memref_slice %arg14[%dma_wait3A_359, %dma_wait3A_360] : memref<10240x64xf32, #tpu.memory_space<vmem_shared>> -> memref<10240x64xf32, #tpu.memory_space<vmem_shared>>
        tpu.wait_indirect_dma semaphore(%run_scoped3A_349 : memref<!tpu.dma_semaphore, #tpu.memory_space<semaphore_mem>>) src(%arg8 : memref<128x64xf32, #tpu.memory_space<vmem>>) dst(%dma_wait3A_361 : memref<10240x64xf32, #tpu.memory_space<vmem_shared>>)
        tpu.yield
      }) : () -> ()
      %add3A_253 = arith.constant 8 : i32
      %add3A_254 = arith.addi %add3A_244, %add3A_253 : i32
      %lt3A_255 = arith.cmpi slt, %add3A_254, %select_n3A : i32
      %convert_element_type3A_256 = arith.extui %lt3A_255 : i1 to i32
      %cond3A_257 = arith.constant 0 : i32
      %cond3A_258 = arith.cmpi ne, %convert_element_type3A_256, %cond3A_257 : i32
      scf.if %cond3A_258 {
        %add3A_349 = arith.constant 8 : i32
        %add3A_350 = arith.addi %add3A_244, %add3A_349 : i32
        %dma_start3A_351 = arith.constant 0 : i32
        %dma_start3A_352 = arith.constant 0 : i32
        %dma_start3A_353 = tpu.memref_slice %arg5[%add3A_350, %dma_start3A_351, %dma_start3A_352] : memref<40x2x128xi32, #tpu.memory_space<vmem>> -> memref<1x1x128xi32, #tpu.memory_space<vmem>>
        %dma_start3A_354 = tpu.memref_squeeze %dma_start3A_353 : memref<1x1x128xi32, #tpu.memory_space<vmem>> -> memref<128xi32, #tpu.memory_space<vmem>>
        %dma_start3A_355 = arith.constant 0 : i32
        %dma_start3A_356 = arith.constant 0 : i32
        %dma_start3A_357 = tpu.memref_slice %arg2[%dma_start3A_355, %dma_start3A_356] : memref<10240x64xf32, #tpu.memory_space<hbm>> -> memref<10240x64xf32, #tpu.memory_space<hbm>>
        tpu.enqueue_indirect_dma source(%dma_start3A_357 : memref<10240x64xf32, #tpu.memory_space<hbm>>) target(%arg8 : memref<128x64xf32, #tpu.memory_space<vmem>>) offsets(%dma_start3A_354 : memref<128xi32, #tpu.memory_space<vmem>>) semaphore(%arg17 : memref<!tpu.dma_semaphore, #tpu.memory_space<semaphore_mem>>)
      } else {
      }
      %mul3A_259 = arith.constant 8 : i32
      %mul3A_260 = arith.muli %mul3A_259, %scan3A_204 : i32
      %add3A_261 = arith.constant 3 : i32
      %add3A_262 = arith.addi %mul3A_260, %add3A_261 : i32
      %dma_wait3A_263 = arith.constant 0 : i32
      %dma_wait3A_264 = arith.constant 0 : i32
      %dma_wait3A_265 = tpu.memref_slice %arg5[%add3A_262, %dma_wait3A_263, %dma_wait3A_264] : memref<40x2x128xi32, #tpu.memory_space<vmem>> -> memref<1x1x128xi32, #tpu.memory_space<vmem>>
      %dma_wait3A_266 = tpu.memref_squeeze %dma_wait3A_265 : memref<1x1x128xi32, #tpu.memory_space<vmem>> -> memref<128xi32, #tpu.memory_space<vmem>>
      %dma_wait3A_267 = arith.constant 0 : i32
      %dma_wait3A_268 = arith.constant 0 : i32
      %dma_wait3A_269 = tpu.memref_slice %arg2[%dma_wait3A_267, %dma_wait3A_268] : memref<10240x64xf32, #tpu.memory_space<hbm>> -> memref<10240x64xf32, #tpu.memory_space<hbm>>
      tpu.wait_indirect_dma semaphore(%arg18 : memref<!tpu.dma_semaphore, #tpu.memory_space<semaphore_mem>>) src(%dma_wait3A_269 : memref<10240x64xf32, #tpu.memory_space<hbm>>) dst(%arg9 : memref<128x64xf32, #tpu.memory_space<vmem>>)
      %run_scoped3A_270 = arith.constant 1 : i32
      "tpu.region"() ({
        %run_scoped3A_349 = tpu.sem_alloc : memref<!tpu.dma_semaphore, #tpu.memory_space<semaphore_mem>>
        %dma_start3A_350 = arith.constant 0 : i32
        %dma_start3A_351 = tpu.memref_slice %arg5[%add3A_262, %run_scoped3A_270, %dma_start3A_350] : memref<40x2x128xi32, #tpu.memory_space<vmem>> -> memref<1x1x128xi32, #tpu.memory_space<vmem>>
        %dma_start3A_352 = tpu.memref_squeeze %dma_start3A_351 : memref<1x1x128xi32, #tpu.memory_space<vmem>> -> memref<128xi32, #tpu.memory_space<vmem>>
        %dma_start3A_353 = arith.constant 0 : i32
        %dma_start3A_354 = arith.constant 0 : i32
        %dma_start3A_355 = tpu.memref_slice %arg14[%dma_start3A_353, %dma_start3A_354] : memref<10240x64xf32, #tpu.memory_space<vmem_shared>> -> memref<10240x64xf32, #tpu.memory_space<vmem_shared>>
        tpu.enqueue_indirect_dma source(%arg9 : memref<128x64xf32, #tpu.memory_space<vmem>>) target(%dma_start3A_355 : memref<10240x64xf32, #tpu.memory_space<vmem_shared>>) offsets(%dma_start3A_352 : memref<128xi32, #tpu.memory_space<vmem>>) semaphore(%run_scoped3A_349 : memref<!tpu.dma_semaphore, #tpu.memory_space<semaphore_mem>>) {add = true}
        %dma_wait3A_356 = arith.constant 0 : i32
        %dma_wait3A_357 = tpu.memref_slice %arg5[%add3A_262, %run_scoped3A_270, %dma_wait3A_356] : memref<40x2x128xi32, #tpu.memory_space<vmem>> -> memref<1x1x128xi32, #tpu.memory_space<vmem>>
        %dma_wait3A_358 = tpu.memref_squeeze %dma_wait3A_357 : memref<1x1x128xi32, #tpu.memory_space<vmem>> -> memref<128xi32, #tpu.memory_space<vmem>>
        %dma_wait3A_359 = arith.constant 0 : i32
        %dma_wait3A_360 = arith.constant 0 : i32
        %dma_wait3A_361 = tpu.memref_slice %arg14[%dma_wait3A_359, %dma_wait3A_360] : memref<10240x64xf32, #tpu.memory_space<vmem_shared>> -> memref<10240x64xf32, #tpu.memory_space<vmem_shared>>
        tpu.wait_indirect_dma semaphore(%run_scoped3A_349 : memref<!tpu.dma_semaphore, #tpu.memory_space<semaphore_mem>>) src(%arg9 : memref<128x64xf32, #tpu.memory_space<vmem>>) dst(%dma_wait3A_361 : memref<10240x64xf32, #tpu.memory_space<vmem_shared>>)
        tpu.yield
      }) : () -> ()
      %add3A_271 = arith.constant 8 : i32
      %add3A_272 = arith.addi %add3A_262, %add3A_271 : i32
      %lt3A_273 = arith.cmpi slt, %add3A_272, %select_n3A : i32
      %convert_element_type3A_274 = arith.extui %lt3A_273 : i1 to i32
      %cond3A_275 = arith.constant 0 : i32
      %cond3A_276 = arith.cmpi ne, %convert_element_type3A_274, %cond3A_275 : i32
      scf.if %cond3A_276 {
        %add3A_349 = arith.constant 8 : i32
        %add3A_350 = arith.addi %add3A_262, %add3A_349 : i32
        %dma_start3A_351 = arith.constant 0 : i32
        %dma_start3A_352 = arith.constant 0 : i32
        %dma_start3A_353 = tpu.memref_slice %arg5[%add3A_350, %dma_start3A_351, %dma_start3A_352] : memref<40x2x128xi32, #tpu.memory_space<vmem>> -> memref<1x1x128xi32, #tpu.memory_space<vmem>>
        %dma_start3A_354 = tpu.memref_squeeze %dma_start3A_353 : memref<1x1x128xi32, #tpu.memory_space<vmem>> -> memref<128xi32, #tpu.memory_space<vmem>>
        %dma_start3A_355 = arith.constant 0 : i32
        %dma_start3A_356 = arith.constant 0 : i32
        %dma_start3A_357 = tpu.memref_slice %arg2[%dma_start3A_355, %dma_start3A_356] : memref<10240x64xf32, #tpu.memory_space<hbm>> -> memref<10240x64xf32, #tpu.memory_space<hbm>>
        tpu.enqueue_indirect_dma source(%dma_start3A_357 : memref<10240x64xf32, #tpu.memory_space<hbm>>) target(%arg9 : memref<128x64xf32, #tpu.memory_space<vmem>>) offsets(%dma_start3A_354 : memref<128xi32, #tpu.memory_space<vmem>>) semaphore(%arg18 : memref<!tpu.dma_semaphore, #tpu.memory_space<semaphore_mem>>)
      } else {
      }
      %mul3A_277 = arith.constant 8 : i32
      %mul3A_278 = arith.muli %mul3A_277, %scan3A_204 : i32
      %add3A_279 = arith.constant 4 : i32
      %add3A_280 = arith.addi %mul3A_278, %add3A_279 : i32
      %dma_wait3A_281 = arith.constant 0 : i32
      %dma_wait3A_282 = arith.constant 0 : i32
      %dma_wait3A_283 = tpu.memref_slice %arg5[%add3A_280, %dma_wait3A_281, %dma_wait3A_282] : memref<40x2x128xi32, #tpu.memory_space<vmem>> -> memref<1x1x128xi32, #tpu.memory_space<vmem>>
      %dma_wait3A_284 = tpu.memref_squeeze %dma_wait3A_283 : memref<1x1x128xi32, #tpu.memory_space<vmem>> -> memref<128xi32, #tpu.memory_space<vmem>>
      %dma_wait3A_285 = arith.constant 0 : i32
      %dma_wait3A_286 = arith.constant 0 : i32
      %dma_wait3A_287 = tpu.memref_slice %arg2[%dma_wait3A_285, %dma_wait3A_286] : memref<10240x64xf32, #tpu.memory_space<hbm>> -> memref<10240x64xf32, #tpu.memory_space<hbm>>
      tpu.wait_indirect_dma semaphore(%arg19 : memref<!tpu.dma_semaphore, #tpu.memory_space<semaphore_mem>>) src(%dma_wait3A_287 : memref<10240x64xf32, #tpu.memory_space<hbm>>) dst(%arg10 : memref<128x64xf32, #tpu.memory_space<vmem>>)
      %run_scoped3A_288 = arith.constant 1 : i32
      "tpu.region"() ({
        %run_scoped3A_349 = tpu.sem_alloc : memref<!tpu.dma_semaphore, #tpu.memory_space<semaphore_mem>>
        %dma_start3A_350 = arith.constant 0 : i32
        %dma_start3A_351 = tpu.memref_slice %arg5[%add3A_280, %run_scoped3A_288, %dma_start3A_350] : memref<40x2x128xi32, #tpu.memory_space<vmem>> -> memref<1x1x128xi32, #tpu.memory_space<vmem>>
        %dma_start3A_352 = tpu.memref_squeeze %dma_start3A_351 : memref<1x1x128xi32, #tpu.memory_space<vmem>> -> memref<128xi32, #tpu.memory_space<vmem>>
        %dma_start3A_353 = arith.constant 0 : i32
        %dma_start3A_354 = arith.constant 0 : i32
        %dma_start3A_355 = tpu.memref_slice %arg14[%dma_start3A_353, %dma_start3A_354] : memref<10240x64xf32, #tpu.memory_space<vmem_shared>> -> memref<10240x64xf32, #tpu.memory_space<vmem_shared>>
        tpu.enqueue_indirect_dma source(%arg10 : memref<128x64xf32, #tpu.memory_space<vmem>>) target(%dma_start3A_355 : memref<10240x64xf32, #tpu.memory_space<vmem_shared>>) offsets(%dma_start3A_352 : memref<128xi32, #tpu.memory_space<vmem>>) semaphore(%run_scoped3A_349 : memref<!tpu.dma_semaphore, #tpu.memory_space<semaphore_mem>>) {add = true}
        %dma_wait3A_356 = arith.constant 0 : i32
        %dma_wait3A_357 = tpu.memref_slice %arg5[%add3A_280, %run_scoped3A_288, %dma_wait3A_356] : memref<40x2x128xi32, #tpu.memory_space<vmem>> -> memref<1x1x128xi32, #tpu.memory_space<vmem>>
        %dma_wait3A_358 = tpu.memref_squeeze %dma_wait3A_357 : memref<1x1x128xi32, #tpu.memory_space<vmem>> -> memref<128xi32, #tpu.memory_space<vmem>>
        %dma_wait3A_359 = arith.constant 0 : i32
        %dma_wait3A_360 = arith.constant 0 : i32
        %dma_wait3A_361 = tpu.memref_slice %arg14[%dma_wait3A_359, %dma_wait3A_360] : memref<10240x64xf32, #tpu.memory_space<vmem_shared>> -> memref<10240x64xf32, #tpu.memory_space<vmem_shared>>
        tpu.wait_indirect_dma semaphore(%run_scoped3A_349 : memref<!tpu.dma_semaphore, #tpu.memory_space<semaphore_mem>>) src(%arg10 : memref<128x64xf32, #tpu.memory_space<vmem>>) dst(%dma_wait3A_361 : memref<10240x64xf32, #tpu.memory_space<vmem_shared>>)
        tpu.yield
      }) : () -> ()
      %add3A_289 = arith.constant 8 : i32
      %add3A_290 = arith.addi %add3A_280, %add3A_289 : i32
      %lt3A_291 = arith.cmpi slt, %add3A_290, %select_n3A : i32
      %convert_element_type3A_292 = arith.extui %lt3A_291 : i1 to i32
      %cond3A_293 = arith.constant 0 : i32
      %cond3A_294 = arith.cmpi ne, %convert_element_type3A_292, %cond3A_293 : i32
      scf.if %cond3A_294 {
        %add3A_349 = arith.constant 8 : i32
        %add3A_350 = arith.addi %add3A_280, %add3A_349 : i32
        %dma_start3A_351 = arith.constant 0 : i32
        %dma_start3A_352 = arith.constant 0 : i32
        %dma_start3A_353 = tpu.memref_slice %arg5[%add3A_350, %dma_start3A_351, %dma_start3A_352] : memref<40x2x128xi32, #tpu.memory_space<vmem>> -> memref<1x1x128xi32, #tpu.memory_space<vmem>>
        %dma_start3A_354 = tpu.memref_squeeze %dma_start3A_353 : memref<1x1x128xi32, #tpu.memory_space<vmem>> -> memref<128xi32, #tpu.memory_space<vmem>>
        %dma_start3A_355 = arith.constant 0 : i32
        %dma_start3A_356 = arith.constant 0 : i32
        %dma_start3A_357 = tpu.memref_slice %arg2[%dma_start3A_355, %dma_start3A_356] : memref<10240x64xf32, #tpu.memory_space<hbm>> -> memref<10240x64xf32, #tpu.memory_space<hbm>>
        tpu.enqueue_indirect_dma source(%dma_start3A_357 : memref<10240x64xf32, #tpu.memory_space<hbm>>) target(%arg10 : memref<128x64xf32, #tpu.memory_space<vmem>>) offsets(%dma_start3A_354 : memref<128xi32, #tpu.memory_space<vmem>>) semaphore(%arg19 : memref<!tpu.dma_semaphore, #tpu.memory_space<semaphore_mem>>)
      } else {
      }
      %mul3A_295 = arith.constant 8 : i32
      %mul3A_296 = arith.muli %mul3A_295, %scan3A_204 : i32
      %add3A_297 = arith.constant 5 : i32
      %add3A_298 = arith.addi %mul3A_296, %add3A_297 : i32
      %dma_wait3A_299 = arith.constant 0 : i32
      %dma_wait3A_300 = arith.constant 0 : i32
      %dma_wait3A_301 = tpu.memref_slice %arg5[%add3A_298, %dma_wait3A_299, %dma_wait3A_300] : memref<40x2x128xi32, #tpu.memory_space<vmem>> -> memref<1x1x128xi32, #tpu.memory_space<vmem>>
      %dma_wait3A_302 = tpu.memref_squeeze %dma_wait3A_301 : memref<1x1x128xi32, #tpu.memory_space<vmem>> -> memref<128xi32, #tpu.memory_space<vmem>>
      %dma_wait3A_303 = arith.constant 0 : i32
      %dma_wait3A_304 = arith.constant 0 : i32
      %dma_wait3A_305 = tpu.memref_slice %arg2[%dma_wait3A_303, %dma_wait3A_304] : memref<10240x64xf32, #tpu.memory_space<hbm>> -> memref<10240x64xf32, #tpu.memory_space<hbm>>
      tpu.wait_indirect_dma semaphore(%arg20 : memref<!tpu.dma_semaphore, #tpu.memory_space<semaphore_mem>>) src(%dma_wait3A_305 : memref<10240x64xf32, #tpu.memory_space<hbm>>) dst(%arg11 : memref<128x64xf32, #tpu.memory_space<vmem>>)
      %run_scoped3A_306 = arith.constant 1 : i32
      "tpu.region"() ({
        %run_scoped3A_349 = tpu.sem_alloc : memref<!tpu.dma_semaphore, #tpu.memory_space<semaphore_mem>>
        %dma_start3A_350 = arith.constant 0 : i32
        %dma_start3A_351 = tpu.memref_slice %arg5[%add3A_298, %run_scoped3A_306, %dma_start3A_350] : memref<40x2x128xi32, #tpu.memory_space<vmem>> -> memref<1x1x128xi32, #tpu.memory_space<vmem>>
        %dma_start3A_352 = tpu.memref_squeeze %dma_start3A_351 : memref<1x1x128xi32, #tpu.memory_space<vmem>> -> memref<128xi32, #tpu.memory_space<vmem>>
        %dma_start3A_353 = arith.constant 0 : i32
        %dma_start3A_354 = arith.constant 0 : i32
        %dma_start3A_355 = tpu.memref_slice %arg14[%dma_start3A_353, %dma_start3A_354] : memref<10240x64xf32, #tpu.memory_space<vmem_shared>> -> memref<10240x64xf32, #tpu.memory_space<vmem_shared>>
        tpu.enqueue_indirect_dma source(%arg11 : memref<128x64xf32, #tpu.memory_space<vmem>>) target(%dma_start3A_355 : memref<10240x64xf32, #tpu.memory_space<vmem_shared>>) offsets(%dma_start3A_352 : memref<128xi32, #tpu.memory_space<vmem>>) semaphore(%run_scoped3A_349 : memref<!tpu.dma_semaphore, #tpu.memory_space<semaphore_mem>>) {add = true}
        %dma_wait3A_356 = arith.constant 0 : i32
        %dma_wait3A_357 = tpu.memref_slice %arg5[%add3A_298, %run_scoped3A_306, %dma_wait3A_356] : memref<40x2x128xi32, #tpu.memory_space<vmem>> -> memref<1x1x128xi32, #tpu.memory_space<vmem>>
        %dma_wait3A_358 = tpu.memref_squeeze %dma_wait3A_357 : memref<1x1x128xi32, #tpu.memory_space<vmem>> -> memref<128xi32, #tpu.memory_space<vmem>>
        %dma_wait3A_359 = arith.constant 0 : i32
        %dma_wait3A_360 = arith.constant 0 : i32
        %dma_wait3A_361 = tpu.memref_slice %arg14[%dma_wait3A_359, %dma_wait3A_360] : memref<10240x64xf32, #tpu.memory_space<vmem_shared>> -> memref<10240x64xf32, #tpu.memory_space<vmem_shared>>
        tpu.wait_indirect_dma semaphore(%run_scoped3A_349 : memref<!tpu.dma_semaphore, #tpu.memory_space<semaphore_mem>>) src(%arg11 : memref<128x64xf32, #tpu.memory_space<vmem>>) dst(%dma_wait3A_361 : memref<10240x64xf32, #tpu.memory_space<vmem_shared>>)
        tpu.yield
      }) : () -> ()
      %add3A_307 = arith.constant 8 : i32
      %add3A_308 = arith.addi %add3A_298, %add3A_307 : i32
      %lt3A_309 = arith.cmpi slt, %add3A_308, %select_n3A : i32
      %convert_element_type3A_310 = arith.extui %lt3A_309 : i1 to i32
      %cond3A_311 = arith.constant 0 : i32
      %cond3A_312 = arith.cmpi ne, %convert_element_type3A_310, %cond3A_311 : i32
      scf.if %cond3A_312 {
        %add3A_349 = arith.constant 8 : i32
        %add3A_350 = arith.addi %add3A_298, %add3A_349 : i32
        %dma_start3A_351 = arith.constant 0 : i32
        %dma_start3A_352 = arith.constant 0 : i32
        %dma_start3A_353 = tpu.memref_slice %arg5[%add3A_350, %dma_start3A_351, %dma_start3A_352] : memref<40x2x128xi32, #tpu.memory_space<vmem>> -> memref<1x1x128xi32, #tpu.memory_space<vmem>>
        %dma_start3A_354 = tpu.memref_squeeze %dma_start3A_353 : memref<1x1x128xi32, #tpu.memory_space<vmem>> -> memref<128xi32, #tpu.memory_space<vmem>>
        %dma_start3A_355 = arith.constant 0 : i32
        %dma_start3A_356 = arith.constant 0 : i32
        %dma_start3A_357 = tpu.memref_slice %arg2[%dma_start3A_355, %dma_start3A_356] : memref<10240x64xf32, #tpu.memory_space<hbm>> -> memref<10240x64xf32, #tpu.memory_space<hbm>>
        tpu.enqueue_indirect_dma source(%dma_start3A_357 : memref<10240x64xf32, #tpu.memory_space<hbm>>) target(%arg11 : memref<128x64xf32, #tpu.memory_space<vmem>>) offsets(%dma_start3A_354 : memref<128xi32, #tpu.memory_space<vmem>>) semaphore(%arg20 : memref<!tpu.dma_semaphore, #tpu.memory_space<semaphore_mem>>)
      } else {
      }
      %mul3A_313 = arith.constant 8 : i32
      %mul3A_314 = arith.muli %mul3A_313, %scan3A_204 : i32
      %add3A_315 = arith.constant 6 : i32
      %add3A_316 = arith.addi %mul3A_314, %add3A_315 : i32
      %dma_wait3A_317 = arith.constant 0 : i32
      %dma_wait3A_318 = arith.constant 0 : i32
      %dma_wait3A_319 = tpu.memref_slice %arg5[%add3A_316, %dma_wait3A_317, %dma_wait3A_318] : memref<40x2x128xi32, #tpu.memory_space<vmem>> -> memref<1x1x128xi32, #tpu.memory_space<vmem>>
      %dma_wait3A_320 = tpu.memref_squeeze %dma_wait3A_319 : memref<1x1x128xi32, #tpu.memory_space<vmem>> -> memref<128xi32, #tpu.memory_space<vmem>>
      %dma_wait3A_321 = arith.constant 0 : i32
      %dma_wait3A_322 = arith.constant 0 : i32
      %dma_wait3A_323 = tpu.memref_slice %arg2[%dma_wait3A_321, %dma_wait3A_322] : memref<10240x64xf32, #tpu.memory_space<hbm>> -> memref<10240x64xf32, #tpu.memory_space<hbm>>
      tpu.wait_indirect_dma semaphore(%arg21 : memref<!tpu.dma_semaphore, #tpu.memory_space<semaphore_mem>>) src(%dma_wait3A_323 : memref<10240x64xf32, #tpu.memory_space<hbm>>) dst(%arg12 : memref<128x64xf32, #tpu.memory_space<vmem>>)
      %run_scoped3A_324 = arith.constant 1 : i32
      "tpu.region"() ({
        %run_scoped3A_349 = tpu.sem_alloc : memref<!tpu.dma_semaphore, #tpu.memory_space<semaphore_mem>>
        %dma_start3A_350 = arith.constant 0 : i32
        %dma_start3A_351 = tpu.memref_slice %arg5[%add3A_316, %run_scoped3A_324, %dma_start3A_350] : memref<40x2x128xi32, #tpu.memory_space<vmem>> -> memref<1x1x128xi32, #tpu.memory_space<vmem>>
        %dma_start3A_352 = tpu.memref_squeeze %dma_start3A_351 : memref<1x1x128xi32, #tpu.memory_space<vmem>> -> memref<128xi32, #tpu.memory_space<vmem>>
        %dma_start3A_353 = arith.constant 0 : i32
        %dma_start3A_354 = arith.constant 0 : i32
        %dma_start3A_355 = tpu.memref_slice %arg14[%dma_start3A_353, %dma_start3A_354] : memref<10240x64xf32, #tpu.memory_space<vmem_shared>> -> memref<10240x64xf32, #tpu.memory_space<vmem_shared>>
        tpu.enqueue_indirect_dma source(%arg12 : memref<128x64xf32, #tpu.memory_space<vmem>>) target(%dma_start3A_355 : memref<10240x64xf32, #tpu.memory_space<vmem_shared>>) offsets(%dma_start3A_352 : memref<128xi32, #tpu.memory_space<vmem>>) semaphore(%run_scoped3A_349 : memref<!tpu.dma_semaphore, #tpu.memory_space<semaphore_mem>>) {add = true}
        %dma_wait3A_356 = arith.constant 0 : i32
        %dma_wait3A_357 = tpu.memref_slice %arg5[%add3A_316, %run_scoped3A_324, %dma_wait3A_356] : memref<40x2x128xi32, #tpu.memory_space<vmem>> -> memref<1x1x128xi32, #tpu.memory_space<vmem>>
        %dma_wait3A_358 = tpu.memref_squeeze %dma_wait3A_357 : memref<1x1x128xi32, #tpu.memory_space<vmem>> -> memref<128xi32, #tpu.memory_space<vmem>>
        %dma_wait3A_359 = arith.constant 0 : i32
        %dma_wait3A_360 = arith.constant 0 : i32
        %dma_wait3A_361 = tpu.memref_slice %arg14[%dma_wait3A_359, %dma_wait3A_360] : memref<10240x64xf32, #tpu.memory_space<vmem_shared>> -> memref<10240x64xf32, #tpu.memory_space<vmem_shared>>
        tpu.wait_indirect_dma semaphore(%run_scoped3A_349 : memref<!tpu.dma_semaphore, #tpu.memory_space<semaphore_mem>>) src(%arg12 : memref<128x64xf32, #tpu.memory_space<vmem>>) dst(%dma_wait3A_361 : memref<10240x64xf32, #tpu.memory_space<vmem_shared>>)
        tpu.yield
      }) : () -> ()
      %add3A_325 = arith.constant 8 : i32
      %add3A_326 = arith.addi %add3A_316, %add3A_325 : i32
      %lt3A_327 = arith.cmpi slt, %add3A_326, %select_n3A : i32
      %convert_element_type3A_328 = arith.extui %lt3A_327 : i1 to i32
      %cond3A_329 = arith.constant 0 : i32
      %cond3A_330 = arith.cmpi ne, %convert_element_type3A_328, %cond3A_329 : i32
      scf.if %cond3A_330 {
        %add3A_349 = arith.constant 8 : i32
        %add3A_350 = arith.addi %add3A_316, %add3A_349 : i32
        %dma_start3A_351 = arith.constant 0 : i32
        %dma_start3A_352 = arith.constant 0 : i32
        %dma_start3A_353 = tpu.memref_slice %arg5[%add3A_350, %dma_start3A_351, %dma_start3A_352] : memref<40x2x128xi32, #tpu.memory_space<vmem>> -> memref<1x1x128xi32, #tpu.memory_space<vmem>>
        %dma_start3A_354 = tpu.memref_squeeze %dma_start3A_353 : memref<1x1x128xi32, #tpu.memory_space<vmem>> -> memref<128xi32, #tpu.memory_space<vmem>>
        %dma_start3A_355 = arith.constant 0 : i32
        %dma_start3A_356 = arith.constant 0 : i32
        %dma_start3A_357 = tpu.memref_slice %arg2[%dma_start3A_355, %dma_start3A_356] : memref<10240x64xf32, #tpu.memory_space<hbm>> -> memref<10240x64xf32, #tpu.memory_space<hbm>>
        tpu.enqueue_indirect_dma source(%dma_start3A_357 : memref<10240x64xf32, #tpu.memory_space<hbm>>) target(%arg12 : memref<128x64xf32, #tpu.memory_space<vmem>>) offsets(%dma_start3A_354 : memref<128xi32, #tpu.memory_space<vmem>>) semaphore(%arg21 : memref<!tpu.dma_semaphore, #tpu.memory_space<semaphore_mem>>)
      } else {
      }
      %mul3A_331 = arith.constant 8 : i32
      %mul3A_332 = arith.muli %mul3A_331, %scan3A_204 : i32
      %add3A_333 = arith.constant 7 : i32
      %add3A_334 = arith.addi %mul3A_332, %add3A_333 : i32
      %dma_wait3A_335 = arith.constant 0 : i32
      %dma_wait3A_336 = arith.constant 0 : i32
      %dma_wait3A_337 = tpu.memref_slice %arg5[%add3A_334, %dma_wait3A_335, %dma_wait3A_336] : memref<40x2x128xi32, #tpu.memory_space<vmem>> -> memref<1x1x128xi32, #tpu.memory_space<vmem>>
      %dma_wait3A_338 = tpu.memref_squeeze %dma_wait3A_337 : memref<1x1x128xi32, #tpu.memory_space<vmem>> -> memref<128xi32, #tpu.memory_space<vmem>>
      %dma_wait3A_339 = arith.constant 0 : i32
      %dma_wait3A_340 = arith.constant 0 : i32
      %dma_wait3A_341 = tpu.memref_slice %arg2[%dma_wait3A_339, %dma_wait3A_340] : memref<10240x64xf32, #tpu.memory_space<hbm>> -> memref<10240x64xf32, #tpu.memory_space<hbm>>
      tpu.wait_indirect_dma semaphore(%arg22 : memref<!tpu.dma_semaphore, #tpu.memory_space<semaphore_mem>>) src(%dma_wait3A_341 : memref<10240x64xf32, #tpu.memory_space<hbm>>) dst(%arg13 : memref<128x64xf32, #tpu.memory_space<vmem>>)
      %run_scoped3A_342 = arith.constant 1 : i32
      "tpu.region"() ({
        %run_scoped3A_349 = tpu.sem_alloc : memref<!tpu.dma_semaphore, #tpu.memory_space<semaphore_mem>>
        %dma_start3A_350 = arith.constant 0 : i32
        %dma_start3A_351 = tpu.memref_slice %arg5[%add3A_334, %run_scoped3A_342, %dma_start3A_350] : memref<40x2x128xi32, #tpu.memory_space<vmem>> -> memref<1x1x128xi32, #tpu.memory_space<vmem>>
        %dma_start3A_352 = tpu.memref_squeeze %dma_start3A_351 : memref<1x1x128xi32, #tpu.memory_space<vmem>> -> memref<128xi32, #tpu.memory_space<vmem>>
        %dma_start3A_353 = arith.constant 0 : i32
        %dma_start3A_354 = arith.constant 0 : i32
        %dma_start3A_355 = tpu.memref_slice %arg14[%dma_start3A_353, %dma_start3A_354] : memref<10240x64xf32, #tpu.memory_space<vmem_shared>> -> memref<10240x64xf32, #tpu.memory_space<vmem_shared>>
        tpu.enqueue_indirect_dma source(%arg13 : memref<128x64xf32, #tpu.memory_space<vmem>>) target(%dma_start3A_355 : memref<10240x64xf32, #tpu.memory_space<vmem_shared>>) offsets(%dma_start3A_352 : memref<128xi32, #tpu.memory_space<vmem>>) semaphore(%run_scoped3A_349 : memref<!tpu.dma_semaphore, #tpu.memory_space<semaphore_mem>>) {add = true}
        %dma_wait3A_356 = arith.constant 0 : i32
        %dma_wait3A_357 = tpu.memref_slice %arg5[%add3A_334, %run_scoped3A_342, %dma_wait3A_356] : memref<40x2x128xi32, #tpu.memory_space<vmem>> -> memref<1x1x128xi32, #tpu.memory_space<vmem>>
        %dma_wait3A_358 = tpu.memref_squeeze %dma_wait3A_357 : memref<1x1x128xi32, #tpu.memory_space<vmem>> -> memref<128xi32, #tpu.memory_space<vmem>>
        %dma_wait3A_359 = arith.constant 0 : i32
        %dma_wait3A_360 = arith.constant 0 : i32
        %dma_wait3A_361 = tpu.memref_slice %arg14[%dma_wait3A_359, %dma_wait3A_360] : memref<10240x64xf32, #tpu.memory_space<vmem_shared>> -> memref<10240x64xf32, #tpu.memory_space<vmem_shared>>
        tpu.wait_indirect_dma semaphore(%run_scoped3A_349 : memref<!tpu.dma_semaphore, #tpu.memory_space<semaphore_mem>>) src(%arg13 : memref<128x64xf32, #tpu.memory_space<vmem>>) dst(%dma_wait3A_361 : memref<10240x64xf32, #tpu.memory_space<vmem_shared>>)
        tpu.yield
      }) : () -> ()
      %add3A_343 = arith.constant 8 : i32
      %add3A_344 = arith.addi %add3A_334, %add3A_343 : i32
      %lt3A_345 = arith.cmpi slt, %add3A_344, %select_n3A : i32
      %convert_element_type3A_346 = arith.extui %lt3A_345 : i1 to i32
      %cond3A_347 = arith.constant 0 : i32
      %cond3A_348 = arith.cmpi ne, %convert_element_type3A_346, %cond3A_347 : i32
      scf.if %cond3A_348 {
        %add3A_349 = arith.constant 8 : i32
        %add3A_350 = arith.addi %add3A_334, %add3A_349 : i32
        %dma_start3A_351 = arith.constant 0 : i32
        %dma_start3A_352 = arith.constant 0 : i32
        %dma_start3A_353 = tpu.memref_slice %arg5[%add3A_350, %dma_start3A_351, %dma_start3A_352] : memref<40x2x128xi32, #tpu.memory_space<vmem>> -> memref<1x1x128xi32, #tpu.memory_space<vmem>>
        %dma_start3A_354 = tpu.memref_squeeze %dma_start3A_353 : memref<1x1x128xi32, #tpu.memory_space<vmem>> -> memref<128xi32, #tpu.memory_space<vmem>>
        %dma_start3A_355 = arith.constant 0 : i32
        %dma_start3A_356 = arith.constant 0 : i32
        %dma_start3A_357 = tpu.memref_slice %arg2[%dma_start3A_355, %dma_start3A_356] : memref<10240x64xf32, #tpu.memory_space<hbm>> -> memref<10240x64xf32, #tpu.memory_space<hbm>>
        tpu.enqueue_indirect_dma source(%dma_start3A_357 : memref<10240x64xf32, #tpu.memory_space<hbm>>) target(%arg13 : memref<128x64xf32, #tpu.memory_space<vmem>>) offsets(%dma_start3A_354 : memref<128xi32, #tpu.memory_space<vmem>>) semaphore(%arg22 : memref<!tpu.dma_semaphore, #tpu.memory_space<semaphore_mem>>)
      } else {
      }
    }
    %scan3A_91 = arith.constant 4 : i32
    %dma_wait3A = arith.constant 32 : i32
    %dma_wait3A_92 = arith.constant 0 : i32
    %dma_wait3A_93 = arith.constant 0 : i32
    %dma_wait3A_94 = tpu.memref_slice %arg5[%dma_wait3A, %dma_wait3A_92, %dma_wait3A_93] : memref<40x2x128xi32, #tpu.memory_space<vmem>> -> memref<1x1x128xi32, #tpu.memory_space<vmem>>
    %dma_wait3A_95 = tpu.memref_squeeze %dma_wait3A_94 : memref<1x1x128xi32, #tpu.memory_space<vmem>> -> memref<128xi32, #tpu.memory_space<vmem>>
    %dma_wait3A_96 = arith.constant 0 : i32
    %dma_wait3A_97 = arith.constant 0 : i32
    %dma_wait3A_98 = tpu.memref_slice %arg2[%dma_wait3A_96, %dma_wait3A_97] : memref<10240x64xf32, #tpu.memory_space<hbm>> -> memref<10240x64xf32, #tpu.memory_space<hbm>>
    tpu.wait_indirect_dma semaphore(%arg15 : memref<!tpu.dma_semaphore, #tpu.memory_space<semaphore_mem>>) src(%dma_wait3A_98 : memref<10240x64xf32, #tpu.memory_space<hbm>>) dst(%arg6 : memref<128x64xf32, #tpu.memory_space<vmem>>)
    %run_scoped3A = arith.constant 32 : i32
    %run_scoped3A_99 = arith.constant 1 : i32
    "tpu.region"() ({
      %run_scoped3A_204 = tpu.sem_alloc : memref<!tpu.dma_semaphore, #tpu.memory_space<semaphore_mem>>
      %dma_start3A_205 = arith.constant 0 : i32
      %dma_start3A_206 = tpu.memref_slice %arg5[%run_scoped3A, %run_scoped3A_99, %dma_start3A_205] : memref<40x2x128xi32, #tpu.memory_space<vmem>> -> memref<1x1x128xi32, #tpu.memory_space<vmem>>
      %dma_start3A_207 = tpu.memref_squeeze %dma_start3A_206 : memref<1x1x128xi32, #tpu.memory_space<vmem>> -> memref<128xi32, #tpu.memory_space<vmem>>
      %dma_start3A_208 = arith.constant 0 : i32
      %dma_start3A_209 = arith.constant 0 : i32
      %dma_start3A_210 = tpu.memref_slice %arg14[%dma_start3A_208, %dma_start3A_209] : memref<10240x64xf32, #tpu.memory_space<vmem_shared>> -> memref<10240x64xf32, #tpu.memory_space<vmem_shared>>
      tpu.enqueue_indirect_dma source(%arg6 : memref<128x64xf32, #tpu.memory_space<vmem>>) target(%dma_start3A_210 : memref<10240x64xf32, #tpu.memory_space<vmem_shared>>) offsets(%dma_start3A_207 : memref<128xi32, #tpu.memory_space<vmem>>) semaphore(%run_scoped3A_204 : memref<!tpu.dma_semaphore, #tpu.memory_space<semaphore_mem>>) {add = true}
      %dma_wait3A_211 = arith.constant 0 : i32
      %dma_wait3A_212 = tpu.memref_slice %arg5[%run_scoped3A, %run_scoped3A_99, %dma_wait3A_211] : memref<40x2x128xi32, #tpu.memory_space<vmem>> -> memref<1x1x128xi32, #tpu.memory_space<vmem>>
      %dma_wait3A_213 = tpu.memref_squeeze %dma_wait3A_212 : memref<1x1x128xi32, #tpu.memory_space<vmem>> -> memref<128xi32, #tpu.memory_space<vmem>>
      %dma_wait3A_214 = arith.constant 0 : i32
      %dma_wait3A_215 = arith.constant 0 : i32
      %dma_wait3A_216 = tpu.memref_slice %arg14[%dma_wait3A_214, %dma_wait3A_215] : memref<10240x64xf32, #tpu.memory_space<vmem_shared>> -> memref<10240x64xf32, #tpu.memory_space<vmem_shared>>
      tpu.wait_indirect_dma semaphore(%run_scoped3A_204 : memref<!tpu.dma_semaphore, #tpu.memory_space<semaphore_mem>>) src(%arg6 : memref<128x64xf32, #tpu.memory_space<vmem>>) dst(%dma_wait3A_216 : memref<10240x64xf32, #tpu.memory_space<vmem_shared>>)
      tpu.yield
    }) : () -> ()
    %gt3A = arith.constant 40 : i32
    %gt3A_100 = arith.cmpi sgt, %select_n3A, %gt3A : i32
    %convert_element_type3A_101 = arith.extui %gt3A_100 : i1 to i32
    %cond3A_102 = arith.constant 0 : i32
    %cond3A_103 = arith.cmpi ne, %convert_element_type3A_101, %cond3A_102 : i32
    scf.if %cond3A_103 {
      %dma_start3A_204 = arith.constant 40 : i32
      %dma_start3A_205 = arith.constant 0 : i32
      %dma_start3A_206 = arith.constant 0 : i32
      %dma_start3A_207 = tpu.memref_slice %arg5[%dma_start3A_204, %dma_start3A_205, %dma_start3A_206] : memref<40x2x128xi32, #tpu.memory_space<vmem>> -> memref<1x1x128xi32, #tpu.memory_space<vmem>>
      %dma_start3A_208 = tpu.memref_squeeze %dma_start3A_207 : memref<1x1x128xi32, #tpu.memory_space<vmem>> -> memref<128xi32, #tpu.memory_space<vmem>>
      %dma_start3A_209 = arith.constant 0 : i32
      %dma_start3A_210 = arith.constant 0 : i32
      %dma_start3A_211 = tpu.memref_slice %arg2[%dma_start3A_209, %dma_start3A_210] : memref<10240x64xf32, #tpu.memory_space<hbm>> -> memref<10240x64xf32, #tpu.memory_space<hbm>>
      tpu.enqueue_indirect_dma source(%dma_start3A_211 : memref<10240x64xf32, #tpu.memory_space<hbm>>) target(%arg6 : memref<128x64xf32, #tpu.memory_space<vmem>>) offsets(%dma_start3A_208 : memref<128xi32, #tpu.memory_space<vmem>>) semaphore(%arg15 : memref<!tpu.dma_semaphore, #tpu.memory_space<semaphore_mem>>)
    } else {
    }
    %dma_wait3A_104 = arith.constant 33 : i32
    %dma_wait3A_105 = arith.constant 0 : i32
    %dma_wait3A_106 = arith.constant 0 : i32
    %dma_wait3A_107 = tpu.memref_slice %arg5[%dma_wait3A_104, %dma_wait3A_105, %dma_wait3A_106] : memref<40x2x128xi32, #tpu.memory_space<vmem>> -> memref<1x1x128xi32, #tpu.memory_space<vmem>>
    %dma_wait3A_108 = tpu.memref_squeeze %dma_wait3A_107 : memref<1x1x128xi32, #tpu.memory_space<vmem>> -> memref<128xi32, #tpu.memory_space<vmem>>
    %dma_wait3A_109 = arith.constant 0 : i32
    %dma_wait3A_110 = arith.constant 0 : i32
    %dma_wait3A_111 = tpu.memref_slice %arg2[%dma_wait3A_109, %dma_wait3A_110] : memref<10240x64xf32, #tpu.memory_space<hbm>> -> memref<10240x64xf32, #tpu.memory_space<hbm>>
    tpu.wait_indirect_dma semaphore(%arg16 : memref<!tpu.dma_semaphore, #tpu.memory_space<semaphore_mem>>) src(%dma_wait3A_111 : memref<10240x64xf32, #tpu.memory_space<hbm>>) dst(%arg7 : memref<128x64xf32, #tpu.memory_space<vmem>>)
    %run_scoped3A_112 = arith.constant 33 : i32
    %run_scoped3A_113 = arith.constant 1 : i32
    "tpu.region"() ({
      %run_scoped3A_204 = tpu.sem_alloc : memref<!tpu.dma_semaphore, #tpu.memory_space<semaphore_mem>>
      %dma_start3A_205 = arith.constant 0 : i32
      %dma_start3A_206 = tpu.memref_slice %arg5[%run_scoped3A_112, %run_scoped3A_113, %dma_start3A_205] : memref<40x2x128xi32, #tpu.memory_space<vmem>> -> memref<1x1x128xi32, #tpu.memory_space<vmem>>
      %dma_start3A_207 = tpu.memref_squeeze %dma_start3A_206 : memref<1x1x128xi32, #tpu.memory_space<vmem>> -> memref<128xi32, #tpu.memory_space<vmem>>
      %dma_start3A_208 = arith.constant 0 : i32
      %dma_start3A_209 = arith.constant 0 : i32
      %dma_start3A_210 = tpu.memref_slice %arg14[%dma_start3A_208, %dma_start3A_209] : memref<10240x64xf32, #tpu.memory_space<vmem_shared>> -> memref<10240x64xf32, #tpu.memory_space<vmem_shared>>
      tpu.enqueue_indirect_dma source(%arg7 : memref<128x64xf32, #tpu.memory_space<vmem>>) target(%dma_start3A_210 : memref<10240x64xf32, #tpu.memory_space<vmem_shared>>) offsets(%dma_start3A_207 : memref<128xi32, #tpu.memory_space<vmem>>) semaphore(%run_scoped3A_204 : memref<!tpu.dma_semaphore, #tpu.memory_space<semaphore_mem>>) {add = true}
      %dma_wait3A_211 = arith.constant 0 : i32
      %dma_wait3A_212 = tpu.memref_slice %arg5[%run_scoped3A_112, %run_scoped3A_113, %dma_wait3A_211] : memref<40x2x128xi32, #tpu.memory_space<vmem>> -> memref<1x1x128xi32, #tpu.memory_space<vmem>>
      %dma_wait3A_213 = tpu.memref_squeeze %dma_wait3A_212 : memref<1x1x128xi32, #tpu.memory_space<vmem>> -> memref<128xi32, #tpu.memory_space<vmem>>
      %dma_wait3A_214 = arith.constant 0 : i32
      %dma_wait3A_215 = arith.constant 0 : i32
      %dma_wait3A_216 = tpu.memref_slice %arg14[%dma_wait3A_214, %dma_wait3A_215] : memref<10240x64xf32, #tpu.memory_space<vmem_shared>> -> memref<10240x64xf32, #tpu.memory_space<vmem_shared>>
      tpu.wait_indirect_dma semaphore(%run_scoped3A_204 : memref<!tpu.dma_semaphore, #tpu.memory_space<semaphore_mem>>) src(%arg7 : memref<128x64xf32, #tpu.memory_space<vmem>>) dst(%dma_wait3A_216 : memref<10240x64xf32, #tpu.memory_space<vmem_shared>>)
      tpu.yield
    }) : () -> ()
    %gt3A_114 = arith.constant 41 : i32
    %gt3A_115 = arith.cmpi sgt, %select_n3A, %gt3A_114 : i32
    %convert_element_type3A_116 = arith.extui %gt3A_115 : i1 to i32
    %cond3A_117 = arith.constant 0 : i32
    %cond3A_118 = arith.cmpi ne, %convert_element_type3A_116, %cond3A_117 : i32
    scf.if %cond3A_118 {
      %dma_start3A_204 = arith.constant 41 : i32
      %dma_start3A_205 = arith.constant 0 : i32
      %dma_start3A_206 = arith.constant 0 : i32
      %dma_start3A_207 = tpu.memref_slice %arg5[%dma_start3A_204, %dma_start3A_205, %dma_start3A_206] : memref<40x2x128xi32, #tpu.memory_space<vmem>> -> memref<1x1x128xi32, #tpu.memory_space<vmem>>
      %dma_start3A_208 = tpu.memref_squeeze %dma_start3A_207 : memref<1x1x128xi32, #tpu.memory_space<vmem>> -> memref<128xi32, #tpu.memory_space<vmem>>
      %dma_start3A_209 = arith.constant 0 : i32
      %dma_start3A_210 = arith.constant 0 : i32
      %dma_start3A_211 = tpu.memref_slice %arg2[%dma_start3A_209, %dma_start3A_210] : memref<10240x64xf32, #tpu.memory_space<hbm>> -> memref<10240x64xf32, #tpu.memory_space<hbm>>
      tpu.enqueue_indirect_dma source(%dma_start3A_211 : memref<10240x64xf32, #tpu.memory_space<hbm>>) target(%arg7 : memref<128x64xf32, #tpu.memory_space<vmem>>) offsets(%dma_start3A_208 : memref<128xi32, #tpu.memory_space<vmem>>) semaphore(%arg16 : memref<!tpu.dma_semaphore, #tpu.memory_space<semaphore_mem>>)
    } else {
    }
    %dma_wait3A_119 = arith.constant 34 : i32
    %dma_wait3A_120 = arith.constant 0 : i32
    %dma_wait3A_121 = arith.constant 0 : i32
    %dma_wait3A_122 = tpu.memref_slice %arg5[%dma_wait3A_119, %dma_wait3A_120, %dma_wait3A_121] : memref<40x2x128xi32, #tpu.memory_space<vmem>> -> memref<1x1x128xi32, #tpu.memory_space<vmem>>
    %dma_wait3A_123 = tpu.memref_squeeze %dma_wait3A_122 : memref<1x1x128xi32, #tpu.memory_space<vmem>> -> memref<128xi32, #tpu.memory_space<vmem>>
    %dma_wait3A_124 = arith.constant 0 : i32
    %dma_wait3A_125 = arith.constant 0 : i32
    %dma_wait3A_126 = tpu.memref_slice %arg2[%dma_wait3A_124, %dma_wait3A_125] : memref<10240x64xf32, #tpu.memory_space<hbm>> -> memref<10240x64xf32, #tpu.memory_space<hbm>>
    tpu.wait_indirect_dma semaphore(%arg17 : memref<!tpu.dma_semaphore, #tpu.memory_space<semaphore_mem>>) src(%dma_wait3A_126 : memref<10240x64xf32, #tpu.memory_space<hbm>>) dst(%arg8 : memref<128x64xf32, #tpu.memory_space<vmem>>)
    %run_scoped3A_127 = arith.constant 34 : i32
    %run_scoped3A_128 = arith.constant 1 : i32
    "tpu.region"() ({
      %run_scoped3A_204 = tpu.sem_alloc : memref<!tpu.dma_semaphore, #tpu.memory_space<semaphore_mem>>
      %dma_start3A_205 = arith.constant 0 : i32
      %dma_start3A_206 = tpu.memref_slice %arg5[%run_scoped3A_127, %run_scoped3A_128, %dma_start3A_205] : memref<40x2x128xi32, #tpu.memory_space<vmem>> -> memref<1x1x128xi32, #tpu.memory_space<vmem>>
      %dma_start3A_207 = tpu.memref_squeeze %dma_start3A_206 : memref<1x1x128xi32, #tpu.memory_space<vmem>> -> memref<128xi32, #tpu.memory_space<vmem>>
      %dma_start3A_208 = arith.constant 0 : i32
      %dma_start3A_209 = arith.constant 0 : i32
      %dma_start3A_210 = tpu.memref_slice %arg14[%dma_start3A_208, %dma_start3A_209] : memref<10240x64xf32, #tpu.memory_space<vmem_shared>> -> memref<10240x64xf32, #tpu.memory_space<vmem_shared>>
      tpu.enqueue_indirect_dma source(%arg8 : memref<128x64xf32, #tpu.memory_space<vmem>>) target(%dma_start3A_210 : memref<10240x64xf32, #tpu.memory_space<vmem_shared>>) offsets(%dma_start3A_207 : memref<128xi32, #tpu.memory_space<vmem>>) semaphore(%run_scoped3A_204 : memref<!tpu.dma_semaphore, #tpu.memory_space<semaphore_mem>>) {add = true}
      %dma_wait3A_211 = arith.constant 0 : i32
      %dma_wait3A_212 = tpu.memref_slice %arg5[%run_scoped3A_127, %run_scoped3A_128, %dma_wait3A_211] : memref<40x2x128xi32, #tpu.memory_space<vmem>> -> memref<1x1x128xi32, #tpu.memory_space<vmem>>
      %dma_wait3A_213 = tpu.memref_squeeze %dma_wait3A_212 : memref<1x1x128xi32, #tpu.memory_space<vmem>> -> memref<128xi32, #tpu.memory_space<vmem>>
      %dma_wait3A_214 = arith.constant 0 : i32
      %dma_wait3A_215 = arith.constant 0 : i32
      %dma_wait3A_216 = tpu.memref_slice %arg14[%dma_wait3A_214, %dma_wait3A_215] : memref<10240x64xf32, #tpu.memory_space<vmem_shared>> -> memref<10240x64xf32, #tpu.memory_space<vmem_shared>>
      tpu.wait_indirect_dma semaphore(%run_scoped3A_204 : memref<!tpu.dma_semaphore, #tpu.memory_space<semaphore_mem>>) src(%arg8 : memref<128x64xf32, #tpu.memory_space<vmem>>) dst(%dma_wait3A_216 : memref<10240x64xf32, #tpu.memory_space<vmem_shared>>)
      tpu.yield
    }) : () -> ()
    %gt3A_129 = arith.constant 42 : i32
    %gt3A_130 = arith.cmpi sgt, %select_n3A, %gt3A_129 : i32
    %convert_element_type3A_131 = arith.extui %gt3A_130 : i1 to i32
    %cond3A_132 = arith.constant 0 : i32
    %cond3A_133 = arith.cmpi ne, %convert_element_type3A_131, %cond3A_132 : i32
    scf.if %cond3A_133 {
      %dma_start3A_204 = arith.constant 42 : i32
      %dma_start3A_205 = arith.constant 0 : i32
      %dma_start3A_206 = arith.constant 0 : i32
      %dma_start3A_207 = tpu.memref_slice %arg5[%dma_start3A_204, %dma_start3A_205, %dma_start3A_206] : memref<40x2x128xi32, #tpu.memory_space<vmem>> -> memref<1x1x128xi32, #tpu.memory_space<vmem>>
      %dma_start3A_208 = tpu.memref_squeeze %dma_start3A_207 : memref<1x1x128xi32, #tpu.memory_space<vmem>> -> memref<128xi32, #tpu.memory_space<vmem>>
      %dma_start3A_209 = arith.constant 0 : i32
      %dma_start3A_210 = arith.constant 0 : i32
      %dma_start3A_211 = tpu.memref_slice %arg2[%dma_start3A_209, %dma_start3A_210] : memref<10240x64xf32, #tpu.memory_space<hbm>> -> memref<10240x64xf32, #tpu.memory_space<hbm>>
      tpu.enqueue_indirect_dma source(%dma_start3A_211 : memref<10240x64xf32, #tpu.memory_space<hbm>>) target(%arg8 : memref<128x64xf32, #tpu.memory_space<vmem>>) offsets(%dma_start3A_208 : memref<128xi32, #tpu.memory_space<vmem>>) semaphore(%arg17 : memref<!tpu.dma_semaphore, #tpu.memory_space<semaphore_mem>>)
    } else {
    }
    %dma_wait3A_134 = arith.constant 35 : i32
    %dma_wait3A_135 = arith.constant 0 : i32
    %dma_wait3A_136 = arith.constant 0 : i32
    %dma_wait3A_137 = tpu.memref_slice %arg5[%dma_wait3A_134, %dma_wait3A_135, %dma_wait3A_136] : memref<40x2x128xi32, #tpu.memory_space<vmem>> -> memref<1x1x128xi32, #tpu.memory_space<vmem>>
    %dma_wait3A_138 = tpu.memref_squeeze %dma_wait3A_137 : memref<1x1x128xi32, #tpu.memory_space<vmem>> -> memref<128xi32, #tpu.memory_space<vmem>>
    %dma_wait3A_139 = arith.constant 0 : i32
    %dma_wait3A_140 = arith.constant 0 : i32
    %dma_wait3A_141 = tpu.memref_slice %arg2[%dma_wait3A_139, %dma_wait3A_140] : memref<10240x64xf32, #tpu.memory_space<hbm>> -> memref<10240x64xf32, #tpu.memory_space<hbm>>
    tpu.wait_indirect_dma semaphore(%arg18 : memref<!tpu.dma_semaphore, #tpu.memory_space<semaphore_mem>>) src(%dma_wait3A_141 : memref<10240x64xf32, #tpu.memory_space<hbm>>) dst(%arg9 : memref<128x64xf32, #tpu.memory_space<vmem>>)
    %run_scoped3A_142 = arith.constant 35 : i32
    %run_scoped3A_143 = arith.constant 1 : i32
    "tpu.region"() ({
      %run_scoped3A_204 = tpu.sem_alloc : memref<!tpu.dma_semaphore, #tpu.memory_space<semaphore_mem>>
      %dma_start3A_205 = arith.constant 0 : i32
      %dma_start3A_206 = tpu.memref_slice %arg5[%run_scoped3A_142, %run_scoped3A_143, %dma_start3A_205] : memref<40x2x128xi32, #tpu.memory_space<vmem>> -> memref<1x1x128xi32, #tpu.memory_space<vmem>>
      %dma_start3A_207 = tpu.memref_squeeze %dma_start3A_206 : memref<1x1x128xi32, #tpu.memory_space<vmem>> -> memref<128xi32, #tpu.memory_space<vmem>>
      %dma_start3A_208 = arith.constant 0 : i32
      %dma_start3A_209 = arith.constant 0 : i32
      %dma_start3A_210 = tpu.memref_slice %arg14[%dma_start3A_208, %dma_start3A_209] : memref<10240x64xf32, #tpu.memory_space<vmem_shared>> -> memref<10240x64xf32, #tpu.memory_space<vmem_shared>>
      tpu.enqueue_indirect_dma source(%arg9 : memref<128x64xf32, #tpu.memory_space<vmem>>) target(%dma_start3A_210 : memref<10240x64xf32, #tpu.memory_space<vmem_shared>>) offsets(%dma_start3A_207 : memref<128xi32, #tpu.memory_space<vmem>>) semaphore(%run_scoped3A_204 : memref<!tpu.dma_semaphore, #tpu.memory_space<semaphore_mem>>) {add = true}
      %dma_wait3A_211 = arith.constant 0 : i32
      %dma_wait3A_212 = tpu.memref_slice %arg5[%run_scoped3A_142, %run_scoped3A_143, %dma_wait3A_211] : memref<40x2x128xi32, #tpu.memory_space<vmem>> -> memref<1x1x128xi32, #tpu.memory_space<vmem>>
      %dma_wait3A_213 = tpu.memref_squeeze %dma_wait3A_212 : memref<1x1x128xi32, #tpu.memory_space<vmem>> -> memref<128xi32, #tpu.memory_space<vmem>>
      %dma_wait3A_214 = arith.constant 0 : i32
      %dma_wait3A_215 = arith.constant 0 : i32
      %dma_wait3A_216 = tpu.memref_slice %arg14[%dma_wait3A_214, %dma_wait3A_215] : memref<10240x64xf32, #tpu.memory_space<vmem_shared>> -> memref<10240x64xf32, #tpu.memory_space<vmem_shared>>
      tpu.wait_indirect_dma semaphore(%run_scoped3A_204 : memref<!tpu.dma_semaphore, #tpu.memory_space<semaphore_mem>>) src(%arg9 : memref<128x64xf32, #tpu.memory_space<vmem>>) dst(%dma_wait3A_216 : memref<10240x64xf32, #tpu.memory_space<vmem_shared>>)
      tpu.yield
    }) : () -> ()
    %gt3A_144 = arith.constant 43 : i32
    %gt3A_145 = arith.cmpi sgt, %select_n3A, %gt3A_144 : i32
    %convert_element_type3A_146 = arith.extui %gt3A_145 : i1 to i32
    %cond3A_147 = arith.constant 0 : i32
    %cond3A_148 = arith.cmpi ne, %convert_element_type3A_146, %cond3A_147 : i32
    scf.if %cond3A_148 {
      %dma_start3A_204 = arith.constant 43 : i32
      %dma_start3A_205 = arith.constant 0 : i32
      %dma_start3A_206 = arith.constant 0 : i32
      %dma_start3A_207 = tpu.memref_slice %arg5[%dma_start3A_204, %dma_start3A_205, %dma_start3A_206] : memref<40x2x128xi32, #tpu.memory_space<vmem>> -> memref<1x1x128xi32, #tpu.memory_space<vmem>>
      %dma_start3A_208 = tpu.memref_squeeze %dma_start3A_207 : memref<1x1x128xi32, #tpu.memory_space<vmem>> -> memref<128xi32, #tpu.memory_space<vmem>>
      %dma_start3A_209 = arith.constant 0 : i32
      %dma_start3A_210 = arith.constant 0 : i32
      %dma_start3A_211 = tpu.memref_slice %arg2[%dma_start3A_209, %dma_start3A_210] : memref<10240x64xf32, #tpu.memory_space<hbm>> -> memref<10240x64xf32, #tpu.memory_space<hbm>>
      tpu.enqueue_indirect_dma source(%dma_start3A_211 : memref<10240x64xf32, #tpu.memory_space<hbm>>) target(%arg9 : memref<128x64xf32, #tpu.memory_space<vmem>>) offsets(%dma_start3A_208 : memref<128xi32, #tpu.memory_space<vmem>>) semaphore(%arg18 : memref<!tpu.dma_semaphore, #tpu.memory_space<semaphore_mem>>)
    } else {
    }
    %dma_wait3A_149 = arith.constant 36 : i32
    %dma_wait3A_150 = arith.constant 0 : i32
    %dma_wait3A_151 = arith.constant 0 : i32
    %dma_wait3A_152 = tpu.memref_slice %arg5[%dma_wait3A_149, %dma_wait3A_150, %dma_wait3A_151] : memref<40x2x128xi32, #tpu.memory_space<vmem>> -> memref<1x1x128xi32, #tpu.memory_space<vmem>>
    %dma_wait3A_153 = tpu.memref_squeeze %dma_wait3A_152 : memref<1x1x128xi32, #tpu.memory_space<vmem>> -> memref<128xi32, #tpu.memory_space<vmem>>
    %dma_wait3A_154 = arith.constant 0 : i32
    %dma_wait3A_155 = arith.constant 0 : i32
    %dma_wait3A_156 = tpu.memref_slice %arg2[%dma_wait3A_154, %dma_wait3A_155] : memref<10240x64xf32, #tpu.memory_space<hbm>> -> memref<10240x64xf32, #tpu.memory_space<hbm>>
    tpu.wait_indirect_dma semaphore(%arg19 : memref<!tpu.dma_semaphore, #tpu.memory_space<semaphore_mem>>) src(%dma_wait3A_156 : memref<10240x64xf32, #tpu.memory_space<hbm>>) dst(%arg10 : memref<128x64xf32, #tpu.memory_space<vmem>>)
    %run_scoped3A_157 = arith.constant 36 : i32
    %run_scoped3A_158 = arith.constant 1 : i32
    "tpu.region"() ({
      %run_scoped3A_204 = tpu.sem_alloc : memref<!tpu.dma_semaphore, #tpu.memory_space<semaphore_mem>>
      %dma_start3A_205 = arith.constant 0 : i32
      %dma_start3A_206 = tpu.memref_slice %arg5[%run_scoped3A_157, %run_scoped3A_158, %dma_start3A_205] : memref<40x2x128xi32, #tpu.memory_space<vmem>> -> memref<1x1x128xi32, #tpu.memory_space<vmem>>
      %dma_start3A_207 = tpu.memref_squeeze %dma_start3A_206 : memref<1x1x128xi32, #tpu.memory_space<vmem>> -> memref<128xi32, #tpu.memory_space<vmem>>
      %dma_start3A_208 = arith.constant 0 : i32
      %dma_start3A_209 = arith.constant 0 : i32
      %dma_start3A_210 = tpu.memref_slice %arg14[%dma_start3A_208, %dma_start3A_209] : memref<10240x64xf32, #tpu.memory_space<vmem_shared>> -> memref<10240x64xf32, #tpu.memory_space<vmem_shared>>
      tpu.enqueue_indirect_dma source(%arg10 : memref<128x64xf32, #tpu.memory_space<vmem>>) target(%dma_start3A_210 : memref<10240x64xf32, #tpu.memory_space<vmem_shared>>) offsets(%dma_start3A_207 : memref<128xi32, #tpu.memory_space<vmem>>) semaphore(%run_scoped3A_204 : memref<!tpu.dma_semaphore, #tpu.memory_space<semaphore_mem>>) {add = true}
      %dma_wait3A_211 = arith.constant 0 : i32
      %dma_wait3A_212 = tpu.memref_slice %arg5[%run_scoped3A_157, %run_scoped3A_158, %dma_wait3A_211] : memref<40x2x128xi32, #tpu.memory_space<vmem>> -> memref<1x1x128xi32, #tpu.memory_space<vmem>>
      %dma_wait3A_213 = tpu.memref_squeeze %dma_wait3A_212 : memref<1x1x128xi32, #tpu.memory_space<vmem>> -> memref<128xi32, #tpu.memory_space<vmem>>
      %dma_wait3A_214 = arith.constant 0 : i32
      %dma_wait3A_215 = arith.constant 0 : i32
      %dma_wait3A_216 = tpu.memref_slice %arg14[%dma_wait3A_214, %dma_wait3A_215] : memref<10240x64xf32, #tpu.memory_space<vmem_shared>> -> memref<10240x64xf32, #tpu.memory_space<vmem_shared>>
      tpu.wait_indirect_dma semaphore(%run_scoped3A_204 : memref<!tpu.dma_semaphore, #tpu.memory_space<semaphore_mem>>) src(%arg10 : memref<128x64xf32, #tpu.memory_space<vmem>>) dst(%dma_wait3A_216 : memref<10240x64xf32, #tpu.memory_space<vmem_shared>>)
      tpu.yield
    }) : () -> ()
    %gt3A_159 = arith.constant 44 : i32
    %gt3A_160 = arith.cmpi sgt, %select_n3A, %gt3A_159 : i32
    %convert_element_type3A_161 = arith.extui %gt3A_160 : i1 to i32
    %cond3A_162 = arith.constant 0 : i32
    %cond3A_163 = arith.cmpi ne, %convert_element_type3A_161, %cond3A_162 : i32
    scf.if %cond3A_163 {
      %dma_start3A_204 = arith.constant 44 : i32
      %dma_start3A_205 = arith.constant 0 : i32
      %dma_start3A_206 = arith.constant 0 : i32
      %dma_start3A_207 = tpu.memref_slice %arg5[%dma_start3A_204, %dma_start3A_205, %dma_start3A_206] : memref<40x2x128xi32, #tpu.memory_space<vmem>> -> memref<1x1x128xi32, #tpu.memory_space<vmem>>
      %dma_start3A_208 = tpu.memref_squeeze %dma_start3A_207 : memref<1x1x128xi32, #tpu.memory_space<vmem>> -> memref<128xi32, #tpu.memory_space<vmem>>
      %dma_start3A_209 = arith.constant 0 : i32
      %dma_start3A_210 = arith.constant 0 : i32
      %dma_start3A_211 = tpu.memref_slice %arg2[%dma_start3A_209, %dma_start3A_210] : memref<10240x64xf32, #tpu.memory_space<hbm>> -> memref<10240x64xf32, #tpu.memory_space<hbm>>
      tpu.enqueue_indirect_dma source(%dma_start3A_211 : memref<10240x64xf32, #tpu.memory_space<hbm>>) target(%arg10 : memref<128x64xf32, #tpu.memory_space<vmem>>) offsets(%dma_start3A_208 : memref<128xi32, #tpu.memory_space<vmem>>) semaphore(%arg19 : memref<!tpu.dma_semaphore, #tpu.memory_space<semaphore_mem>>)
    } else {
    }
    %dma_wait3A_164 = arith.constant 37 : i32
    %dma_wait3A_165 = arith.constant 0 : i32
    %dma_wait3A_166 = arith.constant 0 : i32
    %dma_wait3A_167 = tpu.memref_slice %arg5[%dma_wait3A_164, %dma_wait3A_165, %dma_wait3A_166] : memref<40x2x128xi32, #tpu.memory_space<vmem>> -> memref<1x1x128xi32, #tpu.memory_space<vmem>>
    %dma_wait3A_168 = tpu.memref_squeeze %dma_wait3A_167 : memref<1x1x128xi32, #tpu.memory_space<vmem>> -> memref<128xi32, #tpu.memory_space<vmem>>
    %dma_wait3A_169 = arith.constant 0 : i32
    %dma_wait3A_170 = arith.constant 0 : i32
    %dma_wait3A_171 = tpu.memref_slice %arg2[%dma_wait3A_169, %dma_wait3A_170] : memref<10240x64xf32, #tpu.memory_space<hbm>> -> memref<10240x64xf32, #tpu.memory_space<hbm>>
    tpu.wait_indirect_dma semaphore(%arg20 : memref<!tpu.dma_semaphore, #tpu.memory_space<semaphore_mem>>) src(%dma_wait3A_171 : memref<10240x64xf32, #tpu.memory_space<hbm>>) dst(%arg11 : memref<128x64xf32, #tpu.memory_space<vmem>>)
    %run_scoped3A_172 = arith.constant 37 : i32
    %run_scoped3A_173 = arith.constant 1 : i32
    "tpu.region"() ({
      %run_scoped3A_204 = tpu.sem_alloc : memref<!tpu.dma_semaphore, #tpu.memory_space<semaphore_mem>>
      %dma_start3A_205 = arith.constant 0 : i32
      %dma_start3A_206 = tpu.memref_slice %arg5[%run_scoped3A_172, %run_scoped3A_173, %dma_start3A_205] : memref<40x2x128xi32, #tpu.memory_space<vmem>> -> memref<1x1x128xi32, #tpu.memory_space<vmem>>
      %dma_start3A_207 = tpu.memref_squeeze %dma_start3A_206 : memref<1x1x128xi32, #tpu.memory_space<vmem>> -> memref<128xi32, #tpu.memory_space<vmem>>
      %dma_start3A_208 = arith.constant 0 : i32
      %dma_start3A_209 = arith.constant 0 : i32
      %dma_start3A_210 = tpu.memref_slice %arg14[%dma_start3A_208, %dma_start3A_209] : memref<10240x64xf32, #tpu.memory_space<vmem_shared>> -> memref<10240x64xf32, #tpu.memory_space<vmem_shared>>
      tpu.enqueue_indirect_dma source(%arg11 : memref<128x64xf32, #tpu.memory_space<vmem>>) target(%dma_start3A_210 : memref<10240x64xf32, #tpu.memory_space<vmem_shared>>) offsets(%dma_start3A_207 : memref<128xi32, #tpu.memory_space<vmem>>) semaphore(%run_scoped3A_204 : memref<!tpu.dma_semaphore, #tpu.memory_space<semaphore_mem>>) {add = true}
      %dma_wait3A_211 = arith.constant 0 : i32
      %dma_wait3A_212 = tpu.memref_slice %arg5[%run_scoped3A_172, %run_scoped3A_173, %dma_wait3A_211] : memref<40x2x128xi32, #tpu.memory_space<vmem>> -> memref<1x1x128xi32, #tpu.memory_space<vmem>>
      %dma_wait3A_213 = tpu.memref_squeeze %dma_wait3A_212 : memref<1x1x128xi32, #tpu.memory_space<vmem>> -> memref<128xi32, #tpu.memory_space<vmem>>
      %dma_wait3A_214 = arith.constant 0 : i32
      %dma_wait3A_215 = arith.constant 0 : i32
      %dma_wait3A_216 = tpu.memref_slice %arg14[%dma_wait3A_214, %dma_wait3A_215] : memref<10240x64xf32, #tpu.memory_space<vmem_shared>> -> memref<10240x64xf32, #tpu.memory_space<vmem_shared>>
      tpu.wait_indirect_dma semaphore(%run_scoped3A_204 : memref<!tpu.dma_semaphore, #tpu.memory_space<semaphore_mem>>) src(%arg11 : memref<128x64xf32, #tpu.memory_space<vmem>>) dst(%dma_wait3A_216 : memref<10240x64xf32, #tpu.memory_space<vmem_shared>>)
      tpu.yield
    }) : () -> ()
    %gt3A_174 = arith.constant 45 : i32
    %gt3A_175 = arith.cmpi sgt, %select_n3A, %gt3A_174 : i32
    %convert_element_type3A_176 = arith.extui %gt3A_175 : i1 to i32
    %cond3A_177 = arith.constant 0 : i32
    %cond3A_178 = arith.cmpi ne, %convert_element_type3A_176, %cond3A_177 : i32
    scf.if %cond3A_178 {
      %dma_start3A_204 = arith.constant 45 : i32
      %dma_start3A_205 = arith.constant 0 : i32
      %dma_start3A_206 = arith.constant 0 : i32
      %dma_start3A_207 = tpu.memref_slice %arg5[%dma_start3A_204, %dma_start3A_205, %dma_start3A_206] : memref<40x2x128xi32, #tpu.memory_space<vmem>> -> memref<1x1x128xi32, #tpu.memory_space<vmem>>
      %dma_start3A_208 = tpu.memref_squeeze %dma_start3A_207 : memref<1x1x128xi32, #tpu.memory_space<vmem>> -> memref<128xi32, #tpu.memory_space<vmem>>
      %dma_start3A_209 = arith.constant 0 : i32
      %dma_start3A_210 = arith.constant 0 : i32
      %dma_start3A_211 = tpu.memref_slice %arg2[%dma_start3A_209, %dma_start3A_210] : memref<10240x64xf32, #tpu.memory_space<hbm>> -> memref<10240x64xf32, #tpu.memory_space<hbm>>
      tpu.enqueue_indirect_dma source(%dma_start3A_211 : memref<10240x64xf32, #tpu.memory_space<hbm>>) target(%arg11 : memref<128x64xf32, #tpu.memory_space<vmem>>) offsets(%dma_start3A_208 : memref<128xi32, #tpu.memory_space<vmem>>) semaphore(%arg20 : memref<!tpu.dma_semaphore, #tpu.memory_space<semaphore_mem>>)
    } else {
    }
    %dma_wait3A_179 = arith.constant 38 : i32
    %dma_wait3A_180 = arith.constant 0 : i32
    %dma_wait3A_181 = arith.constant 0 : i32
    %dma_wait3A_182 = tpu.memref_slice %arg5[%dma_wait3A_179, %dma_wait3A_180, %dma_wait3A_181] : memref<40x2x128xi32, #tpu.memory_space<vmem>> -> memref<1x1x128xi32, #tpu.memory_space<vmem>>
    %dma_wait3A_183 = tpu.memref_squeeze %dma_wait3A_182 : memref<1x1x128xi32, #tpu.memory_space<vmem>> -> memref<128xi32, #tpu.memory_space<vmem>>
    %dma_wait3A_184 = arith.constant 0 : i32
    %dma_wait3A_185 = arith.constant 0 : i32
    %dma_wait3A_186 = tpu.memref_slice %arg2[%dma_wait3A_184, %dma_wait3A_185] : memref<10240x64xf32, #tpu.memory_space<hbm>> -> memref<10240x64xf32, #tpu.memory_space<hbm>>
    tpu.wait_indirect_dma semaphore(%arg21 : memref<!tpu.dma_semaphore, #tpu.memory_space<semaphore_mem>>) src(%dma_wait3A_186 : memref<10240x64xf32, #tpu.memory_space<hbm>>) dst(%arg12 : memref<128x64xf32, #tpu.memory_space<vmem>>)
    %run_scoped3A_187 = arith.constant 38 : i32
    %run_scoped3A_188 = arith.constant 1 : i32
    "tpu.region"() ({
      %run_scoped3A_204 = tpu.sem_alloc : memref<!tpu.dma_semaphore, #tpu.memory_space<semaphore_mem>>
      %dma_start3A_205 = arith.constant 0 : i32
      %dma_start3A_206 = tpu.memref_slice %arg5[%run_scoped3A_187, %run_scoped3A_188, %dma_start3A_205] : memref<40x2x128xi32, #tpu.memory_space<vmem>> -> memref<1x1x128xi32, #tpu.memory_space<vmem>>
      %dma_start3A_207 = tpu.memref_squeeze %dma_start3A_206 : memref<1x1x128xi32, #tpu.memory_space<vmem>> -> memref<128xi32, #tpu.memory_space<vmem>>
      %dma_start3A_208 = arith.constant 0 : i32
      %dma_start3A_209 = arith.constant 0 : i32
      %dma_start3A_210 = tpu.memref_slice %arg14[%dma_start3A_208, %dma_start3A_209] : memref<10240x64xf32, #tpu.memory_space<vmem_shared>> -> memref<10240x64xf32, #tpu.memory_space<vmem_shared>>
      tpu.enqueue_indirect_dma source(%arg12 : memref<128x64xf32, #tpu.memory_space<vmem>>) target(%dma_start3A_210 : memref<10240x64xf32, #tpu.memory_space<vmem_shared>>) offsets(%dma_start3A_207 : memref<128xi32, #tpu.memory_space<vmem>>) semaphore(%run_scoped3A_204 : memref<!tpu.dma_semaphore, #tpu.memory_space<semaphore_mem>>) {add = true}
      %dma_wait3A_211 = arith.constant 0 : i32
      %dma_wait3A_212 = tpu.memref_slice %arg5[%run_scoped3A_187, %run_scoped3A_188, %dma_wait3A_211] : memref<40x2x128xi32, #tpu.memory_space<vmem>> -> memref<1x1x128xi32, #tpu.memory_space<vmem>>
      %dma_wait3A_213 = tpu.memref_squeeze %dma_wait3A_212 : memref<1x1x128xi32, #tpu.memory_space<vmem>> -> memref<128xi32, #tpu.memory_space<vmem>>
      %dma_wait3A_214 = arith.constant 0 : i32
      %dma_wait3A_215 = arith.constant 0 : i32
      %dma_wait3A_216 = tpu.memref_slice %arg14[%dma_wait3A_214, %dma_wait3A_215] : memref<10240x64xf32, #tpu.memory_space<vmem_shared>> -> memref<10240x64xf32, #tpu.memory_space<vmem_shared>>
      tpu.wait_indirect_dma semaphore(%run_scoped3A_204 : memref<!tpu.dma_semaphore, #tpu.memory_space<semaphore_mem>>) src(%arg12 : memref<128x64xf32, #tpu.memory_space<vmem>>) dst(%dma_wait3A_216 : memref<10240x64xf32, #tpu.memory_space<vmem_shared>>)
      tpu.yield
    }) : () -> ()
    %gt3A_189 = arith.constant 46 : i32
    %gt3A_190 = arith.cmpi sgt, %select_n3A, %gt3A_189 : i32
    %convert_element_type3A_191 = arith.extui %gt3A_190 : i1 to i32
    %cond3A_192 = arith.constant 0 : i32
    %cond3A_193 = arith.cmpi ne, %convert_element_type3A_191, %cond3A_192 : i32
    scf.if %cond3A_193 {
      %dma_start3A_204 = arith.constant 46 : i32
      %dma_start3A_205 = arith.constant 0 : i32
      %dma_start3A_206 = arith.constant 0 : i32
      %dma_start3A_207 = tpu.memref_slice %arg5[%dma_start3A_204, %dma_start3A_205, %dma_start3A_206] : memref<40x2x128xi32, #tpu.memory_space<vmem>> -> memref<1x1x128xi32, #tpu.memory_space<vmem>>
      %dma_start3A_208 = tpu.memref_squeeze %dma_start3A_207 : memref<1x1x128xi32, #tpu.memory_space<vmem>> -> memref<128xi32, #tpu.memory_space<vmem>>
      %dma_start3A_209 = arith.constant 0 : i32
      %dma_start3A_210 = arith.constant 0 : i32
      %dma_start3A_211 = tpu.memref_slice %arg2[%dma_start3A_209, %dma_start3A_210] : memref<10240x64xf32, #tpu.memory_space<hbm>> -> memref<10240x64xf32, #tpu.memory_space<hbm>>
      tpu.enqueue_indirect_dma source(%dma_start3A_211 : memref<10240x64xf32, #tpu.memory_space<hbm>>) target(%arg12 : memref<128x64xf32, #tpu.memory_space<vmem>>) offsets(%dma_start3A_208 : memref<128xi32, #tpu.memory_space<vmem>>) semaphore(%arg21 : memref<!tpu.dma_semaphore, #tpu.memory_space<semaphore_mem>>)
    } else {
    }
    %ge3A_194 = arith.constant 40 : i32
    %ge3A_195 = arith.cmpi sge, %select_n3A, %ge3A_194 : i32
    %convert_element_type3A_196 = arith.extui %ge3A_195 : i1 to i32
    %cond3A_197 = arith.constant 0 : i32
    %cond3A_198 = arith.cmpi ne, %convert_element_type3A_196, %cond3A_197 : i32
    scf.if %cond3A_198 {
      %dma_wait3A_204 = arith.constant 39 : i32
      %dma_wait3A_205 = arith.constant 0 : i32
      %dma_wait3A_206 = arith.constant 0 : i32
      %dma_wait3A_207 = tpu.memref_slice %arg5[%dma_wait3A_204, %dma_wait3A_205, %dma_wait3A_206] : memref<40x2x128xi32, #tpu.memory_space<vmem>> -> memref<1x1x128xi32, #tpu.memory_space<vmem>>
      %dma_wait3A_208 = tpu.memref_squeeze %dma_wait3A_207 : memref<1x1x128xi32, #tpu.memory_space<vmem>> -> memref<128xi32, #tpu.memory_space<vmem>>
      %dma_wait3A_209 = arith.constant 0 : i32
      %dma_wait3A_210 = arith.constant 0 : i32
      %dma_wait3A_211 = tpu.memref_slice %arg2[%dma_wait3A_209, %dma_wait3A_210] : memref<10240x64xf32, #tpu.memory_space<hbm>> -> memref<10240x64xf32, #tpu.memory_space<hbm>>
      tpu.wait_indirect_dma semaphore(%arg22 : memref<!tpu.dma_semaphore, #tpu.memory_space<semaphore_mem>>) src(%dma_wait3A_211 : memref<10240x64xf32, #tpu.memory_space<hbm>>) dst(%arg13 : memref<128x64xf32, #tpu.memory_space<vmem>>)
      %run_scoped3A_212 = arith.constant 39 : i32
      %run_scoped3A_213 = arith.constant 1 : i32
      "tpu.region"() ({
        %run_scoped3A_219 = tpu.sem_alloc : memref<!tpu.dma_semaphore, #tpu.memory_space<semaphore_mem>>
        %dma_start3A_220 = arith.constant 0 : i32
        %dma_start3A_221 = tpu.memref_slice %arg5[%run_scoped3A_212, %run_scoped3A_213, %dma_start3A_220] : memref<40x2x128xi32, #tpu.memory_space<vmem>> -> memref<1x1x128xi32, #tpu.memory_space<vmem>>
        %dma_start3A_222 = tpu.memref_squeeze %dma_start3A_221 : memref<1x1x128xi32, #tpu.memory_space<vmem>> -> memref<128xi32, #tpu.memory_space<vmem>>
        %dma_start3A_223 = arith.constant 0 : i32
        %dma_start3A_224 = arith.constant 0 : i32
        %dma_start3A_225 = tpu.memref_slice %arg14[%dma_start3A_223, %dma_start3A_224] : memref<10240x64xf32, #tpu.memory_space<vmem_shared>> -> memref<10240x64xf32, #tpu.memory_space<vmem_shared>>
        tpu.enqueue_indirect_dma source(%arg13 : memref<128x64xf32, #tpu.memory_space<vmem>>) target(%dma_start3A_225 : memref<10240x64xf32, #tpu.memory_space<vmem_shared>>) offsets(%dma_start3A_222 : memref<128xi32, #tpu.memory_space<vmem>>) semaphore(%run_scoped3A_219 : memref<!tpu.dma_semaphore, #tpu.memory_space<semaphore_mem>>) {add = true}
        %dma_wait3A_226 = arith.constant 0 : i32
        %dma_wait3A_227 = tpu.memref_slice %arg5[%run_scoped3A_212, %run_scoped3A_213, %dma_wait3A_226] : memref<40x2x128xi32, #tpu.memory_space<vmem>> -> memref<1x1x128xi32, #tpu.memory_space<vmem>>
        %dma_wait3A_228 = tpu.memref_squeeze %dma_wait3A_227 : memref<1x1x128xi32, #tpu.memory_space<vmem>> -> memref<128xi32, #tpu.memory_space<vmem>>
        %dma_wait3A_229 = arith.constant 0 : i32
        %dma_wait3A_230 = arith.constant 0 : i32
        %dma_wait3A_231 = tpu.memref_slice %arg14[%dma_wait3A_229, %dma_wait3A_230] : memref<10240x64xf32, #tpu.memory_space<vmem_shared>> -> memref<10240x64xf32, #tpu.memory_space<vmem_shared>>
        tpu.wait_indirect_dma semaphore(%run_scoped3A_219 : memref<!tpu.dma_semaphore, #tpu.memory_space<semaphore_mem>>) src(%arg13 : memref<128x64xf32, #tpu.memory_space<vmem>>) dst(%dma_wait3A_231 : memref<10240x64xf32, #tpu.memory_space<vmem_shared>>)
        tpu.yield
      }) : () -> ()
      %gt3A_214 = arith.constant 47 : i32
      %gt3A_215 = arith.cmpi sgt, %select_n3A, %gt3A_214 : i32
      %convert_element_type3A_216 = arith.extui %gt3A_215 : i1 to i32
      %cond3A_217 = arith.constant 0 : i32
      %cond3A_218 = arith.cmpi ne, %convert_element_type3A_216, %cond3A_217 : i32
      scf.if %cond3A_218 {
        %dma_start3A_219 = arith.constant 47 : i32
        %dma_start3A_220 = arith.constant 0 : i32
        %dma_start3A_221 = arith.constant 0 : i32
        %dma_start3A_222 = tpu.memref_slice %arg5[%dma_start3A_219, %dma_start3A_220, %dma_start3A_221] : memref<40x2x128xi32, #tpu.memory_space<vmem>> -> memref<1x1x128xi32, #tpu.memory_space<vmem>>
        %dma_start3A_223 = tpu.memref_squeeze %dma_start3A_222 : memref<1x1x128xi32, #tpu.memory_space<vmem>> -> memref<128xi32, #tpu.memory_space<vmem>>
        %dma_start3A_224 = arith.constant 0 : i32
        %dma_start3A_225 = arith.constant 0 : i32
        %dma_start3A_226 = tpu.memref_slice %arg2[%dma_start3A_224, %dma_start3A_225] : memref<10240x64xf32, #tpu.memory_space<hbm>> -> memref<10240x64xf32, #tpu.memory_space<hbm>>
        tpu.enqueue_indirect_dma source(%dma_start3A_226 : memref<10240x64xf32, #tpu.memory_space<hbm>>) target(%arg13 : memref<128x64xf32, #tpu.memory_space<vmem>>) offsets(%dma_start3A_223 : memref<128xi32, #tpu.memory_space<vmem>>) semaphore(%arg22 : memref<!tpu.dma_semaphore, #tpu.memory_space<semaphore_mem>>)
      } else {
      }
    } else {
    }
    %barrier3A_199 = arith.constant 0 : index
    tpu.barrier barrier_id(%barrier3A_199)
    %mul3A_200 = arith.constant 640 : i32
    %mul3A_201 = arith.muli %arg1, %mul3A_200 : i32
    %mul3A_202 = arith.constant 640 : i32
    %mul3A_203 = arith.muli %arg1, %mul3A_202 : i32
    "tpu.region"() ({
      %run_scoped3A_204 = tpu.sem_alloc : memref<!tpu.dma_semaphore, #tpu.memory_space<semaphore_mem>>
      %dma_start3A_205 = arith.constant 0 : i32
      %dma_start3A_206 = tpu.memref_slice %arg4[%arg0, %mul3A_203, %dma_start3A_205] : memref<2x10240x64xf32, #tpu.memory_space<hbm>> -> memref<1x640x64xf32, #tpu.memory_space<hbm>>
      %dma_start3A_207 = tpu.memref_squeeze %dma_start3A_206 : memref<1x640x64xf32, #tpu.memory_space<hbm>> -> memref<640x64xf32, #tpu.memory_space<hbm>>
      %dma_start3A_208 = arith.constant 0 : i32
      %dma_start3A_209 = tpu.memref_slice %arg14[%mul3A_201, %dma_start3A_208] : memref<10240x64xf32, #tpu.memory_space<vmem_shared>> -> memref<640x64xf32, #tpu.memory_space<vmem_shared>>
      tpu.enqueue_dma source(%dma_start3A_209 : memref<640x64xf32, #tpu.memory_space<vmem_shared>>) target(%dma_start3A_207 : memref<640x64xf32, #tpu.memory_space<hbm>>) target_semaphore(%run_scoped3A_204 : memref<!tpu.dma_semaphore, #tpu.memory_space<semaphore_mem>>)
      %dma_wait3A_210 = arith.constant 0 : i32
      %dma_wait3A_211 = tpu.memref_slice %arg4[%arg0, %mul3A_203, %dma_wait3A_210] : memref<2x10240x64xf32, #tpu.memory_space<hbm>> -> memref<1x640x64xf32, #tpu.memory_space<hbm>>
      %dma_wait3A_212 = tpu.memref_squeeze %dma_wait3A_211 : memref<1x640x64xf32, #tpu.memory_space<hbm>> -> memref<640x64xf32, #tpu.memory_space<hbm>>
      %dma_wait3A_213 = arith.constant 0 : i32
      %dma_wait3A_214 = tpu.memref_slice %arg14[%mul3A_201, %dma_wait3A_213] : memref<10240x64xf32, #tpu.memory_space<vmem_shared>> -> memref<640x64xf32, #tpu.memory_space<vmem_shared>>
      tpu.wait_dma2 semaphore(%run_scoped3A_204 : memref<!tpu.dma_semaphore, #tpu.memory_space<semaphore_mem>>) src(%dma_wait3A_214 : memref<640x64xf32, #tpu.memory_space<vmem_shared>>) dst(%dma_wait3A_212 : memref<640x64xf32, #tpu.memory_space<hbm>>)
      tpu.yield
    }) : () -> ()
    return
  }
}

#map = affine_map<(d0, d1) -> (0, 0)>
#map1 = affine_map<(d0, d1) -> (0, 0, 0)>
module attributes {stable_mosaic.version = 14 : i64} {
  func.func @_prop_body(%arg0: i32, %arg1: i32, %arg2: memref<10240x128xf32, #tpu.memory_space<hbm>>, %arg3: memref<1250x2x128xi32, #tpu.memory_space<hbm>>, %arg4: memref<2x10240x128xf32, #tpu.memory_space<hbm>>, %arg5: memref<40x2x128xi32, #tpu.memory_space<vmem>>, %arg6: memref<128x128xf32, #tpu.memory_space<vmem>>, %arg7: memref<128x128xf32, #tpu.memory_space<vmem>>, %arg8: memref<10240x128xf32, #tpu.memory_space<vmem_shared>>, %arg9: memref<!tpu.dma_semaphore, #tpu.memory_space<semaphore_mem>>, %arg10: memref<!tpu.dma_semaphore, #tpu.memory_space<semaphore_mem>>) attributes {dimension_semantics = [#tpu.dimension_semantics<core_parallel>, #tpu.dimension_semantics<subcore_parallel>], iteration_bounds = array<i64: 2, 16>, scalar_prefetch = 0 : i64, scratch_operands = 6 : i64, tpu.core_type = #tpu.core_type<sc_vector_subcore>, window_params = [{transform_indices = #map}, {transform_indices = #map1}, {transform_indices = #map1}]} {
    %mul3A = arith.constant 2 : i32
    %mul3A_0 = arith.muli %arg1, %mul3A : i32
    %add3A = arith.addi %mul3A_0, %arg0 : i32
    %lt3A = arith.constant 2 : i32
    %lt3A_1 = arith.cmpi slt, %add3A, %lt3A : i32
    %jit3A = arith.constant 40 : i32
    %jit3A_2 = arith.constant 39 : i32
    %select_n3A = arith.select %lt3A_1, %jit3A, %jit3A_2 : i32
    %lt3A_3 = arith.constant 2 : i32
    %lt3A_4 = arith.cmpi slt, %add3A, %lt3A_3 : i32
    %mul3A_5 = arith.constant 40 : i32
    %mul3A_6 = arith.muli %add3A, %mul3A_5 : i32
    %sub3A = arith.constant 2 : i32
    %sub3A_7 = arith.subi %add3A, %sub3A : i32
    %mul3A_8 = arith.constant 39 : i32
    %mul3A_9 = arith.muli %sub3A_7, %mul3A_8 : i32
    %add3A_10 = arith.constant 80 : i32
    %add3A_11 = arith.addi %add3A_10, %mul3A_9 : i32
    %select_n3A_12 = arith.select %lt3A_4, %mul3A_6, %add3A_11 : i32
    %lt3A_13 = arith.constant 80 : i32
    %lt3A_14 = arith.cmpi slt, %select_n3A_12, %lt3A_13 : i32
    %convert_element_type3A = arith.extui %lt3A_14 : i1 to i32
    %cond3A = arith.constant 0 : i32
    %cond3A_15 = arith.cmpi ne, %convert_element_type3A, %cond3A : i32
    scf.if %cond3A_15 {
      "tpu.region"() ({
        %run_scoped3A_66 = tpu.sem_alloc : memref<!tpu.dma_semaphore, #tpu.memory_space<semaphore_mem>>
        %dma_start3A_67 = arith.constant 0 : i32
        %dma_start3A_68 = arith.constant 0 : i32
        %dma_start3A_69 = tpu.memref_slice %arg3[%select_n3A_12, %dma_start3A_67, %dma_start3A_68] : memref<1250x2x128xi32, #tpu.memory_space<hbm>> -> memref<40x2x128xi32, #tpu.memory_space<hbm>>
        %dma_start3A_70 = arith.constant 0 : i32
        %dma_start3A_71 = arith.constant 0 : i32
        %dma_start3A_72 = tpu.memref_slice %arg3[%select_n3A_12, %dma_start3A_70, %dma_start3A_71] : memref<1250x2x128xi32, #tpu.memory_space<hbm>> -> memref<40x2x128xi32, #tpu.memory_space<hbm>>
        tpu.enqueue_dma source(%dma_start3A_72 : memref<40x2x128xi32, #tpu.memory_space<hbm>>) target(%arg5 : memref<40x2x128xi32, #tpu.memory_space<vmem>>) target_semaphore(%run_scoped3A_66 : memref<!tpu.dma_semaphore, #tpu.memory_space<semaphore_mem>>)
        %dma_wait3A_73 = arith.constant 0 : i32
        %dma_wait3A_74 = arith.constant 0 : i32
        %dma_wait3A_75 = tpu.memref_slice %arg3[%select_n3A_12, %dma_wait3A_73, %dma_wait3A_74] : memref<1250x2x128xi32, #tpu.memory_space<hbm>> -> memref<40x2x128xi32, #tpu.memory_space<hbm>>
        %dma_wait3A_76 = arith.constant 0 : i32
        %dma_wait3A_77 = arith.constant 0 : i32
        %dma_wait3A_78 = tpu.memref_slice %arg3[%select_n3A_12, %dma_wait3A_76, %dma_wait3A_77] : memref<1250x2x128xi32, #tpu.memory_space<hbm>> -> memref<40x2x128xi32, #tpu.memory_space<hbm>>
        tpu.wait_dma2 semaphore(%run_scoped3A_66 : memref<!tpu.dma_semaphore, #tpu.memory_space<semaphore_mem>>) src(%dma_wait3A_78 : memref<40x2x128xi32, #tpu.memory_space<hbm>>) dst(%arg5 : memref<40x2x128xi32, #tpu.memory_space<vmem>>)
        tpu.yield
      }) : () -> ()
    } else {
    }
    %ge3A = arith.constant 80 : i32
    %ge3A_16 = arith.cmpi sge, %select_n3A_12, %ge3A : i32
    %convert_element_type3A_17 = arith.extui %ge3A_16 : i1 to i32
    %cond3A_18 = arith.constant 0 : i32
    %cond3A_19 = arith.cmpi ne, %convert_element_type3A_17, %cond3A_18 : i32
    scf.if %cond3A_19 {
      "tpu.region"() ({
        %run_scoped3A_66 = tpu.sem_alloc : memref<!tpu.dma_semaphore, #tpu.memory_space<semaphore_mem>>
        %dma_start3A_67 = arith.constant 0 : i32
        %dma_start3A_68 = arith.constant 0 : i32
        %dma_start3A_69 = arith.constant 0 : i32
        %dma_start3A_70 = tpu.memref_slice %arg5[%dma_start3A_67, %dma_start3A_68, %dma_start3A_69] : memref<40x2x128xi32, #tpu.memory_space<vmem>> -> memref<39x2x128xi32, #tpu.memory_space<vmem>>
        %dma_start3A_71 = arith.constant 0 : i32
        %dma_start3A_72 = arith.constant 0 : i32
        %dma_start3A_73 = tpu.memref_slice %arg3[%select_n3A_12, %dma_start3A_71, %dma_start3A_72] : memref<1250x2x128xi32, #tpu.memory_space<hbm>> -> memref<39x2x128xi32, #tpu.memory_space<hbm>>
        %dma_start3A_74 = arith.constant 0 : i32
        %dma_start3A_75 = arith.constant 0 : i32
        %dma_start3A_76 = arith.constant 0 : i32
        %dma_start3A_77 = tpu.memref_slice %arg5[%dma_start3A_74, %dma_start3A_75, %dma_start3A_76] : memref<40x2x128xi32, #tpu.memory_space<vmem>> -> memref<39x2x128xi32, #tpu.memory_space<vmem>>
        %dma_start3A_78 = arith.constant 0 : i32
        %dma_start3A_79 = arith.constant 0 : i32
        %dma_start3A_80 = tpu.memref_slice %arg3[%select_n3A_12, %dma_start3A_78, %dma_start3A_79] : memref<1250x2x128xi32, #tpu.memory_space<hbm>> -> memref<39x2x128xi32, #tpu.memory_space<hbm>>
        tpu.enqueue_dma source(%dma_start3A_80 : memref<39x2x128xi32, #tpu.memory_space<hbm>>) target(%dma_start3A_77 : memref<39x2x128xi32, #tpu.memory_space<vmem>>) target_semaphore(%run_scoped3A_66 : memref<!tpu.dma_semaphore, #tpu.memory_space<semaphore_mem>>)
        %dma_wait3A_81 = arith.constant 0 : i32
        %dma_wait3A_82 = arith.constant 0 : i32
        %dma_wait3A_83 = arith.constant 0 : i32
        %dma_wait3A_84 = tpu.memref_slice %arg5[%dma_wait3A_81, %dma_wait3A_82, %dma_wait3A_83] : memref<40x2x128xi32, #tpu.memory_space<vmem>> -> memref<39x2x128xi32, #tpu.memory_space<vmem>>
        %dma_wait3A_85 = arith.constant 0 : i32
        %dma_wait3A_86 = arith.constant 0 : i32
        %dma_wait3A_87 = tpu.memref_slice %arg3[%select_n3A_12, %dma_wait3A_85, %dma_wait3A_86] : memref<1250x2x128xi32, #tpu.memory_space<hbm>> -> memref<39x2x128xi32, #tpu.memory_space<hbm>>
        %dma_wait3A_88 = arith.constant 0 : i32
        %dma_wait3A_89 = arith.constant 0 : i32
        %dma_wait3A_90 = arith.constant 0 : i32
        %dma_wait3A_91 = tpu.memref_slice %arg5[%dma_wait3A_88, %dma_wait3A_89, %dma_wait3A_90] : memref<40x2x128xi32, #tpu.memory_space<vmem>> -> memref<39x2x128xi32, #tpu.memory_space<vmem>>
        %dma_wait3A_92 = arith.constant 0 : i32
        %dma_wait3A_93 = arith.constant 0 : i32
        %dma_wait3A_94 = tpu.memref_slice %arg3[%select_n3A_12, %dma_wait3A_92, %dma_wait3A_93] : memref<1250x2x128xi32, #tpu.memory_space<hbm>> -> memref<39x2x128xi32, #tpu.memory_space<hbm>>
        tpu.wait_dma2 semaphore(%run_scoped3A_66 : memref<!tpu.dma_semaphore, #tpu.memory_space<semaphore_mem>>) src(%dma_wait3A_94 : memref<39x2x128xi32, #tpu.memory_space<hbm>>) dst(%dma_wait3A_91 : memref<39x2x128xi32, #tpu.memory_space<vmem>>)
        tpu.yield
      }) : () -> ()
    } else {
    }
    %dma_start3A = arith.constant 0 : i32
    %dma_start3A_20 = arith.constant 0 : i32
    %dma_start3A_21 = arith.constant 0 : i32
    %dma_start3A_22 = tpu.memref_slice %arg5[%dma_start3A, %dma_start3A_20, %dma_start3A_21] : memref<40x2x128xi32, #tpu.memory_space<vmem>> -> memref<1x1x128xi32, #tpu.memory_space<vmem>>
    %dma_start3A_23 = tpu.memref_squeeze %dma_start3A_22 : memref<1x1x128xi32, #tpu.memory_space<vmem>> -> memref<128xi32, #tpu.memory_space<vmem>>
    %dma_start3A_24 = arith.constant 0 : i32
    %dma_start3A_25 = arith.constant 0 : i32
    %dma_start3A_26 = tpu.memref_slice %arg2[%dma_start3A_24, %dma_start3A_25] : memref<10240x128xf32, #tpu.memory_space<hbm>> -> memref<10240x128xf32, #tpu.memory_space<hbm>>
    tpu.enqueue_indirect_dma source(%dma_start3A_26 : memref<10240x128xf32, #tpu.memory_space<hbm>>) target(%arg6 : memref<128x128xf32, #tpu.memory_space<vmem>>) offsets(%dma_start3A_23 : memref<128xi32, #tpu.memory_space<vmem>>) semaphore(%arg9 : memref<!tpu.dma_semaphore, #tpu.memory_space<semaphore_mem>>)
    %dma_start3A_27 = arith.constant 1 : i32
    %dma_start3A_28 = arith.constant 0 : i32
    %dma_start3A_29 = arith.constant 0 : i32
    %dma_start3A_30 = tpu.memref_slice %arg5[%dma_start3A_27, %dma_start3A_28, %dma_start3A_29] : memref<40x2x128xi32, #tpu.memory_space<vmem>> -> memref<1x1x128xi32, #tpu.memory_space<vmem>>
    %dma_start3A_31 = tpu.memref_squeeze %dma_start3A_30 : memref<1x1x128xi32, #tpu.memory_space<vmem>> -> memref<128xi32, #tpu.memory_space<vmem>>
    %dma_start3A_32 = arith.constant 0 : i32
    %dma_start3A_33 = arith.constant 0 : i32
    %dma_start3A_34 = tpu.memref_slice %arg2[%dma_start3A_32, %dma_start3A_33] : memref<10240x128xf32, #tpu.memory_space<hbm>> -> memref<10240x128xf32, #tpu.memory_space<hbm>>
    tpu.enqueue_indirect_dma source(%dma_start3A_34 : memref<10240x128xf32, #tpu.memory_space<hbm>>) target(%arg7 : memref<128x128xf32, #tpu.memory_space<vmem>>) offsets(%dma_start3A_31 : memref<128xi32, #tpu.memory_space<vmem>>) semaphore(%arg10 : memref<!tpu.dma_semaphore, #tpu.memory_space<semaphore_mem>>)
    %mul3A_35 = arith.constant 640 : i32
    %mul3A_36 = arith.muli %arg1, %mul3A_35 : i32
    %mul3A_37 = arith.constant 640 : i32
    %mul3A_38 = arith.muli %arg1, %mul3A_37 : i32
    "tpu.region"() ({
      %run_scoped3A_66 = tpu.sem_alloc : memref<!tpu.dma_semaphore, #tpu.memory_space<semaphore_mem>>
      %dma_start3A_67 = arith.constant 0 : i32
      %dma_start3A_68 = tpu.memref_slice %arg8[%mul3A_38, %dma_start3A_67] : memref<10240x128xf32, #tpu.memory_space<vmem_shared>> -> memref<640x128xf32, #tpu.memory_space<vmem_shared>>
      %dma_start3A_69 = arith.constant 0 : i32
      %dma_start3A_70 = tpu.memref_slice %arg2[%mul3A_36, %dma_start3A_69] : memref<10240x128xf32, #tpu.memory_space<hbm>> -> memref<640x128xf32, #tpu.memory_space<hbm>>
      tpu.enqueue_dma source(%dma_start3A_70 : memref<640x128xf32, #tpu.memory_space<hbm>>) target(%dma_start3A_68 : memref<640x128xf32, #tpu.memory_space<vmem_shared>>) target_semaphore(%run_scoped3A_66 : memref<!tpu.dma_semaphore, #tpu.memory_space<semaphore_mem>>)
      %dma_wait3A_71 = arith.constant 0 : i32
      %dma_wait3A_72 = tpu.memref_slice %arg8[%mul3A_38, %dma_wait3A_71] : memref<10240x128xf32, #tpu.memory_space<vmem_shared>> -> memref<640x128xf32, #tpu.memory_space<vmem_shared>>
      %dma_wait3A_73 = arith.constant 0 : i32
      %dma_wait3A_74 = tpu.memref_slice %arg2[%mul3A_36, %dma_wait3A_73] : memref<10240x128xf32, #tpu.memory_space<hbm>> -> memref<640x128xf32, #tpu.memory_space<hbm>>
      tpu.wait_dma2 semaphore(%run_scoped3A_66 : memref<!tpu.dma_semaphore, #tpu.memory_space<semaphore_mem>>) src(%dma_wait3A_74 : memref<640x128xf32, #tpu.memory_space<hbm>>) dst(%dma_wait3A_72 : memref<640x128xf32, #tpu.memory_space<vmem_shared>>)
      tpu.yield
    }) : () -> ()
    %barrier3A = arith.constant 0 : index
    tpu.barrier barrier_id(%barrier3A)
    %scan3A = arith.constant 0 : i32
    %scan3A_39 = arith.constant 0 : i32
    %scan3A_40 = arith.constant 19 : i32
    %scan3A_41 = arith.addi %scan3A_39, %scan3A_40 : i32
    %scan3A_42 = arith.constant 1 : i32
    scf.for %scan3A_66 = %scan3A_39 to %scan3A_41 step %scan3A_42  : i32 {
      %mul3A_67 = arith.constant 2 : i32
      %mul3A_68 = arith.muli %mul3A_67, %scan3A_66 : i32
      %add3A_69 = arith.constant 0 : i32
      %add3A_70 = arith.addi %mul3A_68, %add3A_69 : i32
      %dma_wait3A_71 = arith.constant 0 : i32
      %dma_wait3A_72 = arith.constant 0 : i32
      %dma_wait3A_73 = tpu.memref_slice %arg5[%add3A_70, %dma_wait3A_71, %dma_wait3A_72] : memref<40x2x128xi32, #tpu.memory_space<vmem>> -> memref<1x1x128xi32, #tpu.memory_space<vmem>>
      %dma_wait3A_74 = tpu.memref_squeeze %dma_wait3A_73 : memref<1x1x128xi32, #tpu.memory_space<vmem>> -> memref<128xi32, #tpu.memory_space<vmem>>
      %dma_wait3A_75 = arith.constant 0 : i32
      %dma_wait3A_76 = arith.constant 0 : i32
      %dma_wait3A_77 = tpu.memref_slice %arg2[%dma_wait3A_75, %dma_wait3A_76] : memref<10240x128xf32, #tpu.memory_space<hbm>> -> memref<10240x128xf32, #tpu.memory_space<hbm>>
      tpu.wait_indirect_dma semaphore(%arg9 : memref<!tpu.dma_semaphore, #tpu.memory_space<semaphore_mem>>) src(%dma_wait3A_77 : memref<10240x128xf32, #tpu.memory_space<hbm>>) dst(%arg6 : memref<128x128xf32, #tpu.memory_space<vmem>>)
      %run_scoped3A_78 = arith.constant 1 : i32
      "tpu.region"() ({
        %run_scoped3A_103 = tpu.sem_alloc : memref<!tpu.dma_semaphore, #tpu.memory_space<semaphore_mem>>
        %dma_start3A_104 = arith.constant 0 : i32
        %dma_start3A_105 = tpu.memref_slice %arg5[%add3A_70, %run_scoped3A_78, %dma_start3A_104] : memref<40x2x128xi32, #tpu.memory_space<vmem>> -> memref<1x1x128xi32, #tpu.memory_space<vmem>>
        %dma_start3A_106 = tpu.memref_squeeze %dma_start3A_105 : memref<1x1x128xi32, #tpu.memory_space<vmem>> -> memref<128xi32, #tpu.memory_space<vmem>>
        %dma_start3A_107 = arith.constant 0 : i32
        %dma_start3A_108 = arith.constant 0 : i32
        %dma_start3A_109 = tpu.memref_slice %arg8[%dma_start3A_107, %dma_start3A_108] : memref<10240x128xf32, #tpu.memory_space<vmem_shared>> -> memref<10240x128xf32, #tpu.memory_space<vmem_shared>>
        tpu.enqueue_indirect_dma source(%arg6 : memref<128x128xf32, #tpu.memory_space<vmem>>) target(%dma_start3A_109 : memref<10240x128xf32, #tpu.memory_space<vmem_shared>>) offsets(%dma_start3A_106 : memref<128xi32, #tpu.memory_space<vmem>>) semaphore(%run_scoped3A_103 : memref<!tpu.dma_semaphore, #tpu.memory_space<semaphore_mem>>) {add = true}
        %dma_wait3A_110 = arith.constant 0 : i32
        %dma_wait3A_111 = tpu.memref_slice %arg5[%add3A_70, %run_scoped3A_78, %dma_wait3A_110] : memref<40x2x128xi32, #tpu.memory_space<vmem>> -> memref<1x1x128xi32, #tpu.memory_space<vmem>>
        %dma_wait3A_112 = tpu.memref_squeeze %dma_wait3A_111 : memref<1x1x128xi32, #tpu.memory_space<vmem>> -> memref<128xi32, #tpu.memory_space<vmem>>
        %dma_wait3A_113 = arith.constant 0 : i32
        %dma_wait3A_114 = arith.constant 0 : i32
        %dma_wait3A_115 = tpu.memref_slice %arg8[%dma_wait3A_113, %dma_wait3A_114] : memref<10240x128xf32, #tpu.memory_space<vmem_shared>> -> memref<10240x128xf32, #tpu.memory_space<vmem_shared>>
        tpu.wait_indirect_dma semaphore(%run_scoped3A_103 : memref<!tpu.dma_semaphore, #tpu.memory_space<semaphore_mem>>) src(%arg6 : memref<128x128xf32, #tpu.memory_space<vmem>>) dst(%dma_wait3A_115 : memref<10240x128xf32, #tpu.memory_space<vmem_shared>>)
        tpu.yield
      }) : () -> ()
      %add3A_79 = arith.constant 2 : i32
      %add3A_80 = arith.addi %add3A_70, %add3A_79 : i32
      %lt3A_81 = arith.cmpi slt, %add3A_80, %select_n3A : i32
      %convert_element_type3A_82 = arith.extui %lt3A_81 : i1 to i32
      %cond3A_83 = arith.constant 0 : i32
      %cond3A_84 = arith.cmpi ne, %convert_element_type3A_82, %cond3A_83 : i32
      scf.if %cond3A_84 {
        %add3A_103 = arith.constant 2 : i32
        %add3A_104 = arith.addi %add3A_70, %add3A_103 : i32
        %dma_start3A_105 = arith.constant 0 : i32
        %dma_start3A_106 = arith.constant 0 : i32
        %dma_start3A_107 = tpu.memref_slice %arg5[%add3A_104, %dma_start3A_105, %dma_start3A_106] : memref<40x2x128xi32, #tpu.memory_space<vmem>> -> memref<1x1x128xi32, #tpu.memory_space<vmem>>
        %dma_start3A_108 = tpu.memref_squeeze %dma_start3A_107 : memref<1x1x128xi32, #tpu.memory_space<vmem>> -> memref<128xi32, #tpu.memory_space<vmem>>
        %dma_start3A_109 = arith.constant 0 : i32
        %dma_start3A_110 = arith.constant 0 : i32
        %dma_start3A_111 = tpu.memref_slice %arg2[%dma_start3A_109, %dma_start3A_110] : memref<10240x128xf32, #tpu.memory_space<hbm>> -> memref<10240x128xf32, #tpu.memory_space<hbm>>
        tpu.enqueue_indirect_dma source(%dma_start3A_111 : memref<10240x128xf32, #tpu.memory_space<hbm>>) target(%arg6 : memref<128x128xf32, #tpu.memory_space<vmem>>) offsets(%dma_start3A_108 : memref<128xi32, #tpu.memory_space<vmem>>) semaphore(%arg9 : memref<!tpu.dma_semaphore, #tpu.memory_space<semaphore_mem>>)
      } else {
      }
      %mul3A_85 = arith.constant 2 : i32
      %mul3A_86 = arith.muli %mul3A_85, %scan3A_66 : i32
      %add3A_87 = arith.constant 1 : i32
      %add3A_88 = arith.addi %mul3A_86, %add3A_87 : i32
      %dma_wait3A_89 = arith.constant 0 : i32
      %dma_wait3A_90 = arith.constant 0 : i32
      %dma_wait3A_91 = tpu.memref_slice %arg5[%add3A_88, %dma_wait3A_89, %dma_wait3A_90] : memref<40x2x128xi32, #tpu.memory_space<vmem>> -> memref<1x1x128xi32, #tpu.memory_space<vmem>>
      %dma_wait3A_92 = tpu.memref_squeeze %dma_wait3A_91 : memref<1x1x128xi32, #tpu.memory_space<vmem>> -> memref<128xi32, #tpu.memory_space<vmem>>
      %dma_wait3A_93 = arith.constant 0 : i32
      %dma_wait3A_94 = arith.constant 0 : i32
      %dma_wait3A_95 = tpu.memref_slice %arg2[%dma_wait3A_93, %dma_wait3A_94] : memref<10240x128xf32, #tpu.memory_space<hbm>> -> memref<10240x128xf32, #tpu.memory_space<hbm>>
      tpu.wait_indirect_dma semaphore(%arg10 : memref<!tpu.dma_semaphore, #tpu.memory_space<semaphore_mem>>) src(%dma_wait3A_95 : memref<10240x128xf32, #tpu.memory_space<hbm>>) dst(%arg7 : memref<128x128xf32, #tpu.memory_space<vmem>>)
      %run_scoped3A_96 = arith.constant 1 : i32
      "tpu.region"() ({
        %run_scoped3A_103 = tpu.sem_alloc : memref<!tpu.dma_semaphore, #tpu.memory_space<semaphore_mem>>
        %dma_start3A_104 = arith.constant 0 : i32
        %dma_start3A_105 = tpu.memref_slice %arg5[%add3A_88, %run_scoped3A_96, %dma_start3A_104] : memref<40x2x128xi32, #tpu.memory_space<vmem>> -> memref<1x1x128xi32, #tpu.memory_space<vmem>>
        %dma_start3A_106 = tpu.memref_squeeze %dma_start3A_105 : memref<1x1x128xi32, #tpu.memory_space<vmem>> -> memref<128xi32, #tpu.memory_space<vmem>>
        %dma_start3A_107 = arith.constant 0 : i32
        %dma_start3A_108 = arith.constant 0 : i32
        %dma_start3A_109 = tpu.memref_slice %arg8[%dma_start3A_107, %dma_start3A_108] : memref<10240x128xf32, #tpu.memory_space<vmem_shared>> -> memref<10240x128xf32, #tpu.memory_space<vmem_shared>>
        tpu.enqueue_indirect_dma source(%arg7 : memref<128x128xf32, #tpu.memory_space<vmem>>) target(%dma_start3A_109 : memref<10240x128xf32, #tpu.memory_space<vmem_shared>>) offsets(%dma_start3A_106 : memref<128xi32, #tpu.memory_space<vmem>>) semaphore(%run_scoped3A_103 : memref<!tpu.dma_semaphore, #tpu.memory_space<semaphore_mem>>) {add = true}
        %dma_wait3A_110 = arith.constant 0 : i32
        %dma_wait3A_111 = tpu.memref_slice %arg5[%add3A_88, %run_scoped3A_96, %dma_wait3A_110] : memref<40x2x128xi32, #tpu.memory_space<vmem>> -> memref<1x1x128xi32, #tpu.memory_space<vmem>>
        %dma_wait3A_112 = tpu.memref_squeeze %dma_wait3A_111 : memref<1x1x128xi32, #tpu.memory_space<vmem>> -> memref<128xi32, #tpu.memory_space<vmem>>
        %dma_wait3A_113 = arith.constant 0 : i32
        %dma_wait3A_114 = arith.constant 0 : i32
        %dma_wait3A_115 = tpu.memref_slice %arg8[%dma_wait3A_113, %dma_wait3A_114] : memref<10240x128xf32, #tpu.memory_space<vmem_shared>> -> memref<10240x128xf32, #tpu.memory_space<vmem_shared>>
        tpu.wait_indirect_dma semaphore(%run_scoped3A_103 : memref<!tpu.dma_semaphore, #tpu.memory_space<semaphore_mem>>) src(%arg7 : memref<128x128xf32, #tpu.memory_space<vmem>>) dst(%dma_wait3A_115 : memref<10240x128xf32, #tpu.memory_space<vmem_shared>>)
        tpu.yield
      }) : () -> ()
      %add3A_97 = arith.constant 2 : i32
      %add3A_98 = arith.addi %add3A_88, %add3A_97 : i32
      %lt3A_99 = arith.cmpi slt, %add3A_98, %select_n3A : i32
      %convert_element_type3A_100 = arith.extui %lt3A_99 : i1 to i32
      %cond3A_101 = arith.constant 0 : i32
      %cond3A_102 = arith.cmpi ne, %convert_element_type3A_100, %cond3A_101 : i32
      scf.if %cond3A_102 {
        %add3A_103 = arith.constant 2 : i32
        %add3A_104 = arith.addi %add3A_88, %add3A_103 : i32
        %dma_start3A_105 = arith.constant 0 : i32
        %dma_start3A_106 = arith.constant 0 : i32
        %dma_start3A_107 = tpu.memref_slice %arg5[%add3A_104, %dma_start3A_105, %dma_start3A_106] : memref<40x2x128xi32, #tpu.memory_space<vmem>> -> memref<1x1x128xi32, #tpu.memory_space<vmem>>
        %dma_start3A_108 = tpu.memref_squeeze %dma_start3A_107 : memref<1x1x128xi32, #tpu.memory_space<vmem>> -> memref<128xi32, #tpu.memory_space<vmem>>
        %dma_start3A_109 = arith.constant 0 : i32
        %dma_start3A_110 = arith.constant 0 : i32
        %dma_start3A_111 = tpu.memref_slice %arg2[%dma_start3A_109, %dma_start3A_110] : memref<10240x128xf32, #tpu.memory_space<hbm>> -> memref<10240x128xf32, #tpu.memory_space<hbm>>
        tpu.enqueue_indirect_dma source(%dma_start3A_111 : memref<10240x128xf32, #tpu.memory_space<hbm>>) target(%arg7 : memref<128x128xf32, #tpu.memory_space<vmem>>) offsets(%dma_start3A_108 : memref<128xi32, #tpu.memory_space<vmem>>) semaphore(%arg10 : memref<!tpu.dma_semaphore, #tpu.memory_space<semaphore_mem>>)
      } else {
      }
    }
    %scan3A_43 = arith.constant 19 : i32
    %dma_wait3A = arith.constant 38 : i32
    %dma_wait3A_44 = arith.constant 0 : i32
    %dma_wait3A_45 = arith.constant 0 : i32
    %dma_wait3A_46 = tpu.memref_slice %arg5[%dma_wait3A, %dma_wait3A_44, %dma_wait3A_45] : memref<40x2x128xi32, #tpu.memory_space<vmem>> -> memref<1x1x128xi32, #tpu.memory_space<vmem>>
    %dma_wait3A_47 = tpu.memref_squeeze %dma_wait3A_46 : memref<1x1x128xi32, #tpu.memory_space<vmem>> -> memref<128xi32, #tpu.memory_space<vmem>>
    %dma_wait3A_48 = arith.constant 0 : i32
    %dma_wait3A_49 = arith.constant 0 : i32
    %dma_wait3A_50 = tpu.memref_slice %arg2[%dma_wait3A_48, %dma_wait3A_49] : memref<10240x128xf32, #tpu.memory_space<hbm>> -> memref<10240x128xf32, #tpu.memory_space<hbm>>
    tpu.wait_indirect_dma semaphore(%arg9 : memref<!tpu.dma_semaphore, #tpu.memory_space<semaphore_mem>>) src(%dma_wait3A_50 : memref<10240x128xf32, #tpu.memory_space<hbm>>) dst(%arg6 : memref<128x128xf32, #tpu.memory_space<vmem>>)
    %run_scoped3A = arith.constant 38 : i32
    %run_scoped3A_51 = arith.constant 1 : i32
    "tpu.region"() ({
      %run_scoped3A_66 = tpu.sem_alloc : memref<!tpu.dma_semaphore, #tpu.memory_space<semaphore_mem>>
      %dma_start3A_67 = arith.constant 0 : i32
      %dma_start3A_68 = tpu.memref_slice %arg5[%run_scoped3A, %run_scoped3A_51, %dma_start3A_67] : memref<40x2x128xi32, #tpu.memory_space<vmem>> -> memref<1x1x128xi32, #tpu.memory_space<vmem>>
      %dma_start3A_69 = tpu.memref_squeeze %dma_start3A_68 : memref<1x1x128xi32, #tpu.memory_space<vmem>> -> memref<128xi32, #tpu.memory_space<vmem>>
      %dma_start3A_70 = arith.constant 0 : i32
      %dma_start3A_71 = arith.constant 0 : i32
      %dma_start3A_72 = tpu.memref_slice %arg8[%dma_start3A_70, %dma_start3A_71] : memref<10240x128xf32, #tpu.memory_space<vmem_shared>> -> memref<10240x128xf32, #tpu.memory_space<vmem_shared>>
      tpu.enqueue_indirect_dma source(%arg6 : memref<128x128xf32, #tpu.memory_space<vmem>>) target(%dma_start3A_72 : memref<10240x128xf32, #tpu.memory_space<vmem_shared>>) offsets(%dma_start3A_69 : memref<128xi32, #tpu.memory_space<vmem>>) semaphore(%run_scoped3A_66 : memref<!tpu.dma_semaphore, #tpu.memory_space<semaphore_mem>>) {add = true}
      %dma_wait3A_73 = arith.constant 0 : i32
      %dma_wait3A_74 = tpu.memref_slice %arg5[%run_scoped3A, %run_scoped3A_51, %dma_wait3A_73] : memref<40x2x128xi32, #tpu.memory_space<vmem>> -> memref<1x1x128xi32, #tpu.memory_space<vmem>>
      %dma_wait3A_75 = tpu.memref_squeeze %dma_wait3A_74 : memref<1x1x128xi32, #tpu.memory_space<vmem>> -> memref<128xi32, #tpu.memory_space<vmem>>
      %dma_wait3A_76 = arith.constant 0 : i32
      %dma_wait3A_77 = arith.constant 0 : i32
      %dma_wait3A_78 = tpu.memref_slice %arg8[%dma_wait3A_76, %dma_wait3A_77] : memref<10240x128xf32, #tpu.memory_space<vmem_shared>> -> memref<10240x128xf32, #tpu.memory_space<vmem_shared>>
      tpu.wait_indirect_dma semaphore(%run_scoped3A_66 : memref<!tpu.dma_semaphore, #tpu.memory_space<semaphore_mem>>) src(%arg6 : memref<128x128xf32, #tpu.memory_space<vmem>>) dst(%dma_wait3A_78 : memref<10240x128xf32, #tpu.memory_space<vmem_shared>>)
      tpu.yield
    }) : () -> ()
    %gt3A = arith.constant 40 : i32
    %gt3A_52 = arith.cmpi sgt, %select_n3A, %gt3A : i32
    %convert_element_type3A_53 = arith.extui %gt3A_52 : i1 to i32
    %cond3A_54 = arith.constant 0 : i32
    %cond3A_55 = arith.cmpi ne, %convert_element_type3A_53, %cond3A_54 : i32
    scf.if %cond3A_55 {
      %dma_start3A_66 = arith.constant 40 : i32
      %dma_start3A_67 = arith.constant 0 : i32
      %dma_start3A_68 = arith.constant 0 : i32
      %dma_start3A_69 = tpu.memref_slice %arg5[%dma_start3A_66, %dma_start3A_67, %dma_start3A_68] : memref<40x2x128xi32, #tpu.memory_space<vmem>> -> memref<1x1x128xi32, #tpu.memory_space<vmem>>
      %dma_start3A_70 = tpu.memref_squeeze %dma_start3A_69 : memref<1x1x128xi32, #tpu.memory_space<vmem>> -> memref<128xi32, #tpu.memory_space<vmem>>
      %dma_start3A_71 = arith.constant 0 : i32
      %dma_start3A_72 = arith.constant 0 : i32
      %dma_start3A_73 = tpu.memref_slice %arg2[%dma_start3A_71, %dma_start3A_72] : memref<10240x128xf32, #tpu.memory_space<hbm>> -> memref<10240x128xf32, #tpu.memory_space<hbm>>
      tpu.enqueue_indirect_dma source(%dma_start3A_73 : memref<10240x128xf32, #tpu.memory_space<hbm>>) target(%arg6 : memref<128x128xf32, #tpu.memory_space<vmem>>) offsets(%dma_start3A_70 : memref<128xi32, #tpu.memory_space<vmem>>) semaphore(%arg9 : memref<!tpu.dma_semaphore, #tpu.memory_space<semaphore_mem>>)
    } else {
    }
    %ge3A_56 = arith.constant 40 : i32
    %ge3A_57 = arith.cmpi sge, %select_n3A, %ge3A_56 : i32
    %convert_element_type3A_58 = arith.extui %ge3A_57 : i1 to i32
    %cond3A_59 = arith.constant 0 : i32
    %cond3A_60 = arith.cmpi ne, %convert_element_type3A_58, %cond3A_59 : i32
    scf.if %cond3A_60 {
      %dma_wait3A_66 = arith.constant 39 : i32
      %dma_wait3A_67 = arith.constant 0 : i32
      %dma_wait3A_68 = arith.constant 0 : i32
      %dma_wait3A_69 = tpu.memref_slice %arg5[%dma_wait3A_66, %dma_wait3A_67, %dma_wait3A_68] : memref<40x2x128xi32, #tpu.memory_space<vmem>> -> memref<1x1x128xi32, #tpu.memory_space<vmem>>
      %dma_wait3A_70 = tpu.memref_squeeze %dma_wait3A_69 : memref<1x1x128xi32, #tpu.memory_space<vmem>> -> memref<128xi32, #tpu.memory_space<vmem>>
      %dma_wait3A_71 = arith.constant 0 : i32
      %dma_wait3A_72 = arith.constant 0 : i32
      %dma_wait3A_73 = tpu.memref_slice %arg2[%dma_wait3A_71, %dma_wait3A_72] : memref<10240x128xf32, #tpu.memory_space<hbm>> -> memref<10240x128xf32, #tpu.memory_space<hbm>>
      tpu.wait_indirect_dma semaphore(%arg10 : memref<!tpu.dma_semaphore, #tpu.memory_space<semaphore_mem>>) src(%dma_wait3A_73 : memref<10240x128xf32, #tpu.memory_space<hbm>>) dst(%arg7 : memref<128x128xf32, #tpu.memory_space<vmem>>)
      %run_scoped3A_74 = arith.constant 39 : i32
      %run_scoped3A_75 = arith.constant 1 : i32
      "tpu.region"() ({
        %run_scoped3A_81 = tpu.sem_alloc : memref<!tpu.dma_semaphore, #tpu.memory_space<semaphore_mem>>
        %dma_start3A_82 = arith.constant 0 : i32
        %dma_start3A_83 = tpu.memref_slice %arg5[%run_scoped3A_74, %run_scoped3A_75, %dma_start3A_82] : memref<40x2x128xi32, #tpu.memory_space<vmem>> -> memref<1x1x128xi32, #tpu.memory_space<vmem>>
        %dma_start3A_84 = tpu.memref_squeeze %dma_start3A_83 : memref<1x1x128xi32, #tpu.memory_space<vmem>> -> memref<128xi32, #tpu.memory_space<vmem>>
        %dma_start3A_85 = arith.constant 0 : i32
        %dma_start3A_86 = arith.constant 0 : i32
        %dma_start3A_87 = tpu.memref_slice %arg8[%dma_start3A_85, %dma_start3A_86] : memref<10240x128xf32, #tpu.memory_space<vmem_shared>> -> memref<10240x128xf32, #tpu.memory_space<vmem_shared>>
        tpu.enqueue_indirect_dma source(%arg7 : memref<128x128xf32, #tpu.memory_space<vmem>>) target(%dma_start3A_87 : memref<10240x128xf32, #tpu.memory_space<vmem_shared>>) offsets(%dma_start3A_84 : memref<128xi32, #tpu.memory_space<vmem>>) semaphore(%run_scoped3A_81 : memref<!tpu.dma_semaphore, #tpu.memory_space<semaphore_mem>>) {add = true}
        %dma_wait3A_88 = arith.constant 0 : i32
        %dma_wait3A_89 = tpu.memref_slice %arg5[%run_scoped3A_74, %run_scoped3A_75, %dma_wait3A_88] : memref<40x2x128xi32, #tpu.memory_space<vmem>> -> memref<1x1x128xi32, #tpu.memory_space<vmem>>
        %dma_wait3A_90 = tpu.memref_squeeze %dma_wait3A_89 : memref<1x1x128xi32, #tpu.memory_space<vmem>> -> memref<128xi32, #tpu.memory_space<vmem>>
        %dma_wait3A_91 = arith.constant 0 : i32
        %dma_wait3A_92 = arith.constant 0 : i32
        %dma_wait3A_93 = tpu.memref_slice %arg8[%dma_wait3A_91, %dma_wait3A_92] : memref<10240x128xf32, #tpu.memory_space<vmem_shared>> -> memref<10240x128xf32, #tpu.memory_space<vmem_shared>>
        tpu.wait_indirect_dma semaphore(%run_scoped3A_81 : memref<!tpu.dma_semaphore, #tpu.memory_space<semaphore_mem>>) src(%arg7 : memref<128x128xf32, #tpu.memory_space<vmem>>) dst(%dma_wait3A_93 : memref<10240x128xf32, #tpu.memory_space<vmem_shared>>)
        tpu.yield
      }) : () -> ()
      %gt3A_76 = arith.constant 41 : i32
      %gt3A_77 = arith.cmpi sgt, %select_n3A, %gt3A_76 : i32
      %convert_element_type3A_78 = arith.extui %gt3A_77 : i1 to i32
      %cond3A_79 = arith.constant 0 : i32
      %cond3A_80 = arith.cmpi ne, %convert_element_type3A_78, %cond3A_79 : i32
      scf.if %cond3A_80 {
        %dma_start3A_81 = arith.constant 41 : i32
        %dma_start3A_82 = arith.constant 0 : i32
        %dma_start3A_83 = arith.constant 0 : i32
        %dma_start3A_84 = tpu.memref_slice %arg5[%dma_start3A_81, %dma_start3A_82, %dma_start3A_83] : memref<40x2x128xi32, #tpu.memory_space<vmem>> -> memref<1x1x128xi32, #tpu.memory_space<vmem>>
        %dma_start3A_85 = tpu.memref_squeeze %dma_start3A_84 : memref<1x1x128xi32, #tpu.memory_space<vmem>> -> memref<128xi32, #tpu.memory_space<vmem>>
        %dma_start3A_86 = arith.constant 0 : i32
        %dma_start3A_87 = arith.constant 0 : i32
        %dma_start3A_88 = tpu.memref_slice %arg2[%dma_start3A_86, %dma_start3A_87] : memref<10240x128xf32, #tpu.memory_space<hbm>> -> memref<10240x128xf32, #tpu.memory_space<hbm>>
        tpu.enqueue_indirect_dma source(%dma_start3A_88 : memref<10240x128xf32, #tpu.memory_space<hbm>>) target(%arg7 : memref<128x128xf32, #tpu.memory_space<vmem>>) offsets(%dma_start3A_85 : memref<128xi32, #tpu.memory_space<vmem>>) semaphore(%arg10 : memref<!tpu.dma_semaphore, #tpu.memory_space<semaphore_mem>>)
      } else {
      }
    } else {
    }
    %barrier3A_61 = arith.constant 0 : index
    tpu.barrier barrier_id(%barrier3A_61)
    %mul3A_62 = arith.constant 640 : i32
    %mul3A_63 = arith.muli %arg1, %mul3A_62 : i32
    %mul3A_64 = arith.constant 640 : i32
    %mul3A_65 = arith.muli %arg1, %mul3A_64 : i32
    "tpu.region"() ({
      %run_scoped3A_66 = tpu.sem_alloc : memref<!tpu.dma_semaphore, #tpu.memory_space<semaphore_mem>>
      %dma_start3A_67 = arith.constant 0 : i32
      %dma_start3A_68 = tpu.memref_slice %arg4[%arg0, %mul3A_65, %dma_start3A_67] : memref<2x10240x128xf32, #tpu.memory_space<hbm>> -> memref<1x640x128xf32, #tpu.memory_space<hbm>>
      %dma_start3A_69 = tpu.memref_squeeze %dma_start3A_68 : memref<1x640x128xf32, #tpu.memory_space<hbm>> -> memref<640x128xf32, #tpu.memory_space<hbm>>
      %dma_start3A_70 = arith.constant 0 : i32
      %dma_start3A_71 = tpu.memref_slice %arg8[%mul3A_63, %dma_start3A_70] : memref<10240x128xf32, #tpu.memory_space<vmem_shared>> -> memref<640x128xf32, #tpu.memory_space<vmem_shared>>
      tpu.enqueue_dma source(%dma_start3A_71 : memref<640x128xf32, #tpu.memory_space<vmem_shared>>) target(%dma_start3A_69 : memref<640x128xf32, #tpu.memory_space<hbm>>) target_semaphore(%run_scoped3A_66 : memref<!tpu.dma_semaphore, #tpu.memory_space<semaphore_mem>>)
      %dma_wait3A_72 = arith.constant 0 : i32
      %dma_wait3A_73 = tpu.memref_slice %arg4[%arg0, %mul3A_65, %dma_wait3A_72] : memref<2x10240x128xf32, #tpu.memory_space<hbm>> -> memref<1x640x128xf32, #tpu.memory_space<hbm>>
      %dma_wait3A_74 = tpu.memref_squeeze %dma_wait3A_73 : memref<1x640x128xf32, #tpu.memory_space<hbm>> -> memref<640x128xf32, #tpu.memory_space<hbm>>
      %dma_wait3A_75 = arith.constant 0 : i32
      %dma_wait3A_76 = tpu.memref_slice %arg8[%mul3A_63, %dma_wait3A_75] : memref<10240x128xf32, #tpu.memory_space<vmem_shared>> -> memref<640x128xf32, #tpu.memory_space<vmem_shared>>
      tpu.wait_dma2 semaphore(%run_scoped3A_66 : memref<!tpu.dma_semaphore, #tpu.memory_space<semaphore_mem>>) src(%dma_wait3A_76 : memref<640x128xf32, #tpu.memory_space<vmem_shared>>) dst(%dma_wait3A_74 : memref<640x128xf32, #tpu.memory_space<hbm>>)
      tpu.yield
    }) : () -> ()
    return
  }
}

module attributes {stable_mosaic.version = 14 : i64} {
  func.func @_mm_body(%arg0: memref<10240x256xf32, #tpu.memory_space<vmem>>, %arg1: memref<256x128xf32, #tpu.memory_space<vmem>>, %arg2: memref<10240x128xf32, #tpu.memory_space<vmem>>) attributes {dimension_semantics = [], scalar_prefetch = 0 : i64, scratch_operands = 0 : i64, tpu.core_type = #tpu.core_type<tc>} {
    %get3A = arith.constant 0 : index
    %get3A_0 = arith.constant 0 : index
    %get3A_1 = vector.load %arg0[%get3A, %get3A_0] : memref<10240x256xf32, #tpu.memory_space<vmem>>, vector<10240x256xf32>
    %get3A_2 = arith.constant 0 : index
    %get3A_3 = arith.constant 0 : index
    %get3A_4 = vector.load %arg1[%get3A_2, %get3A_3] : memref<256x128xf32, #tpu.memory_space<vmem>>, vector<256x128xf32>
    %dot_general3A = arith.constant dense<0.000000e+00> : vector<10240x128xf32>
    %dot_general3A_5 = tpu.matmul %get3A_1, %get3A_4, %dot_general3A {dimension_numbers = #tpu.dot_dimension_numbers<[1], [0], [0], [1], [0, 0, 1, 1], [], []>, transpose_lhs_hint = false} : vector<10240x256xf32>, vector<256x128xf32>, vector<10240x128xf32> -> vector<10240x128xf32>
    %swap3A = arith.constant 0 : index
    %swap3A_6 = arith.constant 0 : index
    %swap3A_7 = vector.load %arg2[%swap3A, %swap3A_6] : memref<10240x128xf32, #tpu.memory_space<vmem>>, vector<10240x128xf32>
    tpu.vector_store %arg2[%swap3A, %swap3A_6], %dot_general3A_5 {strides = array<i32>} : memref<10240x128xf32, #tpu.memory_space<vmem>>, vector<10240x128xf32>,
    return
  }
}

module attributes {stable_mosaic.version = 14 : i64} {
  func.func @_scale_body(%arg0: memref<10240x128xf32, #tpu.memory_space<vmem>>, %arg1: memref<2x10240x16xf32, #tpu.memory_space<vmem>>, %arg2: memref<10240x128xf32, #tpu.memory_space<vmem>>, %arg3: memref<10240x1xf32, #tpu.memory_space<vmem>>) attributes {dimension_semantics = [], scalar_prefetch = 0 : i64, scratch_operands = 0 : i64, tpu.core_type = #tpu.core_type<tc>} {
    %get3A = arith.constant 0 : index
    %get3A_0 = arith.constant 0 : index
    %get3A_1 = arith.constant 0 : index
    %get3A_2 = vector.load %arg1[%get3A, %get3A_0, %get3A_1] : memref<2x10240x16xf32, #tpu.memory_space<vmem>>, vector<1x10240x1xf32>
    %get3A_3 = vector.shape_cast %get3A_2 : vector<1x10240x1xf32> to vector<10240x1xf32>
    %get3A_4 = arith.constant 1 : index
    %get3A_5 = arith.constant 0 : index
    %get3A_6 = arith.constant 0 : index
    %get3A_7 = vector.load %arg1[%get3A_4, %get3A_5, %get3A_6] : memref<2x10240x16xf32, #tpu.memory_space<vmem>>, vector<1x10240x1xf32>
    %get3A_8 = vector.shape_cast %get3A_7 : vector<1x10240x1xf32> to vector<10240x1xf32>
    %add3A = arith.addf %get3A_3, %get3A_8 : vector<10240x1xf32>
    %add3A_9 = arith.constant 1.000000e+00 : f32
    %add3A_10 = vector.broadcast %add3A_9 : f32 to vector<10240x1xf32>
    %add3A_11 = arith.addf %add3A, %add3A_10 : vector<10240x1xf32>
    %rsqrt3A = math.rsqrt %add3A_11 : vector<10240x1xf32>
    %get3A_12 = arith.constant 0 : index
    %get3A_13 = arith.constant 0 : index
    %get3A_14 = vector.load %arg0[%get3A_12, %get3A_13] : memref<10240x128xf32, #tpu.memory_space<vmem>>, vector<10240x128xf32>
    %mul3A = vector.broadcast %rsqrt3A : vector<10240x1xf32> to vector<10240x128xf32>
    %mul3A_15 = arith.mulf %get3A_14, %mul3A : vector<10240x128xf32>
    %swap3A = arith.constant 0 : index
    %swap3A_16 = arith.constant 0 : index
    %swap3A_17 = vector.load %arg2[%swap3A, %swap3A_16] : memref<10240x128xf32, #tpu.memory_space<vmem>>, vector<10240x128xf32>
    tpu.vector_store %arg2[%swap3A, %swap3A_16], %mul3A_15 {strides = array<i32>} : memref<10240x128xf32, #tpu.memory_space<vmem>>, vector<10240x128xf32>,
    %swap3A_18 = arith.constant 0 : index
    %swap3A_19 = arith.constant 0 : index
    %swap3A_20 = vector.load %arg3[%swap3A_18, %swap3A_19] : memref<10240x1xf32, #tpu.memory_space<vmem>>, vector<10240x1xf32>
    tpu.vector_store %arg3[%swap3A_18, %swap3A_19], %rsqrt3A {strides = array<i32>} : memref<10240x1xf32, #tpu.memory_space<vmem>>, vector<10240x1xf32>,
    return
  }
}

module attributes {stable_mosaic.version = 14 : i64} {
  func.func @_tc_mid_body(%arg0: memref<2x10240x128xf32, #tpu.memory_space<vmem>>, %arg1: memref<10240x128xf32, #tpu.memory_space<vmem>>, %arg2: memref<10240x1xf32, #tpu.memory_space<vmem>>, %arg3: memref<1x128xf32, #tpu.memory_space<vmem>>, %arg4: memref<128x64xf32, #tpu.memory_space<vmem>>, %arg5: memref<10240x64xf32, #tpu.memory_space<vmem>>) attributes {dimension_semantics = [], scalar_prefetch = 0 : i64, scratch_operands = 0 : i64, tpu.core_type = #tpu.core_type<tc>} {
    %get3A = arith.constant 0 : index
    %get3A_0 = arith.constant 0 : index
    %get3A_1 = vector.load %arg2[%get3A, %get3A_0] : memref<10240x1xf32, #tpu.memory_space<vmem>>, vector<10240x1xf32>
    %get3A_2 = arith.constant 0 : index
    %get3A_3 = arith.constant 0 : index
    %get3A_4 = arith.constant 0 : index
    %get3A_5 = vector.load %arg0[%get3A_2, %get3A_3, %get3A_4] : memref<2x10240x128xf32, #tpu.memory_space<vmem>>, vector<1x10240x128xf32>
    %get3A_6 = vector.shape_cast %get3A_5 : vector<1x10240x128xf32> to vector<10240x128xf32>
    %get3A_7 = arith.constant 1 : index
    %get3A_8 = arith.constant 0 : index
    %get3A_9 = arith.constant 0 : index
    %get3A_10 = vector.load %arg0[%get3A_7, %get3A_8, %get3A_9] : memref<2x10240x128xf32, #tpu.memory_space<vmem>>, vector<1x10240x128xf32>
    %get3A_11 = vector.shape_cast %get3A_10 : vector<1x10240x128xf32> to vector<10240x128xf32>
    %add3A = arith.addf %get3A_6, %get3A_11 : vector<10240x128xf32>
    %get3A_12 = arith.constant 0 : index
    %get3A_13 = arith.constant 0 : index
    %get3A_14 = vector.load %arg1[%get3A_12, %get3A_13] : memref<10240x128xf32, #tpu.memory_space<vmem>>, vector<10240x128xf32>
    %sub3A = arith.subf %add3A, %get3A_14 : vector<10240x128xf32>
    %mul3A = vector.broadcast %get3A_1 : vector<10240x1xf32> to vector<10240x128xf32>
    %mul3A_15 = arith.mulf %mul3A, %sub3A : vector<10240x128xf32>
    %get3A_16 = arith.constant 0 : index
    %get3A_17 = arith.constant 0 : index
    %get3A_18 = vector.load %arg3[%get3A_16, %get3A_17] : memref<1x128xf32, #tpu.memory_space<vmem>>, vector<1x128xf32>
    %add3A_19 = vector.broadcast %get3A_18 : vector<1x128xf32> to vector<10240x128xf32>
    %add3A_20 = arith.addf %mul3A_15, %add3A_19 : vector<10240x128xf32>
    %tanh3A = math.tanh %add3A_20 : vector<10240x128xf32>
    %get3A_21 = arith.constant 0 : index
    %get3A_22 = arith.constant 0 : index
    %get3A_23 = vector.load %arg4[%get3A_21, %get3A_22] : memref<128x64xf32, #tpu.memory_space<vmem>>, vector<128x64xf32>
    %dot_general3A = arith.constant dense<0.000000e+00> : vector<10240x64xf32>
    %dot_general3A_24 = tpu.matmul %tanh3A, %get3A_23, %dot_general3A {dimension_numbers = #tpu.dot_dimension_numbers<[1], [0], [0], [1], [0, 0, 1, 1], [], []>, transpose_lhs_hint = false} : vector<10240x128xf32>, vector<128x64xf32>, vector<10240x64xf32> -> vector<10240x64xf32>
    %mul3A_25 = vector.broadcast %get3A_1 : vector<10240x1xf32> to vector<10240x64xf32>
    %mul3A_26 = arith.mulf %dot_general3A_24, %mul3A_25 : vector<10240x64xf32>
    %swap3A = arith.constant 0 : index
    %swap3A_27 = arith.constant 0 : index
    %swap3A_28 = vector.load %arg5[%swap3A, %swap3A_27] : memref<10240x64xf32, #tpu.memory_space<vmem>>, vector<10240x64xf32>
    tpu.vector_store %arg5[%swap3A, %swap3A_27], %mul3A_26 {strides = array<i32>} : memref<10240x64xf32, #tpu.memory_space<vmem>>, vector<10240x64xf32>,
    return
  }
}

module attributes {stable_mosaic.version = 14 : i64} {
  func.func @_tc_mid_body(%arg0: memref<2x10240x64xf32, #tpu.memory_space<vmem>>, %arg1: memref<10240x64xf32, #tpu.memory_space<vmem>>, %arg2: memref<10240x1xf32, #tpu.memory_space<vmem>>, %arg3: memref<1x64xf32, #tpu.memory_space<vmem>>, %arg4: memref<64x16xf32, #tpu.memory_space<vmem>>, %arg5: memref<10240x16xf32, #tpu.memory_space<vmem>>) attributes {dimension_semantics = [], scalar_prefetch = 0 : i64, scratch_operands = 0 : i64, tpu.core_type = #tpu.core_type<tc>} {
    %get3A = arith.constant 0 : index
    %get3A_0 = arith.constant 0 : index
    %get3A_1 = vector.load %arg2[%get3A, %get3A_0] : memref<10240x1xf32, #tpu.memory_space<vmem>>, vector<10240x1xf32>
    %get3A_2 = arith.constant 0 : index
    %get3A_3 = arith.constant 0 : index
    %get3A_4 = arith.constant 0 : index
    %get3A_5 = vector.load %arg0[%get3A_2, %get3A_3, %get3A_4] : memref<2x10240x64xf32, #tpu.memory_space<vmem>>, vector<1x10240x64xf32>
    %get3A_6 = vector.shape_cast %get3A_5 : vector<1x10240x64xf32> to vector<10240x64xf32>
    %get3A_7 = arith.constant 1 : index
    %get3A_8 = arith.constant 0 : index
    %get3A_9 = arith.constant 0 : index
    %get3A_10 = vector.load %arg0[%get3A_7, %get3A_8, %get3A_9] : memref<2x10240x64xf32, #tpu.memory_space<vmem>>, vector<1x10240x64xf32>
    %get3A_11 = vector.shape_cast %get3A_10 : vector<1x10240x64xf32> to vector<10240x64xf32>
    %add3A = arith.addf %get3A_6, %get3A_11 : vector<10240x64xf32>
    %get3A_12 = arith.constant 0 : index
    %get3A_13 = arith.constant 0 : index
    %get3A_14 = vector.load %arg1[%get3A_12, %get3A_13] : memref<10240x64xf32, #tpu.memory_space<vmem>>, vector<10240x64xf32>
    %sub3A = arith.subf %add3A, %get3A_14 : vector<10240x64xf32>
    %mul3A = vector.broadcast %get3A_1 : vector<10240x1xf32> to vector<10240x64xf32>
    %mul3A_15 = arith.mulf %mul3A, %sub3A : vector<10240x64xf32>
    %get3A_16 = arith.constant 0 : index
    %get3A_17 = arith.constant 0 : index
    %get3A_18 = vector.load %arg3[%get3A_16, %get3A_17] : memref<1x64xf32, #tpu.memory_space<vmem>>, vector<1x64xf32>
    %add3A_19 = vector.broadcast %get3A_18 : vector<1x64xf32> to vector<10240x64xf32>
    %add3A_20 = arith.addf %mul3A_15, %add3A_19 : vector<10240x64xf32>
    %tanh3A = math.tanh %add3A_20 : vector<10240x64xf32>
    %get3A_21 = arith.constant 0 : index
    %get3A_22 = arith.constant 0 : index
    %get3A_23 = vector.load %arg4[%get3A_21, %get3A_22] : memref<64x16xf32, #tpu.memory_space<vmem>>, vector<64x16xf32>
    %dot_general3A = arith.constant dense<0.000000e+00> : vector<10240x16xf32>
    %dot_general3A_24 = tpu.matmul %tanh3A, %get3A_23, %dot_general3A {dimension_numbers = #tpu.dot_dimension_numbers<[1], [0], [0], [1], [0, 0, 1, 1], [], []>, transpose_lhs_hint = false} : vector<10240x64xf32>, vector<64x16xf32>, vector<10240x16xf32> -> vector<10240x16xf32>
    %mul3A_25 = vector.broadcast %get3A_1 : vector<10240x1xf32> to vector<10240x16xf32>
    %mul3A_26 = arith.mulf %dot_general3A_24, %mul3A_25 : vector<10240x16xf32>
    %swap3A = arith.constant 0 : index
    %swap3A_27 = arith.constant 0 : index
    %swap3A_28 = vector.load %arg5[%swap3A, %swap3A_27] : memref<10240x16xf32, #tpu.memory_space<vmem>>, vector<10240x16xf32>
    tpu.vector_store %arg5[%swap3A, %swap3A_27], %mul3A_26 {strides = array<i32>} : memref<10240x16xf32, #tpu.memory_space<vmem>>, vector<10240x16xf32>,
    return
  }
}

module attributes {stable_mosaic.version = 14 : i64} {
  func.func @_tc_final_body(%arg0: memref<2x10240x16xf32, #tpu.memory_space<vmem>>, %arg1: memref<10240x16xf32, #tpu.memory_space<vmem>>, %arg2: memref<10240x1xf32, #tpu.memory_space<vmem>>, %arg3: memref<1x16xf32, #tpu.memory_space<vmem>>, %arg4: memref<10240x1xi32, #tpu.memory_space<vmem>>, %arg5: memref<64x16xf32, #tpu.memory_space<vmem>>, %arg6: memref<16x2xf32, #tpu.memory_space<vmem>>, %arg7: memref<1x2xf32, #tpu.memory_space<vmem>>, %arg8: memref<64x2xf32, #tpu.memory_space<vmem>>, %arg9: memref<64x16xf32, #tpu.memory_space<vmem>>) attributes {dimension_semantics = [], scalar_prefetch = 0 : i64, scratch_operands = 0 : i64, tpu.core_type = #tpu.core_type<tc>} {
    %get3A = arith.constant 0 : index
    %get3A_0 = arith.constant 0 : index
    %get3A_1 = vector.load %arg2[%get3A, %get3A_0] : memref<10240x1xf32, #tpu.memory_space<vmem>>, vector<10240x1xf32>
    %get3A_2 = arith.constant 0 : index
    %get3A_3 = arith.constant 0 : index
    %get3A_4 = arith.constant 0 : index
    %get3A_5 = vector.load %arg0[%get3A_2, %get3A_3, %get3A_4] : memref<2x10240x16xf32, #tpu.memory_space<vmem>>, vector<1x10240x16xf32>
    %get3A_6 = vector.shape_cast %get3A_5 : vector<1x10240x16xf32> to vector<10240x16xf32>
    %get3A_7 = arith.constant 1 : index
    %get3A_8 = arith.constant 0 : index
    %get3A_9 = arith.constant 0 : index
    %get3A_10 = vector.load %arg0[%get3A_7, %get3A_8, %get3A_9] : memref<2x10240x16xf32, #tpu.memory_space<vmem>>, vector<1x10240x16xf32>
    %get3A_11 = vector.shape_cast %get3A_10 : vector<1x10240x16xf32> to vector<10240x16xf32>
    %add3A = arith.addf %get3A_6, %get3A_11 : vector<10240x16xf32>
    %get3A_12 = arith.constant 0 : index
    %get3A_13 = arith.constant 0 : index
    %get3A_14 = vector.load %arg1[%get3A_12, %get3A_13] : memref<10240x16xf32, #tpu.memory_space<vmem>>, vector<10240x16xf32>
    %sub3A = arith.subf %add3A, %get3A_14 : vector<10240x16xf32>
    %mul3A = vector.broadcast %get3A_1 : vector<10240x1xf32> to vector<10240x16xf32>
    %mul3A_15 = arith.mulf %mul3A, %sub3A : vector<10240x16xf32>
    %get3A_16 = arith.constant 0 : index
    %get3A_17 = arith.constant 0 : index
    %get3A_18 = vector.load %arg3[%get3A_16, %get3A_17] : memref<1x16xf32, #tpu.memory_space<vmem>>, vector<1x16xf32>
    %add3A_19 = vector.broadcast %get3A_18 : vector<1x16xf32> to vector<10240x16xf32>
    %add3A_20 = arith.addf %mul3A_15, %add3A_19 : vector<10240x16xf32>
    %tanh3A = math.tanh %add3A_20 : vector<10240x16xf32>
    %broadcast_in_dim3A = arith.constant 1.000000e+00 : f32
    %broadcast_in_dim3A_21 = vector.broadcast %broadcast_in_dim3A : f32 to vector<10240x1xf32>
    %concatenate3A = tpu.concatenate %tanh3A, %broadcast_in_dim3A_21 in 1 : vector<10240x16xf32>, vector<10240x1xf32> -> vector<10240x17xf32>
    %iota3A = tpu.iota {dimensions = array<i32: 1>} : vector<10240x64xi32>
    %get3A_22 = arith.constant 0 : index
    %get3A_23 = arith.constant 0 : index
    %get3A_24 = vector.load %arg4[%get3A_22, %get3A_23] : memref<10240x1xi32, #tpu.memory_space<vmem>>, vector<10240x1xi32>
    %eq3A = vector.broadcast %get3A_24 : vector<10240x1xi32> to vector<10240x64xi32>
    %eq3A_25 = arith.cmpi eq, %eq3A, %iota3A : vector<10240x64xi32>
    %convert_element_type3A = arith.extui %eq3A_25 : vector<10240x64xi1> to vector<10240x64xi32>
    %convert_element_type3A_26 = arith.sitofp %convert_element_type3A : vector<10240x64xi32> to vector<10240x64xf32>
    %dot_general3A = arith.constant dense<0.000000e+00> : vector<64x17xf32>
    %dot_general3A_27 = tpu.matmul %convert_element_type3A_26, %concatenate3A, %dot_general3A {dimension_numbers = #tpu.dot_dimension_numbers<[0], [0], [1], [1], [0, 1, 1, 1], [], []>, transpose_lhs_hint = false} : vector<10240x64xf32>, vector<10240x17xf32>, vector<64x17xf32> -> vector<64x17xf32>
    %slice3A = vector.extract_strided_slice %dot_general3A_27 {offsets = [0, 0], sizes = [64, 16], strides = [1, 1]} : vector<64x17xf32> to vector<64x16xf32>
    %slice3A_28 = vector.extract_strided_slice %dot_general3A_27 {offsets = [0, 16], sizes = [64, 1], strides = [1, 1]} : vector<64x17xf32> to vector<64x1xf32>
    %max3A = arith.constant 1.000000e+00 : f32
    %max3A_29 = vector.broadcast %max3A : f32 to vector<64x1xf32>
    %max3A_30 = arith.maximumf %slice3A_28, %max3A_29 : vector<64x1xf32>
    %div3A = vector.broadcast %max3A_30 : vector<64x1xf32> to vector<64x16xf32>
    %div3A_31 = arith.divf %slice3A, %div3A : vector<64x16xf32>
    %get3A_32 = arith.constant 0 : index
    %get3A_33 = arith.constant 0 : index
    %get3A_34 = vector.load %arg5[%get3A_32, %get3A_33] : memref<64x16xf32, #tpu.memory_space<vmem>>, vector<64x16xf32>
    %mul3A_35 = arith.constant 2.000000e+00 : f32
    %mul3A_36 = vector.broadcast %mul3A_35 : f32 to vector<64x16xf32>
    %mul3A_37 = arith.mulf %mul3A_36, %div3A_31 : vector<64x16xf32>
    %mul3A_38 = arith.mulf %get3A_34, %mul3A_37 : vector<64x16xf32>
    %swap3A = arith.constant 0 : index
    %swap3A_39 = arith.constant 0 : index
    %swap3A_40 = vector.load %arg9[%swap3A, %swap3A_39] : memref<64x16xf32, #tpu.memory_space<vmem>>, vector<64x16xf32>
    tpu.vector_store %arg9[%swap3A, %swap3A_39], %mul3A_38 {strides = array<i32>} : memref<64x16xf32, #tpu.memory_space<vmem>>, vector<64x16xf32>,
    %get3A_41 = arith.constant 0 : index
    %get3A_42 = arith.constant 0 : index
    %get3A_43 = vector.load %arg6[%get3A_41, %get3A_42] : memref<16x2xf32, #tpu.memory_space<vmem>>, vector<16x2xf32>
    %dot_general3A_44 = arith.constant dense<0.000000e+00> : vector<64x2xf32>
    %dot_general3A_45 = tpu.matmul %mul3A_38, %get3A_43, %dot_general3A_44 {dimension_numbers = #tpu.dot_dimension_numbers<[1], [0], [0], [1], [0, 0, 1, 1], [], []>, transpose_lhs_hint = false} : vector<64x16xf32>, vector<16x2xf32>, vector<64x2xf32> -> vector<64x2xf32>
    %get3A_46 = arith.constant 0 : index
    %get3A_47 = arith.constant 0 : index
    %get3A_48 = vector.load %arg7[%get3A_46, %get3A_47] : memref<1x2xf32, #tpu.memory_space<vmem>>, vector<1x2xf32>
    %add3A_49 = vector.broadcast %get3A_48 : vector<1x2xf32> to vector<64x2xf32>
    %add3A_50 = arith.addf %dot_general3A_45, %add3A_49 : vector<64x2xf32>
    %swap3A_51 = arith.constant 0 : index
    %swap3A_52 = arith.constant 0 : index
    %swap3A_53 = vector.load %arg8[%swap3A_51, %swap3A_52] : memref<64x2xf32, #tpu.memory_space<vmem>>, vector<64x2xf32>
    tpu.vector_store %arg8[%swap3A_51, %swap3A_52], %add3A_50 {strides = array<i32>} : memref<64x2xf32, #tpu.memory_space<vmem>>, vector<64x2xf32>,
    return
  }
}

</mosaic_0001>

<sc_bundles>
// kernel: kernel.11.cloned.1.call-start
scs
__scs_entry_jumppad:
0x0: {  	(pc) =	sbr.rel $0x88, $3  }
0x1: {  	(tag) =	ssettag $0x0;
	lr =	simm.s32 $0x1  }
0x2: {  	[smem:$0x3F96] =	sst lr;
	_ =	strace $0xD0000000  }
0x3: {  	_ = 	snop  }
0x4: {  	_ = 	snop  }
0x5: {  	_ = 	snop  }
0x6: {  	_ = 	snop  }
0x7: {  	_ = 	snop  }
__scs_overlays_trampoline_lowered:
0x8: {  	[smem:$0x3FA5] =	sst s0  }
0x9: {  	[smem:$0x3FA6] =	sst s1  }
0xa: {  	[smem:$0x3FA7] =	sst s2  }
0xb: {  	[smem:$0x3FA8] =	sst s3  }
0xc: {  	[smem:$0x3FA9] =	sst s4  }
0xd: {  	[smem:$0x3FAA] =	sst s5  }
0xe: {  	[smem:$0x3FAB] =	sst s6  }
0xf: {  	[smem:$0x3FAC] =	sst s7  }
0x10: {  	[smem:$0x3FAD] =	sst s8  }
0x11: {  	[smem:$0x3FAE] =	sst s9;
	s0 =	simm.s32 @!p0 $0x0  }
0x12: {  	s1 =	sld [smem:$0x3F94];
	s0 =	simm.s32 @p0 $0x1  }
0x13: {  	[smem:$0x3FAF] =	sst s0;
	s0 =	simm.s32 @!p1 $0x0  }
0x14: {  	s2 =	sld [smem:$0x3F93];
	s0 =	simm.s32 @p1 $0x1  }
0x15: {  	[smem:$0x3FB0] =	sst s0;
	s0 =	simm.s32 @!p2 $0x0  }
0x16: {  	s3 =	sld [smem:$0x3FDB];
	s0 =	simm.s32 @p2 $0x1  }
0x17: {  	s4 =	simm.s32 $0x1BF5;
	[smem:$0x3FB2] =	sst s0  }
0x18: {  	s0 =	sld [smem:$0x3F95];
	_ =	swait.ge [sflag:s4], $0x0  }
0x19: {  	s7 =	sld [smem:$0x3F96]  }
0x1a: {  	s8 =	sadd.s32 $0xFFFFE003, lr  }
0x1b: {  	s9 =	sadd.s32 $0xFFFFFEF7, lr;
	s5 =	simm.s32 $0xFFFFFFFF;
	p2 =	slt.u32 s8, $0xFFFFF086  }
0x1c: {  	p1 =	slt.u32 s9, $0xF7A;
	s5 =	simm.s32 @!p2 $0x0  }
0x1d: {  	s5 =	simm.s32 @p1 $0x1;
	p0 =	seq.s32 s7, s2  }
0x1e: {  	s7 =	smul.u32 @!p0 $0xF7A, s2;
	p2 =	seq.s32 @!p0 s5, $0x0  }
0x1f: {  	s9 =	smul.u32 $0xF7A, s1;
	s8 =	simm.s32 @!p0 $0x1BF5;
	p2 =	por !p2, p0  }
0x20: {  	[sflag:s8] =	ssyncset.s32 @!p0 $0xFFFFF086;
	s6 =	sadd.s32 @!p0 s3, s7;
	s7 =	simm.s32 @!p0 $0x108  }
0x21: {  	s3 =	sadd.s32 s3, s9;
	s6 =	sadd.s32 @!p0 $0x88, s6;
	s7 =	simm.s32 @p2 $0x1082  }
0x22: {  	[simem:s7], [sflag:s8] =	dma.local @!p0 [hbm:s6], $0xF7A  }
0x23: {  	s9 =	sor.u32 $0xD0000000, s2;
	s6 =	simm.s32 $0x108;
	_ =	swait.ge @!p0 [sflag:s8], $0x0  }
0x24: {  	s3 =	sadd.s32 $0x88, s3;
	s6 =	simm.s32 @!p1 $0x1082;
	[sflag:s4] =	ssyncset.s32 $0xFFFFF086  }
0x25: {  	[simem:s6], [sflag:s4] =	dma.local [hbm:s3], $0xF7A  }
0x26: {  	[smem:$0x3F96] =	sst s1;
	(tag) =	ssettag s2;
	_ =	strace s9  }
0x27: {  	s1 =	sld [smem:$0x3FA6]  }
0x28: {  	s2 =	sld [smem:$0x3FA7]  }
0x29: {  	s4 =	sld [smem:$0x3FA9]  }
0x2a: {  	p0 =	seq.s32 s5, $0x0;
	s5 =	sld [smem:$0x3FAA]  }
0x2b: {  	s6 =	sld [smem:$0x3FAB]  }
0x2c: {  	s7 =	sld [smem:$0x3FAC]  }
0x2d: {  	s3 =	simm.s32 $0x108;
	s8 =	sld [smem:$0x3FAD]  }
0x2e: {  	s3 =	simm.s32 @!p0 $0x1082;
	s9 =	sld [smem:$0x3FAE]  }
0x2f: {  	lr =	sadd.s32 s0, s3;
	s0 =	sld [smem:$0x3FA5]  }
0x30: {  	s3 =	sld [smem:$0x3FA8]  }
0x31: {  	[smem:$0x3FB1] =	sst s10  }
0x32: {  	s10 =	sld [smem:$0x3FAF];
	_ =	sdelay $0x3  }
0x33: {  	p0 =	seq.s32 s10, $0x1;
	s10 =	sld [smem:$0x3FB1];
	_ =	sdelay $0x3  }
0x34: {  	[smem:$0x3FB1] =	sst s10  }
0x35: {  	s10 =	sld [smem:$0x3FB0];
	_ =	sdelay $0x3  }
0x36: {  	p1 =	seq.s32 s10, $0x1;
	s10 =	sld [smem:$0x3FB1];
	_ =	sdelay $0x3  }
0x37: {  	[smem:$0x3FB1] =	sst s10  }
0x38: {  	s10 =	sld [smem:$0x3FB2]  }
0x39: {  	_ = 	snop;
	(pc) =	sbr.ind lr, $3  }
0x3a: {  	_ = 	snop  }
0x3b: {  	_ = 	snop  }
0x3c: {  	p2 =	seq.s32 s10, $0x1;
	s10 =	sld [smem:$0x3FB1]  }
0x3d: {  	_ =	shalt  }
0x3e: {  	_ =	shalt  }
0x3f: {  	_ =	shalt  }
0x40: {  	_ =	shalt  }
0x41: {  	_ =	shalt  }
0x42: {  	_ =	shalt  }
0x43: {  	_ =	shalt  }
0x44: {  	_ =	shalt  }
0x45: {  	_ =	shalt  }
0x46: {  	_ =	shalt  }
0x47: {  	_ =	shalt  }
0x48: {  	_ =	shalt  }
0x49: {  	_ =	shalt  }
0x4a: {  	_ =	shalt  }
0x4b: {  	_ =	shalt  }
0x4c: {  	_ =	shalt  }
0x4d: {  	_ =	shalt  }
0x4e: {  	_ =	shalt  }
0x4f: {  	_ =	shalt  }
0x50: {  	_ =	shalt  }
0x51: {  	_ =	shalt  }
0x52: {  	_ =	shalt  }
0x53: {  	_ =	shalt  }
0x54: {  	_ =	shalt  }
0x55: {  	_ =	shalt  }
0x56: {  	_ =	shalt  }
0x57: {  	_ =	shalt  }
0x58: {  	_ =	shalt  }
0x59: {  	_ =	shalt  }
0x5a: {  	_ =	shalt  }
0x5b: {  	_ =	shalt  }
0x5c: {  	_ =	shalt  }
0x5d: {  	_ =	shalt  }
0x5e: {  	_ =	shalt  }
0x5f: {  	_ =	shalt  }
0x60: {  	_ =	shalt  }
0x61: {  	_ =	shalt  }
0x62: {  	_ =	shalt  }
0x63: {  	_ =	shalt  }
0x64: {  	_ =	shalt  }
0x65: {  	_ =	shalt  }
0x66: {  	_ =	shalt  }
0x67: {  	_ =	shalt  }
0x68: {  	_ =	shalt  }
0x69: {  	_ =	shalt  }
0x6a: {  	_ =	shalt  }
0x6b: {  	_ =	shalt  }
0x6c: {  	_ =	shalt  }
0x6d: {  	_ =	shalt  }
0x6e: {  	_ =	shalt  }
0x6f: {  	_ =	shalt  }
0x70: {  	_ =	shalt  }
0x71: {  	_ =	shalt  }
0x72: {  	_ =	shalt  }
0x73: {  	_ =	shalt  }
0x74: {  	_ =	shalt  }
0x75: {  	_ =	shalt  }
0x76: {  	_ =	shalt  }
0x77: {  	_ =	shalt  }
0x78: {  	_ =	shalt  }
0x79: {  	_ =	shalt  }
0x7a: {  	_ =	shalt  }
0x7b: {  	_ =	shalt  }
0x7c: {  	_ =	shalt  }
0x7d: {  	_ =	shalt  }
0x7e: {  	_ =	shalt  }
0x7f: {  	_ =	shalt  }
0x80: {  	_ =	shalt  }
0x81: {  	_ =	shalt  }
0x82: {  	_ =	shalt  }
0x83: {  	_ =	shalt  }
0x84: {  	_ =	shalt  }
0x85: {  	_ =	shalt  }
0x86: {  	_ =	shalt  }
0x87: {  	_ =	shalt  }
.Lfunc_end0:
.L_simem_size_0:
called_computation_lowered:
.L_overlay_start_0:
0x88: {  	s2 =	sld [smem:$0x3FD9]  }
0x89: {  	s3 =	sld [smem:$0x3FFE];
	_ =	sdelay $0x1  }
0x8a: {  	s1 =	srdreg.scid  }
0x8b: {  	s0 =	sand.u32 $0x1, s1  }
0x8c: {  	s14 =	sshll.u32 s0, $0xA;
	s2 =	sadd.s32 s3, s2  }
0x8d: {  	s2 =	sadd.s32 s2, s14  }
0x8e: {  	[smem:$0x3FBD] =	sst s2  }
0x8f: {  	_ = 	snop  }
0x90: {  	s2 =	sld [smem:$0x3FD0];
	_ =	sdelay $0x2  }
0x91: {  	s15 =	simm.s32 $0xA;
	s4 =	simm.s32 $0x10  }
0x92: {  	[smem:s4], [sflag:s15] =	dma.local [hbm:s2], $0x1  }
0x93: {  	_ =	swait.eq [sflag:s15], $0x1  }
0x94: {  	[sflag:s15] =	ssyncset.done $0x0  }
0x95: {  	[sflag:s15] =	ssyncadd.s32 $0xFFFFFFFF  }
0x96: {  	s16 =	sld [smem:$0x11];
	(tm) =	ssettm $0x1  }
0x97: {  	s17 =	sld [smem:$0x3FFB];
	_ =	sdelay $0x3  }
0x98: {  	_ =	strace s17  }
0x99: {  	s3 =	sld [smem:$0x3FFC];
	_ =	sdelay $0x3  }
0x9a: {  	_ =	strace s3  }
0x9b: {  	s3 =	sld [smem:$0x3FFD];
	_ =	sdelay $0x3  }
0x9c: {  	_ =	strace s3  }
0x9d: {  	_ =	strace $0x8FFFFFFF  }
0x9e: {  	s18 =	sld [smem:$0x3FDB];
	_ =	sdelay $0x1  }
0x9f: {  	s19 =	simm.s32 $_scs_section_size  }
0xa0: {  	s5 =	simm.s32 $_size__tile_overlayer_lowered;
	s6 =	simm.s32 $_tile_overlayer_lowered  }
0xa1: {  	s22 =	simm.s32 $0x1BFF;
	s21 =	sshll.u32 s6, $0x1;
	s3 =	sadd.s32 s19, s18  }
0xa2: {  	s7 =	simm.s32 $0x0;
	s20 =	sshll.u32 s5, $0x1;
	s5 =	sadd.s32 s21, s3  }
0xa3: {  	[timem:s7], [sflag:s22] =	dma.local [hbm:s5], s20  }
0xa4: {  	_ =	swait.ge [sflag:s22], s20  }
0xa5: {  	s4 =	ssub.s32 $0x0, s20;
	[sflag:s22] =	ssyncset.done $0x0  }
0xa6: {  	[sflag:s22] =	ssyncadd.s32 s4;
	_ =	sdelay $0x1  }
0xa7: {  	s23 =	simm.s32 $0x1B8B  }
0xa8: {  	_ =	swait.ge [sflag:s23], $0x1  }
0xa9: {  	[sflag:s23] =	ssyncset.done $0x0  }
0xaa: {  	s25 =	simm.s32 $0x1B8E;
	s24 =	sld [smem:$0x3FFE];
	[sflag:s23] =	ssyncadd.s32 $0xFFFFFFFF  }
0xab: {  	s26 =	simm.s32 $execute0_lowered;
	[smem:$0x3FD2] =	sst s25  }
0xac: {  	s5 =	sshll.u32 s26, $0x1;
	_ =	strace $0x80000046;
	[dreg:$0x1] =	wrdreg $0xFFFFFFFF  }
0xad: {  	s28 =	simm.s32 $_size_execute0_lowered;
	s3 =	sadd.s32 s3, s5;
	[dreg:$0x0] =	wrdreg $0x0  }
0xae: {  	s5 =	sshll.u32 s28, $0x1;
	[dreg:$0x2] =	wrdreg s3  }
0xaf: {  	[dreg:$0x3] =	wrdreg s5  }
0xb0: {  	[dreg:$0x4] =	wrdreg $0xC0  }
0xb1: {  	_ =	task [dreg:s7], $0x5FFFF  }
0xb2: {  	[dreg:$0x1] =	wrdreg $0xFFFFFFFF  }
0xb3: {  	[dreg:$0x0] =	wrdreg $0x60  }
0xb4: {  	[dreg:$0x2] =	wrdreg s24  }
0xb5: {  	[dreg:$0x3] =	wrdreg s16  }
0xb6: {  	[dreg:$0x4] =	wrdreg $0x30000  }
0xb7: {  	[dreg:$0x5] =	wrdreg $0x9  }
0xb8: {  	_ =	task.clear_ibuf [dreg:s7], $0x6FFFF;
	_ =	strace $0x90000046  }
0xb9: {  	s29 =	simm.s32 $0x9;
	_ =	strace $0x80000048  }
0xba: {  	_ =	swait.ge [sflag:s29], $0x1  }
0xbb: {  	[sflag:s29] =	ssyncadd.s32 $0xFFFFFFFF  }
0xbc: {  	_ =	strace $0x90000048  }
0xbd: {  	_ =	sfence  }
0xbe: {  	s30 =	sld [smem:$0x0];
	_ =	sdelay $0x2  }
0xbf: {  	s31 =	sshll.u32 s1, $0xD;
	s1 =	sshrl.u32 s1, $0x2  }
0xc0: {  	s3 =	sand.u32 $0x4000, s31;
	s1 =	sadd.s32 s1, s30  }
0xc1: {  	s0 =	sor.u32 s3, s0;
	s1 =	sshll.u32 s1, $0x11  }
0xc2: {  	s0 =	sor.u32 s1, s0  }
0xc3: {  	s0 =	sadd.s32 $0x8F2B, s0  }
0xc4: {  	[sflag:s0] =	ssyncadd.remote.s32 $0x1  }
0xc5: {  	_ =	sfence.sel $0xFFFF  }
0xc6: {  	[dreg:$0x0] =	wrdreg $0xFFFFFFFF;
	(pc) =	sbr.abs _section_cstart, $3  }
0xc7: {  	[dreg:$0x1] =	wrdreg $0xFFFFFFFF  }
0xc8: {  	_ =	task.clear_ibuf [dreg:s7], $0x2FFFF;
	_ =	strace $0x9FFFFFFF  }
0xc9: {  	(tm) =	ssettm $0x7FFFFFFF  }
tec
execute0_lowered:
.L_overlay_start_1:
0x0: {  	(tag) =	ssettag $0x1  }
0x1: {  	s5 =	rddreg [dreg:$0x0]  }
0x2: {  	s2 =	rddreg [dreg:$0x1]  }
0x3: {  	s3 =	rddreg [dreg:$0x2]  }
0x4: {  	s0 =	rddreg [dreg:$0x3]  }
0x5: {  	s1 =	stileid.u32;
	s6 =	srdreg.scid;
	s4 =	simm.s32 $0x0  }
0x6: {  	s16 =	simm.s32 $0x0;
	s7 =	smul.u32 $0x2800, s1;
	s6 =	sand.u32 $0x1, s6  }
0x7: {  	[smem:$0x7FF] =	sst s4;
	s9 =	sshll.u32 s1, $0x1;
	s10 =	sadd.s32 $0x2E00, s5  }
0x8: {  	p0 =	seq.s32 s1, $0x0;
	s30 =	sshll.u32 s1, $0x6;
	s8 =	smul.u32 $0x28000, s6  }
0x9: {  	_ =	strace $0x80000047;
	s9 =	sor.u32 s6, s9;
	s6 =	ssub.s32 $0x2, s6  }
0xa: {  	s11 =	sshrl.u32 s7, $0x3;
	s12 =	smul.u32 $0x27, s9;
	s28 =	sshrl.u32 s6, $0x1  }
0xb: {  	s15 =	sadd.s32 s7, s3;
	s8 =	sadd.s32 s7, s8;
	s11 =	sadd.s32 s11, s5  }
0xc: {  	s14 =	ssub.s32 s6, s28;
	s7 =	sor.u32 $0x1C01, s30;
	s8 =	sshrl.u32 s8, $0x3  }
0xd: {  	s12 =	sadd.s32 $0x2, s12;
	s13 =	sadd.s32 s8, s5;
	s8 =	smul.u32 $0x28, s9  }
0xe: {  	s6 =	sadd.s32 $0xCC00, s11;
	s11 =	smax.u32 s14, $0x1;
	s5 =	simm.s32 $0x28  }
0xf: {  	s14 =	simm.s32 $0x2800;
	s5 =	simm.s32 @!p0 $0x27;
	s12 =	smov.u32 @p0 s8  }
0x10: {  	s29 =	sshll.u32 s12, $0x5;
	p0 =	sgt.u32 s12, $0x4F;
	s12 =	sshrl.u32 s15, $0x3  }
0x11: {  	s15 =	simm.s32 $0x80;
	s31 =	sand.u32 $0x1FFFFFE0, s29;
	s9 =	sadd.s32 s10, s29  }
0x12: {  	s8 =	sadd.s32 s10, s31;
	s10 =	sadd.s32 $0x11C00, s13;
	s13 =	simm.s32 $0x1  }
.LBB2_1:
0x13: {  	[spmem:s12], [sflag:s7] =	dma.local [hbm:s6], $0x500  }
0x14: {  	_ =	swait.ge [sflag:s13], $0x500  }
0x15: {  	[sflag:s13] =	ssyncset.done $0x0  }
0x16: {  	[sflag:s13] =	ssyncadd.s32 $0xFFFFFB00  }
0x17: {  	[tilespmem:s14], [sflag:$0x1] =	stream.linear.gather [hbm4b:s2+s4], $0x800, $0x38;
	[tilespmem:$0x5800] =	vst v63  }
0x18: {  	_ =	swait.ge [sflag:s13], $0x800  }
0x19: {  	[sflag:s13] =	ssyncset.done $0x0  }
0x1a: {  	s17 =	simm.s32 @p0 $0x0;
	[sflag:s13] =	ssyncadd.s32 $0xFFFFF800  }
0x1b: {  	[tilespmem:s17], [sflag:$0x1] =	stream.linear.gather @p0 [hbm4b:s8+s17], $0x2700, $0x38;
	[tilespmem:$0x5800] =	vst v63  }
0x1c: {  	s17 =	simm.s32 @p0 $0x1  }
0x1d: {  	_ =	swait.ge @p0 [sflag:s17], $0x2700  }
0x1e: {  	[sflag:s17] =	ssyncset.done @p0 $0x0  }
0x1f: {  	[sflag:s17] =	ssyncadd.s32 @p0 $0xFFFFD900;
	s17 =	simm.s32 @!p0 $0x0  }
0x20: {  	[tilespmem:s17], [sflag:$0x1] =	stream.linear.gather @!p0 [hbm4b:s9+s17], $0x2800, $0x38;
	[tilespmem:$0x5800] =	vst v63  }
0x21: {  	s17 =	simm.s32 @!p0 $0x1  }
0x22: {  	_ =	swait.ge @!p0 [sflag:s17], $0x2800  }
0x23: {  	p1 =	sne.s32 s5, $0x1;
	[sflag:s17] =	ssyncset.done @!p0 $0x0  }
.Ltmp0:
0x24: {  	[sflag:s17] =	ssyncadd.s32 @!p0 $0xFFFFD800;
	(pc) =	sbr.rel @!p1 .LBB2_3-.Ltmp0, $4  }
0x25: {  	[bflag:$0x0] =	sbarrier.arrive $0xFFFF  }
0x26: {  	[spmem:s3] =	stream.indirect.scatter.add.f32 [tilespmem:s14], [sflag:$0x1], $0x10, s15, s15, $0xb8;
	[tilespmem:$0x5800] =	vst v63  }
0x27: {  	_ =	swait.ge [sflag:s13], $0x800  }
0x28: {  	s18 =	simm.s32 $0x80;
	s17 =	sadd.s32 $0xFFFFFFFF, s5;
	[sflag:s13] =	ssyncset.done $0x0  }
.LBB2_2:
0x29: {  	p1 =	sne.s32 s17, $0x1;
	[sflag:s13] =	ssyncadd.s32 $0xFFFFF800;
	s18 =	sadd.s32 $0x100, s18  }
.Ltmp1:
0x2a: {  	s17 =	sadd.s32 $0xFFFFFFFF, s17;
	(pc) =	sbr.rel @p1 .LBB2_2-.Ltmp1, $4  }
0x2b: {  	_ = 	snop  }
0x2c: {  	[spmem:s3] =	stream.indirect.scatter.add.f32 [tilespmem:s14], [sflag:$0x1], $0x10, s18, s15, $0xb8;
	[tilespmem:$0x5800] =	vst v63  }
0x2d: {  	_ =	swait.ge [sflag:s13], $0x800  }
0x2e: {  	[sflag:s13] =	ssyncset.done $0x0  }
.LBB2_3:
0x2f: {  	s16 =	sadd.s32 $0x1, s16  }
0x30: {  	[sflag:s13] =	ssyncadd.s32 $0xFFFFF800;
	p1 =	sne.s32 s16, s11  }
.Ltmp2:
0x31: {  	[bflag:$0x0] =	sbarrier.arrive $0xFFFF;
	(pc) =	sbr.rel @p1 .LBB2_1-.Ltmp2, $4  }
0x32: {  	[hbm:s10], [sflag:s7] =	dma.local [spmem:s12], $0x500  }
0x33: {  	_ =	swait.ge [sflag:s13], $0x500  }
0x34: {  	[sflag:s13] =	ssyncset.done $0x0  }
0x35: {  	[sflag:s13] =	ssyncadd.s32 $0xFFFFFB00  }
0x36: {  	_ =	sfence.sel $0x180000  }
0x37: {  	[bflag:$0x0] =	sbarrier.arrive $0xFFFF  }
0x38: {  	p0 =	sne.s32 s1, $0x0;
	_ =	strace $0x90000047  }
0x39: {  	s0 =	sadd.s32 @!p0 $0x100000, s0;
	[bflag:$0x2] =	sbarrier.arrive $0xFFFF  }
0x3a: {  	[sflag:s0] =	ssyncadd.tile.s32 @!p0 $0x1;
	_ =	shalt  }
.Lfunc_end2:
_tile_overlayer_lowered:
.L_overlay_start_2:
0x3b: {  	(tag) =	ssettag $0x2  }
0x3c: {  	s0 =	rddreg [dreg:$0x0];
	s2 =	stileid.u32  }
0x3d: {  	s1 =	rddreg [dreg:$0x1];
	p0 =	sne.s32 s2, $0x0  }
0x3e: {  	s3 =	rddreg [dreg:$0x2];
	[bflag:$0x3] =	sbarrier.arrive $0xFFFF;
	s2 =	simm.s32 @!p0 $0x1C01  }
0x3f: {  	[timem:s3], [sflag:s2] =	dma.local @!p0 [hbm:s0], s1  }
0x40: {  	s0 =	simm.s32 @!p0 $0x1  }
0x41: {  	_ =	swait.ge @!p0 [sflag:s0], s1  }
0x42: {  	s1 =	ssub.s32 @!p0 $0x0, s1;
	[sflag:s0] =	ssyncset.done @!p0 $0x0  }
0x43: {  	[sflag:s0] =	ssyncadd.s32 @!p0 s1  }
0x44: {  	[bflag:$0x3] =	sbarrier.arrive $0xFFFF  }
0x45: {  	_ =	shalt  }

// kernel: kernel.14.cloned.1.call-start
scs
__scs_entry_jumppad:
0x0: {  	(pc) =	sbr.rel $0x88, $3  }
0x1: {  	(tag) =	ssettag $0x0;
	lr =	simm.s32 $0x1  }
0x2: {  	[smem:$0x3F96] =	sst lr;
	_ =	strace $0xD0000000  }
0x3: {  	_ = 	snop  }
0x4: {  	_ = 	snop  }
0x5: {  	_ = 	snop  }
0x6: {  	_ = 	snop  }
0x7: {  	_ = 	snop  }
__scs_overlays_trampoline_lowered:
0x8: {  	[smem:$0x3FA5] =	sst s0  }
0x9: {  	[smem:$0x3FA6] =	sst s1  }
0xa: {  	[smem:$0x3FA7] =	sst s2  }
0xb: {  	[smem:$0x3FA8] =	sst s3  }
0xc: {  	[smem:$0x3FA9] =	sst s4  }
0xd: {  	[smem:$0x3FAA] =	sst s5  }
0xe: {  	[smem:$0x3FAB] =	sst s6  }
0xf: {  	[smem:$0x3FAC] =	sst s7  }
0x10: {  	[smem:$0x3FAD] =	sst s8  }
0x11: {  	[smem:$0x3FAE] =	sst s9;
	s0 =	simm.s32 @!p0 $0x0  }
0x12: {  	s1 =	sld [smem:$0x3F94];
	s0 =	simm.s32 @p0 $0x1  }
0x13: {  	[smem:$0x3FAF] =	sst s0;
	s0 =	simm.s32 @!p1 $0x0  }
0x14: {  	s2 =	sld [smem:$0x3F93];
	s0 =	simm.s32 @p1 $0x1  }
0x15: {  	[smem:$0x3FB0] =	sst s0;
	s0 =	simm.s32 @!p2 $0x0  }
0x16: {  	s3 =	sld [smem:$0x3FDB];
	s0 =	simm.s32 @p2 $0x1  }
0x17: {  	s4 =	simm.s32 $0x1BF5;
	[smem:$0x3FB2] =	sst s0  }
0x18: {  	s0 =	sld [smem:$0x3F95];
	_ =	swait.ge [sflag:s4], $0x0  }
0x19: {  	s7 =	sld [smem:$0x3F96]  }
0x1a: {  	s8 =	sadd.s32 $0xFFFFE003, lr  }
0x1b: {  	s9 =	sadd.s32 $0xFFFFFEF7, lr;
	s5 =	simm.s32 $0xFFFFFFFF;
	p2 =	slt.u32 s8, $0xFFFFF086  }
0x1c: {  	p1 =	slt.u32 s9, $0xF7A;
	s5 =	simm.s32 @!p2 $0x0  }
0x1d: {  	s5 =	simm.s32 @p1 $0x1;
	p0 =	seq.s32 s7, s2  }
0x1e: {  	s7 =	smul.u32 @!p0 $0xF7A, s2;
	p2 =	seq.s32 @!p0 s5, $0x0  }
0x1f: {  	s9 =	smul.u32 $0xF7A, s1;
	s8 =	simm.s32 @!p0 $0x1BF5;
	p2 =	por !p2, p0  }
0x20: {  	[sflag:s8] =	ssyncset.s32 @!p0 $0xFFFFF086;
	s6 =	sadd.s32 @!p0 s3, s7;
	s7 =	simm.s32 @!p0 $0x108  }
0x21: {  	s3 =	sadd.s32 s3, s9;
	s6 =	sadd.s32 @!p0 $0x88, s6;
	s7 =	simm.s32 @p2 $0x1082  }
0x22: {  	[simem:s7], [sflag:s8] =	dma.local @!p0 [hbm:s6], $0xF7A  }
0x23: {  	s9 =	sor.u32 $0xD0000000, s2;
	s6 =	simm.s32 $0x108;
	_ =	swait.ge @!p0 [sflag:s8], $0x0  }
0x24: {  	s3 =	sadd.s32 $0x88, s3;
	s6 =	simm.s32 @!p1 $0x1082;
	[sflag:s4] =	ssyncset.s32 $0xFFFFF086  }
0x25: {  	[simem:s6], [sflag:s4] =	dma.local [hbm:s3], $0xF7A  }
0x26: {  	[smem:$0x3F96] =	sst s1;
	(tag) =	ssettag s2;
	_ =	strace s9  }
0x27: {  	s1 =	sld [smem:$0x3FA6]  }
0x28: {  	s2 =	sld [smem:$0x3FA7]  }
0x29: {  	s4 =	sld [smem:$0x3FA9]  }
0x2a: {  	p0 =	seq.s32 s5, $0x0;
	s5 =	sld [smem:$0x3FAA]  }
0x2b: {  	s6 =	sld [smem:$0x3FAB]  }
0x2c: {  	s7 =	sld [smem:$0x3FAC]  }
0x2d: {  	s3 =	simm.s32 $0x108;
	s8 =	sld [smem:$0x3FAD]  }
0x2e: {  	s3 =	simm.s32 @!p0 $0x1082;
	s9 =	sld [smem:$0x3FAE]  }
0x2f: {  	lr =	sadd.s32 s0, s3;
	s0 =	sld [smem:$0x3FA5]  }
0x30: {  	s3 =	sld [smem:$0x3FA8]  }
0x31: {  	[smem:$0x3FB1] =	sst s10  }
0x32: {  	s10 =	sld [smem:$0x3FAF];
	_ =	sdelay $0x3  }
0x33: {  	p0 =	seq.s32 s10, $0x1;
	s10 =	sld [smem:$0x3FB1];
	_ =	sdelay $0x3  }
0x34: {  	[smem:$0x3FB1] =	sst s10  }
0x35: {  	s10 =	sld [smem:$0x3FB0];
	_ =	sdelay $0x3  }
0x36: {  	p1 =	seq.s32 s10, $0x1;
	s10 =	sld [smem:$0x3FB1];
	_ =	sdelay $0x3  }
0x37: {  	[smem:$0x3FB1] =	sst s10  }
0x38: {  	s10 =	sld [smem:$0x3FB2]  }
0x39: {  	_ = 	snop;
	(pc) =	sbr.ind lr, $3  }
0x3a: {  	_ = 	snop  }
0x3b: {  	_ = 	snop  }
0x3c: {  	p2 =	seq.s32 s10, $0x1;
	s10 =	sld [smem:$0x3FB1]  }
0x3d: {  	_ =	shalt  }
0x3e: {  	_ =	shalt  }
0x3f: {  	_ =	shalt  }
0x40: {  	_ =	shalt  }
0x41: {  	_ =	shalt  }
0x42: {  	_ =	shalt  }
0x43: {  	_ =	shalt  }
0x44: {  	_ =	shalt  }
0x45: {  	_ =	shalt  }
0x46: {  	_ =	shalt  }
0x47: {  	_ =	shalt  }
0x48: {  	_ =	shalt  }
0x49: {  	_ =	shalt  }
0x4a: {  	_ =	shalt  }
0x4b: {  	_ =	shalt  }
0x4c: {  	_ =	shalt  }
0x4d: {  	_ =	shalt  }
0x4e: {  	_ =	shalt  }
0x4f: {  	_ =	shalt  }
0x50: {  	_ =	shalt  }
0x51: {  	_ =	shalt  }
0x52: {  	_ =	shalt  }
0x53: {  	_ =	shalt  }
0x54: {  	_ =	shalt  }
0x55: {  	_ =	shalt  }
0x56: {  	_ =	shalt  }
0x57: {  	_ =	shalt  }
0x58: {  	_ =	shalt  }
0x59: {  	_ =	shalt  }
0x5a: {  	_ =	shalt  }
0x5b: {  	_ =	shalt  }
0x5c: {  	_ =	shalt  }
0x5d: {  	_ =	shalt  }
0x5e: {  	_ =	shalt  }
0x5f: {  	_ =	shalt  }
0x60: {  	_ =	shalt  }
0x61: {  	_ =	shalt  }
0x62: {  	_ =	shalt  }
0x63: {  	_ =	shalt  }
0x64: {  	_ =	shalt  }
0x65: {  	_ =	shalt  }
0x66: {  	_ =	shalt  }
0x67: {  	_ =	shalt  }
0x68: {  	_ =	shalt  }
0x69: {  	_ =	shalt  }
0x6a: {  	_ =	shalt  }
0x6b: {  	_ =	shalt  }
0x6c: {  	_ =	shalt  }
0x6d: {  	_ =	shalt  }
0x6e: {  	_ =	shalt  }
0x6f: {  	_ =	shalt  }
0x70: {  	_ =	shalt  }
0x71: {  	_ =	shalt  }
0x72: {  	_ =	shalt  }
0x73: {  	_ =	shalt  }
0x74: {  	_ =	shalt  }
0x75: {  	_ =	shalt  }
0x76: {  	_ =	shalt  }
0x77: {  	_ =	shalt  }
0x78: {  	_ =	shalt  }
0x79: {  	_ =	shalt  }
0x7a: {  	_ =	shalt  }
0x7b: {  	_ =	shalt  }
0x7c: {  	_ =	shalt  }
0x7d: {  	_ =	shalt  }
0x7e: {  	_ =	shalt  }
0x7f: {  	_ =	shalt  }
0x80: {  	_ =	shalt  }
0x81: {  	_ =	shalt  }
0x82: {  	_ =	shalt  }
0x83: {  	_ =	shalt  }
0x84: {  	_ =	shalt  }
0x85: {  	_ =	shalt  }
0x86: {  	_ =	shalt  }
0x87: {  	_ =	shalt  }
.Lfunc_end0:
.L_simem_size_0:
called_computation.1_lowered:
.L_overlay_start_0:
0x88: {  	s2 =	sld [smem:$0x3FD9]  }
0x89: {  	s3 =	sld [smem:$0x3FFE];
	_ =	sdelay $0x1  }
0x8a: {  	s1 =	srdreg.scid  }
0x8b: {  	s0 =	sand.u32 $0x1, s1  }
0x8c: {  	s16 =	sshll.u32 s0, $0xA;
	s2 =	sadd.s32 s3, s2  }
0x8d: {  	s2 =	sadd.s32 s2, s16  }
0x8e: {  	[smem:$0x3FBD] =	sst s2  }
0x8f: {  	_ = 	snop  }
0x90: {  	(tm) =	ssettm $0x1  }
0x91: {  	s17 =	sld [smem:$0x3FFB];
	_ =	sdelay $0x3  }
0x92: {  	_ =	strace s17  }
0x93: {  	s2 =	sld [smem:$0x3FFC];
	_ =	sdelay $0x3  }
0x94: {  	_ =	strace s2  }
0x95: {  	s2 =	sld [smem:$0x3FFD];
	_ =	sdelay $0x3  }
0x96: {  	_ =	strace s2  }
0x97: {  	_ =	strace $0x8FFFFFFF  }
0x98: {  	s18 =	sld [smem:$0x3FDB];
	_ =	sdelay $0x1  }
0x99: {  	s19 =	simm.s32 $_scs_section_size  }
0x9a: {  	s4 =	simm.s32 $_size__tile_overlayer_lowered;
	s5 =	simm.s32 $_tile_overlayer_lowered  }
0x9b: {  	s22 =	simm.s32 $0x1BFF;
	s21 =	sshll.u32 s5, $0x1;
	s2 =	sadd.s32 s19, s18  }
0x9c: {  	s6 =	simm.s32 $0x0;
	s20 =	sshll.u32 s4, $0x1;
	s4 =	sadd.s32 s21, s2  }
0x9d: {  	[timem:s6], [sflag:s22] =	dma.local [hbm:s4], s20  }
0x9e: {  	_ =	swait.ge [sflag:s22], s20  }
0x9f: {  	s3 =	ssub.s32 $0x0, s20;
	[sflag:s22] =	ssyncset.done $0x0  }
0xa0: {  	[sflag:s22] =	ssyncadd.s32 s3;
	_ =	sdelay $0x1  }
0xa1: {  	s23 =	simm.s32 $0x1B8B  }
0xa2: {  	_ =	swait.ge [sflag:s23], $0x1  }
0xa3: {  	[sflag:s23] =	ssyncset.done $0x0  }
0xa4: {  	s25 =	simm.s32 $0x1B8E;
	s24 =	sld [smem:$0x3FFE];
	[sflag:s23] =	ssyncadd.s32 $0xFFFFFFFF  }
0xa5: {  	s26 =	simm.s32 $execute0_lowered;
	[smem:$0x3FD2] =	sst s25  }
0xa6: {  	s4 =	sshll.u32 s26, $0x1;
	_ =	strace $0x80000049;
	[dreg:$0x1] =	wrdreg $0xFFFFFFFF  }
0xa7: {  	s28 =	simm.s32 $_size_execute0_lowered;
	s2 =	sadd.s32 s2, s4;
	[dreg:$0x0] =	wrdreg $0x0  }
0xa8: {  	s4 =	sshll.u32 s28, $0x1;
	[dreg:$0x2] =	wrdreg s2  }
0xa9: {  	[dreg:$0x3] =	wrdreg s4  }
0xaa: {  	[dreg:$0x4] =	wrdreg $0xC0  }
0xab: {  	_ =	task [dreg:s6], $0x5FFFF  }
0xac: {  	[dreg:$0x1] =	wrdreg $0xFFFFFFFF  }
0xad: {  	[dreg:$0x0] =	wrdreg $0x60  }
0xae: {  	[dreg:$0x2] =	wrdreg s24  }
0xaf: {  	[dreg:$0x3] =	wrdreg $0xA8000  }
0xb0: {  	[dreg:$0x4] =	wrdreg $0x9  }
0xb1: {  	_ =	task.clear_ibuf [dreg:s6], $0x5FFFF;
	_ =	strace $0x90000049  }
0xb2: {  	s29 =	simm.s32 $0x9;
	_ =	strace $0x8000004B  }
0xb3: {  	_ =	swait.ge [sflag:s29], $0x1  }
0xb4: {  	[sflag:s29] =	ssyncadd.s32 $0xFFFFFFFF  }
0xb5: {  	_ =	strace $0x9000004B  }
0xb6: {  	_ =	sfence  }
0xb7: {  	s30 =	sld [smem:$0x0];
	_ =	sdelay $0x2  }
0xb8: {  	s31 =	sshll.u32 s1, $0xD;
	s1 =	sshrl.u32 s1, $0x2  }
0xb9: {  	s3 =	sand.u32 $0x4000, s31;
	s1 =	sadd.s32 s1, s30  }
0xba: {  	s0 =	sor.u32 s3, s0;
	s1 =	sshll.u32 s1, $0x11  }
0xbb: {  	s0 =	sor.u32 s1, s0  }
0xbc: {  	s0 =	sadd.s32 $0x8F2B, s0  }
0xbd: {  	[sflag:s0] =	ssyncadd.remote.s32 $0x1  }
0xbe: {  	_ =	sfence.sel $0xFFFF  }
0xbf: {  	[dreg:$0x0] =	wrdreg $0xFFFFFFFF;
	(pc) =	sbr.abs _section_cstart, $3  }
0xc0: {  	[dreg:$0x1] =	wrdreg $0xFFFFFFFF  }
0xc1: {  	_ =	task.clear_ibuf [dreg:s6], $0x2FFFF;
	_ =	strace $0x9FFFFFFF  }
0xc2: {  	(tm) =	ssettm $0x7FFFFFFF  }
0xc3: {  	_ =	shalt  }
tec
execute0_lowered:
.L_overlay_start_1:
0x0: {  	(tag) =	ssettag $0x1  }
0x1: {  	s4 =	rddreg [dreg:$0x0]  }
0x2: {  	s1 =	rddreg [dreg:$0x1]  }
0x3: {  	s0 =	rddreg [dreg:$0x2]  }
0x4: {  	s2 =	simm.s32 $0x0;
	s3 =	srdreg.scid;
	s19 =	stileid.u32  }
0x5: {  	s13 =	simm.s32 $0x6800;
	s16 =	simm.s32 $0x1;
	s17 =	simm.s32 $0x3  }
0x6: {  	s18 =	simm.s32 $0x2;
	s20 =	simm.s32 $0x0;
	s5 =	sand.u32 $0x1, s3  }
0x7: {  	s7 =	smul.u32 $0x14000, s19;
	s26 =	sshll.u32 s19, $0x1;
	[smem:$0x7FF] =	sst s2  }
0x8: {  	s3 =	sadd.s32 $0xCC00, s4;
	s10 =	sadd.s32 $0x2E00, s4;
	p0 =	seq.s32 s19, $0x0  }
0x9: {  	s14 =	sshll.u32 s19, $0x6;
	p1 =	sne.s32 s19, $0x0;
	s19 =	simm.s32 $0x2680  }
0xa: {  	s6 =	smul.u32 $0x140000, s5;
	s8 =	sor.u32 s5, s26;
	_ =	strace $0x8000004A  }
0xb: {  	s5 =	ssub.s32 $0x2, s5;
	s14 =	sor.u32 $0x1C03, s14;
	s9 =	smul.u32 $0x27, s8  }
0xc: {  	s8 =	smul.u32 $0x28, s8;
	s29 =	sshrl.u32 s5, $0x1;
	s31 =	sshrl.u32 s7, $0x3  }
0xd: {  	s15 =	sadd.s32 s7, s1;
	s6 =	sadd.s32 s7, s6;
	s12 =	ssub.s32 s5, s29  }
0xe: {  	s7 =	sadd.s32 s3, s31;
	s15 =	sshrl.u32 s15, $0x3;
	s6 =	sshrl.u32 s6, $0x3  }
0xf: {  	s11 =	sadd.s32 $0x2, s9;
	s9 =	smax.u32 s12, $0x1;
	s12 =	simm.s32 $0x100  }
0x10: {  	s28 =	sadd.s32 s6, s4;
	s11 =	smov.u32 @p0 s8;
	s4 =	simm.s32 $0x28  }
0x11: {  	s8 =	sshll.u32 s11, $0x5;
	s4 =	simm.s32 @!p0 $0x27;
	p0 =	sgt.u32 s11, $0x4F  }
0x12: {  	s11 =	simm.s32 $0x2800;
	s30 =	sand.u32 $0x1FFFFFE0, s8;
	s6 =	sadd.s32 s10, s8  }
0x13: {  	s8 =	sadd.s32 $0x34C00, s28;
	s5 =	sadd.s32 s10, s30;
	s10 =	simm.s32 $0x80  }
.LBB2_1:
0x14: {  	s21 =	simm.s32 @p0 $0x0  }
0x15: {  	[tilespmem:s21], [sflag:$0x3] =	stream.linear.gather @p0 [hbm4b:s5+s21], $0x2700, $0x38;
	[tilespmem:$0x1E800] =	vst v63  }
0x16: {  	s21 =	simm.s32 @p0 $0x3  }
0x17: {  	_ =	swait.ge @p0 [sflag:s21], $0x2700  }
0x18: {  	[sflag:s21] =	ssyncset.done @p0 $0x0  }
0x19: {  	[sflag:s21] =	ssyncadd.s32 @p0 $0xFFFFD900;
	s21 =	simm.s32 @!p0 $0x0  }
0x1a: {  	[tilespmem:s21], [sflag:$0x3] =	stream.linear.gather @!p0 [hbm4b:s6+s21], $0x2800, $0x38;
	[tilespmem:$0x1E800] =	vst v63  }
0x1b: {  	s21 =	simm.s32 @!p0 $0x3  }
0x1c: {  	_ =	swait.ge @!p0 [sflag:s21], $0x2800  }
0x1d: {  	[sflag:s21] =	ssyncset.done @!p0 $0x0  }
0x1e: {  	[sflag:s21] =	ssyncadd.s32 @!p0 $0xFFFFD800  }
0x1f: {  	[tilespmem:s11], [sflag:$0x1] =	stream.indirect.gather [hbm4b:s3+s10], $0x80, s2, s10, $0xb8;
	[tilespmem:$0x1E800] =	vst v63  }
0x20: {  	_ = 	snop  }
0x21: {  	[tilespmem:s13], [sflag:$0x2] =	stream.indirect.gather [hbm4b:s3+s10], $0x80, s12, s10, $0xb8;
	[tilespmem:$0x1E800] =	vst v63  }
0x22: {  	[spmem:s15], [sflag:s14] =	dma.local [hbm:s7], $0x2800  }
0x23: {  	_ =	swait.ge [sflag:s17], $0x2800  }
0x24: {  	[sflag:s17] =	ssyncset.done $0x0  }
0x25: {  	[sflag:s17] =	ssyncadd.s32 $0xFFFFD800  }
0x26: {  	[bflag:$0x0] =	sbarrier.arrive $0xFFFF  }
0x27: {  	_ =	swait.ge [sflag:s16], $0x4000  }
0x28: {  	[sflag:s16] =	ssyncset.done $0x0  }
0x29: {  	s30 =	simm.s32 $0x80;
	[sflag:s16] =	ssyncadd.s32 $0xFFFFC000  }
0x2a: {  	[spmem:s1] =	stream.indirect.scatter.add.f32 [tilespmem:s11], [sflag:$0x3], $0x80, s30, s10, $0xb8;
	[tilespmem:$0x1E800] =	vst v63  }
0x2b: {  	p2 =	sle.u32 s4, $0x2;
	_ =	swait.ge [sflag:s17], $0x4000  }
0x2c: {  	s22 =	simm.s32 @!p2 $0x200;
	[sflag:s17] =	ssyncset.done $0x0  }
0x2d: {  	s23 =	simm.s32 @!p2 $0x80;
	s21 =	simm.s32 @!p2 $0x2800;
	[sflag:s17] =	ssyncadd.s32 $0xFFFFC000  }
0x2e: {  	[tilespmem:s21], [sflag:$0x1] =	stream.indirect.gather @!p2 [hbm4b:s3+s23], $0x80, s22, s23, $0xb8;
	[tilespmem:$0x1E800] =	vst v63  }
0x2f: {  	_ =	swait.ge [sflag:s18], $0x4000  }
0x30: {  	[sflag:s18] =	ssyncset.done $0x0  }
0x31: {  	s31 =	simm.s32 $0x180;
	p3 =	sle.u32 s4, $0x3;
	[sflag:s18] =	ssyncadd.s32 $0xFFFFC000  }
0x32: {  	[spmem:s1] =	stream.indirect.scatter.add.f32 [tilespmem:s13], [sflag:$0x3], $0x80, s31, s10, $0xb8;
	[tilespmem:$0x1E800] =	vst v63  }
0x33: {  	s24 =	simm.s32 @!p3 $0x300;
	_ =	swait.ge [sflag:s17], $0x4000  }
0x34: {  	s25 =	simm.s32 @!p3 $0x80;
	s21 =	simm.s32 $0x800;
	[sflag:s17] =	ssyncset.done $0x0  }
0x35: {  	s22 =	simm.s32 $0x5;
	s23 =	simm.s32 @!p3 $0x6800;
	[sflag:s17] =	ssyncadd.s32 $0xFFFFC000  }
.LBB2_2:
0x36: {  	[tilespmem:s23], [sflag:$0x2] =	stream.indirect.gather @!p3 [hbm4b:s3+s25], $0x80, s24, s25, $0xb8;
	[tilespmem:$0x1E800] =	vst v63  }
0x37: {  	s23 =	smov.u32 s21;
	s21 =	sadd.s32 $0x800, s21;
	_ =	swait.ge [sflag:s16], $0x4000  }
0x38: {  	s24 =	sshra.s32 s23, $0x2;
	p2 =	sne.s32 s21, $0x9800;
	[sflag:s16] =	ssyncset.done $0x0  }
0x39: {  	s26 =	sadd.s32 $0xFFFFFFFF, s22;
	s25 =	sadd.s32 $0x80, s24;
	[sflag:s16] =	ssyncadd.s32 $0xFFFFC000  }
0x3a: {  	[spmem:s1] =	stream.indirect.scatter.add.f32 [tilespmem:s11], [sflag:$0x3], $0x80, s25, s10, $0xb8;
	[tilespmem:$0x1E800] =	vst v63  }
0x3b: {  	p3 =	sge.u32 s26, s4;
	_ =	swait.ge [sflag:s17], $0x4000  }
0x3c: {  	s26 =	simm.s32 @!p3 $0x2800;
	s25 =	sshra.s32 @!p3 s23, $0x2;
	[sflag:s17] =	ssyncset.done $0x0  }
0x3d: {  	s28 =	simm.s32 @!p3 $0x80;
	s25 =	sadd.s32 @!p3 $0x200, s25;
	[sflag:s17] =	ssyncadd.s32 $0xFFFFC000  }
0x3e: {  	[tilespmem:s26], [sflag:$0x1] =	stream.indirect.gather @!p3 [hbm4b:s3+s28], $0x80, s25, s28, $0xb8;
	[tilespmem:$0x1E800] =	vst v63  }
0x3f: {  	_ =	swait.ge [sflag:s18], $0x4000  }
0x40: {  	[sflag:s18] =	ssyncset.done $0x0  }
.Ltmp0:
0x41: {  	s24 =	sadd.s32 $0x180, s24;
	[sflag:s18] =	ssyncadd.s32 $0xFFFFC000;
	(pc) =	sbr.rel @p2 .LBB2_2-.Ltmp0, $4  }
0x42: {  	[spmem:s1] =	stream.indirect.scatter.add.f32 [tilespmem:s13], [sflag:$0x3], $0x80, s24, s10, $0xb8;
	[tilespmem:$0x1E800] =	vst v63  }
0x43: {  	p3 =	sge.u32 s22, s4;
	s22 =	sadd.s32 $0x2, s22;
	_ =	swait.ge [sflag:s17], $0x4000  }
0x44: {  	s24 =	sshra.s32 @!p3 s23, $0x2;
	s23 =	simm.s32 @!p3 $0x6800;
	[sflag:s17] =	ssyncset.done $0x0  }
0x45: {  	s25 =	simm.s32 @!p3 $0x80;
	s24 =	sadd.s32 @!p3 $0x300, s24;
	[sflag:s17] =	ssyncadd.s32 $0xFFFFC000  }
0x46: {  	[tilespmem:s23], [sflag:$0x2] =	stream.indirect.gather @!p3 [hbm4b:s3+s25], $0x80, s24, s25, $0xb8;
	[tilespmem:$0x1E800] =	vst v63  }
0x47: {  	_ =	swait.ge [sflag:s16], $0x4000  }
0x48: {  	[sflag:s16] =	ssyncset.done $0x0  }
0x49: {  	[sflag:s16] =	ssyncadd.s32 $0xFFFFC000  }
0x4a: {  	[spmem:s1] =	stream.indirect.scatter.add.f32 [tilespmem:s11], [sflag:$0x3], $0x80, s19, s10, $0xb8;
	[tilespmem:$0x1E800] =	vst v63  }
0x4b: {  	_ =	swait.ge [sflag:s17], $0x4000  }
0x4c: {  	[sflag:s17] =	ssyncset.done $0x0  }
0x4d: {  	s21 =	simm.s32 @!p1 $0x2;
	[sflag:s17] =	ssyncadd.s32 $0xFFFFC000  }
0x4e: {  	_ =	swait.ge @!p1 [sflag:s21], $0x4000  }
0x4f: {  	s22 =	simm.s32 @!p1 $0x2780;
	[sflag:s21] =	ssyncset.done @!p1 $0x0  }
0x50: {  	s23 =	simm.s32 @!p1 $0x6800;
	[sflag:s21] =	ssyncadd.s32 @!p1 $0xFFFFC000;
	s21 =	simm.s32 @!p1 $0x80  }
0x51: {  	[spmem:s1] =	stream.indirect.scatter.add.f32 @!p1 [tilespmem:s23], [sflag:$0x3], $0x80, s22, s21, $0xb8;
	[tilespmem:$0x1E800] =	vst v63  }
0x52: {  	s21 =	simm.s32 @!p1 $0x3  }
0x53: {  	_ =	swait.ge @!p1 [sflag:s21], $0x4000  }
0x54: {  	s20 =	sadd.s32 $0x1, s20;
	[sflag:s21] =	ssyncset.done @!p1 $0x0  }
0x55: {  	p2 =	sne.s32 s20, s9;
	[sflag:s21] =	ssyncadd.s32 @!p1 $0xFFFFC000  }
.Ltmp1:
0x56: {  	[bflag:$0x0] =	sbarrier.arrive $0xFFFF;
	(pc) =	sbr.rel @p2 .LBB2_1-.Ltmp1, $4  }
0x57: {  	[hbm:s8], [sflag:s14] =	dma.local [spmem:s15], $0x2800  }
0x58: {  	_ =	swait.ge [sflag:s17], $0x2800  }
0x59: {  	[sflag:s17] =	ssyncset.done $0x0  }
0x5a: {  	[sflag:s17] =	ssyncadd.s32 $0xFFFFD800  }
0x5b: {  	_ =	sfence.sel $0x180000  }
0x5c: {  	[bflag:$0x0] =	sbarrier.arrive $0xFFFF  }
0x5d: {  	_ =	strace $0x9000004A  }
0x5e: {  	s0 =	sadd.s32 @!p1 $0x100000, s0;
	[bflag:$0x2] =	sbarrier.arrive $0xFFFF  }
0x5f: {  	[sflag:s0] =	ssyncadd.tile.s32 @!p1 $0x1;
	_ =	shalt  }
.Lfunc_end2:
_tile_overlayer_lowered:
.L_overlay_start_2:
0x60: {  	(tag) =	ssettag $0x2  }
0x61: {  	s0 =	rddreg [dreg:$0x0];
	s2 =	stileid.u32  }
0x62: {  	s1 =	rddreg [dreg:$0x1];
	p0 =	sne.s32 s2, $0x0  }
0x63: {  	s3 =	rddreg [dreg:$0x2];
	[bflag:$0x3] =	sbarrier.arrive $0xFFFF;
	s2 =	simm.s32 @!p0 $0x1C03  }
0x64: {  	[timem:s3], [sflag:s2] =	dma.local @!p0 [hbm:s0], s1  }
0x65: {  	s0 =	simm.s32 @!p0 $0x3  }
0x66: {  	_ =	swait.ge @!p0 [sflag:s0], s1  }
0x67: {  	s1 =	ssub.s32 @!p0 $0x0, s1;
	[sflag:s0] =	ssyncset.done @!p0 $0x0  }
0x68: {  	[sflag:s0] =	ssyncadd.s32 @!p0 s1  }
0x69: {  	[bflag:$0x3] =	sbarrier.arrive $0xFFFF  }
0x6a: {  	_ =	shalt  }

// kernel: kernel.17.cloned.1.call-start
scs
__scs_entry_jumppad:
0x0: {  	(pc) =	sbr.rel $0x88, $3  }
0x1: {  	(tag) =	ssettag $0x0;
	lr =	simm.s32 $0x1  }
0x2: {  	[smem:$0x3F96] =	sst lr;
	_ =	strace $0xD0000000  }
0x3: {  	_ = 	snop  }
0x4: {  	_ = 	snop  }
0x5: {  	_ = 	snop  }
0x6: {  	_ = 	snop  }
0x7: {  	_ = 	snop  }
__scs_overlays_trampoline_lowered:
0x8: {  	[smem:$0x3FA5] =	sst s0  }
0x9: {  	[smem:$0x3FA6] =	sst s1  }
0xa: {  	[smem:$0x3FA7] =	sst s2  }
0xb: {  	[smem:$0x3FA8] =	sst s3  }
0xc: {  	[smem:$0x3FA9] =	sst s4  }
0xd: {  	[smem:$0x3FAA] =	sst s5  }
0xe: {  	[smem:$0x3FAB] =	sst s6  }
0xf: {  	[smem:$0x3FAC] =	sst s7  }
0x10: {  	[smem:$0x3FAD] =	sst s8  }
0x11: {  	[smem:$0x3FAE] =	sst s9;
	s0 =	simm.s32 @!p0 $0x0  }
0x12: {  	s1 =	sld [smem:$0x3F94];
	s0 =	simm.s32 @p0 $0x1  }
0x13: {  	[smem:$0x3FAF] =	sst s0;
	s0 =	simm.s32 @!p1 $0x0  }
0x14: {  	s2 =	sld [smem:$0x3F93];
	s0 =	simm.s32 @p1 $0x1  }
0x15: {  	[smem:$0x3FB0] =	sst s0;
	s0 =	simm.s32 @!p2 $0x0  }
0x16: {  	s3 =	sld [smem:$0x3FDB];
	s0 =	simm.s32 @p2 $0x1  }
0x17: {  	s4 =	simm.s32 $0x1BF5;
	[smem:$0x3FB2] =	sst s0  }
0x18: {  	s0 =	sld [smem:$0x3F95];
	_ =	swait.ge [sflag:s4], $0x0  }
0x19: {  	s7 =	sld [smem:$0x3F96]  }
0x1a: {  	s8 =	sadd.s32 $0xFFFFE003, lr  }
0x1b: {  	s9 =	sadd.s32 $0xFFFFFEF7, lr;
	s5 =	simm.s32 $0xFFFFFFFF;
	p2 =	slt.u32 s8, $0xFFFFF086  }
0x1c: {  	p1 =	slt.u32 s9, $0xF7A;
	s5 =	simm.s32 @!p2 $0x0  }
0x1d: {  	s5 =	simm.s32 @p1 $0x1;
	p0 =	seq.s32 s7, s2  }
0x1e: {  	s7 =	smul.u32 @!p0 $0xF7A, s2;
	p2 =	seq.s32 @!p0 s5, $0x0  }
0x1f: {  	s9 =	smul.u32 $0xF7A, s1;
	s8 =	simm.s32 @!p0 $0x1BF5;
	p2 =	por !p2, p0  }
0x20: {  	[sflag:s8] =	ssyncset.s32 @!p0 $0xFFFFF086;
	s6 =	sadd.s32 @!p0 s3, s7;
	s7 =	simm.s32 @!p0 $0x108  }
0x21: {  	s3 =	sadd.s32 s3, s9;
	s6 =	sadd.s32 @!p0 $0x88, s6;
	s7 =	simm.s32 @p2 $0x1082  }
0x22: {  	[simem:s7], [sflag:s8] =	dma.local @!p0 [hbm:s6], $0xF7A  }
0x23: {  	s9 =	sor.u32 $0xD0000000, s2;
	s6 =	simm.s32 $0x108;
	_ =	swait.ge @!p0 [sflag:s8], $0x0  }
0x24: {  	s3 =	sadd.s32 $0x88, s3;
	s6 =	simm.s32 @!p1 $0x1082;
	[sflag:s4] =	ssyncset.s32 $0xFFFFF086  }
0x25: {  	[simem:s6], [sflag:s4] =	dma.local [hbm:s3], $0xF7A  }
0x26: {  	[smem:$0x3F96] =	sst s1;
	(tag) =	ssettag s2;
	_ =	strace s9  }
0x27: {  	s1 =	sld [smem:$0x3FA6]  }
0x28: {  	s2 =	sld [smem:$0x3FA7]  }
0x29: {  	s4 =	sld [smem:$0x3FA9]  }
0x2a: {  	p0 =	seq.s32 s5, $0x0;
	s5 =	sld [smem:$0x3FAA]  }
0x2b: {  	s6 =	sld [smem:$0x3FAB]  }
0x2c: {  	s7 =	sld [smem:$0x3FAC]  }
0x2d: {  	s3 =	simm.s32 $0x108;
	s8 =	sld [smem:$0x3FAD]  }
0x2e: {  	s3 =	simm.s32 @!p0 $0x1082;
	s9 =	sld [smem:$0x3FAE]  }
0x2f: {  	lr =	sadd.s32 s0, s3;
	s0 =	sld [smem:$0x3FA5]  }
0x30: {  	s3 =	sld [smem:$0x3FA8]  }
0x31: {  	[smem:$0x3FB1] =	sst s10  }
0x32: {  	s10 =	sld [smem:$0x3FAF];
	_ =	sdelay $0x3  }
0x33: {  	p0 =	seq.s32 s10, $0x1;
	s10 =	sld [smem:$0x3FB1];
	_ =	sdelay $0x3  }
0x34: {  	[smem:$0x3FB1] =	sst s10  }
0x35: {  	s10 =	sld [smem:$0x3FB0];
	_ =	sdelay $0x3  }
0x36: {  	p1 =	seq.s32 s10, $0x1;
	s10 =	sld [smem:$0x3FB1];
	_ =	sdelay $0x3  }
0x37: {  	[smem:$0x3FB1] =	sst s10  }
0x38: {  	s10 =	sld [smem:$0x3FB2]  }
0x39: {  	_ = 	snop;
	(pc) =	sbr.ind lr, $3  }
0x3a: {  	_ = 	snop  }
0x3b: {  	_ = 	snop  }
0x3c: {  	p2 =	seq.s32 s10, $0x1;
	s10 =	sld [smem:$0x3FB1]  }
0x3d: {  	_ =	shalt  }
0x3e: {  	_ =	shalt  }
0x3f: {  	_ =	shalt  }
0x40: {  	_ =	shalt  }
0x41: {  	_ =	shalt  }
0x42: {  	_ =	shalt  }
0x43: {  	_ =	shalt  }
0x44: {  	_ =	shalt  }
0x45: {  	_ =	shalt  }
0x46: {  	_ =	shalt  }
0x47: {  	_ =	shalt  }
0x48: {  	_ =	shalt  }
0x49: {  	_ =	shalt  }
0x4a: {  	_ =	shalt  }
0x4b: {  	_ =	shalt  }
0x4c: {  	_ =	shalt  }
0x4d: {  	_ =	shalt  }
0x4e: {  	_ =	shalt  }
0x4f: {  	_ =	shalt  }
0x50: {  	_ =	shalt  }
0x51: {  	_ =	shalt  }
0x52: {  	_ =	shalt  }
0x53: {  	_ =	shalt  }
0x54: {  	_ =	shalt  }
0x55: {  	_ =	shalt  }
0x56: {  	_ =	shalt  }
0x57: {  	_ =	shalt  }
0x58: {  	_ =	shalt  }
0x59: {  	_ =	shalt  }
0x5a: {  	_ =	shalt  }
0x5b: {  	_ =	shalt  }
0x5c: {  	_ =	shalt  }
0x5d: {  	_ =	shalt  }
0x5e: {  	_ =	shalt  }
0x5f: {  	_ =	shalt  }
0x60: {  	_ =	shalt  }
0x61: {  	_ =	shalt  }
0x62: {  	_ =	shalt  }
0x63: {  	_ =	shalt  }
0x64: {  	_ =	shalt  }
0x65: {  	_ =	shalt  }
0x66: {  	_ =	shalt  }
0x67: {  	_ =	shalt  }
0x68: {  	_ =	shalt  }
0x69: {  	_ =	shalt  }
0x6a: {  	_ =	shalt  }
0x6b: {  	_ =	shalt  }
0x6c: {  	_ =	shalt  }
0x6d: {  	_ =	shalt  }
0x6e: {  	_ =	shalt  }
0x6f: {  	_ =	shalt  }
0x70: {  	_ =	shalt  }
0x71: {  	_ =	shalt  }
0x72: {  	_ =	shalt  }
0x73: {  	_ =	shalt  }
0x74: {  	_ =	shalt  }
0x75: {  	_ =	shalt  }
0x76: {  	_ =	shalt  }
0x77: {  	_ =	shalt  }
0x78: {  	_ =	shalt  }
0x79: {  	_ =	shalt  }
0x7a: {  	_ =	shalt  }
0x7b: {  	_ =	shalt  }
0x7c: {  	_ =	shalt  }
0x7d: {  	_ =	shalt  }
0x7e: {  	_ =	shalt  }
0x7f: {  	_ =	shalt  }
0x80: {  	_ =	shalt  }
0x81: {  	_ =	shalt  }
0x82: {  	_ =	shalt  }
0x83: {  	_ =	shalt  }
0x84: {  	_ =	shalt  }
0x85: {  	_ =	shalt  }
0x86: {  	_ =	shalt  }
0x87: {  	_ =	shalt  }
.Lfunc_end0:
.L_simem_size_0:
called_computation.2_lowered:
.L_overlay_start_0:
0x88: {  	s2 =	sld [smem:$0x3FD9]  }
0x89: {  	s3 =	sld [smem:$0x3FFE];
	_ =	sdelay $0x1  }
0x8a: {  	s1 =	srdreg.scid  }
0x8b: {  	s0 =	sand.u32 $0x1, s1  }
0x8c: {  	s16 =	sshll.u32 s0, $0xA;
	s2 =	sadd.s32 s3, s2  }
0x8d: {  	s2 =	sadd.s32 s2, s16  }
0x8e: {  	[smem:$0x3FBD] =	sst s2  }
0x8f: {  	_ = 	snop  }
0x90: {  	(tm) =	ssettm $0x1  }
0x91: {  	s17 =	sld [smem:$0x3FFB];
	_ =	sdelay $0x3  }
0x92: {  	_ =	strace s17  }
0x93: {  	s2 =	sld [smem:$0x3FFC];
	_ =	sdelay $0x3  }
0x94: {  	_ =	strace s2  }
0x95: {  	s2 =	sld [smem:$0x3FFD];
	_ =	sdelay $0x3  }
0x96: {  	_ =	strace s2  }
0x97: {  	_ =	strace $0x8FFFFFFF  }
0x98: {  	s18 =	sld [smem:$0x3FDB];
	_ =	sdelay $0x1  }
0x99: {  	s19 =	simm.s32 $_scs_section_size  }
0x9a: {  	s4 =	simm.s32 $_size__tile_overlayer_lowered;
	s5 =	simm.s32 $_tile_overlayer_lowered  }
0x9b: {  	s22 =	simm.s32 $0x1BFF;
	s21 =	sshll.u32 s5, $0x1;
	s2 =	sadd.s32 s19, s18  }
0x9c: {  	s6 =	simm.s32 $0x0;
	s20 =	sshll.u32 s4, $0x1;
	s4 =	sadd.s32 s21, s2  }
0x9d: {  	[timem:s6], [sflag:s22] =	dma.local [hbm:s4], s20  }
0x9e: {  	_ =	swait.ge [sflag:s22], s20  }
0x9f: {  	s3 =	ssub.s32 $0x0, s20;
	[sflag:s22] =	ssyncset.done $0x0  }
0xa0: {  	[sflag:s22] =	ssyncadd.s32 s3;
	_ =	sdelay $0x1  }
0xa1: {  	s23 =	simm.s32 $0x1B8B  }
0xa2: {  	_ =	swait.ge [sflag:s23], $0x1  }
0xa3: {  	[sflag:s23] =	ssyncset.done $0x0  }
0xa4: {  	s25 =	simm.s32 $0x1B8E;
	s24 =	sld [smem:$0x3FFE];
	[sflag:s23] =	ssyncadd.s32 $0xFFFFFFFF  }
0xa5: {  	s26 =	simm.s32 $execute0_lowered;
	[smem:$0x3FD2] =	sst s25  }
0xa6: {  	s4 =	sshll.u32 s26, $0x1;
	_ =	strace $0x8000004C;
	[dreg:$0x1] =	wrdreg $0xFFFFFFFF  }
0xa7: {  	s28 =	simm.s32 $_size_execute0_lowered;
	s2 =	sadd.s32 s2, s4;
	[dreg:$0x0] =	wrdreg $0x0  }
0xa8: {  	s4 =	sshll.u32 s28, $0x1;
	[dreg:$0x2] =	wrdreg s2  }
0xa9: {  	[dreg:$0x3] =	wrdreg s4  }
0xaa: {  	[dreg:$0x4] =	wrdreg $0xC0  }
0xab: {  	_ =	task [dreg:s6], $0x5FFFF  }
0xac: {  	[dreg:$0x1] =	wrdreg $0xFFFFFFFF  }
0xad: {  	[dreg:$0x0] =	wrdreg $0x60  }
0xae: {  	[dreg:$0x2] =	wrdreg s24  }
0xaf: {  	[dreg:$0x3] =	wrdreg $0x128000  }
0xb0: {  	[dreg:$0x4] =	wrdreg $0x9  }
0xb1: {  	_ =	task.clear_ibuf [dreg:s6], $0x5FFFF;
	_ =	strace $0x9000004C  }
0xb2: {  	s29 =	simm.s32 $0x9;
	_ =	strace $0x8000004E  }
0xb3: {  	_ =	swait.ge [sflag:s29], $0x1  }
0xb4: {  	[sflag:s29] =	ssyncadd.s32 $0xFFFFFFFF  }
0xb5: {  	_ =	strace $0x9000004E  }
0xb6: {  	_ =	sfence  }
0xb7: {  	s30 =	sld [smem:$0x0];
	_ =	sdelay $0x2  }
0xb8: {  	s31 =	sshll.u32 s1, $0xD;
	s1 =	sshrl.u32 s1, $0x2  }
0xb9: {  	s3 =	sand.u32 $0x4000, s31;
	s1 =	sadd.s32 s1, s30  }
0xba: {  	s0 =	sor.u32 s3, s0;
	s1 =	sshll.u32 s1, $0x11  }
0xbb: {  	s0 =	sor.u32 s1, s0  }
0xbc: {  	s0 =	sadd.s32 $0x8F2B, s0  }
0xbd: {  	[sflag:s0] =	ssyncadd.remote.s32 $0x1  }
0xbe: {  	_ =	sfence.sel $0xFFFF  }
0xbf: {  	[dreg:$0x0] =	wrdreg $0xFFFFFFFF;
	(pc) =	sbr.abs _section_cstart, $3  }
0xc0: {  	[dreg:$0x1] =	wrdreg $0xFFFFFFFF  }
0xc1: {  	_ =	task.clear_ibuf [dreg:s6], $0x2FFFF;
	_ =	strace $0x9FFFFFFF  }
0xc2: {  	(tm) =	ssettm $0x7FFFFFFF  }
0xc3: {  	_ =	shalt  }
tec
execute0_lowered:
.L_overlay_start_1:
0x0: {  	(tag) =	ssettag $0x1  }
0x1: {  	s0 =	rddreg [dreg:$0x0]  }
0x2: {  	s1 =	rddreg [dreg:$0x1];
	s5 =	simm.s32 $0x0  }
0x3: {  	s2 =	srdreg.scid;
	s10 =	stileid.u32;
	s12 =	simm.s32 $0x80  }
0x4: {  	s13 =	simm.s32 $0x2800;
	s15 =	simm.s32 $0x4800;
	s17 =	simm.s32 $0x6800  }
0x5: {  	s19 =	simm.s32 $0x8800;
	s28 =	simm.s32 $0x10800;
	s29 =	simm.s32 $0x9  }
0x6: {  	s30 =	simm.s32 $0x1;
	s31 =	simm.s32 $0x2;
	s14 =	simm.s32 $0x5  }
0x7: {  	s16 =	simm.s32 $0x6;
	s18 =	simm.s32 $0x7;
	s2 =	sand.u32 $0x1, s2  }
0x8: {  	s3 =	smul.u32 $0xA000, s10;
	s4 =	sshll.u32 s10, $0x1;
	[smem:$0x7FF] =	sst s5  }
0x9: {  	s8 =	sadd.s32 $0x2E00, s0;
	p0 =	seq.s32 s10, $0x0;
	p1 =	sne.s32 s10, $0x0  }
0xa: {  	s20 =	smul.u32 $0xA0000, s2;
	s6 =	sor.u32 s2, s4;
	_ =	strace $0x8000004D  }
0xb: {  	s4 =	sadd.s32 $0xCC00, s0;
	s2 =	ssub.s32 $0x2, s2;
	s7 =	smul.u32 $0x27, s6  }
0xc: {  	s6 =	smul.u32 $0x28, s6;
	s21 =	sshrl.u32 s2, $0x1;
	s24 =	sshrl.u32 s3, $0x3  }
0xd: {  	s5 =	sadd.s32 s3, s20;
	s2 =	ssub.s32 s2, s21;
	s3 =	sadd.s32 s3, s1  }
0xe: {  	s25 =	sadd.s32 s4, s24;
	s21 =	simm.s32 $0xA800;
	s20 =	simm.s32 $0x8  }
0xf: {  	s5 =	sshrl.u32 s5, $0x3;
	s7 =	sadd.s32 $0x2, s7;
	[dreg:$0x5] =	wrdreg s3  }
0x10: {  	[dreg:$0x6] =	wrdreg s25;
	s26 =	smax.u32 s2, $0x1;
	s25 =	simm.s32 $0xE800  }
0x11: {  	s2 =	simm.s32 $0x4;
	s3 =	simm.s32 $0x0;
	s0 =	sadd.s32 s5, s0  }
0x12: {  	s7 =	smov.u32 @p0 s6;
	s5 =	simm.s32 $0x28;
	[dreg:$0x8] =	wrdreg s26  }
0x13: {  	s9 =	sshll.u32 s7, $0x5;
	s5 =	simm.s32 @!p0 $0x27;
	s0 =	sadd.s32 $0x20C00, s0  }
0x14: {  	s22 =	sand.u32 $0x1FFFFFE0, s9;
	s23 =	sadd.s32 s8, s9;
	[dreg:$0x7] =	wrdreg s0  }
0x15: {  	p0 =	sgt.u32 s7, $0x4F;
	s6 =	sadd.s32 s8, s22;
	[dreg:$0x4] =	wrdreg s23  }
0x16: {  	s0 =	simm.s32 $0x3;
	s23 =	simm.s32 $0xC800;
	[dreg:$0x3] =	wrdreg s6  }
.LBB2_1:
0x17: {  	s6 =	simm.s32 @p0 $0x0;
	s7 =	rddreg [dreg:$0x3]  }
0x18: {  	[tilespmem:s6], [sflag:$0x9] =	stream.linear.gather @p0 [hbm4b:s7+s6], $0x2700, $0x38;
	[tilespmem:$0x1C800] =	vst v63  }
0x19: {  	s6 =	simm.s32 @p0 $0x9  }
0x1a: {  	_ =	swait.ge @p0 [sflag:s6], $0x2700  }
0x1b: {  	[sflag:s6] =	ssyncset.done @p0 $0x0  }
0x1c: {  	s7 =	rddreg [dreg:$0x4];
	[sflag:s6] =	ssyncadd.s32 @p0 $0xFFFFD900;
	s6 =	simm.s32 @!p0 $0x0  }
0x1d: {  	[tilespmem:s6], [sflag:$0x9] =	stream.linear.gather @!p0 [hbm4b:s7+s6], $0x2800, $0x38;
	[tilespmem:$0x1C800] =	vst v63  }
0x1e: {  	s6 =	simm.s32 @!p0 $0x9  }
0x1f: {  	_ =	swait.ge @!p0 [sflag:s6], $0x2800  }
0x20: {  	[sflag:s6] =	ssyncset.done @!p0 $0x0  }
0x21: {  	s8 =	simm.s32 $0x0;
	[sflag:s6] =	ssyncadd.s32 @!p0 $0xFFFFD800  }
0x22: {  	[tilespmem:s13], [sflag:$0x1] =	stream.indirect.gather [hbm4b:s4+s12], $0x40, s8, s12, $0xb8;
	[tilespmem:$0x1C800] =	vst v63  }
0x23: {  	s9 =	simm.s32 $0x100  }
0x24: {  	[tilespmem:s15], [sflag:$0x2] =	stream.indirect.gather [hbm4b:s4+s12], $0x40, s9, s12, $0xb8;
	[tilespmem:$0x1C800] =	vst v63  }
0x25: {  	s10 =	simm.s32 $0x200  }
0x26: {  	[tilespmem:s17], [sflag:$0x3] =	stream.indirect.gather [hbm4b:s4+s12], $0x40, s10, s12, $0xb8;
	[tilespmem:$0x1C800] =	vst v63  }
0x27: {  	s11 =	simm.s32 $0x300  }
0x28: {  	[tilespmem:s19], [sflag:$0x4] =	stream.indirect.gather [hbm4b:s4+s12], $0x40, s11, s12, $0xb8;
	[tilespmem:$0x1C800] =	vst v63  }
0x29: {  	s22 =	simm.s32 $0x400  }
0x2a: {  	[tilespmem:s21], [sflag:$0x5] =	stream.indirect.gather [hbm4b:s4+s12], $0x40, s22, s12, $0xb8;
	[tilespmem:$0x1C800] =	vst v63  }
0x2b: {  	s24 =	simm.s32 $0x500;
	s26 =	simm.s32 $0x600;
	s8 =	stileid.u32  }
0x2c: {  	[tilespmem:s23], [sflag:$0x6] =	stream.indirect.gather [hbm4b:s4+s12], $0x40, s24, s12, $0xb8;
	[tilespmem:$0x1C800] =	vst v63  }
0x2d: {  	s7 =	simm.s32 $0x700;
	s6 =	sshll.u32 s8, $0x6;
	s9 =	rddreg [dreg:$0x5]  }
0x2e: {  	[tilespmem:s25], [sflag:$0x7] =	stream.indirect.gather [hbm4b:s4+s12], $0x40, s26, s12, $0xb8;
	[tilespmem:$0x1C800] =	vst v63  }
0x2f: {  	s10 =	rddreg [dreg:$0x6];
	s22 =	sor.u32 $0x1C09, s6;
	s24 =	sshrl.u32 s9, $0x3  }
0x30: {  	[tilespmem:s28], [sflag:$0x8] =	stream.indirect.gather [hbm4b:s4+s12], $0x40, s7, s12, $0xb8;
	[tilespmem:$0x1C800] =	vst v63  }
0x31: {  	[spmem:s24], [sflag:s22] =	dma.local [hbm:s10], $0x1400  }
0x32: {  	_ =	swait.ge [sflag:s29], $0x1400  }
0x33: {  	[sflag:s29] =	ssyncset.done $0x0  }
0x34: {  	[sflag:s29] =	ssyncadd.s32 $0xFFFFEC00  }
0x35: {  	[bflag:$0x0] =	sbarrier.arrive $0xFFFF  }
0x36: {  	_ =	swait.ge [sflag:s30], $0x2000  }
0x37: {  	[sflag:s30] =	ssyncset.done $0x0  }
0x38: {  	s11 =	simm.s32 $0x80;
	[sflag:s30] =	ssyncadd.s32 $0xFFFFE000  }
0x39: {  	[spmem:s1] =	stream.indirect.scatter.add.f32 [tilespmem:s13], [sflag:$0x9], $0x40, s11, s12, $0xb8;
	[tilespmem:$0x1C800] =	vst v63  }
0x3a: {  	p2 =	sle.u32 s5, $0x8;
	_ =	swait.ge [sflag:s29], $0x2000  }
0x3b: {  	s8 =	simm.s32 @!p2 $0x80;
	[sflag:s29] =	ssyncset.done $0x0  }
0x3c: {  	s6 =	simm.s32 @!p2 $0x2800;
	s7 =	simm.s32 @!p2 $0x800;
	[sflag:s29] =	ssyncadd.s32 $0xFFFFE000  }
0x3d: {  	[tilespmem:s6], [sflag:$0x1] =	stream.indirect.gather @!p2 [hbm4b:s4+s8], $0x40, s7, s8, $0xb8;
	[tilespmem:$0x1C800] =	vst v63  }
0x3e: {  	_ =	swait.ge [sflag:s31], $0x2000  }
0x3f: {  	[sflag:s31] =	ssyncset.done $0x0  }
0x40: {  	s26 =	simm.s32 $0x180;
	[sflag:s31] =	ssyncadd.s32 $0xFFFFE000  }
0x41: {  	[spmem:s1] =	stream.indirect.scatter.add.f32 [tilespmem:s15], [sflag:$0x9], $0x40, s26, s12, $0xb8;
	[tilespmem:$0x1C800] =	vst v63  }
0x42: {  	p2 =	sle.u32 s5, $0x9;
	_ =	swait.ge [sflag:s29], $0x2000  }
0x43: {  	s6 =	simm.s32 @!p2 $0x4800;
	[sflag:s29] =	ssyncset.done $0x0  }
0x44: {  	s7 =	simm.s32 @!p2 $0x900;
	s8 =	simm.s32 @!p2 $0x80;
	[sflag:s29] =	ssyncadd.s32 $0xFFFFE000  }
0x45: {  	[tilespmem:s6], [sflag:$0x2] =	stream.indirect.gather @!p2 [hbm4b:s4+s8], $0x40, s7, s8, $0xb8;
	[tilespmem:$0x1C800] =	vst v63  }
0x46: {  	_ =	swait.ge [sflag:s0], $0x2000  }
0x47: {  	[sflag:s0] =	ssyncset.done $0x0  }
0x48: {  	s7 =	simm.s32 $0x280;
	[sflag:s0] =	ssyncadd.s32 $0xFFFFE000  }
0x49: {  	[spmem:s1] =	stream.indirect.scatter.add.f32 [tilespmem:s17], [sflag:$0x9], $0x40, s7, s12, $0xb8;
	[tilespmem:$0x1C800] =	vst v63  }
0x4a: {  	p2 =	sle.u32 s5, $0xA;
	_ =	swait.ge [sflag:s29], $0x2000  }
0x4b: {  	s6 =	simm.s32 @!p2 $0x6800;
	[sflag:s29] =	ssyncset.done $0x0  }
0x4c: {  	s8 =	simm.s32 @!p2 $0x80;
	s7 =	simm.s32 @!p2 $0xA00;
	[sflag:s29] =	ssyncadd.s32 $0xFFFFE000  }
0x4d: {  	[tilespmem:s6], [sflag:$0x3] =	stream.indirect.gather @!p2 [hbm4b:s4+s8], $0x40, s7, s8, $0xb8;
	[tilespmem:$0x1C800] =	vst v63  }
0x4e: {  	_ =	swait.ge [sflag:s2], $0x2000  }
0x4f: {  	[sflag:s2] =	ssyncset.done $0x0  }
0x50: {  	s8 =	simm.s32 $0x380;
	[sflag:s2] =	ssyncadd.s32 $0xFFFFE000  }
0x51: {  	[spmem:s1] =	stream.indirect.scatter.add.f32 [tilespmem:s19], [sflag:$0x9], $0x40, s8, s12, $0xb8;
	[tilespmem:$0x1C800] =	vst v63  }
0x52: {  	p2 =	sle.u32 s5, $0xB;
	_ =	swait.ge [sflag:s29], $0x2000  }
0x53: {  	s6 =	simm.s32 @!p2 $0x8800;
	[sflag:s29] =	ssyncset.done $0x0  }
0x54: {  	s7 =	simm.s32 @!p2 $0xB00;
	s8 =	simm.s32 @!p2 $0x80;
	[sflag:s29] =	ssyncadd.s32 $0xFFFFE000  }
0x55: {  	[tilespmem:s6], [sflag:$0x4] =	stream.indirect.gather @!p2 [hbm4b:s4+s8], $0x40, s7, s8, $0xb8;
	[tilespmem:$0x1C800] =	vst v63  }
0x56: {  	_ =	swait.ge [sflag:s14], $0x2000  }
0x57: {  	[sflag:s14] =	ssyncset.done $0x0  }
0x58: {  	s9 =	simm.s32 $0x480;
	[sflag:s14] =	ssyncadd.s32 $0xFFFFE000  }
0x59: {  	[spmem:s1] =	stream.indirect.scatter.add.f32 [tilespmem:s21], [sflag:$0x9], $0x40, s9, s12, $0xb8;
	[tilespmem:$0x1C800] =	vst v63  }
0x5a: {  	p2 =	sle.u32 s5, $0xC;
	_ =	swait.ge [sflag:s29], $0x2000  }
0x5b: {  	s6 =	simm.s32 @!p2 $0xA800;
	[sflag:s29] =	ssyncset.done $0x0  }
0x5c: {  	s7 =	simm.s32 @!p2 $0xC00;
	s8 =	simm.s32 @!p2 $0x80;
	[sflag:s29] =	ssyncadd.s32 $0xFFFFE000  }
0x5d: {  	[tilespmem:s6], [sflag:$0x5] =	stream.indirect.gather @!p2 [hbm4b:s4+s8], $0x40, s7, s8, $0xb8;
	[tilespmem:$0x1C800] =	vst v63  }
0x5e: {  	_ =	swait.ge [sflag:s16], $0x2000  }
0x5f: {  	[sflag:s16] =	ssyncset.done $0x0  }
0x60: {  	s10 =	simm.s32 $0x580;
	[sflag:s16] =	ssyncadd.s32 $0xFFFFE000  }
0x61: {  	[spmem:s1] =	stream.indirect.scatter.add.f32 [tilespmem:s23], [sflag:$0x9], $0x40, s10, s12, $0xb8;
	[tilespmem:$0x1C800] =	vst v63  }
0x62: {  	p2 =	sle.u32 s5, $0xD;
	_ =	swait.ge [sflag:s29], $0x2000  }
0x63: {  	s6 =	simm.s32 @!p2 $0xC800;
	[sflag:s29] =	ssyncset.done $0x0  }
0x64: {  	s7 =	simm.s32 @!p2 $0xD00;
	s8 =	simm.s32 @!p2 $0x80;
	[sflag:s29] =	ssyncadd.s32 $0xFFFFE000  }
0x65: {  	[tilespmem:s6], [sflag:$0x6] =	stream.indirect.gather @!p2 [hbm4b:s4+s8], $0x40, s7, s8, $0xb8;
	[tilespmem:$0x1C800] =	vst v63  }
0x66: {  	_ =	swait.ge [sflag:s18], $0x2000  }
0x67: {  	[sflag:s18] =	ssyncset.done $0x0  }
0x68: {  	s11 =	simm.s32 $0x680;
	[sflag:s18] =	ssyncadd.s32 $0xFFFFE000  }
0x69: {  	[spmem:s1] =	stream.indirect.scatter.add.f32 [tilespmem:s25], [sflag:$0x9], $0x40, s11, s12, $0xb8;
	[tilespmem:$0x1C800] =	vst v63  }
0x6a: {  	p2 =	sle.u32 s5, $0xE;
	_ =	swait.ge [sflag:s29], $0x2000  }
0x6b: {  	s6 =	simm.s32 @!p2 $0xE800;
	[sflag:s29] =	ssyncset.done $0x0  }
0x6c: {  	s7 =	simm.s32 @!p2 $0xE00;
	s8 =	simm.s32 @!p2 $0x80;
	[sflag:s29] =	ssyncadd.s32 $0xFFFFE000  }
0x6d: {  	[tilespmem:s6], [sflag:$0x7] =	stream.indirect.gather @!p2 [hbm4b:s4+s8], $0x40, s7, s8, $0xb8;
	[tilespmem:$0x1C800] =	vst v63  }
0x6e: {  	_ =	swait.ge [sflag:s20], $0x2000  }
0x6f: {  	[sflag:s20] =	ssyncset.done $0x0  }
0x70: {  	p3 =	sle.u32 s5, $0xF;
	s26 =	simm.s32 $0x780;
	[sflag:s20] =	ssyncadd.s32 $0xFFFFE000  }
0x71: {  	[spmem:s1] =	stream.indirect.scatter.add.f32 [tilespmem:s28], [sflag:$0x9], $0x40, s26, s12, $0xb8;
	[tilespmem:$0x1C800] =	vst v63  }
0x72: {  	s9 =	simm.s32 @!p3 $0x80;
	_ =	swait.ge [sflag:s29], $0x2000  }
0x73: {  	s6 =	simm.s32 $0x17;
	s7 =	simm.s32 @!p3 $0x10800;
	[sflag:s29] =	ssyncset.done $0x0  }
0x74: {  	s8 =	simm.s32 @!p3 $0xF00;
	s26 =	simm.s32 $0x2000;
	[sflag:s29] =	ssyncadd.s32 $0xFFFFE000  }
.LBB2_2:
0x75: {  	[tilespmem:s7], [sflag:$0x8] =	stream.indirect.gather @!p3 [hbm4b:s4+s9], $0x40, s8, s9, $0xb8;
	[tilespmem:$0x1C800] =	vst v63  }
0x76: {  	s7 =	smov.u32 s26;
	s26 =	sadd.s32 $0x2000, s26;
	_ =	swait.ge [sflag:s30], $0x2000  }
0x77: {  	s8 =	sshra.s32 s7, $0x2;
	p2 =	sne.s32 s26, $0x8000;
	[sflag:s30] =	ssyncset.done $0x0  }
0x78: {  	s10 =	sadd.s32 $0xFFFFFFF9, s6;
	s9 =	sadd.s32 $0x80, s8;
	[sflag:s30] =	ssyncadd.s32 $0xFFFFE000  }
0x79: {  	[spmem:s1] =	stream.indirect.scatter.add.f32 [tilespmem:s13], [sflag:$0x9], $0x40, s9, s12, $0xb8;
	[tilespmem:$0x1C800] =	vst v63  }
0x7a: {  	p3 =	sge.u32 s10, s5;
	_ =	swait.ge [sflag:s29], $0x2000  }
0x7b: {  	s10 =	simm.s32 @!p3 $0x2800;
	s9 =	sshra.s32 @!p3 s7, $0x2;
	[sflag:s29] =	ssyncset.done $0x0  }
0x7c: {  	s11 =	simm.s32 @!p3 $0x80;
	s9 =	sadd.s32 @!p3 $0x800, s9;
	[sflag:s29] =	ssyncadd.s32 $0xFFFFE000  }
0x7d: {  	[tilespmem:s10], [sflag:$0x1] =	stream.indirect.gather @!p3 [hbm4b:s4+s11], $0x40, s9, s11, $0xb8;
	[tilespmem:$0x1C800] =	vst v63  }
0x7e: {  	_ =	swait.ge [sflag:s31], $0x2000  }
0x7f: {  	[sflag:s31] =	ssyncset.done $0x0  }
0x80: {  	s9 =	sadd.s32 $0x180, s8;
	s10 =	sadd.s32 $0xFFFFFFFA, s6;
	[sflag:s31] =	ssyncadd.s32 $0xFFFFE000  }
0x81: {  	[spmem:s1] =	stream.indirect.scatter.add.f32 [tilespmem:s15], [sflag:$0x9], $0x40, s9, s12, $0xb8;
	[tilespmem:$0x1C800] =	vst v63  }
0x82: {  	p3 =	sge.u32 s10, s5;
	_ =	swait.ge [sflag:s29], $0x2000  }
0x83: {  	s10 =	simm.s32 @!p3 $0x4800;
	s9 =	sshra.s32 @!p3 s7, $0x2;
	[sflag:s29] =	ssyncset.done $0x0  }
0x84: {  	s11 =	simm.s32 @!p3 $0x80;
	s9 =	sadd.s32 @!p3 $0x900, s9;
	[sflag:s29] =	ssyncadd.s32 $0xFFFFE000  }
0x85: {  	[tilespmem:s10], [sflag:$0x2] =	stream.indirect.gather @!p3 [hbm4b:s4+s11], $0x40, s9, s11, $0xb8;
	[tilespmem:$0x1C800] =	vst v63  }
0x86: {  	_ =	swait.ge [sflag:s0], $0x2000  }
0x87: {  	[sflag:s0] =	ssyncset.done $0x0  }
0x88: {  	s9 =	sadd.s32 $0x280, s8;
	s10 =	sadd.s32 $0xFFFFFFFB, s6;
	[sflag:s0] =	ssyncadd.s32 $0xFFFFE000  }
0x89: {  	[spmem:s1] =	stream.indirect.scatter.add.f32 [tilespmem:s17], [sflag:$0x9], $0x40, s9, s12, $0xb8;
	[tilespmem:$0x1C800] =	vst v63  }
0x8a: {  	p3 =	sge.u32 s10, s5;
	_ =	swait.ge [sflag:s29], $0x2000  }
0x8b: {  	s10 =	simm.s32 @!p3 $0x6800;
	s9 =	sshra.s32 @!p3 s7, $0x2;
	[sflag:s29] =	ssyncset.done $0x0  }
0x8c: {  	s11 =	simm.s32 @!p3 $0x80;
	s9 =	sadd.s32 @!p3 $0xA00, s9;
	[sflag:s29] =	ssyncadd.s32 $0xFFFFE000  }
0x8d: {  	[tilespmem:s10], [sflag:$0x3] =	stream.indirect.gather @!p3 [hbm4b:s4+s11], $0x40, s9, s11, $0xb8;
	[tilespmem:$0x1C800] =	vst v63  }
0x8e: {  	_ =	swait.ge [sflag:s2], $0x2000  }
0x8f: {  	[sflag:s2] =	ssyncset.done $0x0  }
0x90: {  	s9 =	sadd.s32 $0x380, s8;
	s10 =	sadd.s32 $0xFFFFFFFC, s6;
	[sflag:s2] =	ssyncadd.s32 $0xFFFFE000  }
0x91: {  	[spmem:s1] =	stream.indirect.scatter.add.f32 [tilespmem:s19], [sflag:$0x9], $0x40, s9, s12, $0xb8;
	[tilespmem:$0x1C800] =	vst v63  }
0x92: {  	p3 =	sge.u32 s10, s5;
	_ =	swait.ge [sflag:s29], $0x2000  }
0x93: {  	s10 =	simm.s32 @!p3 $0x8800;
	s9 =	sshra.s32 @!p3 s7, $0x2;
	[sflag:s29] =	ssyncset.done $0x0  }
0x94: {  	s11 =	simm.s32 @!p3 $0x80;
	s9 =	sadd.s32 @!p3 $0xB00, s9;
	[sflag:s29] =	ssyncadd.s32 $0xFFFFE000  }
0x95: {  	[tilespmem:s10], [sflag:$0x4] =	stream.indirect.gather @!p3 [hbm4b:s4+s11], $0x40, s9, s11, $0xb8;
	[tilespmem:$0x1C800] =	vst v63  }
0x96: {  	_ =	swait.ge [sflag:s14], $0x2000  }
0x97: {  	[sflag:s14] =	ssyncset.done $0x0  }
0x98: {  	s9 =	sadd.s32 $0x480, s8;
	s10 =	sadd.s32 $0xFFFFFFFD, s6;
	[sflag:s14] =	ssyncadd.s32 $0xFFFFE000  }
0x99: {  	[spmem:s1] =	stream.indirect.scatter.add.f32 [tilespmem:s21], [sflag:$0x9], $0x40, s9, s12, $0xb8;
	[tilespmem:$0x1C800] =	vst v63  }
0x9a: {  	p3 =	sge.u32 s10, s5;
	_ =	swait.ge [sflag:s29], $0x2000  }
0x9b: {  	s10 =	simm.s32 @!p3 $0xA800;
	s9 =	sshra.s32 @!p3 s7, $0x2;
	[sflag:s29] =	ssyncset.done $0x0  }
0x9c: {  	s11 =	simm.s32 @!p3 $0x80;
	s9 =	sadd.s32 @!p3 $0xC00, s9;
	[sflag:s29] =	ssyncadd.s32 $0xFFFFE000  }
0x9d: {  	[tilespmem:s10], [sflag:$0x5] =	stream.indirect.gather @!p3 [hbm4b:s4+s11], $0x40, s9, s11, $0xb8;
	[tilespmem:$0x1C800] =	vst v63  }
0x9e: {  	_ =	swait.ge [sflag:s16], $0x2000  }
0x9f: {  	[sflag:s16] =	ssyncset.done $0x0  }
0xa0: {  	s9 =	sadd.s32 $0x580, s8;
	s10 =	sadd.s32 $0xFFFFFFFE, s6;
	[sflag:s16] =	ssyncadd.s32 $0xFFFFE000  }
0xa1: {  	[spmem:s1] =	stream.indirect.scatter.add.f32 [tilespmem:s23], [sflag:$0x9], $0x40, s9, s12, $0xb8;
	[tilespmem:$0x1C800] =	vst v63  }
0xa2: {  	p3 =	sge.u32 s10, s5;
	_ =	swait.ge [sflag:s29], $0x2000  }
0xa3: {  	s10 =	simm.s32 @!p3 $0xC800;
	s9 =	sshra.s32 @!p3 s7, $0x2;
	[sflag:s29] =	ssyncset.done $0x0  }
0xa4: {  	s11 =	simm.s32 @!p3 $0x80;
	s9 =	sadd.s32 @!p3 $0xD00, s9;
	[sflag:s29] =	ssyncadd.s32 $0xFFFFE000  }
0xa5: {  	[tilespmem:s10], [sflag:$0x6] =	stream.indirect.gather @!p3 [hbm4b:s4+s11], $0x40, s9, s11, $0xb8;
	[tilespmem:$0x1C800] =	vst v63  }
0xa6: {  	_ =	swait.ge [sflag:s18], $0x2000  }
0xa7: {  	[sflag:s18] =	ssyncset.done $0x0  }
0xa8: {  	s9 =	sadd.s32 $0x680, s8;
	s10 =	sadd.s32 $0xFFFFFFFF, s6;
	[sflag:s18] =	ssyncadd.s32 $0xFFFFE000  }
0xa9: {  	[spmem:s1] =	stream.indirect.scatter.add.f32 [tilespmem:s25], [sflag:$0x9], $0x40, s9, s12, $0xb8;
	[tilespmem:$0x1C800] =	vst v63  }
0xaa: {  	p3 =	sge.u32 s10, s5;
	_ =	swait.ge [sflag:s29], $0x2000  }
0xab: {  	s10 =	simm.s32 @!p3 $0xE800;
	s9 =	sshra.s32 @!p3 s7, $0x2;
	[sflag:s29] =	ssyncset.done $0x0  }
0xac: {  	s11 =	simm.s32 @!p3 $0x80;
	s9 =	sadd.s32 @!p3 $0xE00, s9;
	[sflag:s29] =	ssyncadd.s32 $0xFFFFE000  }
0xad: {  	[tilespmem:s10], [sflag:$0x7] =	stream.indirect.gather @!p3 [hbm4b:s4+s11], $0x40, s9, s11, $0xb8;
	[tilespmem:$0x1C800] =	vst v63  }
0xae: {  	_ =	swait.ge [sflag:s20], $0x2000  }
0xaf: {  	[sflag:s20] =	ssyncset.done $0x0  }
.Ltmp0:
0xb0: {  	s8 =	sadd.s32 $0x780, s8;
	[sflag:s20] =	ssyncadd.s32 $0xFFFFE000;
	(pc) =	sbr.rel @p2 .LBB2_2-.Ltmp0, $4  }
0xb1: {  	[spmem:s1] =	stream.indirect.scatter.add.f32 [tilespmem:s28], [sflag:$0x9], $0x40, s8, s12, $0xb8;
	[tilespmem:$0x1C800] =	vst v63  }
0xb2: {  	p3 =	sge.u32 s6, s5;
	s6 =	sadd.s32 $0x8, s6;
	_ =	swait.ge [sflag:s29], $0x2000  }
0xb3: {  	s8 =	sshra.s32 @!p3 s7, $0x2;
	s7 =	simm.s32 @!p3 $0x10800;
	[sflag:s29] =	ssyncset.done $0x0  }
0xb4: {  	s9 =	simm.s32 @!p3 $0x80;
	s8 =	sadd.s32 @!p3 $0xF00, s8;
	[sflag:s29] =	ssyncadd.s32 $0xFFFFE000  }
0xb5: {  	[tilespmem:s7], [sflag:$0x8] =	stream.indirect.gather @!p3 [hbm4b:s4+s9], $0x40, s8, s9, $0xb8;
	[tilespmem:$0x1C800] =	vst v63  }
0xb6: {  	_ =	swait.ge [sflag:s30], $0x2000  }
0xb7: {  	[sflag:s30] =	ssyncset.done $0x0  }
0xb8: {  	s6 =	simm.s32 $0x2080;
	[sflag:s30] =	ssyncadd.s32 $0xFFFFE000  }
0xb9: {  	[spmem:s1] =	stream.indirect.scatter.add.f32 [tilespmem:s13], [sflag:$0x9], $0x40, s6, s12, $0xb8;
	[tilespmem:$0x1C800] =	vst v63  }
0xba: {  	_ =	swait.ge [sflag:s29], $0x2000  }
0xbb: {  	[sflag:s29] =	ssyncset.done $0x0  }
0xbc: {  	[sflag:s29] =	ssyncadd.s32 $0xFFFFE000  }
0xbd: {  	_ =	swait.ge [sflag:s31], $0x2000  }
0xbe: {  	[sflag:s31] =	ssyncset.done $0x0  }
0xbf: {  	s11 =	simm.s32 $0x2180;
	[sflag:s31] =	ssyncadd.s32 $0xFFFFE000  }
0xc0: {  	[spmem:s1] =	stream.indirect.scatter.add.f32 [tilespmem:s15], [sflag:$0x9], $0x40, s11, s12, $0xb8;
	[tilespmem:$0x1C800] =	vst v63  }
0xc1: {  	_ =	swait.ge [sflag:s29], $0x2000  }
0xc2: {  	[sflag:s29] =	ssyncset.done $0x0  }
0xc3: {  	[sflag:s29] =	ssyncadd.s32 $0xFFFFE000  }
0xc4: {  	_ =	swait.ge [sflag:s0], $0x2000  }
0xc5: {  	[sflag:s0] =	ssyncset.done $0x0  }
0xc6: {  	s26 =	simm.s32 $0x2280;
	[sflag:s0] =	ssyncadd.s32 $0xFFFFE000  }
0xc7: {  	[spmem:s1] =	stream.indirect.scatter.add.f32 [tilespmem:s17], [sflag:$0x9], $0x40, s26, s12, $0xb8;
	[tilespmem:$0x1C800] =	vst v63  }
0xc8: {  	_ =	swait.ge [sflag:s29], $0x2000  }
0xc9: {  	[sflag:s29] =	ssyncset.done $0x0  }
0xca: {  	[sflag:s29] =	ssyncadd.s32 $0xFFFFE000  }
0xcb: {  	_ =	swait.ge [sflag:s2], $0x2000  }
0xcc: {  	[sflag:s2] =	ssyncset.done $0x0  }
0xcd: {  	s7 =	simm.s32 $0x2380;
	[sflag:s2] =	ssyncadd.s32 $0xFFFFE000  }
0xce: {  	[spmem:s1] =	stream.indirect.scatter.add.f32 [tilespmem:s19], [sflag:$0x9], $0x40, s7, s12, $0xb8;
	[tilespmem:$0x1C800] =	vst v63  }
0xcf: {  	_ =	swait.ge [sflag:s29], $0x2000  }
0xd0: {  	[sflag:s29] =	ssyncset.done $0x0  }
0xd1: {  	[sflag:s29] =	ssyncadd.s32 $0xFFFFE000  }
0xd2: {  	_ =	swait.ge [sflag:s14], $0x2000  }
0xd3: {  	[sflag:s14] =	ssyncset.done $0x0  }
0xd4: {  	s8 =	simm.s32 $0x2480;
	[sflag:s14] =	ssyncadd.s32 $0xFFFFE000  }
0xd5: {  	[spmem:s1] =	stream.indirect.scatter.add.f32 [tilespmem:s21], [sflag:$0x9], $0x40, s8, s12, $0xb8;
	[tilespmem:$0x1C800] =	vst v63  }
0xd6: {  	_ =	swait.ge [sflag:s29], $0x2000  }
0xd7: {  	[sflag:s29] =	ssyncset.done $0x0  }
0xd8: {  	[sflag:s29] =	ssyncadd.s32 $0xFFFFE000  }
0xd9: {  	_ =	swait.ge [sflag:s16], $0x2000  }
0xda: {  	[sflag:s16] =	ssyncset.done $0x0  }
0xdb: {  	s9 =	simm.s32 $0x2580;
	[sflag:s16] =	ssyncadd.s32 $0xFFFFE000  }
0xdc: {  	[spmem:s1] =	stream.indirect.scatter.add.f32 [tilespmem:s23], [sflag:$0x9], $0x40, s9, s12, $0xb8;
	[tilespmem:$0x1C800] =	vst v63  }
0xdd: {  	_ =	swait.ge [sflag:s29], $0x2000  }
0xde: {  	[sflag:s29] =	ssyncset.done $0x0  }
0xdf: {  	[sflag:s29] =	ssyncadd.s32 $0xFFFFE000  }
0xe0: {  	_ =	swait.ge [sflag:s18], $0x2000  }
0xe1: {  	[sflag:s18] =	ssyncset.done $0x0  }
0xe2: {  	s10 =	simm.s32 $0x2680;
	[sflag:s18] =	ssyncadd.s32 $0xFFFFE000  }
0xe3: {  	[spmem:s1] =	stream.indirect.scatter.add.f32 [tilespmem:s25], [sflag:$0x9], $0x40, s10, s12, $0xb8;
	[tilespmem:$0x1C800] =	vst v63  }
0xe4: {  	_ =	swait.ge [sflag:s29], $0x2000  }
0xe5: {  	[sflag:s29] =	ssyncset.done $0x0  }
0xe6: {  	s6 =	simm.s32 @!p1 $0x8;
	[sflag:s29] =	ssyncadd.s32 $0xFFFFE000  }
0xe7: {  	_ =	swait.ge @!p1 [sflag:s6], $0x2000  }
0xe8: {  	s7 =	simm.s32 @!p1 $0x2780;
	[sflag:s6] =	ssyncset.done @!p1 $0x0  }
0xe9: {  	s8 =	simm.s32 @!p1 $0x10800;
	[sflag:s6] =	ssyncadd.s32 @!p1 $0xFFFFE000;
	s6 =	simm.s32 @!p1 $0x80  }
0xea: {  	[spmem:s1] =	stream.indirect.scatter.add.f32 @!p1 [tilespmem:s8], [sflag:$0x9], $0x40, s7, s6, $0xb8;
	[tilespmem:$0x1C800] =	vst v63  }
0xeb: {  	s6 =	simm.s32 @!p1 $0x9  }
0xec: {  	_ =	swait.ge @!p1 [sflag:s6], $0x2000  }
0xed: {  	[sflag:s6] =	ssyncset.done @!p1 $0x0  }
0xee: {  	[sflag:s6] =	ssyncadd.s32 @!p1 $0xFFFFE000  }
0xef: {  	[bflag:$0x0] =	sbarrier.arrive $0xFFFF  }
0xf0: {  	s11 =	rddreg [dreg:$0x7]  }
0xf1: {  	[hbm:s11], [sflag:s22] =	dma.local [spmem:s24], $0x1400  }
0xf2: {  	_ =	swait.ge [sflag:s29], $0x1400  }
0xf3: {  	s3 =	sadd.s32 $0x1, s3;
	s26 =	rddreg [dreg:$0x8]  }
0xf4: {  	p2 =	sne.s32 s3, s26  }
.Ltmp1:
0xf5: {  	_ = 	snop;
	(pc) =	sbr.rel @p2 .LBB2_1-.Ltmp1, $3  }
0xf6: {  	_ =	sdelay $0x1  }
0xf7: {  	[sflag:s29] =	ssyncset.done $0x0  }
0xf8: {  	[sflag:s29] =	ssyncadd.s32 $0xFFFFEC00  }
0xf9: {  	_ =	sfence.sel $0x180000  }
0xfa: {  	[bflag:$0x0] =	sbarrier.arrive $0xFFFF  }
0xfb: {  	_ =	strace $0x9000004D  }
0xfc: {  	[bflag:$0x2] =	sbarrier.arrive $0xFFFF  }
0xfd: {  	s0 =	rddreg [dreg:$0x2]  }
0xfe: {  	s0 =	sadd.s32 @!p1 $0x100000, s0  }
0xff: {  	[sflag:s0] =	ssyncadd.tile.s32 @!p1 $0x1;
	_ =	shalt  }
.Lfunc_end2:
_tile_overlayer_lowered:
.L_overlay_start_2:
0x100: {  	(tag) =	ssettag $0x2  }
0x101: {  	s0 =	rddreg [dreg:$0x0];
	s2 =	stileid.u32  }
0x102: {  	s1 =	rddreg [dreg:$0x1];
	p0 =	sne.s32 s2, $0x0  }
0x103: {  	s3 =	rddreg [dreg:$0x2];
	[bflag:$0x3] =	sbarrier.arrive $0xFFFF;
	s2 =	simm.s32 @!p0 $0x1C09  }
0x104: {  	[timem:s3], [sflag:s2] =	dma.local @!p0 [hbm:s0], s1  }
0x105: {  	s0 =	simm.s32 @!p0 $0x9  }
0x106: {  	_ =	swait.ge @!p0 [sflag:s0], s1  }
0x107: {  	s1 =	ssub.s32 @!p0 $0x0, s1;
	[sflag:s0] =	ssyncset.done @!p0 $0x0  }
0x108: {  	[sflag:s0] =	ssyncadd.s32 @!p0 s1  }
0x109: {  	[bflag:$0x3] =	sbarrier.arrive $0xFFFF  }
0x10a: {  	_ =	shalt  }

// kernel: kernel.20.cloned.1.call-start
scs
__scs_entry_jumppad:
0x0: {  	(pc) =	sbr.rel $0x88, $3  }
0x1: {  	(tag) =	ssettag $0x0;
	lr =	simm.s32 $0x1  }
0x2: {  	[smem:$0x3F96] =	sst lr;
	_ =	strace $0xD0000000  }
0x3: {  	_ = 	snop  }
0x4: {  	_ = 	snop  }
0x5: {  	_ = 	snop  }
0x6: {  	_ = 	snop  }
0x7: {  	_ = 	snop  }
__scs_overlays_trampoline_lowered:
0x8: {  	[smem:$0x3FA5] =	sst s0  }
0x9: {  	[smem:$0x3FA6] =	sst s1  }
0xa: {  	[smem:$0x3FA7] =	sst s2  }
0xb: {  	[smem:$0x3FA8] =	sst s3  }
0xc: {  	[smem:$0x3FA9] =	sst s4  }
0xd: {  	[smem:$0x3FAA] =	sst s5  }
0xe: {  	[smem:$0x3FAB] =	sst s6  }
0xf: {  	[smem:$0x3FAC] =	sst s7  }
0x10: {  	[smem:$0x3FAD] =	sst s8  }
0x11: {  	[smem:$0x3FAE] =	sst s9;
	s0 =	simm.s32 @!p0 $0x0  }
0x12: {  	s1 =	sld [smem:$0x3F94];
	s0 =	simm.s32 @p0 $0x1  }
0x13: {  	[smem:$0x3FAF] =	sst s0;
	s0 =	simm.s32 @!p1 $0x0  }
0x14: {  	s2 =	sld [smem:$0x3F93];
	s0 =	simm.s32 @p1 $0x1  }
0x15: {  	[smem:$0x3FB0] =	sst s0;
	s0 =	simm.s32 @!p2 $0x0  }
0x16: {  	s3 =	sld [smem:$0x3FDB];
	s0 =	simm.s32 @p2 $0x1  }
0x17: {  	s4 =	simm.s32 $0x1BF5;
	[smem:$0x3FB2] =	sst s0  }
0x18: {  	s0 =	sld [smem:$0x3F95];
	_ =	swait.ge [sflag:s4], $0x0  }
0x19: {  	s7 =	sld [smem:$0x3F96]  }
0x1a: {  	s8 =	sadd.s32 $0xFFFFE003, lr  }
0x1b: {  	s9 =	sadd.s32 $0xFFFFFEF7, lr;
	s5 =	simm.s32 $0xFFFFFFFF;
	p2 =	slt.u32 s8, $0xFFFFF086  }
0x1c: {  	p1 =	slt.u32 s9, $0xF7A;
	s5 =	simm.s32 @!p2 $0x0  }
0x1d: {  	s5 =	simm.s32 @p1 $0x1;
	p0 =	seq.s32 s7, s2  }
0x1e: {  	s7 =	smul.u32 @!p0 $0xF7A, s2;
	p2 =	seq.s32 @!p0 s5, $0x0  }
0x1f: {  	s9 =	smul.u32 $0xF7A, s1;
	s8 =	simm.s32 @!p0 $0x1BF5;
	p2 =	por !p2, p0  }
0x20: {  	[sflag:s8] =	ssyncset.s32 @!p0 $0xFFFFF086;
	s6 =	sadd.s32 @!p0 s3, s7;
	s7 =	simm.s32 @!p0 $0x108  }
0x21: {  	s3 =	sadd.s32 s3, s9;
	s6 =	sadd.s32 @!p0 $0x88, s6;
	s7 =	simm.s32 @p2 $0x1082  }
0x22: {  	[simem:s7], [sflag:s8] =	dma.local @!p0 [hbm:s6], $0xF7A  }
0x23: {  	s9 =	sor.u32 $0xD0000000, s2;
	s6 =	simm.s32 $0x108;
	_ =	swait.ge @!p0 [sflag:s8], $0x0  }
0x24: {  	s3 =	sadd.s32 $0x88, s3;
	s6 =	simm.s32 @!p1 $0x1082;
	[sflag:s4] =	ssyncset.s32 $0xFFFFF086  }
0x25: {  	[simem:s6], [sflag:s4] =	dma.local [hbm:s3], $0xF7A  }
0x26: {  	[smem:$0x3F96] =	sst s1;
	(tag) =	ssettag s2;
	_ =	strace s9  }
0x27: {  	s1 =	sld [smem:$0x3FA6]  }
0x28: {  	s2 =	sld [smem:$0x3FA7]  }
0x29: {  	s4 =	sld [smem:$0x3FA9]  }
0x2a: {  	p0 =	seq.s32 s5, $0x0;
	s5 =	sld [smem:$0x3FAA]  }
0x2b: {  	s6 =	sld [smem:$0x3FAB]  }
0x2c: {  	s7 =	sld [smem:$0x3FAC]  }
0x2d: {  	s3 =	simm.s32 $0x108;
	s8 =	sld [smem:$0x3FAD]  }
0x2e: {  	s3 =	simm.s32 @!p0 $0x1082;
	s9 =	sld [smem:$0x3FAE]  }
0x2f: {  	lr =	sadd.s32 s0, s3;
	s0 =	sld [smem:$0x3FA5]  }
0x30: {  	s3 =	sld [smem:$0x3FA8]  }
0x31: {  	[smem:$0x3FB1] =	sst s10  }
0x32: {  	s10 =	sld [smem:$0x3FAF];
	_ =	sdelay $0x3  }
0x33: {  	p0 =	seq.s32 s10, $0x1;
	s10 =	sld [smem:$0x3FB1];
	_ =	sdelay $0x3  }
0x34: {  	[smem:$0x3FB1] =	sst s10  }
0x35: {  	s10 =	sld [smem:$0x3FB0];
	_ =	sdelay $0x3  }
0x36: {  	p1 =	seq.s32 s10, $0x1;
	s10 =	sld [smem:$0x3FB1];
	_ =	sdelay $0x3  }
0x37: {  	[smem:$0x3FB1] =	sst s10  }
0x38: {  	s10 =	sld [smem:$0x3FB2]  }
0x39: {  	_ = 	snop;
	(pc) =	sbr.ind lr, $3  }
0x3a: {  	_ = 	snop  }
0x3b: {  	_ = 	snop  }
0x3c: {  	p2 =	seq.s32 s10, $0x1;
	s10 =	sld [smem:$0x3FB1]  }
0x3d: {  	_ =	shalt  }
0x3e: {  	_ =	shalt  }
0x3f: {  	_ =	shalt  }
0x40: {  	_ =	shalt  }
0x41: {  	_ =	shalt  }
0x42: {  	_ =	shalt  }
0x43: {  	_ =	shalt  }
0x44: {  	_ =	shalt  }
0x45: {  	_ =	shalt  }
0x46: {  	_ =	shalt  }
0x47: {  	_ =	shalt  }
0x48: {  	_ =	shalt  }
0x49: {  	_ =	shalt  }
0x4a: {  	_ =	shalt  }
0x4b: {  	_ =	shalt  }
0x4c: {  	_ =	shalt  }
0x4d: {  	_ =	shalt  }
0x4e: {  	_ =	shalt  }
0x4f: {  	_ =	shalt  }
0x50: {  	_ =	shalt  }
0x51: {  	_ =	shalt  }
0x52: {  	_ =	shalt  }
0x53: {  	_ =	shalt  }
0x54: {  	_ =	shalt  }
0x55: {  	_ =	shalt  }
0x56: {  	_ =	shalt  }
0x57: {  	_ =	shalt  }
0x58: {  	_ =	shalt  }
0x59: {  	_ =	shalt  }
0x5a: {  	_ =	shalt  }
0x5b: {  	_ =	shalt  }
0x5c: {  	_ =	shalt  }
0x5d: {  	_ =	shalt  }
0x5e: {  	_ =	shalt  }
0x5f: {  	_ =	shalt  }
0x60: {  	_ =	shalt  }
0x61: {  	_ =	shalt  }
0x62: {  	_ =	shalt  }
0x63: {  	_ =	shalt  }
0x64: {  	_ =	shalt  }
0x65: {  	_ =	shalt  }
0x66: {  	_ =	shalt  }
0x67: {  	_ =	shalt  }
0x68: {  	_ =	shalt  }
0x69: {  	_ =	shalt  }
0x6a: {  	_ =	shalt  }
0x6b: {  	_ =	shalt  }
0x6c: {  	_ =	shalt  }
0x6d: {  	_ =	shalt  }
0x6e: {  	_ =	shalt  }
0x6f: {  	_ =	shalt  }
0x70: {  	_ =	shalt  }
0x71: {  	_ =	shalt  }
0x72: {  	_ =	shalt  }
0x73: {  	_ =	shalt  }
0x74: {  	_ =	shalt  }
0x75: {  	_ =	shalt  }
0x76: {  	_ =	shalt  }
0x77: {  	_ =	shalt  }
0x78: {  	_ =	shalt  }
0x79: {  	_ =	shalt  }
0x7a: {  	_ =	shalt  }
0x7b: {  	_ =	shalt  }
0x7c: {  	_ =	shalt  }
0x7d: {  	_ =	shalt  }
0x7e: {  	_ =	shalt  }
0x7f: {  	_ =	shalt  }
0x80: {  	_ =	shalt  }
0x81: {  	_ =	shalt  }
0x82: {  	_ =	shalt  }
0x83: {  	_ =	shalt  }
0x84: {  	_ =	shalt  }
0x85: {  	_ =	shalt  }
0x86: {  	_ =	shalt  }
0x87: {  	_ =	shalt  }
.Lfunc_end0:
.L_simem_size_0:
called_computation.3_lowered:
.L_overlay_start_0:
0x88: {  	s2 =	sld [smem:$0x3FD9]  }
0x89: {  	s3 =	sld [smem:$0x3FFE];
	_ =	sdelay $0x1  }
0x8a: {  	s1 =	srdreg.scid  }
0x8b: {  	s0 =	sand.u32 $0x1, s1  }
0x8c: {  	s16 =	sshll.u32 s0, $0xA;
	s2 =	sadd.s32 s3, s2  }
0x8d: {  	s2 =	sadd.s32 s2, s16  }
0x8e: {  	[smem:$0x3FBD] =	sst s2  }
0x8f: {  	_ = 	snop  }
0x90: {  	(tm) =	ssettm $0x1  }
0x91: {  	s17 =	sld [smem:$0x3FFB];
	_ =	sdelay $0x3  }
0x92: {  	_ =	strace s17  }
0x93: {  	s2 =	sld [smem:$0x3FFC];
	_ =	sdelay $0x3  }
0x94: {  	_ =	strace s2  }
0x95: {  	s2 =	sld [smem:$0x3FFD];
	_ =	sdelay $0x3  }
0x96: {  	_ =	strace s2  }
0x97: {  	_ =	strace $0x8FFFFFFF  }
0x98: {  	s18 =	sld [smem:$0x3FDB];
	_ =	sdelay $0x1  }
0x99: {  	s19 =	simm.s32 $_scs_section_size  }
0x9a: {  	s4 =	simm.s32 $_size__tile_overlayer_lowered;
	s5 =	simm.s32 $_tile_overlayer_lowered  }
0x9b: {  	s22 =	simm.s32 $0x1BFF;
	s21 =	sshll.u32 s5, $0x1;
	s2 =	sadd.s32 s19, s18  }
0x9c: {  	s6 =	simm.s32 $0x0;
	s20 =	sshll.u32 s4, $0x1;
	s4 =	sadd.s32 s21, s2  }
0x9d: {  	[timem:s6], [sflag:s22] =	dma.local [hbm:s4], s20  }
0x9e: {  	_ =	swait.ge [sflag:s22], s20  }
0x9f: {  	s3 =	ssub.s32 $0x0, s20;
	[sflag:s22] =	ssyncset.done $0x0  }
0xa0: {  	[sflag:s22] =	ssyncadd.s32 s3;
	_ =	sdelay $0x1  }
0xa1: {  	s23 =	simm.s32 $0x1B8B  }
0xa2: {  	_ =	swait.ge [sflag:s23], $0x1  }
0xa3: {  	[sflag:s23] =	ssyncset.done $0x0  }
0xa4: {  	s25 =	simm.s32 $0x1B8E;
	s24 =	sld [smem:$0x3FFE];
	[sflag:s23] =	ssyncadd.s32 $0xFFFFFFFF  }
0xa5: {  	s26 =	simm.s32 $execute0_lowered;
	[smem:$0x3FD2] =	sst s25  }
0xa6: {  	s4 =	sshll.u32 s26, $0x1;
	_ =	strace $0x8000004F;
	[dreg:$0x1] =	wrdreg $0xFFFFFFFF  }
0xa7: {  	s28 =	simm.s32 $_size_execute0_lowered;
	s2 =	sadd.s32 s2, s4;
	[dreg:$0x0] =	wrdreg $0x0  }
0xa8: {  	s4 =	sshll.u32 s28, $0x1;
	[dreg:$0x2] =	wrdreg s2  }
0xa9: {  	[dreg:$0x3] =	wrdreg s4  }
0xaa: {  	[dreg:$0x4] =	wrdreg $0xC0  }
0xab: {  	_ =	task [dreg:s6], $0x5FFFF  }
0xac: {  	[dreg:$0x1] =	wrdreg $0xFFFFFFFF  }
0xad: {  	[dreg:$0x0] =	wrdreg $0x60  }
0xae: {  	[dreg:$0x2] =	wrdreg s24  }
0xaf: {  	[dreg:$0x3] =	wrdreg $0x68000  }
0xb0: {  	[dreg:$0x4] =	wrdreg $0x9  }
0xb1: {  	_ =	task.clear_ibuf [dreg:s6], $0x5FFFF;
	_ =	strace $0x9000004F  }
0xb2: {  	s29 =	simm.s32 $0x9;
	_ =	strace $0x80000051  }
0xb3: {  	_ =	swait.ge [sflag:s29], $0x1  }
0xb4: {  	[sflag:s29] =	ssyncadd.s32 $0xFFFFFFFF  }
0xb5: {  	_ =	strace $0x90000051  }
0xb6: {  	_ =	sfence  }
0xb7: {  	s30 =	sld [smem:$0x0];
	_ =	sdelay $0x2  }
0xb8: {  	s31 =	sshll.u32 s1, $0xD;
	s1 =	sshrl.u32 s1, $0x2  }
0xb9: {  	s3 =	sand.u32 $0x4000, s31;
	s1 =	sadd.s32 s1, s30  }
0xba: {  	s0 =	sor.u32 s3, s0;
	s1 =	sshll.u32 s1, $0x11  }
0xbb: {  	s0 =	sor.u32 s1, s0  }
0xbc: {  	s0 =	sadd.s32 $0x8F2B, s0  }
0xbd: {  	[sflag:s0] =	ssyncadd.remote.s32 $0x1  }
0xbe: {  	_ =	sfence.sel $0xFFFF  }
0xbf: {  	[dreg:$0x0] =	wrdreg $0xFFFFFFFF;
	(pc) =	sbr.abs _section_cstart, $3  }
0xc0: {  	[dreg:$0x1] =	wrdreg $0xFFFFFFFF  }
0xc1: {  	_ =	task.clear_ibuf [dreg:s6], $0x2FFFF;
	_ =	strace $0x9FFFFFFF  }
0xc2: {  	(tm) =	ssettm $0x7FFFFFFF  }
0xc3: {  	_ =	shalt  }
tec
execute0_lowered:
.L_overlay_start_1:
0x0: {  	(tag) =	ssettag $0x1  }
0x1: {  	s0 =	rddreg [dreg:$0x0]  }
0x2: {  	s1 =	rddreg [dreg:$0x1];
	s5 =	simm.s32 $0x0  }
0x3: {  	s2 =	srdreg.scid;
	s10 =	stileid.u32;
	s12 =	simm.s32 $0x80  }
0x4: {  	s13 =	simm.s32 $0x2800;
	s15 =	simm.s32 $0x3000;
	s17 =	simm.s32 $0x3800  }
0x5: {  	s19 =	simm.s32 $0x4000;
	s28 =	simm.s32 $0x6000;
	s29 =	simm.s32 $0x9  }
0x6: {  	s30 =	simm.s32 $0x1;
	s31 =	simm.s32 $0x2;
	s14 =	simm.s32 $0x5  }
0x7: {  	s16 =	simm.s32 $0x6;
	s18 =	simm.s32 $0x7;
	s2 =	sand.u32 $0x1, s2  }
0x8: {  	s3 =	smul.u32 $0x2800, s10;
	s4 =	sshll.u32 s10, $0x1;
	[smem:$0x7FF] =	sst s5  }
0x9: {  	s8 =	sadd.s32 $0x2E00, s0;
	p0 =	seq.s32 s10, $0x0;
	p1 =	sne.s32 s10, $0x0  }
0xa: {  	s20 =	smul.u32 $0x28000, s2;
	s6 =	sor.u32 s2, s4;
	_ =	strace $0x80000050  }
0xb: {  	s4 =	sadd.s32 $0xCC00, s0;
	s2 =	ssub.s32 $0x2, s2;
	s7 =	smul.u32 $0x27, s6  }
0xc: {  	s6 =	smul.u32 $0x28, s6;
	s21 =	sshrl.u32 s2, $0x1;
	s24 =	sshrl.u32 s3, $0x3  }
0xd: {  	s5 =	sadd.s32 s3, s20;
	s2 =	ssub.s32 s2, s21;
	s3 =	sadd.s32 s3, s1  }
0xe: {  	s25 =	sadd.s32 s4, s24;
	s21 =	simm.s32 $0x4800;
	s20 =	simm.s32 $0x8  }
0xf: {  	s5 =	sshrl.u32 s5, $0x3;
	s7 =	sadd.s32 $0x2, s7;
	[dreg:$0x5] =	wrdreg s3  }
0x10: {  	[dreg:$0x6] =	wrdreg s25;
	s26 =	smax.u32 s2, $0x1;
	s25 =	simm.s32 $0x5800  }
0x11: {  	s2 =	simm.s32 $0x4;
	s3 =	simm.s32 $0x0;
	s0 =	sadd.s32 s5, s0  }
0x12: {  	s7 =	smov.u32 @p0 s6;
	s5 =	simm.s32 $0x28;
	[dreg:$0x8] =	wrdreg s26  }
0x13: {  	s9 =	sshll.u32 s7, $0x5;
	s5 =	simm.s32 @!p0 $0x27;
	s0 =	sadd.s32 $0x11C00, s0  }
0x14: {  	s22 =	sand.u32 $0x1FFFFFE0, s9;
	s23 =	sadd.s32 s8, s9;
	[dreg:$0x7] =	wrdreg s0  }
0x15: {  	p0 =	sgt.u32 s7, $0x4F;
	s6 =	sadd.s32 s8, s22;
	[dreg:$0x4] =	wrdreg s23  }
0x16: {  	s0 =	simm.s32 $0x3;
	s23 =	simm.s32 $0x5000;
	[dreg:$0x3] =	wrdreg s6  }
.LBB2_1:
0x17: {  	s6 =	simm.s32 @p0 $0x0;
	s7 =	rddreg [dreg:$0x3]  }
0x18: {  	[tilespmem:s6], [sflag:$0x9] =	stream.linear.gather @p0 [hbm4b:s7+s6], $0x2700, $0x38;
	[tilespmem:$0x9000] =	vst v63  }
0x19: {  	s6 =	simm.s32 @p0 $0x9  }
0x1a: {  	_ =	swait.ge @p0 [sflag:s6], $0x2700  }
0x1b: {  	[sflag:s6] =	ssyncset.done @p0 $0x0  }
0x1c: {  	s7 =	rddreg [dreg:$0x4];
	[sflag:s6] =	ssyncadd.s32 @p0 $0xFFFFD900;
	s6 =	simm.s32 @!p0 $0x0  }
0x1d: {  	[tilespmem:s6], [sflag:$0x9] =	stream.linear.gather @!p0 [hbm4b:s7+s6], $0x2800, $0x38;
	[tilespmem:$0x9000] =	vst v63  }
0x1e: {  	s6 =	simm.s32 @!p0 $0x9  }
0x1f: {  	_ =	swait.ge @!p0 [sflag:s6], $0x2800  }
0x20: {  	[sflag:s6] =	ssyncset.done @!p0 $0x0  }
0x21: {  	s8 =	simm.s32 $0x0;
	[sflag:s6] =	ssyncadd.s32 @!p0 $0xFFFFD800  }
0x22: {  	[tilespmem:s13], [sflag:$0x1] =	stream.indirect.gather [hbm4b:s4+s12], $0x10, s8, s12, $0xb8;
	[tilespmem:$0x9000] =	vst v63  }
0x23: {  	s9 =	simm.s32 $0x100  }
0x24: {  	[tilespmem:s15], [sflag:$0x2] =	stream.indirect.gather [hbm4b:s4+s12], $0x10, s9, s12, $0xb8;
	[tilespmem:$0x9000] =	vst v63  }
0x25: {  	s10 =	simm.s32 $0x200  }
0x26: {  	[tilespmem:s17], [sflag:$0x3] =	stream.indirect.gather [hbm4b:s4+s12], $0x10, s10, s12, $0xb8;
	[tilespmem:$0x9000] =	vst v63  }
0x27: {  	s11 =	simm.s32 $0x300  }
0x28: {  	[tilespmem:s19], [sflag:$0x4] =	stream.indirect.gather [hbm4b:s4+s12], $0x10, s11, s12, $0xb8;
	[tilespmem:$0x9000] =	vst v63  }
0x29: {  	s22 =	simm.s32 $0x400  }
0x2a: {  	[tilespmem:s21], [sflag:$0x5] =	stream.indirect.gather [hbm4b:s4+s12], $0x10, s22, s12, $0xb8;
	[tilespmem:$0x9000] =	vst v63  }
0x2b: {  	s24 =	simm.s32 $0x500;
	s26 =	simm.s32 $0x600;
	s8 =	stileid.u32  }
0x2c: {  	[tilespmem:s23], [sflag:$0x6] =	stream.indirect.gather [hbm4b:s4+s12], $0x10, s24, s12, $0xb8;
	[tilespmem:$0x9000] =	vst v63  }
0x2d: {  	s7 =	simm.s32 $0x700;
	s6 =	sshll.u32 s8, $0x6;
	s9 =	rddreg [dreg:$0x5]  }
0x2e: {  	[tilespmem:s25], [sflag:$0x7] =	stream.indirect.gather [hbm4b:s4+s12], $0x10, s26, s12, $0xb8;
	[tilespmem:$0x9000] =	vst v63  }
0x2f: {  	s10 =	rddreg [dreg:$0x6];
	s22 =	sor.u32 $0x1C09, s6;
	s24 =	sshrl.u32 s9, $0x3  }
0x30: {  	[tilespmem:s28], [sflag:$0x8] =	stream.indirect.gather [hbm4b:s4+s12], $0x10, s7, s12, $0xb8;
	[tilespmem:$0x9000] =	vst v63  }
0x31: {  	[spmem:s24], [sflag:s22] =	dma.local [hbm:s10], $0x500  }
0x32: {  	_ =	swait.ge [sflag:s29], $0x500  }
0x33: {  	[sflag:s29] =	ssyncset.done $0x0  }
0x34: {  	[sflag:s29] =	ssyncadd.s32 $0xFFFFFB00  }
0x35: {  	[bflag:$0x0] =	sbarrier.arrive $0xFFFF  }
0x36: {  	_ =	swait.ge [sflag:s30], $0x800  }
0x37: {  	[sflag:s30] =	ssyncset.done $0x0  }
0x38: {  	s11 =	simm.s32 $0x80;
	[sflag:s30] =	ssyncadd.s32 $0xFFFFF800  }
0x39: {  	[spmem:s1] =	stream.indirect.scatter.add.f32 [tilespmem:s13], [sflag:$0x9], $0x10, s11, s12, $0xb8;
	[tilespmem:$0x9000] =	vst v63  }
0x3a: {  	p2 =	sle.u32 s5, $0x8;
	_ =	swait.ge [sflag:s29], $0x800  }
0x3b: {  	s8 =	simm.s32 @!p2 $0x80;
	[sflag:s29] =	ssyncset.done $0x0  }
0x3c: {  	s6 =	simm.s32 @!p2 $0x2800;
	s7 =	simm.s32 @!p2 $0x800;
	[sflag:s29] =	ssyncadd.s32 $0xFFFFF800  }
0x3d: {  	[tilespmem:s6], [sflag:$0x1] =	stream.indirect.gather @!p2 [hbm4b:s4+s8], $0x10, s7, s8, $0xb8;
	[tilespmem:$0x9000] =	vst v63  }
0x3e: {  	_ =	swait.ge [sflag:s31], $0x800  }
0x3f: {  	[sflag:s31] =	ssyncset.done $0x0  }
0x40: {  	s26 =	simm.s32 $0x180;
	[sflag:s31] =	ssyncadd.s32 $0xFFFFF800  }
0x41: {  	[spmem:s1] =	stream.indirect.scatter.add.f32 [tilespmem:s15], [sflag:$0x9], $0x10, s26, s12, $0xb8;
	[tilespmem:$0x9000] =	vst v63  }
0x42: {  	p2 =	sle.u32 s5, $0x9;
	_ =	swait.ge [sflag:s29], $0x800  }
0x43: {  	s6 =	simm.s32 @!p2 $0x3000;
	[sflag:s29] =	ssyncset.done $0x0  }
0x44: {  	s7 =	simm.s32 @!p2 $0x900;
	s8 =	simm.s32 @!p2 $0x80;
	[sflag:s29] =	ssyncadd.s32 $0xFFFFF800  }
0x45: {  	[tilespmem:s6], [sflag:$0x2] =	stream.indirect.gather @!p2 [hbm4b:s4+s8], $0x10, s7, s8, $0xb8;
	[tilespmem:$0x9000] =	vst v63  }
0x46: {  	_ =	swait.ge [sflag:s0], $0x800  }
0x47: {  	[sflag:s0] =	ssyncset.done $0x0  }
0x48: {  	s7 =	simm.s32 $0x280;
	[sflag:s0] =	ssyncadd.s32 $0xFFFFF800  }
0x49: {  	[spmem:s1] =	stream.indirect.scatter.add.f32 [tilespmem:s17], [sflag:$0x9], $0x10, s7, s12, $0xb8;
	[tilespmem:$0x9000] =	vst v63  }
0x4a: {  	p2 =	sle.u32 s5, $0xA;
	_ =	swait.ge [sflag:s29], $0x800  }
0x4b: {  	s6 =	simm.s32 @!p2 $0x3800;
	[sflag:s29] =	ssyncset.done $0x0  }
0x4c: {  	s8 =	simm.s32 @!p2 $0x80;
	s7 =	simm.s32 @!p2 $0xA00;
	[sflag:s29] =	ssyncadd.s32 $0xFFFFF800  }
0x4d: {  	[tilespmem:s6], [sflag:$0x3] =	stream.indirect.gather @!p2 [hbm4b:s4+s8], $0x10, s7, s8, $0xb8;
	[tilespmem:$0x9000] =	vst v63  }
0x4e: {  	_ =	swait.ge [sflag:s2], $0x800  }
0x4f: {  	[sflag:s2] =	ssyncset.done $0x0  }
0x50: {  	s8 =	simm.s32 $0x380;
	[sflag:s2] =	ssyncadd.s32 $0xFFFFF800  }
0x51: {  	[spmem:s1] =	stream.indirect.scatter.add.f32 [tilespmem:s19], [sflag:$0x9], $0x10, s8, s12, $0xb8;
	[tilespmem:$0x9000] =	vst v63  }
0x52: {  	p2 =	sle.u32 s5, $0xB;
	_ =	swait.ge [sflag:s29], $0x800  }
0x53: {  	s6 =	simm.s32 @!p2 $0x4000;
	[sflag:s29] =	ssyncset.done $0x0  }
0x54: {  	s7 =	simm.s32 @!p2 $0xB00;
	s8 =	simm.s32 @!p2 $0x80;
	[sflag:s29] =	ssyncadd.s32 $0xFFFFF800  }
0x55: {  	[tilespmem:s6], [sflag:$0x4] =	stream.indirect.gather @!p2 [hbm4b:s4+s8], $0x10, s7, s8, $0xb8;
	[tilespmem:$0x9000] =	vst v63  }
0x56: {  	_ =	swait.ge [sflag:s14], $0x800  }
0x57: {  	[sflag:s14] =	ssyncset.done $0x0  }
0x58: {  	s9 =	simm.s32 $0x480;
	[sflag:s14] =	ssyncadd.s32 $0xFFFFF800  }
0x59: {  	[spmem:s1] =	stream.indirect.scatter.add.f32 [tilespmem:s21], [sflag:$0x9], $0x10, s9, s12, $0xb8;
	[tilespmem:$0x9000] =	vst v63  }
0x5a: {  	p2 =	sle.u32 s5, $0xC;
	_ =	swait.ge [sflag:s29], $0x800  }
0x5b: {  	s6 =	simm.s32 @!p2 $0x4800;
	[sflag:s29] =	ssyncset.done $0x0  }
0x5c: {  	s7 =	simm.s32 @!p2 $0xC00;
	s8 =	simm.s32 @!p2 $0x80;
	[sflag:s29] =	ssyncadd.s32 $0xFFFFF800  }
0x5d: {  	[tilespmem:s6], [sflag:$0x5] =	stream.indirect.gather @!p2 [hbm4b:s4+s8], $0x10, s7, s8, $0xb8;
	[tilespmem:$0x9000] =	vst v63  }
0x5e: {  	_ =	swait.ge [sflag:s16], $0x800  }
0x5f: {  	[sflag:s16] =	ssyncset.done $0x0  }
0x60: {  	s10 =	simm.s32 $0x580;
	[sflag:s16] =	ssyncadd.s32 $0xFFFFF800  }
0x61: {  	[spmem:s1] =	stream.indirect.scatter.add.f32 [tilespmem:s23], [sflag:$0x9], $0x10, s10, s12, $0xb8;
	[tilespmem:$0x9000] =	vst v63  }
0x62: {  	p2 =	sle.u32 s5, $0xD;
	_ =	swait.ge [sflag:s29], $0x800  }
0x63: {  	s6 =	simm.s32 @!p2 $0x5000;
	[sflag:s29] =	ssyncset.done $0x0  }
0x64: {  	s7 =	simm.s32 @!p2 $0xD00;
	s8 =	simm.s32 @!p2 $0x80;
	[sflag:s29] =	ssyncadd.s32 $0xFFFFF800  }
0x65: {  	[tilespmem:s6], [sflag:$0x6] =	stream.indirect.gather @!p2 [hbm4b:s4+s8], $0x10, s7, s8, $0xb8;
	[tilespmem:$0x9000] =	vst v63  }
0x66: {  	_ =	swait.ge [sflag:s18], $0x800  }
0x67: {  	[sflag:s18] =	ssyncset.done $0x0  }
0x68: {  	s11 =	simm.s32 $0x680;
	[sflag:s18] =	ssyncadd.s32 $0xFFFFF800  }
0x69: {  	[spmem:s1] =	stream.indirect.scatter.add.f32 [tilespmem:s25], [sflag:$0x9], $0x10, s11, s12, $0xb8;
	[tilespmem:$0x9000] =	vst v63  }
0x6a: {  	p2 =	sle.u32 s5, $0xE;
	_ =	swait.ge [sflag:s29], $0x800  }
0x6b: {  	s6 =	simm.s32 @!p2 $0x5800;
	[sflag:s29] =	ssyncset.done $0x0  }
0x6c: {  	s7 =	simm.s32 @!p2 $0xE00;
	s8 =	simm.s32 @!p2 $0x80;
	[sflag:s29] =	ssyncadd.s32 $0xFFFFF800  }
0x6d: {  	[tilespmem:s6], [sflag:$0x7] =	stream.indirect.gather @!p2 [hbm4b:s4+s8], $0x10, s7, s8, $0xb8;
	[tilespmem:$0x9000] =	vst v63  }
0x6e: {  	_ =	swait.ge [sflag:s20], $0x800  }
0x6f: {  	[sflag:s20] =	ssyncset.done $0x0  }
0x70: {  	p3 =	sle.u32 s5, $0xF;
	s26 =	simm.s32 $0x780;
	[sflag:s20] =	ssyncadd.s32 $0xFFFFF800  }
0x71: {  	[spmem:s1] =	stream.indirect.scatter.add.f32 [tilespmem:s28], [sflag:$0x9], $0x10, s26, s12, $0xb8;
	[tilespmem:$0x9000] =	vst v63  }
0x72: {  	s9 =	simm.s32 @!p3 $0x80;
	_ =	swait.ge [sflag:s29], $0x800  }
0x73: {  	s6 =	simm.s32 $0x17;
	s7 =	simm.s32 @!p3 $0x6000;
	[sflag:s29] =	ssyncset.done $0x0  }
0x74: {  	s8 =	simm.s32 @!p3 $0xF00;
	s26 =	simm.s32 $0x2000;
	[sflag:s29] =	ssyncadd.s32 $0xFFFFF800  }
.LBB2_2:
0x75: {  	[tilespmem:s7], [sflag:$0x8] =	stream.indirect.gather @!p3 [hbm4b:s4+s9], $0x10, s8, s9, $0xb8;
	[tilespmem:$0x9000] =	vst v63  }
0x76: {  	s7 =	smov.u32 s26;
	s26 =	sadd.s32 $0x2000, s26;
	_ =	swait.ge [sflag:s30], $0x800  }
0x77: {  	s8 =	sshra.s32 s7, $0x2;
	p2 =	sne.s32 s26, $0x8000;
	[sflag:s30] =	ssyncset.done $0x0  }
0x78: {  	s10 =	sadd.s32 $0xFFFFFFF9, s6;
	s9 =	sadd.s32 $0x80, s8;
	[sflag:s30] =	ssyncadd.s32 $0xFFFFF800  }
0x79: {  	[spmem:s1] =	stream.indirect.scatter.add.f32 [tilespmem:s13], [sflag:$0x9], $0x10, s9, s12, $0xb8;
	[tilespmem:$0x9000] =	vst v63  }
0x7a: {  	p3 =	sge.u32 s10, s5;
	_ =	swait.ge [sflag:s29], $0x800  }
0x7b: {  	s10 =	simm.s32 @!p3 $0x2800;
	s9 =	sshra.s32 @!p3 s7, $0x2;
	[sflag:s29] =	ssyncset.done $0x0  }
0x7c: {  	s11 =	simm.s32 @!p3 $0x80;
	s9 =	sadd.s32 @!p3 $0x800, s9;
	[sflag:s29] =	ssyncadd.s32 $0xFFFFF800  }
0x7d: {  	[tilespmem:s10], [sflag:$0x1] =	stream.indirect.gather @!p3 [hbm4b:s4+s11], $0x10, s9, s11, $0xb8;
	[tilespmem:$0x9000] =	vst v63  }
0x7e: {  	_ =	swait.ge [sflag:s31], $0x800  }
0x7f: {  	[sflag:s31] =	ssyncset.done $0x0  }
0x80: {  	s9 =	sadd.s32 $0x180, s8;
	s10 =	sadd.s32 $0xFFFFFFFA, s6;
	[sflag:s31] =	ssyncadd.s32 $0xFFFFF800  }
0x81: {  	[spmem:s1] =	stream.indirect.scatter.add.f32 [tilespmem:s15], [sflag:$0x9], $0x10, s9, s12, $0xb8;
	[tilespmem:$0x9000] =	vst v63  }
0x82: {  	p3 =	sge.u32 s10, s5;
	_ =	swait.ge [sflag:s29], $0x800  }
0x83: {  	s10 =	simm.s32 @!p3 $0x3000;
	s9 =	sshra.s32 @!p3 s7, $0x2;
	[sflag:s29] =	ssyncset.done $0x0  }
0x84: {  	s11 =	simm.s32 @!p3 $0x80;
	s9 =	sadd.s32 @!p3 $0x900, s9;
	[sflag:s29] =	ssyncadd.s32 $0xFFFFF800  }
0x85: {  	[tilespmem:s10], [sflag:$0x2] =	stream.indirect.gather @!p3 [hbm4b:s4+s11], $0x10, s9, s11, $0xb8;
	[tilespmem:$0x9000] =	vst v63  }
0x86: {  	_ =	swait.ge [sflag:s0], $0x800  }
0x87: {  	[sflag:s0] =	ssyncset.done $0x0  }
0x88: {  	s9 =	sadd.s32 $0x280, s8;
	s10 =	sadd.s32 $0xFFFFFFFB, s6;
	[sflag:s0] =	ssyncadd.s32 $0xFFFFF800  }
0x89: {  	[spmem:s1] =	stream.indirect.scatter.add.f32 [tilespmem:s17], [sflag:$0x9], $0x10, s9, s12, $0xb8;
	[tilespmem:$0x9000] =	vst v63  }
0x8a: {  	p3 =	sge.u32 s10, s5;
	_ =	swait.ge [sflag:s29], $0x800  }
0x8b: {  	s10 =	simm.s32 @!p3 $0x3800;
	s9 =	sshra.s32 @!p3 s7, $0x2;
	[sflag:s29] =	ssyncset.done $0x0  }
0x8c: {  	s11 =	simm.s32 @!p3 $0x80;
	s9 =	sadd.s32 @!p3 $0xA00, s9;
	[sflag:s29] =	ssyncadd.s32 $0xFFFFF800  }
0x8d: {  	[tilespmem:s10], [sflag:$0x3] =	stream.indirect.gather @!p3 [hbm4b:s4+s11], $0x10, s9, s11, $0xb8;
	[tilespmem:$0x9000] =	vst v63  }
0x8e: {  	_ =	swait.ge [sflag:s2], $0x800  }
0x8f: {  	[sflag:s2] =	ssyncset.done $0x0  }
0x90: {  	s9 =	sadd.s32 $0x380, s8;
	s10 =	sadd.s32 $0xFFFFFFFC, s6;
	[sflag:s2] =	ssyncadd.s32 $0xFFFFF800  }
0x91: {  	[spmem:s1] =	stream.indirect.scatter.add.f32 [tilespmem:s19], [sflag:$0x9], $0x10, s9, s12, $0xb8;
	[tilespmem:$0x9000] =	vst v63  }
0x92: {  	p3 =	sge.u32 s10, s5;
	_ =	swait.ge [sflag:s29], $0x800  }
0x93: {  	s10 =	simm.s32 @!p3 $0x4000;
	s9 =	sshra.s32 @!p3 s7, $0x2;
	[sflag:s29] =	ssyncset.done $0x0  }
0x94: {  	s11 =	simm.s32 @!p3 $0x80;
	s9 =	sadd.s32 @!p3 $0xB00, s9;
	[sflag:s29] =	ssyncadd.s32 $0xFFFFF800  }
0x95: {  	[tilespmem:s10], [sflag:$0x4] =	stream.indirect.gather @!p3 [hbm4b:s4+s11], $0x10, s9, s11, $0xb8;
	[tilespmem:$0x9000] =	vst v63  }
0x96: {  	_ =	swait.ge [sflag:s14], $0x800  }
0x97: {  	[sflag:s14] =	ssyncset.done $0x0  }
0x98: {  	s9 =	sadd.s32 $0x480, s8;
	s10 =	sadd.s32 $0xFFFFFFFD, s6;
	[sflag:s14] =	ssyncadd.s32 $0xFFFFF800  }
0x99: {  	[spmem:s1] =	stream.indirect.scatter.add.f32 [tilespmem:s21], [sflag:$0x9], $0x10, s9, s12, $0xb8;
	[tilespmem:$0x9000] =	vst v63  }
0x9a: {  	p3 =	sge.u32 s10, s5;
	_ =	swait.ge [sflag:s29], $0x800  }
0x9b: {  	s10 =	simm.s32 @!p3 $0x4800;
	s9 =	sshra.s32 @!p3 s7, $0x2;
	[sflag:s29] =	ssyncset.done $0x0  }
0x9c: {  	s11 =	simm.s32 @!p3 $0x80;
	s9 =	sadd.s32 @!p3 $0xC00, s9;
	[sflag:s29] =	ssyncadd.s32 $0xFFFFF800  }
0x9d: {  	[tilespmem:s10], [sflag:$0x5] =	stream.indirect.gather @!p3 [hbm4b:s4+s11], $0x10, s9, s11, $0xb8;
	[tilespmem:$0x9000] =	vst v63  }
0x9e: {  	_ =	swait.ge [sflag:s16], $0x800  }
0x9f: {  	[sflag:s16] =	ssyncset.done $0x0  }
0xa0: {  	s9 =	sadd.s32 $0x580, s8;
	s10 =	sadd.s32 $0xFFFFFFFE, s6;
	[sflag:s16] =	ssyncadd.s32 $0xFFFFF800  }
0xa1: {  	[spmem:s1] =	stream.indirect.scatter.add.f32 [tilespmem:s23], [sflag:$0x9], $0x10, s9, s12, $0xb8;
	[tilespmem:$0x9000] =	vst v63  }
0xa2: {  	p3 =	sge.u32 s10, s5;
	_ =	swait.ge [sflag:s29], $0x800  }
0xa3: {  	s10 =	simm.s32 @!p3 $0x5000;
	s9 =	sshra.s32 @!p3 s7, $0x2;
	[sflag:s29] =	ssyncset.done $0x0  }
0xa4: {  	s11 =	simm.s32 @!p3 $0x80;
	s9 =	sadd.s32 @!p3 $0xD00, s9;
	[sflag:s29] =	ssyncadd.s32 $0xFFFFF800  }
0xa5: {  	[tilespmem:s10], [sflag:$0x6] =	stream.indirect.gather @!p3 [hbm4b:s4+s11], $0x10, s9, s11, $0xb8;
	[tilespmem:$0x9000] =	vst v63  }
0xa6: {  	_ =	swait.ge [sflag:s18], $0x800  }
0xa7: {  	[sflag:s18] =	ssyncset.done $0x0  }
0xa8: {  	s9 =	sadd.s32 $0x680, s8;
	s10 =	sadd.s32 $0xFFFFFFFF, s6;
	[sflag:s18] =	ssyncadd.s32 $0xFFFFF800  }
0xa9: {  	[spmem:s1] =	stream.indirect.scatter.add.f32 [tilespmem:s25], [sflag:$0x9], $0x10, s9, s12, $0xb8;
	[tilespmem:$0x9000] =	vst v63  }
0xaa: {  	p3 =	sge.u32 s10, s5;
	_ =	swait.ge [sflag:s29], $0x800  }
0xab: {  	s10 =	simm.s32 @!p3 $0x5800;
	s9 =	sshra.s32 @!p3 s7, $0x2;
	[sflag:s29] =	ssyncset.done $0x0  }
0xac: {  	s11 =	simm.s32 @!p3 $0x80;
	s9 =	sadd.s32 @!p3 $0xE00, s9;
	[sflag:s29] =	ssyncadd.s32 $0xFFFFF800  }
0xad: {  	[tilespmem:s10], [sflag:$0x7] =	stream.indirect.gather @!p3 [hbm4b:s4+s11], $0x10, s9, s11, $0xb8;
	[tilespmem:$0x9000] =	vst v63  }
0xae: {  	_ =	swait.ge [sflag:s20], $0x800  }
0xaf: {  	[sflag:s20] =	ssyncset.done $0x0  }
.Ltmp0:
0xb0: {  	s8 =	sadd.s32 $0x780, s8;
	[sflag:s20] =	ssyncadd.s32 $0xFFFFF800;
	(pc) =	sbr.rel @p2 .LBB2_2-.Ltmp0, $4  }
0xb1: {  	[spmem:s1] =	stream.indirect.scatter.add.f32 [tilespmem:s28], [sflag:$0x9], $0x10, s8, s12, $0xb8;
	[tilespmem:$0x9000] =	vst v63  }
0xb2: {  	p3 =	sge.u32 s6, s5;
	s6 =	sadd.s32 $0x8, s6;
	_ =	swait.ge [sflag:s29], $0x800  }
0xb3: {  	s8 =	sshra.s32 @!p3 s7, $0x2;
	s7 =	simm.s32 @!p3 $0x6000;
	[sflag:s29] =	ssyncset.done $0x0  }
0xb4: {  	s9 =	simm.s32 @!p3 $0x80;
	s8 =	sadd.s32 @!p3 $0xF00, s8;
	[sflag:s29] =	ssyncadd.s32 $0xFFFFF800  }
0xb5: {  	[tilespmem:s7], [sflag:$0x8] =	stream.indirect.gather @!p3 [hbm4b:s4+s9], $0x10, s8, s9, $0xb8;
	[tilespmem:$0x9000] =	vst v63  }
0xb6: {  	_ =	swait.ge [sflag:s30], $0x800  }
0xb7: {  	[sflag:s30] =	ssyncset.done $0x0  }
0xb8: {  	s6 =	simm.s32 $0x2080;
	[sflag:s30] =	ssyncadd.s32 $0xFFFFF800  }
0xb9: {  	[spmem:s1] =	stream.indirect.scatter.add.f32 [tilespmem:s13], [sflag:$0x9], $0x10, s6, s12, $0xb8;
	[tilespmem:$0x9000] =	vst v63  }
0xba: {  	_ =	swait.ge [sflag:s29], $0x800  }
0xbb: {  	[sflag:s29] =	ssyncset.done $0x0  }
0xbc: {  	[sflag:s29] =	ssyncadd.s32 $0xFFFFF800  }
0xbd: {  	_ =	swait.ge [sflag:s31], $0x800  }
0xbe: {  	[sflag:s31] =	ssyncset.done $0x0  }
0xbf: {  	s11 =	simm.s32 $0x2180;
	[sflag:s31] =	ssyncadd.s32 $0xFFFFF800  }
0xc0: {  	[spmem:s1] =	stream.indirect.scatter.add.f32 [tilespmem:s15], [sflag:$0x9], $0x10, s11, s12, $0xb8;
	[tilespmem:$0x9000] =	vst v63  }
0xc1: {  	_ =	swait.ge [sflag:s29], $0x800  }
0xc2: {  	[sflag:s29] =	ssyncset.done $0x0  }
0xc3: {  	[sflag:s29] =	ssyncadd.s32 $0xFFFFF800  }
0xc4: {  	_ =	swait.ge [sflag:s0], $0x800  }
0xc5: {  	[sflag:s0] =	ssyncset.done $0x0  }
0xc6: {  	s26 =	simm.s32 $0x2280;
	[sflag:s0] =	ssyncadd.s32 $0xFFFFF800  }
0xc7: {  	[spmem:s1] =	stream.indirect.scatter.add.f32 [tilespmem:s17], [sflag:$0x9], $0x10, s26, s12, $0xb8;
	[tilespmem:$0x9000] =	vst v63  }
0xc8: {  	_ =	swait.ge [sflag:s29], $0x800  }
0xc9: {  	[sflag:s29] =	ssyncset.done $0x0  }
0xca: {  	[sflag:s29] =	ssyncadd.s32 $0xFFFFF800  }
0xcb: {  	_ =	swait.ge [sflag:s2], $0x800  }
0xcc: {  	[sflag:s2] =	ssyncset.done $0x0  }
0xcd: {  	s7 =	simm.s32 $0x2380;
	[sflag:s2] =	ssyncadd.s32 $0xFFFFF800  }
0xce: {  	[spmem:s1] =	stream.indirect.scatter.add.f32 [tilespmem:s19], [sflag:$0x9], $0x10, s7, s12, $0xb8;
	[tilespmem:$0x9000] =	vst v63  }
0xcf: {  	_ =	swait.ge [sflag:s29], $0x800  }
0xd0: {  	[sflag:s29] =	ssyncset.done $0x0  }
0xd1: {  	[sflag:s29] =	ssyncadd.s32 $0xFFFFF800  }
0xd2: {  	_ =	swait.ge [sflag:s14], $0x800  }
0xd3: {  	[sflag:s14] =	ssyncset.done $0x0  }
0xd4: {  	s8 =	simm.s32 $0x2480;
	[sflag:s14] =	ssyncadd.s32 $0xFFFFF800  }
0xd5: {  	[spmem:s1] =	stream.indirect.scatter.add.f32 [tilespmem:s21], [sflag:$0x9], $0x10, s8, s12, $0xb8;
	[tilespmem:$0x9000] =	vst v63  }
0xd6: {  	_ =	swait.ge [sflag:s29], $0x800  }
0xd7: {  	[sflag:s29] =	ssyncset.done $0x0  }
0xd8: {  	[sflag:s29] =	ssyncadd.s32 $0xFFFFF800  }
0xd9: {  	_ =	swait.ge [sflag:s16], $0x800  }
0xda: {  	[sflag:s16] =	ssyncset.done $0x0  }
0xdb: {  	s9 =	simm.s32 $0x2580;
	[sflag:s16] =	ssyncadd.s32 $0xFFFFF800  }
0xdc: {  	[spmem:s1] =	stream.indirect.scatter.add.f32 [tilespmem:s23], [sflag:$0x9], $0x10, s9, s12, $0xb8;
	[tilespmem:$0x9000] =	vst v63  }
0xdd: {  	_ =	swait.ge [sflag:s29], $0x800  }
0xde: {  	[sflag:s29] =	ssyncset.done $0x0  }
0xdf: {  	[sflag:s29] =	ssyncadd.s32 $0xFFFFF800  }
0xe0: {  	_ =	swait.ge [sflag:s18], $0x800  }
0xe1: {  	[sflag:s18] =	ssyncset.done $0x0  }
0xe2: {  	s10 =	simm.s32 $0x2680;
	[sflag:s18] =	ssyncadd.s32 $0xFFFFF800  }
0xe3: {  	[spmem:s1] =	stream.indirect.scatter.add.f32 [tilespmem:s25], [sflag:$0x9], $0x10, s10, s12, $0xb8;
	[tilespmem:$0x9000] =	vst v63  }
0xe4: {  	_ =	swait.ge [sflag:s29], $0x800  }
0xe5: {  	[sflag:s29] =	ssyncset.done $0x0  }
0xe6: {  	s6 =	simm.s32 @!p1 $0x8;
	[sflag:s29] =	ssyncadd.s32 $0xFFFFF800  }
0xe7: {  	_ =	swait.ge @!p1 [sflag:s6], $0x800  }
0xe8: {  	s7 =	simm.s32 @!p1 $0x2780;
	[sflag:s6] =	ssyncset.done @!p1 $0x0  }
0xe9: {  	s8 =	simm.s32 @!p1 $0x6000;
	[sflag:s6] =	ssyncadd.s32 @!p1 $0xFFFFF800;
	s6 =	simm.s32 @!p1 $0x80  }
0xea: {  	[spmem:s1] =	stream.indirect.scatter.add.f32 @!p1 [tilespmem:s8], [sflag:$0x9], $0x10, s7, s6, $0xb8;
	[tilespmem:$0x9000] =	vst v63  }
0xeb: {  	s6 =	simm.s32 @!p1 $0x9  }
0xec: {  	_ =	swait.ge @!p1 [sflag:s6], $0x800  }
0xed: {  	[sflag:s6] =	ssyncset.done @!p1 $0x0  }
0xee: {  	[sflag:s6] =	ssyncadd.s32 @!p1 $0xFFFFF800  }
0xef: {  	[bflag:$0x0] =	sbarrier.arrive $0xFFFF  }
0xf0: {  	s11 =	rddreg [dreg:$0x7]  }
0xf1: {  	[hbm:s11], [sflag:s22] =	dma.local [spmem:s24], $0x500  }
0xf2: {  	_ =	swait.ge [sflag:s29], $0x500  }
0xf3: {  	s3 =	sadd.s32 $0x1, s3;
	s26 =	rddreg [dreg:$0x8]  }
0xf4: {  	p2 =	sne.s32 s3, s26  }
.Ltmp1:
0xf5: {  	_ = 	snop;
	(pc) =	sbr.rel @p2 .LBB2_1-.Ltmp1, $3  }
0xf6: {  	_ =	sdelay $0x1  }
0xf7: {  	[sflag:s29] =	ssyncset.done $0x0  }
0xf8: {  	[sflag:s29] =	ssyncadd.s32 $0xFFFFFB00  }
0xf9: {  	_ =	sfence.sel $0x180000  }
0xfa: {  	[bflag:$0x0] =	sbarrier.arrive $0xFFFF  }
0xfb: {  	_ =	strace $0x90000050  }
0xfc: {  	[bflag:$0x2] =	sbarrier.arrive $0xFFFF  }
0xfd: {  	s0 =	rddreg [dreg:$0x2]  }
0xfe: {  	s0 =	sadd.s32 @!p1 $0x100000, s0  }
0xff: {  	[sflag:s0] =	ssyncadd.tile.s32 @!p1 $0x1;
	_ =	shalt  }
.Lfunc_end2:
_tile_overlayer_lowered:
.L_overlay_start_2:
0x100: {  	(tag) =	ssettag $0x2  }
0x101: {  	s0 =	rddreg [dreg:$0x0];
	s2 =	stileid.u32  }
0x102: {  	s1 =	rddreg [dreg:$0x1];
	p0 =	sne.s32 s2, $0x0  }
0x103: {  	s3 =	rddreg [dreg:$0x2];
	[bflag:$0x3] =	sbarrier.arrive $0xFFFF;
	s2 =	simm.s32 @!p0 $0x1C09  }
0x104: {  	[timem:s3], [sflag:s2] =	dma.local @!p0 [hbm:s0], s1  }
0x105: {  	s0 =	simm.s32 @!p0 $0x9  }
0x106: {  	_ =	swait.ge @!p0 [sflag:s0], s1  }
0x107: {  	s1 =	ssub.s32 @!p0 $0x0, s1;
	[sflag:s0] =	ssyncset.done @!p0 $0x0  }
0x108: {  	[sflag:s0] =	ssyncadd.s32 @!p0 s1  }
0x109: {  	[bflag:$0x3] =	sbarrier.arrive $0xFFFF  }
0x10a: {  	_ =	shalt  }

</sc_bundles>
